<compile_context>
chip_gen: v7x
topology: tpu7x:2x2x1
jax: 0.10.2.dev20260603
libtpu: 0.0.44.dev20260713+nightly
codegen_flags: <defaults>
</compile_context>

<pallas_src>
import functools

import jax
import jax.numpy as jnp
from jax import lax
from jax.experimental import pallas as pl
from jax.experimental.pallas import tpu as pltpu
from jax.experimental.pallas import tpu_sc as plsc

N = 10000
E = 320000
D_IN = 128
D_HID = 64
D_OUT = 128

NC = 2
NS = 16
LANES = 16
NW = NC * NS

CHUNK = 128
HCHUNK = CHUNK // 2
NCHUNK = E // CHUNK
TPW = (NCHUNK + NW - 1) // NW
RPS = N // NS

_SC_PARAMS = pltpu.CompilerParams(
    needs_layout_passes=False, use_tc_tiling_on_sc=False)


def _silu(x):
    return x * jax.nn.sigmoid(x)



def _proj_body(h_ref, wa_ref, wb_ref, a_ref, b_ref):
    hb = h_ref[...]
    a_ref[...] = jnp.dot(hb, wa_ref[...], preferred_element_type=jnp.float32)
    b_ref[...] = jnp.dot(hb, wb_ref[...], preferred_element_type=jnp.float32)


_BLK_N = 2000

_proj = pl.pallas_call(
    _proj_body,
    grid=(N // _BLK_N,),
    in_specs=[
        pl.BlockSpec((_BLK_N, D_IN), lambda i: (i, 0)),
        pl.BlockSpec((D_IN, D_HID), lambda i: (0, 0)),
        pl.BlockSpec((D_IN, D_HID), lambda i: (0, 0)),
    ],
    out_specs=[
        pl.BlockSpec((_BLK_N, D_HID), lambda i: (i, 0)),
        pl.BlockSpec((_BLK_N, D_HID), lambda i: (i, 0)),
    ],
    out_shape=[
        jax.ShapeDtypeStruct((N, D_HID), jnp.float32),
        jax.ShapeDtypeStruct((N, D_HID), jnp.float32),
    ],
)



def _gather_body(a_hbm, b_hbm, px_hbm, py_hbm, pz_hbm, row_hbm, col_hbm,
                 g1_hbm, g2_hbm, dsqc_hbm,
                 idx_r, idx_c, a_buf, b_buf, dsq_buf, pxv, pyv, pzv,
                 sem_i, sem_g, sem_w):
    c = lax.axis_index("c")
    s = lax.axis_index("s")
    wid = s * NC + c
    cnt = (NCHUNK - wid + NW - 1) // NW
    pltpu.sync_copy(px_hbm, pxv)
    pltpu.sync_copy(py_hbm, pyv)
    pltpu.sync_copy(pz_hbm, pzv)

    def chunk_of(t):
        j = jnp.minimum(t * NW + wid, NCHUNK - 1)
        return j, pl.multiple_of(j * CHUNK, CHUNK)

    def issue_idx(t, p):
        _, off = chunk_of(t)
        pltpu.async_copy(row_hbm.at[pl.ds(off, CHUNK)], idx_r.at[p], sem_i)
        pltpu.async_copy(col_hbm.at[pl.ds(off, CHUNK)], idx_c.at[p], sem_i)

    def wait_idx(p):
        pltpu.make_async_copy(
            row_hbm.at[pl.ds(0, CHUNK)], idx_r.at[p], sem_i).wait()
        pltpu.make_async_copy(
            col_hbm.at[pl.ds(0, CHUNK)], idx_c.at[p], sem_i).wait()

    def issue_gathers(p):
        pltpu.async_copy(a_hbm.at[idx_r.at[p]], a_buf.at[p], sem_g)
        pltpu.async_copy(b_hbm.at[idx_c.at[p]], b_buf.at[p], sem_g)

    def wait_gathers(p):
        pltpu.make_async_copy(
            a_hbm.at[pl.ds(0, CHUNK)], a_buf.at[p], sem_g).wait()
        pltpu.make_async_copy(
            b_hbm.at[pl.ds(0, CHUNK)], b_buf.at[p], sem_g).wait()

    def issue_write(t, p):
        j, off = chunk_of(t)
        pltpu.async_copy(a_buf.at[p], g1_hbm.at[pl.ds(off, CHUNK)], sem_w)
        pltpu.async_copy(b_buf.at[p], g2_hbm.at[pl.ds(off, CHUNK)], sem_w)
        pltpu.async_copy(dsq_buf.at[p], dsqc_hbm.at[j], sem_w)

    def wait_write(p):
        pltpu.make_async_copy(
            a_buf.at[p], g1_hbm.at[pl.ds(0, CHUNK)], sem_w).wait()
        pltpu.make_async_copy(
            b_buf.at[p], g2_hbm.at[pl.ds(0, CHUNK)], sem_w).wait()
        pltpu.make_async_copy(dsq_buf.at[p], dsqc_hbm.at[0], sem_w).wait()

    def compute_dsq(p):
        for g in range(CHUNK // (2 * LANES)):
            ii = g * 2 * LANES + 2 * lax.iota(jnp.int32, LANES)
            for par in (0, 1):
                iv = ii + par
                ir = plsc.load_gather(idx_r.at[p], [iv])
                ic = plsc.load_gather(idx_c.at[p], [iv])
                dx = (plsc.load_gather(pxv, [ir])
                      - plsc.load_gather(pxv, [ic]))
                dy = (plsc.load_gather(pyv, [ir])
                      - plsc.load_gather(pyv, [ic]))
                dz = (plsc.load_gather(pzv, [ir])
                      - plsc.load_gather(pzv, [ic]))
                o = pl.multiple_of(par * HCHUNK + g * LANES, LANES)
                dsq_buf[p, pl.ds(o, LANES)] = dx * dx + dy * dy + dz * dz

    def step(t, p):
        @pl.when(t < cnt)
        def _():
            @pl.when(t >= 2)
            def _():
                wait_write(p)
            wait_idx(p)
            issue_gathers(p)

            @pl.when(t >= 1)
            def _():
                wait_gathers(1 - p)
                issue_write(t - 1, 1 - p)

            @pl.when(t + 1 < cnt)
            def _():
                issue_idx(t + 1, 1 - p)
            compute_dsq(p)

    issue_idx(0, 0)

    @pl.loop(0, (cnt + 1) // 2)
    def _pairs(tt):
        step(2 * tt, 0)
        step(2 * tt + 1, 1)

    last = (cnt - 1) % 2
    for p in (0, 1):
        @pl.when(last == p)
        def _(p=p):
            wait_gathers(p)
            issue_write(cnt - 1, p)
            wait_write(1 - p)
            wait_write(p)


_gather = functools.partial(
    pl.kernel,
    out_type=(
        jax.ShapeDtypeStruct((E, D_HID), jnp.float32),
        jax.ShapeDtypeStruct((E, D_HID), jnp.float32),
        jax.ShapeDtypeStruct((NCHUNK, CHUNK), jnp.float32),
    ),
    mesh=plsc.VectorSubcoreMesh(core_axis_name="c", subcore_axis_name="s"),
    compiler_params=_SC_PARAMS,
    scratch_types=[
        pltpu.VMEM((2, CHUNK), jnp.int32),
        pltpu.VMEM((2, CHUNK), jnp.int32),
        pltpu.VMEM((2, CHUNK, D_HID), jnp.float32),
        pltpu.VMEM((2, CHUNK, D_HID), jnp.float32),
        pltpu.VMEM((2, CHUNK), jnp.float32),
        pltpu.VMEM((N,), jnp.float32),
        pltpu.VMEM((N,), jnp.float32),
        pltpu.VMEM((N,), jnp.float32),
        pltpu.SemaphoreType.DMA,
        pltpu.SemaphoreType.DMA,
        pltpu.SemaphoreType.DMA,
    ],
)(_gather_body)



_BLK_E = 2560
_HBLK = _BLK_E // 2
_RPB = _BLK_E // CHUNK


def _edge_mlp_body(g1_ref, g2_ref, d_ref, eye_ref, w3_ref, be1_ref, w2_ref,
                   be2_ref, o_ref):
    sp = g1_ref[...] + g2_ref[...]
    i = pl.program_id(0)
    dblk = d_ref[pl.ds(i * _RPB, _RPB), :]
    dcols = lax.dot_general(eye_ref[...], dblk, (((1,), (1,)), ((), ())),
                            preferred_element_type=jnp.float32)
    dcol_e = jnp.concatenate(
        [dcols[:D_HID, r:r + 1] for r in range(_RPB)], axis=0)
    dcol_o = jnp.concatenate(
        [dcols[D_HID:, r:r + 1] for r in range(_RPB)], axis=0)
    w3 = w3_ref[...]
    be1 = be1_ref[...]
    w2 = w2_ref[...]
    be2 = be2_ref[...]
    m_e = _silu(sp[:, :D_HID] + dcol_e * w3 + be1)
    m_o = _silu(sp[:, D_HID:] + dcol_o * w3 + be1)
    msg_e = _silu(jnp.dot(m_e, w2, preferred_element_type=jnp.float32) + be2)
    msg_o = _silu(jnp.dot(m_o, w2, preferred_element_type=jnp.float32) + be2)
    o_ref[...] = jnp.concatenate([msg_e, msg_o], axis=1)


_edge_mlp = pl.pallas_call(
    _edge_mlp_body,
    grid=(E // _BLK_E,),
    in_specs=[
        pl.BlockSpec((_HBLK, 2 * D_HID), lambda i: (i, 0)),
        pl.BlockSpec((_HBLK, 2 * D_HID), lambda i: (i, 0)),
        pl.BlockSpec((NCHUNK, CHUNK), lambda i: (0, 0)),
        pl.BlockSpec((CHUNK, CHUNK), lambda i: (0, 0)),
        pl.BlockSpec((1, D_HID), lambda i: (0, 0)),
        pl.BlockSpec((1, D_HID), lambda i: (0, 0)),
        pl.BlockSpec((D_HID, D_HID), lambda i: (0, 0)),
        pl.BlockSpec((1, D_HID), lambda i: (0, 0)),
    ],
    out_specs=pl.BlockSpec((_HBLK, 2 * D_HID), lambda i: (i, 0)),
    out_shape=jax.ShapeDtypeStruct((E // 2, 2 * D_HID), jnp.float32),
)



_scatter_msg_shape = jax.ShapeDtypeStruct((E, D_HID), jnp.float32)


def _scatter_body(msg_hbm, row_hbm, zeros_hbm, out_hbm, idx_v, msg_buf, acc,
                  sem_l, sem_s):
    c = lax.axis_index("c")
    s = lax.axis_index("s")
    wid = s * NC + c
    cnt = (NCHUNK - wid + NW - 1) // NW
    rbase = s * RPS
    pltpu.sync_copy(zeros_hbm.at[pl.ds(rbase, RPS)], acc.at[pl.ds(rbase, RPS)])
    plsc.subcore_barrier()

    def issue_load(t, p):
        j = jnp.minimum(t * NW + wid, NCHUNK - 1)
        off = pl.multiple_of(j * CHUNK, CHUNK)
        pltpu.async_copy(row_hbm.at[pl.ds(off, CHUNK)], idx_v.at[p], sem_l)
        pltpu.async_copy(msg_hbm.at[pl.ds(off, CHUNK)], msg_buf.at[p], sem_l)

    def wait_load(p):
        pltpu.make_async_copy(
            row_hbm.at[pl.ds(0, CHUNK)], idx_v.at[p], sem_l).wait()
        pltpu.make_async_copy(
            msg_hbm.at[pl.ds(0, CHUNK)], msg_buf.at[p], sem_l).wait()

    def wait_scatter(p):
        pltpu.make_async_copy(
            msg_hbm.at[pl.ds(0, CHUNK)], msg_buf.at[p], sem_s).wait()

    def step(t, p):
        @pl.when(t < cnt)
        def _():
            @pl.when(t >= 2)
            def _():
                wait_scatter(p)

            @pl.when(t + 1 < cnt)
            def _():
                issue_load(t + 1, 1 - p)
            wait_load(p)
            pltpu.async_copy(msg_buf.at[p], acc.at[idx_v.at[p]], sem_s,
                             add=True)

    issue_load(0, 0)

    @pl.loop(0, (cnt + 1) // 2)
    def _pairs(tt):
        step(2 * tt, 0)
        step(2 * tt + 1, 1)

    last = (cnt - 1) % 2
    for p in (0, 1):
        @pl.when(last == p)
        def _(p=p):
            wait_scatter(1 - p)
            wait_scatter(p)

    plsc.subcore_barrier()
    pltpu.sync_copy(acc.at[pl.ds(rbase, RPS)],
                    out_hbm.at[c, pl.ds(rbase, RPS)])


_scatter = functools.partial(
    pl.kernel,
    out_type=jax.ShapeDtypeStruct((NC, N, D_HID), jnp.float32),
    mesh=plsc.VectorSubcoreMesh(core_axis_name="c", subcore_axis_name="s"),
    compiler_params=_SC_PARAMS,
    scratch_types=[
        pltpu.VMEM((2, CHUNK), jnp.int32),
        pltpu.VMEM((2, CHUNK, D_HID), jnp.float32),
        pltpu.VMEM_SHARED((N, D_HID), jnp.float32),
        pltpu.SemaphoreType.DMA,
        pltpu.SemaphoreType.DMA,
    ],
)(_scatter_body)



def _node_mlp_body(h_ref, p0_ref, p1_ref, w1a_ref, w1b_ref, bn1_ref, w2_ref,
                   bn2_ref, o_ref):
    msum = p0_ref[...] + p1_ref[...]
    n = _silu(
        jnp.dot(h_ref[...], w1a_ref[...], preferred_element_type=jnp.float32)
        + jnp.dot(msum, w1b_ref[...], preferred_element_type=jnp.float32)
        + bn1_ref[...])
    o_ref[...] = (jnp.dot(n, w2_ref[...], preferred_element_type=jnp.float32)
                  + bn2_ref[...])


_node_mlp = pl.pallas_call(
    _node_mlp_body,
    grid=(N // _BLK_N,),
    in_specs=[
        pl.BlockSpec((_BLK_N, D_IN), lambda i: (i, 0)),
        pl.BlockSpec((_BLK_N, D_HID), lambda i: (i, 0)),
        pl.BlockSpec((_BLK_N, D_HID), lambda i: (i, 0)),
        pl.BlockSpec((D_IN, D_HID), lambda i: (0, 0)),
        pl.BlockSpec((D_HID, D_HID), lambda i: (0, 0)),
        pl.BlockSpec((1, D_HID), lambda i: (0, 0)),
        pl.BlockSpec((D_HID, D_OUT), lambda i: (0, 0)),
        pl.BlockSpec((1, D_OUT), lambda i: (0, 0)),
    ],
    out_specs=pl.BlockSpec((_BLK_N, D_OUT), lambda i: (i, 0)),
    out_shape=jax.ShapeDtypeStruct((N, D_OUT), jnp.float32),
)



def kernel(h, pos, edge_index, We1, be1, We2, be2, Wn1, bn1, Wn2, bn2):
    row = edge_index[0].astype(jnp.int32)
    col = edge_index[1].astype(jnp.int32)
    px = pos[:, 0]
    py = pos[:, 1]
    pz = pos[:, 2]
    We1a = We1[:D_IN]
    We1b = We1[D_IN:2 * D_IN]
    w3 = We1[2 * D_IN:2 * D_IN + 1]

    a_proj, b_proj = _proj(h, We1a, We1b)
    ag, bg, dsq_c = _gather(a_proj, b_proj, px, py, pz, row, col)
    g1 = ag.reshape(E // 2, 2 * D_HID)
    g2 = bg.reshape(E // 2, 2 * D_HID)
    eye = jnp.eye(CHUNK, dtype=jnp.float32)
    msgp = _edge_mlp(g1, g2, dsq_c, eye, w3, be1.reshape(1, D_HID),
                     We2, be2.reshape(1, D_HID))
    msg = msgp.reshape(E, D_HID)
    zeros = jnp.zeros((N, D_HID), jnp.float32)
    partials = _scatter(msg, row, zeros)
    h_out = _node_mlp(h, partials[0], partials[1],
                      Wn1[:D_IN], Wn1[D_IN:], bn1.reshape(1, D_HID),
                      Wn2, bn2.reshape(1, D_OUT))
    return (h_out, pos)

# --- scband reference (transcript-rebuilt; emitter-appended) ---
"""Pipeline reference for scband-egnnconv-12515534701202 (READ-ONLY COPY).

The authoritative reference and input builder live on the scoring server;
editing this copy changes nothing except your own understanding.
"""

import jax, jax.numpy as jnp
import numpy as np

N = 10000
E = 320000
D_IN = 128
D_HID = 64
D_OUT = 128

def silu(x):
    return x * jax.nn.sigmoid(x)

def setup_inputs(seed: int = 0) -> dict:
    key = jax.random.key(seed)
    ks = jax.random.split(key, 12)
    h = jax.random.normal(ks[0], (N, D_IN), dtype=jnp.float32)
    pos = jax.random.normal(ks[1], (N, 3), dtype=jnp.float32)
    edge_index = jax.random.randint(ks[2], (2, E), 0, N, dtype=jnp.int64)
    d_edge_in = 2 * D_IN + 1
    We1 = jax.random.normal(ks[3], (d_edge_in, D_HID), dtype=jnp.float32) * (1.0 / np.sqrt(d_edge_in))
    be1 = jnp.zeros((D_HID,), dtype=jnp.float32)
    We2 = jax.random.normal(ks[4], (D_HID, D_HID), dtype=jnp.float32) * (1.0 / np.sqrt(D_HID))
    be2 = jnp.zeros((D_HID,), dtype=jnp.float32)
    d_node_in = D_IN + D_HID
    Wn1 = jax.random.normal(ks[5], (d_node_in, D_HID), dtype=jnp.float32) * (1.0 / np.sqrt(d_node_in))
    bn1 = jnp.zeros((D_HID,), dtype=jnp.float32)
    Wn2 = jax.random.normal(ks[6], (D_HID, D_OUT), dtype=jnp.float32) * (1.0 / np.sqrt(D_HID))
    bn2 = jnp.zeros((D_OUT,), dtype=jnp.float32)
    return {"h": h, "pos": pos, "edge_index": edge_index, "We1": We1, "be1": be1, "We2": We2, "be2": be2, "Wn1": Wn1, "bn1": bn1, "Wn2": Wn2, "bn2": bn2}

def reference(h, pos, edge_index, We1, be1, We2, be2, Wn1, bn1, Wn2, bn2):
    row = edge_index[0]
    col = edge_index[1]
    rel_pos = pos[row] - pos[col]
    dist_sq = jnp.sum(rel_pos ** 2, axis=-1, keepdims=True)
    edge_input = jnp.concatenate([h[row], h[col], dist_sq], axis=-1)
    m = silu(edge_input @ We1 + be1)
    edge_msg = silu(m @ We2 + be2)
    msg_agg = jax.ops.segment_sum(edge_msg, row, num_segments=h.shape[0])
    node_input = jnp.concatenate([h, msg_agg], axis=-1)
    n = silu(node_input @ Wn1 + bn1)
    h_out = n @ Wn2 + bn2
    pos_out = pos
    return (h_out, pos_out)

if __name__ == "__main__":
    import jax
    _d = setup_inputs()
    print(jax.jit(kernel)(*tuple(_d.values())))

</pallas_src>

<mosaic_0001>
#map = affine_map<(d0, d1) -> (0, 0)>
#map1 = affine_map<(d0, d1) -> (0)>
#map2 = affine_map<(d0, d1) -> (0, 0, 0)>
module attributes {stable_mosaic.version = 14 : i64} {
  func.func @_scatter_body(%arg0: i32, %arg1: i32, %arg2: memref<320000x64xf32, #tpu.memory_space<hbm>>, %arg3: memref<320000xi32, #tpu.memory_space<hbm>>, %arg4: memref<10000x64xf32, #tpu.memory_space<hbm>>, %arg5: memref<2x10000x64xf32, #tpu.memory_space<hbm>>, %arg6: memref<2x128xi32, #tpu.memory_space<vmem>>, %arg7: memref<2x128x64xf32, #tpu.memory_space<vmem>>, %arg8: memref<10000x64xf32, #tpu.memory_space<vmem_shared>>, %arg9: memref<!tpu.dma_semaphore, #tpu.memory_space<semaphore_mem>>, %arg10: memref<!tpu.dma_semaphore, #tpu.memory_space<semaphore_mem>>) attributes {dimension_semantics = [#tpu.dimension_semantics<core_parallel>, #tpu.dimension_semantics<subcore_parallel>], iteration_bounds = array<i64: 2, 16>, scalar_prefetch = 0 : i64, scratch_operands = 5 : i64, tpu.core_type = #tpu.core_type<sc_vector_subcore>, window_params = [{transform_indices = #map}, {transform_indices = #map1}, {transform_indices = #map}, {transform_indices = #map2}]} {
    %mul3A = arith.constant 2 : i32
    %mul3A_0 = arith.muli %arg1, %mul3A : i32
    %add3A = arith.addi %mul3A_0, %arg0 : i32
    %sub3A = arith.constant 2500 : i32
    %sub3A_1 = arith.subi %sub3A, %add3A : i32
    %add3A_2 = arith.constant 32 : i32
    %add3A_3 = arith.addi %sub3A_1, %add3A_2 : i32
    %sub3A_4 = arith.constant 1 : i32
    %sub3A_5 = arith.subi %add3A_3, %sub3A_4 : i32
    %jit3A = arith.constant 32 : i32
    %div3A = arith.divsi %sub3A_5, %jit3A : i32
    %sign3A = arith.constant 0 : i32
    %sign3A_6 = arith.cmpi sgt, %sub3A_5, %sign3A : i32
    %sign3A_7 = arith.extui %sign3A_6 : i1 to i32
    %sign3A_8 = arith.constant 0 : i32
    %sign3A_9 = arith.cmpi slt, %sub3A_5, %sign3A_8 : i32
    %sign3A_10 = arith.extui %sign3A_9 : i1 to i32
    %sign3A_11 = arith.subi %sign3A_7, %sign3A_10 : i32
    %sign3A_12 = arith.constant 0 : i32
    %sign3A_13 = arith.cmpi sgt, %jit3A, %sign3A_12 : i32
    %sign3A_14 = arith.extui %sign3A_13 : i1 to i32
    %sign3A_15 = arith.constant 0 : i32
    %sign3A_16 = arith.cmpi slt, %jit3A, %sign3A_15 : i32
    %sign3A_17 = arith.extui %sign3A_16 : i1 to i32
    %sign3A_18 = arith.subi %sign3A_14, %sign3A_17 : i32
    %ne3A = arith.cmpi ne, %sign3A_11, %sign3A_18 : i32
    %rem3A = arith.remsi %sub3A_5, %jit3A : i32
    %ne3A_19 = arith.constant 0 : i32
    %ne3A_20 = arith.cmpi ne, %rem3A, %ne3A_19 : i32
    %and3A = arith.andi %ne3A, %ne3A_20 : i1
    %sub3A_21 = arith.constant 1 : i32
    %sub3A_22 = arith.subi %div3A, %sub3A_21 : i32
    %select_n3A = arith.select %and3A, %sub3A_22, %div3A : i32
    %mul3A_23 = arith.constant 625 : i32
    %mul3A_24 = arith.muli %arg1, %mul3A_23 : i32
    "tpu.region"() ({
      %run_scoped3A = tpu.sem_alloc : memref<!tpu.dma_semaphore, #tpu.memory_space<semaphore_mem>>
      %dma_start3A_120 = arith.constant 0 : i32
      %dma_start3A_121 = tpu.memref_slice %arg8[%mul3A_24, %dma_start3A_120] : memref<10000x64xf32, #tpu.memory_space<vmem_shared>> -> memref<625x64xf32, #tpu.memory_space<vmem_shared>>
      %dma_start3A_122 = arith.constant 0 : i32
      %dma_start3A_123 = tpu.memref_slice %arg4[%mul3A_24, %dma_start3A_122] : memref<10000x64xf32, #tpu.memory_space<hbm>> -> memref<625x64xf32, #tpu.memory_space<hbm>>
      tpu.enqueue_dma source(%dma_start3A_123 : memref<625x64xf32, #tpu.memory_space<hbm>>) target(%dma_start3A_121 : memref<625x64xf32, #tpu.memory_space<vmem_shared>>) target_semaphore(%run_scoped3A : memref<!tpu.dma_semaphore, #tpu.memory_space<semaphore_mem>>)
      %dma_wait3A = arith.constant 0 : i32
      %dma_wait3A_124 = tpu.memref_slice %arg8[%mul3A_24, %dma_wait3A] : memref<10000x64xf32, #tpu.memory_space<vmem_shared>> -> memref<625x64xf32, #tpu.memory_space<vmem_shared>>
      %dma_wait3A_125 = arith.constant 0 : i32
      %dma_wait3A_126 = tpu.memref_slice %arg4[%mul3A_24, %dma_wait3A_125] : memref<10000x64xf32, #tpu.memory_space<hbm>> -> memref<625x64xf32, #tpu.memory_space<hbm>>
      tpu.wait_dma2 semaphore(%run_scoped3A : memref<!tpu.dma_semaphore, #tpu.memory_space<semaphore_mem>>) src(%dma_wait3A_126 : memref<625x64xf32, #tpu.memory_space<hbm>>) dst(%dma_wait3A_124 : memref<625x64xf32, #tpu.memory_space<vmem_shared>>)
      tpu.yield
    }) : () -> ()
    %barrier3A = arith.constant 0 : index
    tpu.barrier barrier_id(%barrier3A)
    %add3A_25 = arith.constant 0 : i32
    %add3A_26 = arith.addi %add3A_25, %add3A : i32
    %min3A = arith.constant 2499 : i32
    %min3A_27 = arith.minsi %add3A_26, %min3A : i32
    %mul3A_28 = arith.constant 128 : i32
    %mul3A_29 = arith.muli %min3A_27, %mul3A_28 : i32
    %multiple_of3A = tpu.assume_multiple %mul3A_29, 128 : i32
    %dma_start3A = arith.constant 0 : i32
    %dma_start3A_30 = arith.constant 0 : i32
    %dma_start3A_31 = tpu.memref_slice %arg6[%dma_start3A, %dma_start3A_30] : memref<2x128xi32, #tpu.memory_space<vmem>> -> memref<1x128xi32, #tpu.memory_space<vmem>>
    %dma_start3A_32 = tpu.memref_squeeze %dma_start3A_31 : memref<1x128xi32, #tpu.memory_space<vmem>> -> memref<128xi32, #tpu.memory_space<vmem>>
    %dma_start3A_33 = tpu.memref_slice %arg3[%multiple_of3A] : memref<320000xi32, #tpu.memory_space<hbm>> -> memref<128xi32, #tpu.memory_space<hbm>>
    %dma_start3A_34 = arith.constant 0 : i32
    %dma_start3A_35 = tpu.memref_slice %arg6[%dma_start3A, %dma_start3A_34] : memref<2x128xi32, #tpu.memory_space<vmem>> -> memref<1x128xi32, #tpu.memory_space<vmem>>
    %dma_start3A_36 = tpu.memref_squeeze %dma_start3A_35 : memref<1x128xi32, #tpu.memory_space<vmem>> -> memref<128xi32, #tpu.memory_space<vmem>>
    %dma_start3A_37 = tpu.memref_slice %arg3[%multiple_of3A] : memref<320000xi32, #tpu.memory_space<hbm>> -> memref<128xi32, #tpu.memory_space<hbm>>
    tpu.enqueue_dma source(%dma_start3A_37 : memref<128xi32, #tpu.memory_space<hbm>>) target(%dma_start3A_36 : memref<128xi32, #tpu.memory_space<vmem>>) target_semaphore(%arg9 : memref<!tpu.dma_semaphore, #tpu.memory_space<semaphore_mem>>)
    %dma_start3A_38 = arith.constant 0 : i32
    %dma_start3A_39 = arith.constant 0 : i32
    %dma_start3A_40 = arith.constant 0 : i32
    %dma_start3A_41 = tpu.memref_slice %arg7[%dma_start3A_38, %dma_start3A_39, %dma_start3A_40] : memref<2x128x64xf32, #tpu.memory_space<vmem>> -> memref<1x128x64xf32, #tpu.memory_space<vmem>>
    %dma_start3A_42 = tpu.memref_squeeze %dma_start3A_41 : memref<1x128x64xf32, #tpu.memory_space<vmem>> -> memref<128x64xf32, #tpu.memory_space<vmem>>
    %dma_start3A_43 = arith.constant 0 : i32
    %dma_start3A_44 = tpu.memref_slice %arg2[%multiple_of3A, %dma_start3A_43] : memref<320000x64xf32, #tpu.memory_space<hbm>> -> memref<128x64xf32, #tpu.memory_space<hbm>>
    %dma_start3A_45 = arith.constant 0 : i32
    %dma_start3A_46 = arith.constant 0 : i32
    %dma_start3A_47 = tpu.memref_slice %arg7[%dma_start3A_38, %dma_start3A_45, %dma_start3A_46] : memref<2x128x64xf32, #tpu.memory_space<vmem>> -> memref<1x128x64xf32, #tpu.memory_space<vmem>>
    %dma_start3A_48 = tpu.memref_squeeze %dma_start3A_47 : memref<1x128x64xf32, #tpu.memory_space<vmem>> -> memref<128x64xf32, #tpu.memory_space<vmem>>
    %dma_start3A_49 = arith.constant 0 : i32
    %dma_start3A_50 = tpu.memref_slice %arg2[%multiple_of3A, %dma_start3A_49] : memref<320000x64xf32, #tpu.memory_space<hbm>> -> memref<128x64xf32, #tpu.memory_space<hbm>>
    tpu.enqueue_dma source(%dma_start3A_50 : memref<128x64xf32, #tpu.memory_space<hbm>>) target(%dma_start3A_48 : memref<128x64xf32, #tpu.memory_space<vmem>>) target_semaphore(%arg9 : memref<!tpu.dma_semaphore, #tpu.memory_space<semaphore_mem>>)
    %add3A_51 = arith.constant 1 : i32
    %add3A_52 = arith.addi %select_n3A, %add3A_51 : i32
    %jit3A_53 = arith.constant 2 : i32
    %div3A_54 = arith.divsi %add3A_52, %jit3A_53 : i32
    %sign3A_55 = arith.constant 0 : i32
    %sign3A_56 = arith.cmpi sgt, %add3A_52, %sign3A_55 : i32
    %sign3A_57 = arith.extui %sign3A_56 : i1 to i32
    %sign3A_58 = arith.constant 0 : i32
    %sign3A_59 = arith.cmpi slt, %add3A_52, %sign3A_58 : i32
    %sign3A_60 = arith.extui %sign3A_59 : i1 to i32
    %sign3A_61 = arith.subi %sign3A_57, %sign3A_60 : i32
    %sign3A_62 = arith.constant 0 : i32
    %sign3A_63 = arith.cmpi sgt, %jit3A_53, %sign3A_62 : i32
    %sign3A_64 = arith.extui %sign3A_63 : i1 to i32
    %sign3A_65 = arith.constant 0 : i32
    %sign3A_66 = arith.cmpi slt, %jit3A_53, %sign3A_65 : i32
    %sign3A_67 = arith.extui %sign3A_66 : i1 to i32
    %sign3A_68 = arith.subi %sign3A_64, %sign3A_67 : i32
    %ne3A_69 = arith.cmpi ne, %sign3A_61, %sign3A_68 : i32
    %rem3A_70 = arith.remsi %add3A_52, %jit3A_53 : i32
    %ne3A_71 = arith.constant 0 : i32
    %ne3A_72 = arith.cmpi ne, %rem3A_70, %ne3A_71 : i32
    %and3A_73 = arith.andi %ne3A_69, %ne3A_72 : i1
    %sub3A_74 = arith.constant 1 : i32
    %sub3A_75 = arith.subi %div3A_54, %sub3A_74 : i32
    %select_n3A_76 = arith.select %and3A_73, %sub3A_75, %div3A_54 : i32
    %sub3A_77 = arith.constant 0 : i32
    %sub3A_78 = arith.subi %select_n3A_76, %sub3A_77 : i32
    %sub3A_79 = arith.constant 1 : i32
    %sub3A_80 = arith.constant 1 : i32
    %sub3A_81 = arith.subi %sub3A_79, %sub3A_80 : i32
    %add3A_82 = arith.addi %sub3A_78, %sub3A_81 : i32
    %div3A_83 = arith.constant 1 : i32
    %div3A_84 = arith.divsi %add3A_82, %div3A_83 : i32
    %while3A = arith.constant 1 : i32
    %while3A_85 = arith.constant 0 : i32
    %while3A_86 = arith.constant 0 : i32
    %while3A_87 = arith.subi %div3A_84, %while3A_86 : i32
    %while3A_88 = arith.addi %while3A_86, %while3A_87 : i32
    %while3A_89 = arith.constant 1 : i32
    %while3A_90 = arith.divsi %while3A_87, %while3A_89 : i32
    %while3A_91 = arith.muli %while3A_90, %while3A_89 : i32
    %while3A_92 = arith.addi %while3A_86, %while3A_91 : i32
    %while3A_93 = arith.constant 1 : i32
    scf.for %while3A_120 = %while3A_86 to %while3A_92 step %while3A_93  : i32 {
      %mul3A_121 = arith.muli %while3A_120, %while3A : i32
      %add3A_122 = arith.addi %while3A_85, %mul3A_121 : i32
      %mul3A_123 = arith.constant 2 : i32
      %mul3A_124 = arith.muli %mul3A_123, %add3A_122 : i32
      %lt3A_125 = arith.cmpi slt, %mul3A_124, %select_n3A : i32
      %convert_element_type3A_126 = arith.extui %lt3A_125 : i1 to i32
      %cond3A_127 = arith.constant 0 : i32
      %cond3A_128 = arith.cmpi ne, %convert_element_type3A_126, %cond3A_127 : i32
      scf.if %cond3A_128 {
        %ge3A = arith.constant 2 : i32
        %ge3A_137 = arith.cmpi sge, %mul3A_124, %ge3A : i32
        %convert_element_type3A_138 = arith.extui %ge3A_137 : i1 to i32
        %cond3A_139 = arith.constant 0 : i32
        %cond3A_140 = arith.cmpi ne, %convert_element_type3A_138, %cond3A_139 : i32
        scf.if %cond3A_140 {
          %dma_wait3A_184 = arith.constant 0 : i32
          %dma_wait3A_185 = arith.constant 0 : i32
          %dma_wait3A_186 = arith.constant 0 : i32
          %dma_wait3A_187 = tpu.memref_slice %arg7[%dma_wait3A_184, %dma_wait3A_185, %dma_wait3A_186] : memref<2x128x64xf32, #tpu.memory_space<vmem>> -> memref<1x128x64xf32, #tpu.memory_space<vmem>>
          %dma_wait3A_188 = tpu.memref_squeeze %dma_wait3A_187 : memref<1x128x64xf32, #tpu.memory_space<vmem>> -> memref<128x64xf32, #tpu.memory_space<vmem>>
          %dma_wait3A_189 = arith.constant 0 : i32
          %dma_wait3A_190 = arith.constant 0 : i32
          %dma_wait3A_191 = tpu.memref_slice %arg2[%dma_wait3A_189, %dma_wait3A_190] : memref<320000x64xf32, #tpu.memory_space<hbm>> -> memref<128x64xf32, #tpu.memory_space<hbm>>
          %dma_wait3A_192 = arith.constant 0 : i32
          %dma_wait3A_193 = arith.constant 0 : i32
          %dma_wait3A_194 = tpu.memref_slice %arg7[%dma_wait3A_184, %dma_wait3A_192, %dma_wait3A_193] : memref<2x128x64xf32, #tpu.memory_space<vmem>> -> memref<1x128x64xf32, #tpu.memory_space<vmem>>
          %dma_wait3A_195 = tpu.memref_squeeze %dma_wait3A_194 : memref<1x128x64xf32, #tpu.memory_space<vmem>> -> memref<128x64xf32, #tpu.memory_space<vmem>>
          %dma_wait3A_196 = arith.constant 0 : i32
          %dma_wait3A_197 = arith.constant 0 : i32
          %dma_wait3A_198 = tpu.memref_slice %arg2[%dma_wait3A_196, %dma_wait3A_197] : memref<320000x64xf32, #tpu.memory_space<hbm>> -> memref<128x64xf32, #tpu.memory_space<hbm>>
          tpu.wait_dma2 semaphore(%arg10 : memref<!tpu.dma_semaphore, #tpu.memory_space<semaphore_mem>>) src(%dma_wait3A_198 : memref<128x64xf32, #tpu.memory_space<hbm>>) dst(%dma_wait3A_195 : memref<128x64xf32, #tpu.memory_space<vmem>>)
        } else {
        }
        %add3A_141 = arith.constant 1 : i32
        %add3A_142 = arith.addi %mul3A_124, %add3A_141 : i32
        %lt3A_143 = arith.cmpi slt, %add3A_142, %select_n3A : i32
        %convert_element_type3A_144 = arith.extui %lt3A_143 : i1 to i32
        %cond3A_145 = arith.constant 0 : i32
        %cond3A_146 = arith.cmpi ne, %convert_element_type3A_144, %cond3A_145 : i32
        scf.if %cond3A_146 {
          %add3A_184 = arith.constant 1 : i32
          %add3A_185 = arith.addi %mul3A_124, %add3A_184 : i32
          %mul3A_186 = arith.constant 32 : i32
          %mul3A_187 = arith.muli %add3A_185, %mul3A_186 : i32
          %add3A_188 = arith.addi %mul3A_187, %add3A : i32
          %min3A_189 = arith.constant 2499 : i32
          %min3A_190 = arith.minsi %add3A_188, %min3A_189 : i32
          %mul3A_191 = arith.constant 128 : i32
          %mul3A_192 = arith.muli %min3A_190, %mul3A_191 : i32
          %multiple_of3A_193 = tpu.assume_multiple %mul3A_192, 128 : i32
          %dma_start3A_194 = arith.constant 1 : i32
          %dma_start3A_195 = arith.constant 0 : i32
          %dma_start3A_196 = tpu.memref_slice %arg6[%dma_start3A_194, %dma_start3A_195] : memref<2x128xi32, #tpu.memory_space<vmem>> -> memref<1x128xi32, #tpu.memory_space<vmem>>
          %dma_start3A_197 = tpu.memref_squeeze %dma_start3A_196 : memref<1x128xi32, #tpu.memory_space<vmem>> -> memref<128xi32, #tpu.memory_space<vmem>>
          %dma_start3A_198 = tpu.memref_slice %arg3[%multiple_of3A_193] : memref<320000xi32, #tpu.memory_space<hbm>> -> memref<128xi32, #tpu.memory_space<hbm>>
          %dma_start3A_199 = arith.constant 0 : i32
          %dma_start3A_200 = tpu.memref_slice %arg6[%dma_start3A_194, %dma_start3A_199] : memref<2x128xi32, #tpu.memory_space<vmem>> -> memref<1x128xi32, #tpu.memory_space<vmem>>
          %dma_start3A_201 = tpu.memref_squeeze %dma_start3A_200 : memref<1x128xi32, #tpu.memory_space<vmem>> -> memref<128xi32, #tpu.memory_space<vmem>>
          %dma_start3A_202 = tpu.memref_slice %arg3[%multiple_of3A_193] : memref<320000xi32, #tpu.memory_space<hbm>> -> memref<128xi32, #tpu.memory_space<hbm>>
          tpu.enqueue_dma source(%dma_start3A_202 : memref<128xi32, #tpu.memory_space<hbm>>) target(%dma_start3A_201 : memref<128xi32, #tpu.memory_space<vmem>>) target_semaphore(%arg9 : memref<!tpu.dma_semaphore, #tpu.memory_space<semaphore_mem>>)
          %dma_start3A_203 = arith.constant 1 : i32
          %dma_start3A_204 = arith.constant 0 : i32
          %dma_start3A_205 = arith.constant 0 : i32
          %dma_start3A_206 = tpu.memref_slice %arg7[%dma_start3A_203, %dma_start3A_204, %dma_start3A_205] : memref<2x128x64xf32, #tpu.memory_space<vmem>> -> memref<1x128x64xf32, #tpu.memory_space<vmem>>
          %dma_start3A_207 = tpu.memref_squeeze %dma_start3A_206 : memref<1x128x64xf32, #tpu.memory_space<vmem>> -> memref<128x64xf32, #tpu.memory_space<vmem>>
          %dma_start3A_208 = arith.constant 0 : i32
          %dma_start3A_209 = tpu.memref_slice %arg2[%multiple_of3A_193, %dma_start3A_208] : memref<320000x64xf32, #tpu.memory_space<hbm>> -> memref<128x64xf32, #tpu.memory_space<hbm>>
          %dma_start3A_210 = arith.constant 0 : i32
          %dma_start3A_211 = arith.constant 0 : i32
          %dma_start3A_212 = tpu.memref_slice %arg7[%dma_start3A_203, %dma_start3A_210, %dma_start3A_211] : memref<2x128x64xf32, #tpu.memory_space<vmem>> -> memref<1x128x64xf32, #tpu.memory_space<vmem>>
          %dma_start3A_213 = tpu.memref_squeeze %dma_start3A_212 : memref<1x128x64xf32, #tpu.memory_space<vmem>> -> memref<128x64xf32, #tpu.memory_space<vmem>>
          %dma_start3A_214 = arith.constant 0 : i32
          %dma_start3A_215 = tpu.memref_slice %arg2[%multiple_of3A_193, %dma_start3A_214] : memref<320000x64xf32, #tpu.memory_space<hbm>> -> memref<128x64xf32, #tpu.memory_space<hbm>>
          tpu.enqueue_dma source(%dma_start3A_215 : memref<128x64xf32, #tpu.memory_space<hbm>>) target(%dma_start3A_213 : memref<128x64xf32, #tpu.memory_space<vmem>>) target_semaphore(%arg9 : memref<!tpu.dma_semaphore, #tpu.memory_space<semaphore_mem>>)
        } else {
        }
        %dma_wait3A = arith.constant 0 : i32
        %dma_wait3A_147 = arith.constant 0 : i32
        %dma_wait3A_148 = tpu.memref_slice %arg6[%dma_wait3A, %dma_wait3A_147] : memref<2x128xi32, #tpu.memory_space<vmem>> -> memref<1x128xi32, #tpu.memory_space<vmem>>
        %dma_wait3A_149 = tpu.memref_squeeze %dma_wait3A_148 : memref<1x128xi32, #tpu.memory_space<vmem>> -> memref<128xi32, #tpu.memory_space<vmem>>
        %dma_wait3A_150 = arith.constant 0 : i32
        %dma_wait3A_151 = tpu.memref_slice %arg3[%dma_wait3A_150] : memref<320000xi32, #tpu.memory_space<hbm>> -> memref<128xi32, #tpu.memory_space<hbm>>
        %dma_wait3A_152 = arith.constant 0 : i32
        %dma_wait3A_153 = tpu.memref_slice %arg6[%dma_wait3A, %dma_wait3A_152] : memref<2x128xi32, #tpu.memory_space<vmem>> -> memref<1x128xi32, #tpu.memory_space<vmem>>
        %dma_wait3A_154 = tpu.memref_squeeze %dma_wait3A_153 : memref<1x128xi32, #tpu.memory_space<vmem>> -> memref<128xi32, #tpu.memory_space<vmem>>
        %dma_wait3A_155 = arith.constant 0 : i32
        %dma_wait3A_156 = tpu.memref_slice %arg3[%dma_wait3A_155] : memref<320000xi32, #tpu.memory_space<hbm>> -> memref<128xi32, #tpu.memory_space<hbm>>
        tpu.wait_dma2 semaphore(%arg9 : memref<!tpu.dma_semaphore, #tpu.memory_space<semaphore_mem>>) src(%dma_wait3A_156 : memref<128xi32, #tpu.memory_space<hbm>>) dst(%dma_wait3A_154 : memref<128xi32, #tpu.memory_space<vmem>>)
        %dma_wait3A_157 = arith.constant 0 : i32
        %dma_wait3A_158 = arith.constant 0 : i32
        %dma_wait3A_159 = arith.constant 0 : i32
        %dma_wait3A_160 = tpu.memref_slice %arg7[%dma_wait3A_157, %dma_wait3A_158, %dma_wait3A_159] : memref<2x128x64xf32, #tpu.memory_space<vmem>> -> memref<1x128x64xf32, #tpu.memory_space<vmem>>
        %dma_wait3A_161 = tpu.memref_squeeze %dma_wait3A_160 : memref<1x128x64xf32, #tpu.memory_space<vmem>> -> memref<128x64xf32, #tpu.memory_space<vmem>>
        %dma_wait3A_162 = arith.constant 0 : i32
        %dma_wait3A_163 = arith.constant 0 : i32
        %dma_wait3A_164 = tpu.memref_slice %arg2[%dma_wait3A_162, %dma_wait3A_163] : memref<320000x64xf32, #tpu.memory_space<hbm>> -> memref<128x64xf32, #tpu.memory_space<hbm>>
        %dma_wait3A_165 = arith.constant 0 : i32
        %dma_wait3A_166 = arith.constant 0 : i32
        %dma_wait3A_167 = tpu.memref_slice %arg7[%dma_wait3A_157, %dma_wait3A_165, %dma_wait3A_166] : memref<2x128x64xf32, #tpu.memory_space<vmem>> -> memref<1x128x64xf32, #tpu.memory_space<vmem>>
        %dma_wait3A_168 = tpu.memref_squeeze %dma_wait3A_167 : memref<1x128x64xf32, #tpu.memory_space<vmem>> -> memref<128x64xf32, #tpu.memory_space<vmem>>
        %dma_wait3A_169 = arith.constant 0 : i32
        %dma_wait3A_170 = arith.constant 0 : i32
        %dma_wait3A_171 = tpu.memref_slice %arg2[%dma_wait3A_169, %dma_wait3A_170] : memref<320000x64xf32, #tpu.memory_space<hbm>> -> memref<128x64xf32, #tpu.memory_space<hbm>>
        tpu.wait_dma2 semaphore(%arg9 : memref<!tpu.dma_semaphore, #tpu.memory_space<semaphore_mem>>) src(%dma_wait3A_171 : memref<128x64xf32, #tpu.memory_space<hbm>>) dst(%dma_wait3A_168 : memref<128x64xf32, #tpu.memory_space<vmem>>)
        %dma_start3A_172 = arith.constant 0 : i32
        %dma_start3A_173 = arith.constant 0 : i32
        %dma_start3A_174 = arith.constant 0 : i32
        %dma_start3A_175 = arith.constant 0 : i32
        %dma_start3A_176 = tpu.memref_slice %arg7[%dma_start3A_172, %dma_start3A_174, %dma_start3A_175] : memref<2x128x64xf32, #tpu.memory_space<vmem>> -> memref<1x128x64xf32, #tpu.memory_space<vmem>>
        %dma_start3A_177 = tpu.memref_squeeze %dma_start3A_176 : memref<1x128x64xf32, #tpu.memory_space<vmem>> -> memref<128x64xf32, #tpu.memory_space<vmem>>
        %dma_start3A_178 = arith.constant 0 : i32
        %dma_start3A_179 = tpu.memref_slice %arg6[%dma_start3A_173, %dma_start3A_178] : memref<2x128xi32, #tpu.memory_space<vmem>> -> memref<1x128xi32, #tpu.memory_space<vmem>>
        %dma_start3A_180 = tpu.memref_squeeze %dma_start3A_179 : memref<1x128xi32, #tpu.memory_space<vmem>> -> memref<128xi32, #tpu.memory_space<vmem>>
        %dma_start3A_181 = arith.constant 0 : i32
        %dma_start3A_182 = arith.constant 0 : i32
        %dma_start3A_183 = tpu.memref_slice %arg8[%dma_start3A_181, %dma_start3A_182] : memref<10000x64xf32, #tpu.memory_space<vmem_shared>> -> memref<10000x64xf32, #tpu.memory_space<vmem_shared>>
        tpu.enqueue_indirect_dma source(%dma_start3A_177 : memref<128x64xf32, #tpu.memory_space<vmem>>) target(%dma_start3A_183 : memref<10000x64xf32, #tpu.memory_space<vmem_shared>>) offsets(%dma_start3A_180 : memref<128xi32, #tpu.memory_space<vmem>>) semaphore(%arg10 : memref<!tpu.dma_semaphore, #tpu.memory_space<semaphore_mem>>) {add = true}
      } else {
      }
      %mul3A_129 = arith.constant 2 : i32
      %mul3A_130 = arith.muli %mul3A_129, %add3A_122 : i32
      %add3A_131 = arith.constant 1 : i32
      %add3A_132 = arith.addi %mul3A_130, %add3A_131 : i32
      %lt3A_133 = arith.cmpi slt, %add3A_132, %select_n3A : i32
      %convert_element_type3A_134 = arith.extui %lt3A_133 : i1 to i32
      %cond3A_135 = arith.constant 0 : i32
      %cond3A_136 = arith.cmpi ne, %convert_element_type3A_134, %cond3A_135 : i32
      scf.if %cond3A_136 {
        %ge3A = arith.constant 2 : i32
        %ge3A_137 = arith.cmpi sge, %add3A_132, %ge3A : i32
        %convert_element_type3A_138 = arith.extui %ge3A_137 : i1 to i32
        %cond3A_139 = arith.constant 0 : i32
        %cond3A_140 = arith.cmpi ne, %convert_element_type3A_138, %cond3A_139 : i32
        scf.if %cond3A_140 {
          %dma_wait3A_184 = arith.constant 1 : i32
          %dma_wait3A_185 = arith.constant 0 : i32
          %dma_wait3A_186 = arith.constant 0 : i32
          %dma_wait3A_187 = tpu.memref_slice %arg7[%dma_wait3A_184, %dma_wait3A_185, %dma_wait3A_186] : memref<2x128x64xf32, #tpu.memory_space<vmem>> -> memref<1x128x64xf32, #tpu.memory_space<vmem>>
          %dma_wait3A_188 = tpu.memref_squeeze %dma_wait3A_187 : memref<1x128x64xf32, #tpu.memory_space<vmem>> -> memref<128x64xf32, #tpu.memory_space<vmem>>
          %dma_wait3A_189 = arith.constant 0 : i32
          %dma_wait3A_190 = arith.constant 0 : i32
          %dma_wait3A_191 = tpu.memref_slice %arg2[%dma_wait3A_189, %dma_wait3A_190] : memref<320000x64xf32, #tpu.memory_space<hbm>> -> memref<128x64xf32, #tpu.memory_space<hbm>>
          %dma_wait3A_192 = arith.constant 0 : i32
          %dma_wait3A_193 = arith.constant 0 : i32
          %dma_wait3A_194 = tpu.memref_slice %arg7[%dma_wait3A_184, %dma_wait3A_192, %dma_wait3A_193] : memref<2x128x64xf32, #tpu.memory_space<vmem>> -> memref<1x128x64xf32, #tpu.memory_space<vmem>>
          %dma_wait3A_195 = tpu.memref_squeeze %dma_wait3A_194 : memref<1x128x64xf32, #tpu.memory_space<vmem>> -> memref<128x64xf32, #tpu.memory_space<vmem>>
          %dma_wait3A_196 = arith.constant 0 : i32
          %dma_wait3A_197 = arith.constant 0 : i32
          %dma_wait3A_198 = tpu.memref_slice %arg2[%dma_wait3A_196, %dma_wait3A_197] : memref<320000x64xf32, #tpu.memory_space<hbm>> -> memref<128x64xf32, #tpu.memory_space<hbm>>
          tpu.wait_dma2 semaphore(%arg10 : memref<!tpu.dma_semaphore, #tpu.memory_space<semaphore_mem>>) src(%dma_wait3A_198 : memref<128x64xf32, #tpu.memory_space<hbm>>) dst(%dma_wait3A_195 : memref<128x64xf32, #tpu.memory_space<vmem>>)
        } else {
        }
        %add3A_141 = arith.constant 1 : i32
        %add3A_142 = arith.addi %add3A_132, %add3A_141 : i32
        %lt3A_143 = arith.cmpi slt, %add3A_142, %select_n3A : i32
        %convert_element_type3A_144 = arith.extui %lt3A_143 : i1 to i32
        %cond3A_145 = arith.constant 0 : i32
        %cond3A_146 = arith.cmpi ne, %convert_element_type3A_144, %cond3A_145 : i32
        scf.if %cond3A_146 {
          %add3A_184 = arith.constant 1 : i32
          %add3A_185 = arith.addi %add3A_132, %add3A_184 : i32
          %mul3A_186 = arith.constant 32 : i32
          %mul3A_187 = arith.muli %add3A_185, %mul3A_186 : i32
          %add3A_188 = arith.addi %mul3A_187, %add3A : i32
          %min3A_189 = arith.constant 2499 : i32
          %min3A_190 = arith.minsi %add3A_188, %min3A_189 : i32
          %mul3A_191 = arith.constant 128 : i32
          %mul3A_192 = arith.muli %min3A_190, %mul3A_191 : i32
          %multiple_of3A_193 = tpu.assume_multiple %mul3A_192, 128 : i32
          %dma_start3A_194 = arith.constant 0 : i32
          %dma_start3A_195 = arith.constant 0 : i32
          %dma_start3A_196 = tpu.memref_slice %arg6[%dma_start3A_194, %dma_start3A_195] : memref<2x128xi32, #tpu.memory_space<vmem>> -> memref<1x128xi32, #tpu.memory_space<vmem>>
          %dma_start3A_197 = tpu.memref_squeeze %dma_start3A_196 : memref<1x128xi32, #tpu.memory_space<vmem>> -> memref<128xi32, #tpu.memory_space<vmem>>
          %dma_start3A_198 = tpu.memref_slice %arg3[%multiple_of3A_193] : memref<320000xi32, #tpu.memory_space<hbm>> -> memref<128xi32, #tpu.memory_space<hbm>>
          %dma_start3A_199 = arith.constant 0 : i32
          %dma_start3A_200 = tpu.memref_slice %arg6[%dma_start3A_194, %dma_start3A_199] : memref<2x128xi32, #tpu.memory_space<vmem>> -> memref<1x128xi32, #tpu.memory_space<vmem>>
          %dma_start3A_201 = tpu.memref_squeeze %dma_start3A_200 : memref<1x128xi32, #tpu.memory_space<vmem>> -> memref<128xi32, #tpu.memory_space<vmem>>
          %dma_start3A_202 = tpu.memref_slice %arg3[%multiple_of3A_193] : memref<320000xi32, #tpu.memory_space<hbm>> -> memref<128xi32, #tpu.memory_space<hbm>>
          tpu.enqueue_dma source(%dma_start3A_202 : memref<128xi32, #tpu.memory_space<hbm>>) target(%dma_start3A_201 : memref<128xi32, #tpu.memory_space<vmem>>) target_semaphore(%arg9 : memref<!tpu.dma_semaphore, #tpu.memory_space<semaphore_mem>>)
          %dma_start3A_203 = arith.constant 0 : i32
          %dma_start3A_204 = arith.constant 0 : i32
          %dma_start3A_205 = arith.constant 0 : i32
          %dma_start3A_206 = tpu.memref_slice %arg7[%dma_start3A_203, %dma_start3A_204, %dma_start3A_205] : memref<2x128x64xf32, #tpu.memory_space<vmem>> -> memref<1x128x64xf32, #tpu.memory_space<vmem>>
          %dma_start3A_207 = tpu.memref_squeeze %dma_start3A_206 : memref<1x128x64xf32, #tpu.memory_space<vmem>> -> memref<128x64xf32, #tpu.memory_space<vmem>>
          %dma_start3A_208 = arith.constant 0 : i32
          %dma_start3A_209 = tpu.memref_slice %arg2[%multiple_of3A_193, %dma_start3A_208] : memref<320000x64xf32, #tpu.memory_space<hbm>> -> memref<128x64xf32, #tpu.memory_space<hbm>>
          %dma_start3A_210 = arith.constant 0 : i32
          %dma_start3A_211 = arith.constant 0 : i32
          %dma_start3A_212 = tpu.memref_slice %arg7[%dma_start3A_203, %dma_start3A_210, %dma_start3A_211] : memref<2x128x64xf32, #tpu.memory_space<vmem>> -> memref<1x128x64xf32, #tpu.memory_space<vmem>>
          %dma_start3A_213 = tpu.memref_squeeze %dma_start3A_212 : memref<1x128x64xf32, #tpu.memory_space<vmem>> -> memref<128x64xf32, #tpu.memory_space<vmem>>
          %dma_start3A_214 = arith.constant 0 : i32
          %dma_start3A_215 = tpu.memref_slice %arg2[%multiple_of3A_193, %dma_start3A_214] : memref<320000x64xf32, #tpu.memory_space<hbm>> -> memref<128x64xf32, #tpu.memory_space<hbm>>
          tpu.enqueue_dma source(%dma_start3A_215 : memref<128x64xf32, #tpu.memory_space<hbm>>) target(%dma_start3A_213 : memref<128x64xf32, #tpu.memory_space<vmem>>) target_semaphore(%arg9 : memref<!tpu.dma_semaphore, #tpu.memory_space<semaphore_mem>>)
        } else {
        }
        %dma_wait3A = arith.constant 1 : i32
        %dma_wait3A_147 = arith.constant 0 : i32
        %dma_wait3A_148 = tpu.memref_slice %arg6[%dma_wait3A, %dma_wait3A_147] : memref<2x128xi32, #tpu.memory_space<vmem>> -> memref<1x128xi32, #tpu.memory_space<vmem>>
        %dma_wait3A_149 = tpu.memref_squeeze %dma_wait3A_148 : memref<1x128xi32, #tpu.memory_space<vmem>> -> memref<128xi32, #tpu.memory_space<vmem>>
        %dma_wait3A_150 = arith.constant 0 : i32
        %dma_wait3A_151 = tpu.memref_slice %arg3[%dma_wait3A_150] : memref<320000xi32, #tpu.memory_space<hbm>> -> memref<128xi32, #tpu.memory_space<hbm>>
        %dma_wait3A_152 = arith.constant 0 : i32
        %dma_wait3A_153 = tpu.memref_slice %arg6[%dma_wait3A, %dma_wait3A_152] : memref<2x128xi32, #tpu.memory_space<vmem>> -> memref<1x128xi32, #tpu.memory_space<vmem>>
        %dma_wait3A_154 = tpu.memref_squeeze %dma_wait3A_153 : memref<1x128xi32, #tpu.memory_space<vmem>> -> memref<128xi32, #tpu.memory_space<vmem>>
        %dma_wait3A_155 = arith.constant 0 : i32
        %dma_wait3A_156 = tpu.memref_slice %arg3[%dma_wait3A_155] : memref<320000xi32, #tpu.memory_space<hbm>> -> memref<128xi32, #tpu.memory_space<hbm>>
        tpu.wait_dma2 semaphore(%arg9 : memref<!tpu.dma_semaphore, #tpu.memory_space<semaphore_mem>>) src(%dma_wait3A_156 : memref<128xi32, #tpu.memory_space<hbm>>) dst(%dma_wait3A_154 : memref<128xi32, #tpu.memory_space<vmem>>)
        %dma_wait3A_157 = arith.constant 1 : i32
        %dma_wait3A_158 = arith.constant 0 : i32
        %dma_wait3A_159 = arith.constant 0 : i32
        %dma_wait3A_160 = tpu.memref_slice %arg7[%dma_wait3A_157, %dma_wait3A_158, %dma_wait3A_159] : memref<2x128x64xf32, #tpu.memory_space<vmem>> -> memref<1x128x64xf32, #tpu.memory_space<vmem>>
        %dma_wait3A_161 = tpu.memref_squeeze %dma_wait3A_160 : memref<1x128x64xf32, #tpu.memory_space<vmem>> -> memref<128x64xf32, #tpu.memory_space<vmem>>
        %dma_wait3A_162 = arith.constant 0 : i32
        %dma_wait3A_163 = arith.constant 0 : i32
        %dma_wait3A_164 = tpu.memref_slice %arg2[%dma_wait3A_162, %dma_wait3A_163] : memref<320000x64xf32, #tpu.memory_space<hbm>> -> memref<128x64xf32, #tpu.memory_space<hbm>>
        %dma_wait3A_165 = arith.constant 0 : i32
        %dma_wait3A_166 = arith.constant 0 : i32
        %dma_wait3A_167 = tpu.memref_slice %arg7[%dma_wait3A_157, %dma_wait3A_165, %dma_wait3A_166] : memref<2x128x64xf32, #tpu.memory_space<vmem>> -> memref<1x128x64xf32, #tpu.memory_space<vmem>>
        %dma_wait3A_168 = tpu.memref_squeeze %dma_wait3A_167 : memref<1x128x64xf32, #tpu.memory_space<vmem>> -> memref<128x64xf32, #tpu.memory_space<vmem>>
        %dma_wait3A_169 = arith.constant 0 : i32
        %dma_wait3A_170 = arith.constant 0 : i32
        %dma_wait3A_171 = tpu.memref_slice %arg2[%dma_wait3A_169, %dma_wait3A_170] : memref<320000x64xf32, #tpu.memory_space<hbm>> -> memref<128x64xf32, #tpu.memory_space<hbm>>
        tpu.wait_dma2 semaphore(%arg9 : memref<!tpu.dma_semaphore, #tpu.memory_space<semaphore_mem>>) src(%dma_wait3A_171 : memref<128x64xf32, #tpu.memory_space<hbm>>) dst(%dma_wait3A_168 : memref<128x64xf32, #tpu.memory_space<vmem>>)
        %dma_start3A_172 = arith.constant 1 : i32
        %dma_start3A_173 = arith.constant 1 : i32
        %dma_start3A_174 = arith.constant 0 : i32
        %dma_start3A_175 = arith.constant 0 : i32
        %dma_start3A_176 = tpu.memref_slice %arg7[%dma_start3A_172, %dma_start3A_174, %dma_start3A_175] : memref<2x128x64xf32, #tpu.memory_space<vmem>> -> memref<1x128x64xf32, #tpu.memory_space<vmem>>
        %dma_start3A_177 = tpu.memref_squeeze %dma_start3A_176 : memref<1x128x64xf32, #tpu.memory_space<vmem>> -> memref<128x64xf32, #tpu.memory_space<vmem>>
        %dma_start3A_178 = arith.constant 0 : i32
        %dma_start3A_179 = tpu.memref_slice %arg6[%dma_start3A_173, %dma_start3A_178] : memref<2x128xi32, #tpu.memory_space<vmem>> -> memref<1x128xi32, #tpu.memory_space<vmem>>
        %dma_start3A_180 = tpu.memref_squeeze %dma_start3A_179 : memref<1x128xi32, #tpu.memory_space<vmem>> -> memref<128xi32, #tpu.memory_space<vmem>>
        %dma_start3A_181 = arith.constant 0 : i32
        %dma_start3A_182 = arith.constant 0 : i32
        %dma_start3A_183 = tpu.memref_slice %arg8[%dma_start3A_181, %dma_start3A_182] : memref<10000x64xf32, #tpu.memory_space<vmem_shared>> -> memref<10000x64xf32, #tpu.memory_space<vmem_shared>>
        tpu.enqueue_indirect_dma source(%dma_start3A_177 : memref<128x64xf32, #tpu.memory_space<vmem>>) target(%dma_start3A_183 : memref<10000x64xf32, #tpu.memory_space<vmem_shared>>) offsets(%dma_start3A_180 : memref<128xi32, #tpu.memory_space<vmem>>) semaphore(%arg10 : memref<!tpu.dma_semaphore, #tpu.memory_space<semaphore_mem>>) {add = true}
      } else {
      }
    }
    %while3A_94 = arith.constant 1 : i32
    scf.for %while3A_120 = %while3A_92 to %while3A_88 step %while3A_94  : i32 {
      %mul3A_121 = arith.muli %while3A_120, %while3A : i32
      %add3A_122 = arith.addi %while3A_85, %mul3A_121 : i32
      %mul3A_123 = arith.constant 2 : i32
      %mul3A_124 = arith.muli %mul3A_123, %add3A_122 : i32
      %lt3A_125 = arith.cmpi slt, %mul3A_124, %select_n3A : i32
      %convert_element_type3A_126 = arith.extui %lt3A_125 : i1 to i32
      %cond3A_127 = arith.constant 0 : i32
      %cond3A_128 = arith.cmpi ne, %convert_element_type3A_126, %cond3A_127 : i32
      scf.if %cond3A_128 {
        %ge3A = arith.constant 2 : i32
        %ge3A_137 = arith.cmpi sge, %mul3A_124, %ge3A : i32
        %convert_element_type3A_138 = arith.extui %ge3A_137 : i1 to i32
        %cond3A_139 = arith.constant 0 : i32
        %cond3A_140 = arith.cmpi ne, %convert_element_type3A_138, %cond3A_139 : i32
        scf.if %cond3A_140 {
          %dma_wait3A_184 = arith.constant 0 : i32
          %dma_wait3A_185 = arith.constant 0 : i32
          %dma_wait3A_186 = arith.constant 0 : i32
          %dma_wait3A_187 = tpu.memref_slice %arg7[%dma_wait3A_184, %dma_wait3A_185, %dma_wait3A_186] : memref<2x128x64xf32, #tpu.memory_space<vmem>> -> memref<1x128x64xf32, #tpu.memory_space<vmem>>
          %dma_wait3A_188 = tpu.memref_squeeze %dma_wait3A_187 : memref<1x128x64xf32, #tpu.memory_space<vmem>> -> memref<128x64xf32, #tpu.memory_space<vmem>>
          %dma_wait3A_189 = arith.constant 0 : i32
          %dma_wait3A_190 = arith.constant 0 : i32
          %dma_wait3A_191 = tpu.memref_slice %arg2[%dma_wait3A_189, %dma_wait3A_190] : memref<320000x64xf32, #tpu.memory_space<hbm>> -> memref<128x64xf32, #tpu.memory_space<hbm>>
          %dma_wait3A_192 = arith.constant 0 : i32
          %dma_wait3A_193 = arith.constant 0 : i32
          %dma_wait3A_194 = tpu.memref_slice %arg7[%dma_wait3A_184, %dma_wait3A_192, %dma_wait3A_193] : memref<2x128x64xf32, #tpu.memory_space<vmem>> -> memref<1x128x64xf32, #tpu.memory_space<vmem>>
          %dma_wait3A_195 = tpu.memref_squeeze %dma_wait3A_194 : memref<1x128x64xf32, #tpu.memory_space<vmem>> -> memref<128x64xf32, #tpu.memory_space<vmem>>
          %dma_wait3A_196 = arith.constant 0 : i32
          %dma_wait3A_197 = arith.constant 0 : i32
          %dma_wait3A_198 = tpu.memref_slice %arg2[%dma_wait3A_196, %dma_wait3A_197] : memref<320000x64xf32, #tpu.memory_space<hbm>> -> memref<128x64xf32, #tpu.memory_space<hbm>>
          tpu.wait_dma2 semaphore(%arg10 : memref<!tpu.dma_semaphore, #tpu.memory_space<semaphore_mem>>) src(%dma_wait3A_198 : memref<128x64xf32, #tpu.memory_space<hbm>>) dst(%dma_wait3A_195 : memref<128x64xf32, #tpu.memory_space<vmem>>)
        } else {
        }
        %add3A_141 = arith.constant 1 : i32
        %add3A_142 = arith.addi %mul3A_124, %add3A_141 : i32
        %lt3A_143 = arith.cmpi slt, %add3A_142, %select_n3A : i32
        %convert_element_type3A_144 = arith.extui %lt3A_143 : i1 to i32
        %cond3A_145 = arith.constant 0 : i32
        %cond3A_146 = arith.cmpi ne, %convert_element_type3A_144, %cond3A_145 : i32
        scf.if %cond3A_146 {
          %add3A_184 = arith.constant 1 : i32
          %add3A_185 = arith.addi %mul3A_124, %add3A_184 : i32
          %mul3A_186 = arith.constant 32 : i32
          %mul3A_187 = arith.muli %add3A_185, %mul3A_186 : i32
          %add3A_188 = arith.addi %mul3A_187, %add3A : i32
          %min3A_189 = arith.constant 2499 : i32
          %min3A_190 = arith.minsi %add3A_188, %min3A_189 : i32
          %mul3A_191 = arith.constant 128 : i32
          %mul3A_192 = arith.muli %min3A_190, %mul3A_191 : i32
          %multiple_of3A_193 = tpu.assume_multiple %mul3A_192, 128 : i32
          %dma_start3A_194 = arith.constant 1 : i32
          %dma_start3A_195 = arith.constant 0 : i32
          %dma_start3A_196 = tpu.memref_slice %arg6[%dma_start3A_194, %dma_start3A_195] : memref<2x128xi32, #tpu.memory_space<vmem>> -> memref<1x128xi32, #tpu.memory_space<vmem>>
          %dma_start3A_197 = tpu.memref_squeeze %dma_start3A_196 : memref<1x128xi32, #tpu.memory_space<vmem>> -> memref<128xi32, #tpu.memory_space<vmem>>
          %dma_start3A_198 = tpu.memref_slice %arg3[%multiple_of3A_193] : memref<320000xi32, #tpu.memory_space<hbm>> -> memref<128xi32, #tpu.memory_space<hbm>>
          %dma_start3A_199 = arith.constant 0 : i32
          %dma_start3A_200 = tpu.memref_slice %arg6[%dma_start3A_194, %dma_start3A_199] : memref<2x128xi32, #tpu.memory_space<vmem>> -> memref<1x128xi32, #tpu.memory_space<vmem>>
          %dma_start3A_201 = tpu.memref_squeeze %dma_start3A_200 : memref<1x128xi32, #tpu.memory_space<vmem>> -> memref<128xi32, #tpu.memory_space<vmem>>
          %dma_start3A_202 = tpu.memref_slice %arg3[%multiple_of3A_193] : memref<320000xi32, #tpu.memory_space<hbm>> -> memref<128xi32, #tpu.memory_space<hbm>>
          tpu.enqueue_dma source(%dma_start3A_202 : memref<128xi32, #tpu.memory_space<hbm>>) target(%dma_start3A_201 : memref<128xi32, #tpu.memory_space<vmem>>) target_semaphore(%arg9 : memref<!tpu.dma_semaphore, #tpu.memory_space<semaphore_mem>>)
          %dma_start3A_203 = arith.constant 1 : i32
          %dma_start3A_204 = arith.constant 0 : i32
          %dma_start3A_205 = arith.constant 0 : i32
          %dma_start3A_206 = tpu.memref_slice %arg7[%dma_start3A_203, %dma_start3A_204, %dma_start3A_205] : memref<2x128x64xf32, #tpu.memory_space<vmem>> -> memref<1x128x64xf32, #tpu.memory_space<vmem>>
          %dma_start3A_207 = tpu.memref_squeeze %dma_start3A_206 : memref<1x128x64xf32, #tpu.memory_space<vmem>> -> memref<128x64xf32, #tpu.memory_space<vmem>>
          %dma_start3A_208 = arith.constant 0 : i32
          %dma_start3A_209 = tpu.memref_slice %arg2[%multiple_of3A_193, %dma_start3A_208] : memref<320000x64xf32, #tpu.memory_space<hbm>> -> memref<128x64xf32, #tpu.memory_space<hbm>>
          %dma_start3A_210 = arith.constant 0 : i32
          %dma_start3A_211 = arith.constant 0 : i32
          %dma_start3A_212 = tpu.memref_slice %arg7[%dma_start3A_203, %dma_start3A_210, %dma_start3A_211] : memref<2x128x64xf32, #tpu.memory_space<vmem>> -> memref<1x128x64xf32, #tpu.memory_space<vmem>>
          %dma_start3A_213 = tpu.memref_squeeze %dma_start3A_212 : memref<1x128x64xf32, #tpu.memory_space<vmem>> -> memref<128x64xf32, #tpu.memory_space<vmem>>
          %dma_start3A_214 = arith.constant 0 : i32
          %dma_start3A_215 = tpu.memref_slice %arg2[%multiple_of3A_193, %dma_start3A_214] : memref<320000x64xf32, #tpu.memory_space<hbm>> -> memref<128x64xf32, #tpu.memory_space<hbm>>
          tpu.enqueue_dma source(%dma_start3A_215 : memref<128x64xf32, #tpu.memory_space<hbm>>) target(%dma_start3A_213 : memref<128x64xf32, #tpu.memory_space<vmem>>) target_semaphore(%arg9 : memref<!tpu.dma_semaphore, #tpu.memory_space<semaphore_mem>>)
        } else {
        }
        %dma_wait3A = arith.constant 0 : i32
        %dma_wait3A_147 = arith.constant 0 : i32
        %dma_wait3A_148 = tpu.memref_slice %arg6[%dma_wait3A, %dma_wait3A_147] : memref<2x128xi32, #tpu.memory_space<vmem>> -> memref<1x128xi32, #tpu.memory_space<vmem>>
        %dma_wait3A_149 = tpu.memref_squeeze %dma_wait3A_148 : memref<1x128xi32, #tpu.memory_space<vmem>> -> memref<128xi32, #tpu.memory_space<vmem>>
        %dma_wait3A_150 = arith.constant 0 : i32
        %dma_wait3A_151 = tpu.memref_slice %arg3[%dma_wait3A_150] : memref<320000xi32, #tpu.memory_space<hbm>> -> memref<128xi32, #tpu.memory_space<hbm>>
        %dma_wait3A_152 = arith.constant 0 : i32
        %dma_wait3A_153 = tpu.memref_slice %arg6[%dma_wait3A, %dma_wait3A_152] : memref<2x128xi32, #tpu.memory_space<vmem>> -> memref<1x128xi32, #tpu.memory_space<vmem>>
        %dma_wait3A_154 = tpu.memref_squeeze %dma_wait3A_153 : memref<1x128xi32, #tpu.memory_space<vmem>> -> memref<128xi32, #tpu.memory_space<vmem>>
        %dma_wait3A_155 = arith.constant 0 : i32
        %dma_wait3A_156 = tpu.memref_slice %arg3[%dma_wait3A_155] : memref<320000xi32, #tpu.memory_space<hbm>> -> memref<128xi32, #tpu.memory_space<hbm>>
        tpu.wait_dma2 semaphore(%arg9 : memref<!tpu.dma_semaphore, #tpu.memory_space<semaphore_mem>>) src(%dma_wait3A_156 : memref<128xi32, #tpu.memory_space<hbm>>) dst(%dma_wait3A_154 : memref<128xi32, #tpu.memory_space<vmem>>)
        %dma_wait3A_157 = arith.constant 0 : i32
        %dma_wait3A_158 = arith.constant 0 : i32
        %dma_wait3A_159 = arith.constant 0 : i32
        %dma_wait3A_160 = tpu.memref_slice %arg7[%dma_wait3A_157, %dma_wait3A_158, %dma_wait3A_159] : memref<2x128x64xf32, #tpu.memory_space<vmem>> -> memref<1x128x64xf32, #tpu.memory_space<vmem>>
        %dma_wait3A_161 = tpu.memref_squeeze %dma_wait3A_160 : memref<1x128x64xf32, #tpu.memory_space<vmem>> -> memref<128x64xf32, #tpu.memory_space<vmem>>
        %dma_wait3A_162 = arith.constant 0 : i32
        %dma_wait3A_163 = arith.constant 0 : i32
        %dma_wait3A_164 = tpu.memref_slice %arg2[%dma_wait3A_162, %dma_wait3A_163] : memref<320000x64xf32, #tpu.memory_space<hbm>> -> memref<128x64xf32, #tpu.memory_space<hbm>>
        %dma_wait3A_165 = arith.constant 0 : i32
        %dma_wait3A_166 = arith.constant 0 : i32
        %dma_wait3A_167 = tpu.memref_slice %arg7[%dma_wait3A_157, %dma_wait3A_165, %dma_wait3A_166] : memref<2x128x64xf32, #tpu.memory_space<vmem>> -> memref<1x128x64xf32, #tpu.memory_space<vmem>>
        %dma_wait3A_168 = tpu.memref_squeeze %dma_wait3A_167 : memref<1x128x64xf32, #tpu.memory_space<vmem>> -> memref<128x64xf32, #tpu.memory_space<vmem>>
        %dma_wait3A_169 = arith.constant 0 : i32
        %dma_wait3A_170 = arith.constant 0 : i32
        %dma_wait3A_171 = tpu.memref_slice %arg2[%dma_wait3A_169, %dma_wait3A_170] : memref<320000x64xf32, #tpu.memory_space<hbm>> -> memref<128x64xf32, #tpu.memory_space<hbm>>
        tpu.wait_dma2 semaphore(%arg9 : memref<!tpu.dma_semaphore, #tpu.memory_space<semaphore_mem>>) src(%dma_wait3A_171 : memref<128x64xf32, #tpu.memory_space<hbm>>) dst(%dma_wait3A_168 : memref<128x64xf32, #tpu.memory_space<vmem>>)
        %dma_start3A_172 = arith.constant 0 : i32
        %dma_start3A_173 = arith.constant 0 : i32
        %dma_start3A_174 = arith.constant 0 : i32
        %dma_start3A_175 = arith.constant 0 : i32
        %dma_start3A_176 = tpu.memref_slice %arg7[%dma_start3A_172, %dma_start3A_174, %dma_start3A_175] : memref<2x128x64xf32, #tpu.memory_space<vmem>> -> memref<1x128x64xf32, #tpu.memory_space<vmem>>
        %dma_start3A_177 = tpu.memref_squeeze %dma_start3A_176 : memref<1x128x64xf32, #tpu.memory_space<vmem>> -> memref<128x64xf32, #tpu.memory_space<vmem>>
        %dma_start3A_178 = arith.constant 0 : i32
        %dma_start3A_179 = tpu.memref_slice %arg6[%dma_start3A_173, %dma_start3A_178] : memref<2x128xi32, #tpu.memory_space<vmem>> -> memref<1x128xi32, #tpu.memory_space<vmem>>
        %dma_start3A_180 = tpu.memref_squeeze %dma_start3A_179 : memref<1x128xi32, #tpu.memory_space<vmem>> -> memref<128xi32, #tpu.memory_space<vmem>>
        %dma_start3A_181 = arith.constant 0 : i32
        %dma_start3A_182 = arith.constant 0 : i32
        %dma_start3A_183 = tpu.memref_slice %arg8[%dma_start3A_181, %dma_start3A_182] : memref<10000x64xf32, #tpu.memory_space<vmem_shared>> -> memref<10000x64xf32, #tpu.memory_space<vmem_shared>>
        tpu.enqueue_indirect_dma source(%dma_start3A_177 : memref<128x64xf32, #tpu.memory_space<vmem>>) target(%dma_start3A_183 : memref<10000x64xf32, #tpu.memory_space<vmem_shared>>) offsets(%dma_start3A_180 : memref<128xi32, #tpu.memory_space<vmem>>) semaphore(%arg10 : memref<!tpu.dma_semaphore, #tpu.memory_space<semaphore_mem>>) {add = true}
      } else {
      }
      %mul3A_129 = arith.constant 2 : i32
      %mul3A_130 = arith.muli %mul3A_129, %add3A_122 : i32
      %add3A_131 = arith.constant 1 : i32
      %add3A_132 = arith.addi %mul3A_130, %add3A_131 : i32
      %lt3A_133 = arith.cmpi slt, %add3A_132, %select_n3A : i32
      %convert_element_type3A_134 = arith.extui %lt3A_133 : i1 to i32
      %cond3A_135 = arith.constant 0 : i32
      %cond3A_136 = arith.cmpi ne, %convert_element_type3A_134, %cond3A_135 : i32
      scf.if %cond3A_136 {
        %ge3A = arith.constant 2 : i32
        %ge3A_137 = arith.cmpi sge, %add3A_132, %ge3A : i32
        %convert_element_type3A_138 = arith.extui %ge3A_137 : i1 to i32
        %cond3A_139 = arith.constant 0 : i32
        %cond3A_140 = arith.cmpi ne, %convert_element_type3A_138, %cond3A_139 : i32
        scf.if %cond3A_140 {
          %dma_wait3A_184 = arith.constant 1 : i32
          %dma_wait3A_185 = arith.constant 0 : i32
          %dma_wait3A_186 = arith.constant 0 : i32
          %dma_wait3A_187 = tpu.memref_slice %arg7[%dma_wait3A_184, %dma_wait3A_185, %dma_wait3A_186] : memref<2x128x64xf32, #tpu.memory_space<vmem>> -> memref<1x128x64xf32, #tpu.memory_space<vmem>>
          %dma_wait3A_188 = tpu.memref_squeeze %dma_wait3A_187 : memref<1x128x64xf32, #tpu.memory_space<vmem>> -> memref<128x64xf32, #tpu.memory_space<vmem>>
          %dma_wait3A_189 = arith.constant 0 : i32
          %dma_wait3A_190 = arith.constant 0 : i32
          %dma_wait3A_191 = tpu.memref_slice %arg2[%dma_wait3A_189, %dma_wait3A_190] : memref<320000x64xf32, #tpu.memory_space<hbm>> -> memref<128x64xf32, #tpu.memory_space<hbm>>
          %dma_wait3A_192 = arith.constant 0 : i32
          %dma_wait3A_193 = arith.constant 0 : i32
          %dma_wait3A_194 = tpu.memref_slice %arg7[%dma_wait3A_184, %dma_wait3A_192, %dma_wait3A_193] : memref<2x128x64xf32, #tpu.memory_space<vmem>> -> memref<1x128x64xf32, #tpu.memory_space<vmem>>
          %dma_wait3A_195 = tpu.memref_squeeze %dma_wait3A_194 : memref<1x128x64xf32, #tpu.memory_space<vmem>> -> memref<128x64xf32, #tpu.memory_space<vmem>>
          %dma_wait3A_196 = arith.constant 0 : i32
          %dma_wait3A_197 = arith.constant 0 : i32
          %dma_wait3A_198 = tpu.memref_slice %arg2[%dma_wait3A_196, %dma_wait3A_197] : memref<320000x64xf32, #tpu.memory_space<hbm>> -> memref<128x64xf32, #tpu.memory_space<hbm>>
          tpu.wait_dma2 semaphore(%arg10 : memref<!tpu.dma_semaphore, #tpu.memory_space<semaphore_mem>>) src(%dma_wait3A_198 : memref<128x64xf32, #tpu.memory_space<hbm>>) dst(%dma_wait3A_195 : memref<128x64xf32, #tpu.memory_space<vmem>>)
        } else {
        }
        %add3A_141 = arith.constant 1 : i32
        %add3A_142 = arith.addi %add3A_132, %add3A_141 : i32
        %lt3A_143 = arith.cmpi slt, %add3A_142, %select_n3A : i32
        %convert_element_type3A_144 = arith.extui %lt3A_143 : i1 to i32
        %cond3A_145 = arith.constant 0 : i32
        %cond3A_146 = arith.cmpi ne, %convert_element_type3A_144, %cond3A_145 : i32
        scf.if %cond3A_146 {
          %add3A_184 = arith.constant 1 : i32
          %add3A_185 = arith.addi %add3A_132, %add3A_184 : i32
          %mul3A_186 = arith.constant 32 : i32
          %mul3A_187 = arith.muli %add3A_185, %mul3A_186 : i32
          %add3A_188 = arith.addi %mul3A_187, %add3A : i32
          %min3A_189 = arith.constant 2499 : i32
          %min3A_190 = arith.minsi %add3A_188, %min3A_189 : i32
          %mul3A_191 = arith.constant 128 : i32
          %mul3A_192 = arith.muli %min3A_190, %mul3A_191 : i32
          %multiple_of3A_193 = tpu.assume_multiple %mul3A_192, 128 : i32
          %dma_start3A_194 = arith.constant 0 : i32
          %dma_start3A_195 = arith.constant 0 : i32
          %dma_start3A_196 = tpu.memref_slice %arg6[%dma_start3A_194, %dma_start3A_195] : memref<2x128xi32, #tpu.memory_space<vmem>> -> memref<1x128xi32, #tpu.memory_space<vmem>>
          %dma_start3A_197 = tpu.memref_squeeze %dma_start3A_196 : memref<1x128xi32, #tpu.memory_space<vmem>> -> memref<128xi32, #tpu.memory_space<vmem>>
          %dma_start3A_198 = tpu.memref_slice %arg3[%multiple_of3A_193] : memref<320000xi32, #tpu.memory_space<hbm>> -> memref<128xi32, #tpu.memory_space<hbm>>
          %dma_start3A_199 = arith.constant 0 : i32
          %dma_start3A_200 = tpu.memref_slice %arg6[%dma_start3A_194, %dma_start3A_199] : memref<2x128xi32, #tpu.memory_space<vmem>> -> memref<1x128xi32, #tpu.memory_space<vmem>>
          %dma_start3A_201 = tpu.memref_squeeze %dma_start3A_200 : memref<1x128xi32, #tpu.memory_space<vmem>> -> memref<128xi32, #tpu.memory_space<vmem>>
          %dma_start3A_202 = tpu.memref_slice %arg3[%multiple_of3A_193] : memref<320000xi32, #tpu.memory_space<hbm>> -> memref<128xi32, #tpu.memory_space<hbm>>
          tpu.enqueue_dma source(%dma_start3A_202 : memref<128xi32, #tpu.memory_space<hbm>>) target(%dma_start3A_201 : memref<128xi32, #tpu.memory_space<vmem>>) target_semaphore(%arg9 : memref<!tpu.dma_semaphore, #tpu.memory_space<semaphore_mem>>)
          %dma_start3A_203 = arith.constant 0 : i32
          %dma_start3A_204 = arith.constant 0 : i32
          %dma_start3A_205 = arith.constant 0 : i32
          %dma_start3A_206 = tpu.memref_slice %arg7[%dma_start3A_203, %dma_start3A_204, %dma_start3A_205] : memref<2x128x64xf32, #tpu.memory_space<vmem>> -> memref<1x128x64xf32, #tpu.memory_space<vmem>>
          %dma_start3A_207 = tpu.memref_squeeze %dma_start3A_206 : memref<1x128x64xf32, #tpu.memory_space<vmem>> -> memref<128x64xf32, #tpu.memory_space<vmem>>
          %dma_start3A_208 = arith.constant 0 : i32
          %dma_start3A_209 = tpu.memref_slice %arg2[%multiple_of3A_193, %dma_start3A_208] : memref<320000x64xf32, #tpu.memory_space<hbm>> -> memref<128x64xf32, #tpu.memory_space<hbm>>
          %dma_start3A_210 = arith.constant 0 : i32
          %dma_start3A_211 = arith.constant 0 : i32
          %dma_start3A_212 = tpu.memref_slice %arg7[%dma_start3A_203, %dma_start3A_210, %dma_start3A_211] : memref<2x128x64xf32, #tpu.memory_space<vmem>> -> memref<1x128x64xf32, #tpu.memory_space<vmem>>
          %dma_start3A_213 = tpu.memref_squeeze %dma_start3A_212 : memref<1x128x64xf32, #tpu.memory_space<vmem>> -> memref<128x64xf32, #tpu.memory_space<vmem>>
          %dma_start3A_214 = arith.constant 0 : i32
          %dma_start3A_215 = tpu.memref_slice %arg2[%multiple_of3A_193, %dma_start3A_214] : memref<320000x64xf32, #tpu.memory_space<hbm>> -> memref<128x64xf32, #tpu.memory_space<hbm>>
          tpu.enqueue_dma source(%dma_start3A_215 : memref<128x64xf32, #tpu.memory_space<hbm>>) target(%dma_start3A_213 : memref<128x64xf32, #tpu.memory_space<vmem>>) target_semaphore(%arg9 : memref<!tpu.dma_semaphore, #tpu.memory_space<semaphore_mem>>)
        } else {
        }
        %dma_wait3A = arith.constant 1 : i32
        %dma_wait3A_147 = arith.constant 0 : i32
        %dma_wait3A_148 = tpu.memref_slice %arg6[%dma_wait3A, %dma_wait3A_147] : memref<2x128xi32, #tpu.memory_space<vmem>> -> memref<1x128xi32, #tpu.memory_space<vmem>>
        %dma_wait3A_149 = tpu.memref_squeeze %dma_wait3A_148 : memref<1x128xi32, #tpu.memory_space<vmem>> -> memref<128xi32, #tpu.memory_space<vmem>>
        %dma_wait3A_150 = arith.constant 0 : i32
        %dma_wait3A_151 = tpu.memref_slice %arg3[%dma_wait3A_150] : memref<320000xi32, #tpu.memory_space<hbm>> -> memref<128xi32, #tpu.memory_space<hbm>>
        %dma_wait3A_152 = arith.constant 0 : i32
        %dma_wait3A_153 = tpu.memref_slice %arg6[%dma_wait3A, %dma_wait3A_152] : memref<2x128xi32, #tpu.memory_space<vmem>> -> memref<1x128xi32, #tpu.memory_space<vmem>>
        %dma_wait3A_154 = tpu.memref_squeeze %dma_wait3A_153 : memref<1x128xi32, #tpu.memory_space<vmem>> -> memref<128xi32, #tpu.memory_space<vmem>>
        %dma_wait3A_155 = arith.constant 0 : i32
        %dma_wait3A_156 = tpu.memref_slice %arg3[%dma_wait3A_155] : memref<320000xi32, #tpu.memory_space<hbm>> -> memref<128xi32, #tpu.memory_space<hbm>>
        tpu.wait_dma2 semaphore(%arg9 : memref<!tpu.dma_semaphore, #tpu.memory_space<semaphore_mem>>) src(%dma_wait3A_156 : memref<128xi32, #tpu.memory_space<hbm>>) dst(%dma_wait3A_154 : memref<128xi32, #tpu.memory_space<vmem>>)
        %dma_wait3A_157 = arith.constant 1 : i32
        %dma_wait3A_158 = arith.constant 0 : i32
        %dma_wait3A_159 = arith.constant 0 : i32
        %dma_wait3A_160 = tpu.memref_slice %arg7[%dma_wait3A_157, %dma_wait3A_158, %dma_wait3A_159] : memref<2x128x64xf32, #tpu.memory_space<vmem>> -> memref<1x128x64xf32, #tpu.memory_space<vmem>>
        %dma_wait3A_161 = tpu.memref_squeeze %dma_wait3A_160 : memref<1x128x64xf32, #tpu.memory_space<vmem>> -> memref<128x64xf32, #tpu.memory_space<vmem>>
        %dma_wait3A_162 = arith.constant 0 : i32
        %dma_wait3A_163 = arith.constant 0 : i32
        %dma_wait3A_164 = tpu.memref_slice %arg2[%dma_wait3A_162, %dma_wait3A_163] : memref<320000x64xf32, #tpu.memory_space<hbm>> -> memref<128x64xf32, #tpu.memory_space<hbm>>
        %dma_wait3A_165 = arith.constant 0 : i32
        %dma_wait3A_166 = arith.constant 0 : i32
        %dma_wait3A_167 = tpu.memref_slice %arg7[%dma_wait3A_157, %dma_wait3A_165, %dma_wait3A_166] : memref<2x128x64xf32, #tpu.memory_space<vmem>> -> memref<1x128x64xf32, #tpu.memory_space<vmem>>
        %dma_wait3A_168 = tpu.memref_squeeze %dma_wait3A_167 : memref<1x128x64xf32, #tpu.memory_space<vmem>> -> memref<128x64xf32, #tpu.memory_space<vmem>>
        %dma_wait3A_169 = arith.constant 0 : i32
        %dma_wait3A_170 = arith.constant 0 : i32
        %dma_wait3A_171 = tpu.memref_slice %arg2[%dma_wait3A_169, %dma_wait3A_170] : memref<320000x64xf32, #tpu.memory_space<hbm>> -> memref<128x64xf32, #tpu.memory_space<hbm>>
        tpu.wait_dma2 semaphore(%arg9 : memref<!tpu.dma_semaphore, #tpu.memory_space<semaphore_mem>>) src(%dma_wait3A_171 : memref<128x64xf32, #tpu.memory_space<hbm>>) dst(%dma_wait3A_168 : memref<128x64xf32, #tpu.memory_space<vmem>>)
        %dma_start3A_172 = arith.constant 1 : i32
        %dma_start3A_173 = arith.constant 1 : i32
        %dma_start3A_174 = arith.constant 0 : i32
        %dma_start3A_175 = arith.constant 0 : i32
        %dma_start3A_176 = tpu.memref_slice %arg7[%dma_start3A_172, %dma_start3A_174, %dma_start3A_175] : memref<2x128x64xf32, #tpu.memory_space<vmem>> -> memref<1x128x64xf32, #tpu.memory_space<vmem>>
        %dma_start3A_177 = tpu.memref_squeeze %dma_start3A_176 : memref<1x128x64xf32, #tpu.memory_space<vmem>> -> memref<128x64xf32, #tpu.memory_space<vmem>>
        %dma_start3A_178 = arith.constant 0 : i32
        %dma_start3A_179 = tpu.memref_slice %arg6[%dma_start3A_173, %dma_start3A_178] : memref<2x128xi32, #tpu.memory_space<vmem>> -> memref<1x128xi32, #tpu.memory_space<vmem>>
        %dma_start3A_180 = tpu.memref_squeeze %dma_start3A_179 : memref<1x128xi32, #tpu.memory_space<vmem>> -> memref<128xi32, #tpu.memory_space<vmem>>
        %dma_start3A_181 = arith.constant 0 : i32
        %dma_start3A_182 = arith.constant 0 : i32
        %dma_start3A_183 = tpu.memref_slice %arg8[%dma_start3A_181, %dma_start3A_182] : memref<10000x64xf32, #tpu.memory_space<vmem_shared>> -> memref<10000x64xf32, #tpu.memory_space<vmem_shared>>
        tpu.enqueue_indirect_dma source(%dma_start3A_177 : memref<128x64xf32, #tpu.memory_space<vmem>>) target(%dma_start3A_183 : memref<10000x64xf32, #tpu.memory_space<vmem_shared>>) offsets(%dma_start3A_180 : memref<128xi32, #tpu.memory_space<vmem>>) semaphore(%arg10 : memref<!tpu.dma_semaphore, #tpu.memory_space<semaphore_mem>>) {add = true}
      } else {
      }
    }
    %sub3A_95 = arith.constant 1 : i32
    %sub3A_96 = arith.subi %select_n3A, %sub3A_95 : i32
    %jit3A_97 = arith.constant 2 : i32
    %eq3A = arith.constant 0 : i32
    %eq3A_98 = arith.cmpi eq, %jit3A_97, %eq3A : i32
    %jit3A_99 = arith.constant 1 : i32
    %select_n3A_100 = arith.select %eq3A_98, %jit3A_99, %jit3A_97 : i32
    %rem3A_101 = arith.remsi %sub3A_96, %select_n3A_100 : i32
    %ne3A_102 = arith.constant 0 : i32
    %ne3A_103 = arith.cmpi ne, %rem3A_101, %ne3A_102 : i32
    %lt3A = arith.constant 0 : i32
    %lt3A_104 = arith.cmpi slt, %rem3A_101, %lt3A : i32
    %lt3A_105 = arith.constant 0 : i32
    %lt3A_106 = arith.cmpi slt, %select_n3A_100, %lt3A_105 : i32
    %ne3A_107 = arith.xori %lt3A_104, %lt3A_106 : i1
    %and3A_108 = arith.andi %ne3A_107, %ne3A_103 : i1
    %add3A_109 = arith.addi %rem3A_101, %select_n3A_100 : i32
    %select_n3A_110 = arith.select %and3A_108, %add3A_109, %rem3A_101 : i32
    %eq3A_111 = arith.constant 0 : i32
    %eq3A_112 = arith.cmpi eq, %select_n3A_110, %eq3A_111 : i32
    %convert_element_type3A = arith.extui %eq3A_112 : i1 to i32
    %cond3A = arith.constant 0 : i32
    %cond3A_113 = arith.cmpi ne, %convert_element_type3A, %cond3A : i32
    scf.if %cond3A_113 {
      %dma_wait3A = arith.constant 1 : i32
      %dma_wait3A_120 = arith.constant 0 : i32
      %dma_wait3A_121 = arith.constant 0 : i32
      %dma_wait3A_122 = tpu.memref_slice %arg7[%dma_wait3A, %dma_wait3A_120, %dma_wait3A_121] : memref<2x128x64xf32, #tpu.memory_space<vmem>> -> memref<1x128x64xf32, #tpu.memory_space<vmem>>
      %dma_wait3A_123 = tpu.memref_squeeze %dma_wait3A_122 : memref<1x128x64xf32, #tpu.memory_space<vmem>> -> memref<128x64xf32, #tpu.memory_space<vmem>>
      %dma_wait3A_124 = arith.constant 0 : i32
      %dma_wait3A_125 = arith.constant 0 : i32
      %dma_wait3A_126 = tpu.memref_slice %arg2[%dma_wait3A_124, %dma_wait3A_125] : memref<320000x64xf32, #tpu.memory_space<hbm>> -> memref<128x64xf32, #tpu.memory_space<hbm>>
      %dma_wait3A_127 = arith.constant 0 : i32
      %dma_wait3A_128 = arith.constant 0 : i32
      %dma_wait3A_129 = tpu.memref_slice %arg7[%dma_wait3A, %dma_wait3A_127, %dma_wait3A_128] : memref<2x128x64xf32, #tpu.memory_space<vmem>> -> memref<1x128x64xf32, #tpu.memory_space<vmem>>
      %dma_wait3A_130 = tpu.memref_squeeze %dma_wait3A_129 : memref<1x128x64xf32, #tpu.memory_space<vmem>> -> memref<128x64xf32, #tpu.memory_space<vmem>>
      %dma_wait3A_131 = arith.constant 0 : i32
      %dma_wait3A_132 = arith.constant 0 : i32
      %dma_wait3A_133 = tpu.memref_slice %arg2[%dma_wait3A_131, %dma_wait3A_132] : memref<320000x64xf32, #tpu.memory_space<hbm>> -> memref<128x64xf32, #tpu.memory_space<hbm>>
      tpu.wait_dma2 semaphore(%arg10 : memref<!tpu.dma_semaphore, #tpu.memory_space<semaphore_mem>>) src(%dma_wait3A_133 : memref<128x64xf32, #tpu.memory_space<hbm>>) dst(%dma_wait3A_130 : memref<128x64xf32, #tpu.memory_space<vmem>>)
      %dma_wait3A_134 = arith.constant 0 : i32
      %dma_wait3A_135 = arith.constant 0 : i32
      %dma_wait3A_136 = arith.constant 0 : i32
      %dma_wait3A_137 = tpu.memref_slice %arg7[%dma_wait3A_134, %dma_wait3A_135, %dma_wait3A_136] : memref<2x128x64xf32, #tpu.memory_space<vmem>> -> memref<1x128x64xf32, #tpu.memory_space<vmem>>
      %dma_wait3A_138 = tpu.memref_squeeze %dma_wait3A_137 : memref<1x128x64xf32, #tpu.memory_space<vmem>> -> memref<128x64xf32, #tpu.memory_space<vmem>>
      %dma_wait3A_139 = arith.constant 0 : i32
      %dma_wait3A_140 = arith.constant 0 : i32
      %dma_wait3A_141 = tpu.memref_slice %arg2[%dma_wait3A_139, %dma_wait3A_140] : memref<320000x64xf32, #tpu.memory_space<hbm>> -> memref<128x64xf32, #tpu.memory_space<hbm>>
      %dma_wait3A_142 = arith.constant 0 : i32
      %dma_wait3A_143 = arith.constant 0 : i32
      %dma_wait3A_144 = tpu.memref_slice %arg7[%dma_wait3A_134, %dma_wait3A_142, %dma_wait3A_143] : memref<2x128x64xf32, #tpu.memory_space<vmem>> -> memref<1x128x64xf32, #tpu.memory_space<vmem>>
      %dma_wait3A_145 = tpu.memref_squeeze %dma_wait3A_144 : memref<1x128x64xf32, #tpu.memory_space<vmem>> -> memref<128x64xf32, #tpu.memory_space<vmem>>
      %dma_wait3A_146 = arith.constant 0 : i32
      %dma_wait3A_147 = arith.constant 0 : i32
      %dma_wait3A_148 = tpu.memref_slice %arg2[%dma_wait3A_146, %dma_wait3A_147] : memref<320000x64xf32, #tpu.memory_space<hbm>> -> memref<128x64xf32, #tpu.memory_space<hbm>>
      tpu.wait_dma2 semaphore(%arg10 : memref<!tpu.dma_semaphore, #tpu.memory_space<semaphore_mem>>) src(%dma_wait3A_148 : memref<128x64xf32, #tpu.memory_space<hbm>>) dst(%dma_wait3A_145 : memref<128x64xf32, #tpu.memory_space<vmem>>)
    } else {
    }
    %eq3A_114 = arith.constant 1 : i32
    %eq3A_115 = arith.cmpi eq, %select_n3A_110, %eq3A_114 : i32
    %convert_element_type3A_116 = arith.extui %eq3A_115 : i1 to i32
    %cond3A_117 = arith.constant 0 : i32
    %cond3A_118 = arith.cmpi ne, %convert_element_type3A_116, %cond3A_117 : i32
    scf.if %cond3A_118 {
      %dma_wait3A = arith.constant 0 : i32
      %dma_wait3A_120 = arith.constant 0 : i32
      %dma_wait3A_121 = arith.constant 0 : i32
      %dma_wait3A_122 = tpu.memref_slice %arg7[%dma_wait3A, %dma_wait3A_120, %dma_wait3A_121] : memref<2x128x64xf32, #tpu.memory_space<vmem>> -> memref<1x128x64xf32, #tpu.memory_space<vmem>>
      %dma_wait3A_123 = tpu.memref_squeeze %dma_wait3A_122 : memref<1x128x64xf32, #tpu.memory_space<vmem>> -> memref<128x64xf32, #tpu.memory_space<vmem>>
      %dma_wait3A_124 = arith.constant 0 : i32
      %dma_wait3A_125 = arith.constant 0 : i32
      %dma_wait3A_126 = tpu.memref_slice %arg2[%dma_wait3A_124, %dma_wait3A_125] : memref<320000x64xf32, #tpu.memory_space<hbm>> -> memref<128x64xf32, #tpu.memory_space<hbm>>
      %dma_wait3A_127 = arith.constant 0 : i32
      %dma_wait3A_128 = arith.constant 0 : i32
      %dma_wait3A_129 = tpu.memref_slice %arg7[%dma_wait3A, %dma_wait3A_127, %dma_wait3A_128] : memref<2x128x64xf32, #tpu.memory_space<vmem>> -> memref<1x128x64xf32, #tpu.memory_space<vmem>>
      %dma_wait3A_130 = tpu.memref_squeeze %dma_wait3A_129 : memref<1x128x64xf32, #tpu.memory_space<vmem>> -> memref<128x64xf32, #tpu.memory_space<vmem>>
      %dma_wait3A_131 = arith.constant 0 : i32
      %dma_wait3A_132 = arith.constant 0 : i32
      %dma_wait3A_133 = tpu.memref_slice %arg2[%dma_wait3A_131, %dma_wait3A_132] : memref<320000x64xf32, #tpu.memory_space<hbm>> -> memref<128x64xf32, #tpu.memory_space<hbm>>
      tpu.wait_dma2 semaphore(%arg10 : memref<!tpu.dma_semaphore, #tpu.memory_space<semaphore_mem>>) src(%dma_wait3A_133 : memref<128x64xf32, #tpu.memory_space<hbm>>) dst(%dma_wait3A_130 : memref<128x64xf32, #tpu.memory_space<vmem>>)
      %dma_wait3A_134 = arith.constant 1 : i32
      %dma_wait3A_135 = arith.constant 0 : i32
      %dma_wait3A_136 = arith.constant 0 : i32
      %dma_wait3A_137 = tpu.memref_slice %arg7[%dma_wait3A_134, %dma_wait3A_135, %dma_wait3A_136] : memref<2x128x64xf32, #tpu.memory_space<vmem>> -> memref<1x128x64xf32, #tpu.memory_space<vmem>>
      %dma_wait3A_138 = tpu.memref_squeeze %dma_wait3A_137 : memref<1x128x64xf32, #tpu.memory_space<vmem>> -> memref<128x64xf32, #tpu.memory_space<vmem>>
      %dma_wait3A_139 = arith.constant 0 : i32
      %dma_wait3A_140 = arith.constant 0 : i32
      %dma_wait3A_141 = tpu.memref_slice %arg2[%dma_wait3A_139, %dma_wait3A_140] : memref<320000x64xf32, #tpu.memory_space<hbm>> -> memref<128x64xf32, #tpu.memory_space<hbm>>
      %dma_wait3A_142 = arith.constant 0 : i32
      %dma_wait3A_143 = arith.constant 0 : i32
      %dma_wait3A_144 = tpu.memref_slice %arg7[%dma_wait3A_134, %dma_wait3A_142, %dma_wait3A_143] : memref<2x128x64xf32, #tpu.memory_space<vmem>> -> memref<1x128x64xf32, #tpu.memory_space<vmem>>
      %dma_wait3A_145 = tpu.memref_squeeze %dma_wait3A_144 : memref<1x128x64xf32, #tpu.memory_space<vmem>> -> memref<128x64xf32, #tpu.memory_space<vmem>>
      %dma_wait3A_146 = arith.constant 0 : i32
      %dma_wait3A_147 = arith.constant 0 : i32
      %dma_wait3A_148 = tpu.memref_slice %arg2[%dma_wait3A_146, %dma_wait3A_147] : memref<320000x64xf32, #tpu.memory_space<hbm>> -> memref<128x64xf32, #tpu.memory_space<hbm>>
      tpu.wait_dma2 semaphore(%arg10 : memref<!tpu.dma_semaphore, #tpu.memory_space<semaphore_mem>>) src(%dma_wait3A_148 : memref<128x64xf32, #tpu.memory_space<hbm>>) dst(%dma_wait3A_145 : memref<128x64xf32, #tpu.memory_space<vmem>>)
    } else {
    }
    %barrier3A_119 = arith.constant 0 : index
    tpu.barrier barrier_id(%barrier3A_119)
    "tpu.region"() ({
      %run_scoped3A = tpu.sem_alloc : memref<!tpu.dma_semaphore, #tpu.memory_space<semaphore_mem>>
      %dma_start3A_120 = arith.constant 0 : i32
      %dma_start3A_121 = tpu.memref_slice %arg5[%arg0, %mul3A_24, %dma_start3A_120] : memref<2x10000x64xf32, #tpu.memory_space<hbm>> -> memref<1x625x64xf32, #tpu.memory_space<hbm>>
      %dma_start3A_122 = tpu.memref_squeeze %dma_start3A_121 : memref<1x625x64xf32, #tpu.memory_space<hbm>> -> memref<625x64xf32, #tpu.memory_space<hbm>>
      %dma_start3A_123 = arith.constant 0 : i32
      %dma_start3A_124 = tpu.memref_slice %arg8[%mul3A_24, %dma_start3A_123] : memref<10000x64xf32, #tpu.memory_space<vmem_shared>> -> memref<625x64xf32, #tpu.memory_space<vmem_shared>>
      tpu.enqueue_dma source(%dma_start3A_124 : memref<625x64xf32, #tpu.memory_space<vmem_shared>>) target(%dma_start3A_122 : memref<625x64xf32, #tpu.memory_space<hbm>>) target_semaphore(%run_scoped3A : memref<!tpu.dma_semaphore, #tpu.memory_space<semaphore_mem>>)
      %dma_wait3A = arith.constant 0 : i32
      %dma_wait3A_125 = tpu.memref_slice %arg5[%arg0, %mul3A_24, %dma_wait3A] : memref<2x10000x64xf32, #tpu.memory_space<hbm>> -> memref<1x625x64xf32, #tpu.memory_space<hbm>>
      %dma_wait3A_126 = tpu.memref_squeeze %dma_wait3A_125 : memref<1x625x64xf32, #tpu.memory_space<hbm>> -> memref<625x64xf32, #tpu.memory_space<hbm>>
      %dma_wait3A_127 = arith.constant 0 : i32
      %dma_wait3A_128 = tpu.memref_slice %arg8[%mul3A_24, %dma_wait3A_127] : memref<10000x64xf32, #tpu.memory_space<vmem_shared>> -> memref<625x64xf32, #tpu.memory_space<vmem_shared>>
      tpu.wait_dma2 semaphore(%run_scoped3A : memref<!tpu.dma_semaphore, #tpu.memory_space<semaphore_mem>>) src(%dma_wait3A_128 : memref<625x64xf32, #tpu.memory_space<vmem_shared>>) dst(%dma_wait3A_126 : memref<625x64xf32, #tpu.memory_space<hbm>>)
      tpu.yield
    }) : () -> ()
    return
  }
}

#map = affine_map<(d0, d1) -> (0, 0)>
#map1 = affine_map<(d0, d1) -> (0)>
module attributes {stable_mosaic.version = 14 : i64} {
  func.func @_gather_body(%arg0: i32, %arg1: i32, %arg2: memref<10000x64xf32, #tpu.memory_space<hbm>>, %arg3: memref<10000x64xf32, #tpu.memory_space<hbm>>, %arg4: memref<10000xf32, #tpu.memory_space<hbm>>, %arg5: memref<10000xf32, #tpu.memory_space<hbm>>, %arg6: memref<10000xf32, #tpu.memory_space<hbm>>, %arg7: memref<320000xi32, #tpu.memory_space<hbm>>, %arg8: memref<320000xi32, #tpu.memory_space<hbm>>, %arg9: memref<320000x64xf32, #tpu.memory_space<hbm>>, %arg10: memref<320000x64xf32, #tpu.memory_space<hbm>>, %arg11: memref<2500x128xf32, #tpu.memory_space<hbm>>, %arg12: memref<2x128xi32, #tpu.memory_space<vmem>>, %arg13: memref<2x128xi32, #tpu.memory_space<vmem>>, %arg14: memref<2x128x64xf32, #tpu.memory_space<vmem>>, %arg15: memref<2x128x64xf32, #tpu.memory_space<vmem>>, %arg16: memref<2x128xf32, #tpu.memory_space<vmem>>, %arg17: memref<10000xf32, #tpu.memory_space<vmem>>, %arg18: memref<10000xf32, #tpu.memory_space<vmem>>, %arg19: memref<10000xf32, #tpu.memory_space<vmem>>, %arg20: memref<!tpu.dma_semaphore, #tpu.memory_space<semaphore_mem>>, %arg21: memref<!tpu.dma_semaphore, #tpu.memory_space<semaphore_mem>>, %arg22: memref<!tpu.dma_semaphore, #tpu.memory_space<semaphore_mem>>) attributes {dimension_semantics = [#tpu.dimension_semantics<core_parallel>, #tpu.dimension_semantics<subcore_parallel>], iteration_bounds = array<i64: 2, 16>, scalar_prefetch = 0 : i64, scratch_operands = 11 : i64, tpu.core_type = #tpu.core_type<sc_vector_subcore>, window_params = [{transform_indices = #map}, {transform_indices = #map}, {transform_indices = #map1}, {transform_indices = #map1}, {transform_indices = #map1}, {transform_indices = #map1}, {transform_indices = #map1}, {transform_indices = #map}, {transform_indices = #map}, {transform_indices = #map}]} {
    %mul3A = arith.constant 2 : i32
    %mul3A_0 = arith.muli %arg1, %mul3A : i32
    %add3A = arith.addi %mul3A_0, %arg0 : i32
    %sub3A = arith.constant 2500 : i32
    %sub3A_1 = arith.subi %sub3A, %add3A : i32
    %add3A_2 = arith.constant 32 : i32
    %add3A_3 = arith.addi %sub3A_1, %add3A_2 : i32
    %sub3A_4 = arith.constant 1 : i32
    %sub3A_5 = arith.subi %add3A_3, %sub3A_4 : i32
    %jit3A = arith.constant 32 : i32
    %div3A = arith.divsi %sub3A_5, %jit3A : i32
    %sign3A = arith.constant 0 : i32
    %sign3A_6 = arith.cmpi sgt, %sub3A_5, %sign3A : i32
    %sign3A_7 = arith.extui %sign3A_6 : i1 to i32
    %sign3A_8 = arith.constant 0 : i32
    %sign3A_9 = arith.cmpi slt, %sub3A_5, %sign3A_8 : i32
    %sign3A_10 = arith.extui %sign3A_9 : i1 to i32
    %sign3A_11 = arith.subi %sign3A_7, %sign3A_10 : i32
    %sign3A_12 = arith.constant 0 : i32
    %sign3A_13 = arith.cmpi sgt, %jit3A, %sign3A_12 : i32
    %sign3A_14 = arith.extui %sign3A_13 : i1 to i32
    %sign3A_15 = arith.constant 0 : i32
    %sign3A_16 = arith.cmpi slt, %jit3A, %sign3A_15 : i32
    %sign3A_17 = arith.extui %sign3A_16 : i1 to i32
    %sign3A_18 = arith.subi %sign3A_14, %sign3A_17 : i32
    %ne3A = arith.cmpi ne, %sign3A_11, %sign3A_18 : i32
    %rem3A = arith.remsi %sub3A_5, %jit3A : i32
    %ne3A_19 = arith.constant 0 : i32
    %ne3A_20 = arith.cmpi ne, %rem3A, %ne3A_19 : i32
    %and3A = arith.andi %ne3A, %ne3A_20 : i1
    %sub3A_21 = arith.constant 1 : i32
    %sub3A_22 = arith.subi %div3A, %sub3A_21 : i32
    %select_n3A = arith.select %and3A, %sub3A_22, %div3A : i32
    "tpu.region"() ({
      %run_scoped3A = tpu.sem_alloc : memref<!tpu.dma_semaphore, #tpu.memory_space<semaphore_mem>>
      tpu.enqueue_dma source(%arg4 : memref<10000xf32, #tpu.memory_space<hbm>>) target(%arg17 : memref<10000xf32, #tpu.memory_space<vmem>>) target_semaphore(%run_scoped3A : memref<!tpu.dma_semaphore, #tpu.memory_space<semaphore_mem>>)
      tpu.wait_dma2 semaphore(%run_scoped3A : memref<!tpu.dma_semaphore, #tpu.memory_space<semaphore_mem>>) src(%arg4 : memref<10000xf32, #tpu.memory_space<hbm>>) dst(%arg17 : memref<10000xf32, #tpu.memory_space<vmem>>)
      tpu.yield
    }) : () -> ()
    "tpu.region"() ({
      %run_scoped3A = tpu.sem_alloc : memref<!tpu.dma_semaphore, #tpu.memory_space<semaphore_mem>>
      tpu.enqueue_dma source(%arg5 : memref<10000xf32, #tpu.memory_space<hbm>>) target(%arg18 : memref<10000xf32, #tpu.memory_space<vmem>>) target_semaphore(%run_scoped3A : memref<!tpu.dma_semaphore, #tpu.memory_space<semaphore_mem>>)
      tpu.wait_dma2 semaphore(%run_scoped3A : memref<!tpu.dma_semaphore, #tpu.memory_space<semaphore_mem>>) src(%arg5 : memref<10000xf32, #tpu.memory_space<hbm>>) dst(%arg18 : memref<10000xf32, #tpu.memory_space<vmem>>)
      tpu.yield
    }) : () -> ()
    "tpu.region"() ({
      %run_scoped3A = tpu.sem_alloc : memref<!tpu.dma_semaphore, #tpu.memory_space<semaphore_mem>>
      tpu.enqueue_dma source(%arg6 : memref<10000xf32, #tpu.memory_space<hbm>>) target(%arg19 : memref<10000xf32, #tpu.memory_space<vmem>>) target_semaphore(%run_scoped3A : memref<!tpu.dma_semaphore, #tpu.memory_space<semaphore_mem>>)
      tpu.wait_dma2 semaphore(%run_scoped3A : memref<!tpu.dma_semaphore, #tpu.memory_space<semaphore_mem>>) src(%arg6 : memref<10000xf32, #tpu.memory_space<hbm>>) dst(%arg19 : memref<10000xf32, #tpu.memory_space<vmem>>)
      tpu.yield
    }) : () -> ()
    %add3A_23 = arith.constant 0 : i32
    %add3A_24 = arith.addi %add3A_23, %add3A : i32
    %min3A = arith.constant 2499 : i32
    %min3A_25 = arith.minsi %add3A_24, %min3A : i32
    %mul3A_26 = arith.constant 128 : i32
    %mul3A_27 = arith.muli %min3A_25, %mul3A_26 : i32
    %multiple_of3A = tpu.assume_multiple %mul3A_27, 128 : i32
    %dma_start3A = arith.constant 0 : i32
    %dma_start3A_28 = arith.constant 0 : i32
    %dma_start3A_29 = tpu.memref_slice %arg12[%dma_start3A, %dma_start3A_28] : memref<2x128xi32, #tpu.memory_space<vmem>> -> memref<1x128xi32, #tpu.memory_space<vmem>>
    %dma_start3A_30 = tpu.memref_squeeze %dma_start3A_29 : memref<1x128xi32, #tpu.memory_space<vmem>> -> memref<128xi32, #tpu.memory_space<vmem>>
    %dma_start3A_31 = tpu.memref_slice %arg7[%multiple_of3A] : memref<320000xi32, #tpu.memory_space<hbm>> -> memref<128xi32, #tpu.memory_space<hbm>>
    %dma_start3A_32 = arith.constant 0 : i32
    %dma_start3A_33 = tpu.memref_slice %arg12[%dma_start3A, %dma_start3A_32] : memref<2x128xi32, #tpu.memory_space<vmem>> -> memref<1x128xi32, #tpu.memory_space<vmem>>
    %dma_start3A_34 = tpu.memref_squeeze %dma_start3A_33 : memref<1x128xi32, #tpu.memory_space<vmem>> -> memref<128xi32, #tpu.memory_space<vmem>>
    %dma_start3A_35 = tpu.memref_slice %arg7[%multiple_of3A] : memref<320000xi32, #tpu.memory_space<hbm>> -> memref<128xi32, #tpu.memory_space<hbm>>
    tpu.enqueue_dma source(%dma_start3A_35 : memref<128xi32, #tpu.memory_space<hbm>>) target(%dma_start3A_34 : memref<128xi32, #tpu.memory_space<vmem>>) target_semaphore(%arg20 : memref<!tpu.dma_semaphore, #tpu.memory_space<semaphore_mem>>)
    %dma_start3A_36 = arith.constant 0 : i32
    %dma_start3A_37 = arith.constant 0 : i32
    %dma_start3A_38 = tpu.memref_slice %arg13[%dma_start3A_36, %dma_start3A_37] : memref<2x128xi32, #tpu.memory_space<vmem>> -> memref<1x128xi32, #tpu.memory_space<vmem>>
    %dma_start3A_39 = tpu.memref_squeeze %dma_start3A_38 : memref<1x128xi32, #tpu.memory_space<vmem>> -> memref<128xi32, #tpu.memory_space<vmem>>
    %dma_start3A_40 = tpu.memref_slice %arg8[%multiple_of3A] : memref<320000xi32, #tpu.memory_space<hbm>> -> memref<128xi32, #tpu.memory_space<hbm>>
    %dma_start3A_41 = arith.constant 0 : i32
    %dma_start3A_42 = tpu.memref_slice %arg13[%dma_start3A_36, %dma_start3A_41] : memref<2x128xi32, #tpu.memory_space<vmem>> -> memref<1x128xi32, #tpu.memory_space<vmem>>
    %dma_start3A_43 = tpu.memref_squeeze %dma_start3A_42 : memref<1x128xi32, #tpu.memory_space<vmem>> -> memref<128xi32, #tpu.memory_space<vmem>>
    %dma_start3A_44 = tpu.memref_slice %arg8[%multiple_of3A] : memref<320000xi32, #tpu.memory_space<hbm>> -> memref<128xi32, #tpu.memory_space<hbm>>
    tpu.enqueue_dma source(%dma_start3A_44 : memref<128xi32, #tpu.memory_space<hbm>>) target(%dma_start3A_43 : memref<128xi32, #tpu.memory_space<vmem>>) target_semaphore(%arg20 : memref<!tpu.dma_semaphore, #tpu.memory_space<semaphore_mem>>)
    %add3A_45 = arith.constant 1 : i32
    %add3A_46 = arith.addi %select_n3A, %add3A_45 : i32
    %jit3A_47 = arith.constant 2 : i32
    %div3A_48 = arith.divsi %add3A_46, %jit3A_47 : i32
    %sign3A_49 = arith.constant 0 : i32
    %sign3A_50 = arith.cmpi sgt, %add3A_46, %sign3A_49 : i32
    %sign3A_51 = arith.extui %sign3A_50 : i1 to i32
    %sign3A_52 = arith.constant 0 : i32
    %sign3A_53 = arith.cmpi slt, %add3A_46, %sign3A_52 : i32
    %sign3A_54 = arith.extui %sign3A_53 : i1 to i32
    %sign3A_55 = arith.subi %sign3A_51, %sign3A_54 : i32
    %sign3A_56 = arith.constant 0 : i32
    %sign3A_57 = arith.cmpi sgt, %jit3A_47, %sign3A_56 : i32
    %sign3A_58 = arith.extui %sign3A_57 : i1 to i32
    %sign3A_59 = arith.constant 0 : i32
    %sign3A_60 = arith.cmpi slt, %jit3A_47, %sign3A_59 : i32
    %sign3A_61 = arith.extui %sign3A_60 : i1 to i32
    %sign3A_62 = arith.subi %sign3A_58, %sign3A_61 : i32
    %ne3A_63 = arith.cmpi ne, %sign3A_55, %sign3A_62 : i32
    %rem3A_64 = arith.remsi %add3A_46, %jit3A_47 : i32
    %ne3A_65 = arith.constant 0 : i32
    %ne3A_66 = arith.cmpi ne, %rem3A_64, %ne3A_65 : i32
    %and3A_67 = arith.andi %ne3A_63, %ne3A_66 : i1
    %sub3A_68 = arith.constant 1 : i32
    %sub3A_69 = arith.subi %div3A_48, %sub3A_68 : i32
    %select_n3A_70 = arith.select %and3A_67, %sub3A_69, %div3A_48 : i32
    %sub3A_71 = arith.constant 0 : i32
    %sub3A_72 = arith.subi %select_n3A_70, %sub3A_71 : i32
    %sub3A_73 = arith.constant 1 : i32
    %sub3A_74 = arith.constant 1 : i32
    %sub3A_75 = arith.subi %sub3A_73, %sub3A_74 : i32
    %add3A_76 = arith.addi %sub3A_72, %sub3A_75 : i32
    %div3A_77 = arith.constant 1 : i32
    %div3A_78 = arith.divsi %add3A_76, %div3A_77 : i32
    %while3A = arith.constant 1 : i32
    %while3A_79 = arith.constant 0 : i32
    %while3A_80 = arith.constant 0 : i32
    %while3A_81 = arith.subi %div3A_78, %while3A_80 : i32
    %while3A_82 = arith.addi %while3A_80, %while3A_81 : i32
    %while3A_83 = arith.constant 1 : i32
    %while3A_84 = arith.divsi %while3A_81, %while3A_83 : i32
    %while3A_85 = arith.muli %while3A_84, %while3A_83 : i32
    %while3A_86 = arith.addi %while3A_80, %while3A_85 : i32
    %while3A_87 = arith.constant 1 : i32
    scf.for %while3A_113 = %while3A_80 to %while3A_86 step %while3A_87  : i32 {
      %mul3A_114 = arith.muli %while3A_113, %while3A : i32
      %add3A_115 = arith.addi %while3A_79, %mul3A_114 : i32
      %mul3A_116 = arith.constant 2 : i32
      %mul3A_117 = arith.muli %mul3A_116, %add3A_115 : i32
      %lt3A_118 = arith.cmpi slt, %mul3A_117, %select_n3A : i32
      %convert_element_type3A_119 = arith.extui %lt3A_118 : i1 to i32
      %cond3A_120 = arith.constant 0 : i32
      %cond3A_121 = arith.cmpi ne, %convert_element_type3A_119, %cond3A_120 : i32
      scf.if %cond3A_121 {
        %ge3A = arith.constant 2 : i32
        %ge3A_130 = arith.cmpi sge, %mul3A_117, %ge3A : i32
        %convert_element_type3A_131 = arith.extui %ge3A_130 : i1 to i32
        %cond3A_132 = arith.constant 0 : i32
        %cond3A_133 = arith.cmpi ne, %convert_element_type3A_131, %cond3A_132 : i32
        scf.if %cond3A_133 {
          %dma_wait3A_479 = arith.constant 0 : i32
          %dma_wait3A_480 = arith.constant 0 : i32
          %dma_wait3A_481 = arith.constant 0 : i32
          %dma_wait3A_482 = tpu.memref_slice %arg14[%dma_wait3A_479, %dma_wait3A_480, %dma_wait3A_481] : memref<2x128x64xf32, #tpu.memory_space<vmem>> -> memref<1x128x64xf32, #tpu.memory_space<vmem>>
          %dma_wait3A_483 = tpu.memref_squeeze %dma_wait3A_482 : memref<1x128x64xf32, #tpu.memory_space<vmem>> -> memref<128x64xf32, #tpu.memory_space<vmem>>
          %dma_wait3A_484 = arith.constant 0 : i32
          %dma_wait3A_485 = arith.constant 0 : i32
          %dma_wait3A_486 = tpu.memref_slice %arg9[%dma_wait3A_484, %dma_wait3A_485] : memref<320000x64xf32, #tpu.memory_space<hbm>> -> memref<128x64xf32, #tpu.memory_space<hbm>>
          %dma_wait3A_487 = arith.constant 0 : i32
          %dma_wait3A_488 = arith.constant 0 : i32
          %dma_wait3A_489 = tpu.memref_slice %arg9[%dma_wait3A_487, %dma_wait3A_488] : memref<320000x64xf32, #tpu.memory_space<hbm>> -> memref<128x64xf32, #tpu.memory_space<hbm>>
          %dma_wait3A_490 = arith.constant 0 : i32
          %dma_wait3A_491 = arith.constant 0 : i32
          %dma_wait3A_492 = tpu.memref_slice %arg14[%dma_wait3A_479, %dma_wait3A_490, %dma_wait3A_491] : memref<2x128x64xf32, #tpu.memory_space<vmem>> -> memref<1x128x64xf32, #tpu.memory_space<vmem>>
          %dma_wait3A_493 = tpu.memref_squeeze %dma_wait3A_492 : memref<1x128x64xf32, #tpu.memory_space<vmem>> -> memref<128x64xf32, #tpu.memory_space<vmem>>
          tpu.wait_dma2 semaphore(%arg22 : memref<!tpu.dma_semaphore, #tpu.memory_space<semaphore_mem>>) src(%dma_wait3A_493 : memref<128x64xf32, #tpu.memory_space<vmem>>) dst(%dma_wait3A_489 : memref<128x64xf32, #tpu.memory_space<hbm>>)
          %dma_wait3A_494 = arith.constant 0 : i32
          %dma_wait3A_495 = arith.constant 0 : i32
          %dma_wait3A_496 = arith.constant 0 : i32
          %dma_wait3A_497 = tpu.memref_slice %arg15[%dma_wait3A_494, %dma_wait3A_495, %dma_wait3A_496] : memref<2x128x64xf32, #tpu.memory_space<vmem>> -> memref<1x128x64xf32, #tpu.memory_space<vmem>>
          %dma_wait3A_498 = tpu.memref_squeeze %dma_wait3A_497 : memref<1x128x64xf32, #tpu.memory_space<vmem>> -> memref<128x64xf32, #tpu.memory_space<vmem>>
          %dma_wait3A_499 = arith.constant 0 : i32
          %dma_wait3A_500 = arith.constant 0 : i32
          %dma_wait3A_501 = tpu.memref_slice %arg10[%dma_wait3A_499, %dma_wait3A_500] : memref<320000x64xf32, #tpu.memory_space<hbm>> -> memref<128x64xf32, #tpu.memory_space<hbm>>
          %dma_wait3A_502 = arith.constant 0 : i32
          %dma_wait3A_503 = arith.constant 0 : i32
          %dma_wait3A_504 = tpu.memref_slice %arg10[%dma_wait3A_502, %dma_wait3A_503] : memref<320000x64xf32, #tpu.memory_space<hbm>> -> memref<128x64xf32, #tpu.memory_space<hbm>>
          %dma_wait3A_505 = arith.constant 0 : i32
          %dma_wait3A_506 = arith.constant 0 : i32
          %dma_wait3A_507 = tpu.memref_slice %arg15[%dma_wait3A_494, %dma_wait3A_505, %dma_wait3A_506] : memref<2x128x64xf32, #tpu.memory_space<vmem>> -> memref<1x128x64xf32, #tpu.memory_space<vmem>>
          %dma_wait3A_508 = tpu.memref_squeeze %dma_wait3A_507 : memref<1x128x64xf32, #tpu.memory_space<vmem>> -> memref<128x64xf32, #tpu.memory_space<vmem>>
          tpu.wait_dma2 semaphore(%arg22 : memref<!tpu.dma_semaphore, #tpu.memory_space<semaphore_mem>>) src(%dma_wait3A_508 : memref<128x64xf32, #tpu.memory_space<vmem>>) dst(%dma_wait3A_504 : memref<128x64xf32, #tpu.memory_space<hbm>>)
          %dma_wait3A_509 = arith.constant 0 : i32
          %dma_wait3A_510 = arith.constant 0 : i32
          %dma_wait3A_511 = arith.constant 0 : i32
          %dma_wait3A_512 = tpu.memref_slice %arg16[%dma_wait3A_509, %dma_wait3A_511] : memref<2x128xf32, #tpu.memory_space<vmem>> -> memref<1x128xf32, #tpu.memory_space<vmem>>
          %dma_wait3A_513 = tpu.memref_squeeze %dma_wait3A_512 : memref<1x128xf32, #tpu.memory_space<vmem>> -> memref<128xf32, #tpu.memory_space<vmem>>
          %dma_wait3A_514 = arith.constant 0 : i32
          %dma_wait3A_515 = tpu.memref_slice %arg11[%dma_wait3A_510, %dma_wait3A_514] : memref<2500x128xf32, #tpu.memory_space<hbm>> -> memref<1x128xf32, #tpu.memory_space<hbm>>
          %dma_wait3A_516 = tpu.memref_squeeze %dma_wait3A_515 : memref<1x128xf32, #tpu.memory_space<hbm>> -> memref<128xf32, #tpu.memory_space<hbm>>
          %dma_wait3A_517 = arith.constant 0 : i32
          %dma_wait3A_518 = tpu.memref_slice %arg11[%dma_wait3A_510, %dma_wait3A_517] : memref<2500x128xf32, #tpu.memory_space<hbm>> -> memref<1x128xf32, #tpu.memory_space<hbm>>
          %dma_wait3A_519 = tpu.memref_squeeze %dma_wait3A_518 : memref<1x128xf32, #tpu.memory_space<hbm>> -> memref<128xf32, #tpu.memory_space<hbm>>
          %dma_wait3A_520 = arith.constant 0 : i32
          %dma_wait3A_521 = tpu.memref_slice %arg16[%dma_wait3A_509, %dma_wait3A_520] : memref<2x128xf32, #tpu.memory_space<vmem>> -> memref<1x128xf32, #tpu.memory_space<vmem>>
          %dma_wait3A_522 = tpu.memref_squeeze %dma_wait3A_521 : memref<1x128xf32, #tpu.memory_space<vmem>> -> memref<128xf32, #tpu.memory_space<vmem>>
          tpu.wait_dma2 semaphore(%arg22 : memref<!tpu.dma_semaphore, #tpu.memory_space<semaphore_mem>>) src(%dma_wait3A_522 : memref<128xf32, #tpu.memory_space<vmem>>) dst(%dma_wait3A_519 : memref<128xf32, #tpu.memory_space<hbm>>)
        } else {
        }
        %dma_wait3A = arith.constant 0 : i32
        %dma_wait3A_134 = arith.constant 0 : i32
        %dma_wait3A_135 = tpu.memref_slice %arg12[%dma_wait3A, %dma_wait3A_134] : memref<2x128xi32, #tpu.memory_space<vmem>> -> memref<1x128xi32, #tpu.memory_space<vmem>>
        %dma_wait3A_136 = tpu.memref_squeeze %dma_wait3A_135 : memref<1x128xi32, #tpu.memory_space<vmem>> -> memref<128xi32, #tpu.memory_space<vmem>>
        %dma_wait3A_137 = arith.constant 0 : i32
        %dma_wait3A_138 = tpu.memref_slice %arg7[%dma_wait3A_137] : memref<320000xi32, #tpu.memory_space<hbm>> -> memref<128xi32, #tpu.memory_space<hbm>>
        %dma_wait3A_139 = arith.constant 0 : i32
        %dma_wait3A_140 = tpu.memref_slice %arg12[%dma_wait3A, %dma_wait3A_139] : memref<2x128xi32, #tpu.memory_space<vmem>> -> memref<1x128xi32, #tpu.memory_space<vmem>>
        %dma_wait3A_141 = tpu.memref_squeeze %dma_wait3A_140 : memref<1x128xi32, #tpu.memory_space<vmem>> -> memref<128xi32, #tpu.memory_space<vmem>>
        %dma_wait3A_142 = arith.constant 0 : i32
        %dma_wait3A_143 = tpu.memref_slice %arg7[%dma_wait3A_142] : memref<320000xi32, #tpu.memory_space<hbm>> -> memref<128xi32, #tpu.memory_space<hbm>>
        tpu.wait_dma2 semaphore(%arg20 : memref<!tpu.dma_semaphore, #tpu.memory_space<semaphore_mem>>) src(%dma_wait3A_143 : memref<128xi32, #tpu.memory_space<hbm>>) dst(%dma_wait3A_141 : memref<128xi32, #tpu.memory_space<vmem>>)
        %dma_wait3A_144 = arith.constant 0 : i32
        %dma_wait3A_145 = arith.constant 0 : i32
        %dma_wait3A_146 = tpu.memref_slice %arg13[%dma_wait3A_144, %dma_wait3A_145] : memref<2x128xi32, #tpu.memory_space<vmem>> -> memref<1x128xi32, #tpu.memory_space<vmem>>
        %dma_wait3A_147 = tpu.memref_squeeze %dma_wait3A_146 : memref<1x128xi32, #tpu.memory_space<vmem>> -> memref<128xi32, #tpu.memory_space<vmem>>
        %dma_wait3A_148 = arith.constant 0 : i32
        %dma_wait3A_149 = tpu.memref_slice %arg8[%dma_wait3A_148] : memref<320000xi32, #tpu.memory_space<hbm>> -> memref<128xi32, #tpu.memory_space<hbm>>
        %dma_wait3A_150 = arith.constant 0 : i32
        %dma_wait3A_151 = tpu.memref_slice %arg13[%dma_wait3A_144, %dma_wait3A_150] : memref<2x128xi32, #tpu.memory_space<vmem>> -> memref<1x128xi32, #tpu.memory_space<vmem>>
        %dma_wait3A_152 = tpu.memref_squeeze %dma_wait3A_151 : memref<1x128xi32, #tpu.memory_space<vmem>> -> memref<128xi32, #tpu.memory_space<vmem>>
        %dma_wait3A_153 = arith.constant 0 : i32
        %dma_wait3A_154 = tpu.memref_slice %arg8[%dma_wait3A_153] : memref<320000xi32, #tpu.memory_space<hbm>> -> memref<128xi32, #tpu.memory_space<hbm>>
        tpu.wait_dma2 semaphore(%arg20 : memref<!tpu.dma_semaphore, #tpu.memory_space<semaphore_mem>>) src(%dma_wait3A_154 : memref<128xi32, #tpu.memory_space<hbm>>) dst(%dma_wait3A_152 : memref<128xi32, #tpu.memory_space<vmem>>)
        %dma_start3A_155 = arith.constant 0 : i32
        %dma_start3A_156 = arith.constant 0 : i32
        %dma_start3A_157 = arith.constant 0 : i32
        %dma_start3A_158 = arith.constant 0 : i32
        %dma_start3A_159 = tpu.memref_slice %arg14[%dma_start3A_156, %dma_start3A_157, %dma_start3A_158] : memref<2x128x64xf32, #tpu.memory_space<vmem>> -> memref<1x128x64xf32, #tpu.memory_space<vmem>>
        %dma_start3A_160 = tpu.memref_squeeze %dma_start3A_159 : memref<1x128x64xf32, #tpu.memory_space<vmem>> -> memref<128x64xf32, #tpu.memory_space<vmem>>
        %dma_start3A_161 = arith.constant 0 : i32
        %dma_start3A_162 = tpu.memref_slice %arg12[%dma_start3A_155, %dma_start3A_161] : memref<2x128xi32, #tpu.memory_space<vmem>> -> memref<1x128xi32, #tpu.memory_space<vmem>>
        %dma_start3A_163 = tpu.memref_squeeze %dma_start3A_162 : memref<1x128xi32, #tpu.memory_space<vmem>> -> memref<128xi32, #tpu.memory_space<vmem>>
        %dma_start3A_164 = arith.constant 0 : i32
        %dma_start3A_165 = arith.constant 0 : i32
        %dma_start3A_166 = tpu.memref_slice %arg2[%dma_start3A_164, %dma_start3A_165] : memref<10000x64xf32, #tpu.memory_space<hbm>> -> memref<10000x64xf32, #tpu.memory_space<hbm>>
        tpu.enqueue_indirect_dma source(%dma_start3A_166 : memref<10000x64xf32, #tpu.memory_space<hbm>>) target(%dma_start3A_160 : memref<128x64xf32, #tpu.memory_space<vmem>>) offsets(%dma_start3A_163 : memref<128xi32, #tpu.memory_space<vmem>>) semaphore(%arg21 : memref<!tpu.dma_semaphore, #tpu.memory_space<semaphore_mem>>)
        %dma_start3A_167 = arith.constant 0 : i32
        %dma_start3A_168 = arith.constant 0 : i32
        %dma_start3A_169 = arith.constant 0 : i32
        %dma_start3A_170 = arith.constant 0 : i32
        %dma_start3A_171 = tpu.memref_slice %arg15[%dma_start3A_168, %dma_start3A_169, %dma_start3A_170] : memref<2x128x64xf32, #tpu.memory_space<vmem>> -> memref<1x128x64xf32, #tpu.memory_space<vmem>>
        %dma_start3A_172 = tpu.memref_squeeze %dma_start3A_171 : memref<1x128x64xf32, #tpu.memory_space<vmem>> -> memref<128x64xf32, #tpu.memory_space<vmem>>
        %dma_start3A_173 = arith.constant 0 : i32
        %dma_start3A_174 = tpu.memref_slice %arg13[%dma_start3A_167, %dma_start3A_173] : memref<2x128xi32, #tpu.memory_space<vmem>> -> memref<1x128xi32, #tpu.memory_space<vmem>>
        %dma_start3A_175 = tpu.memref_squeeze %dma_start3A_174 : memref<1x128xi32, #tpu.memory_space<vmem>> -> memref<128xi32, #tpu.memory_space<vmem>>
        %dma_start3A_176 = arith.constant 0 : i32
        %dma_start3A_177 = arith.constant 0 : i32
        %dma_start3A_178 = tpu.memref_slice %arg3[%dma_start3A_176, %dma_start3A_177] : memref<10000x64xf32, #tpu.memory_space<hbm>> -> memref<10000x64xf32, #tpu.memory_space<hbm>>
        tpu.enqueue_indirect_dma source(%dma_start3A_178 : memref<10000x64xf32, #tpu.memory_space<hbm>>) target(%dma_start3A_172 : memref<128x64xf32, #tpu.memory_space<vmem>>) offsets(%dma_start3A_175 : memref<128xi32, #tpu.memory_space<vmem>>) semaphore(%arg21 : memref<!tpu.dma_semaphore, #tpu.memory_space<semaphore_mem>>)
        %ge3A_179 = arith.constant 1 : i32
        %ge3A_180 = arith.cmpi sge, %mul3A_117, %ge3A_179 : i32
        %convert_element_type3A_181 = arith.extui %ge3A_180 : i1 to i32
        %cond3A_182 = arith.constant 0 : i32
        %cond3A_183 = arith.cmpi ne, %convert_element_type3A_181, %cond3A_182 : i32
        scf.if %cond3A_183 {
          %dma_wait3A_479 = arith.constant 1 : i32
          %dma_wait3A_480 = arith.constant 0 : i32
          %dma_wait3A_481 = arith.constant 0 : i32
          %dma_wait3A_482 = tpu.memref_slice %arg14[%dma_wait3A_479, %dma_wait3A_480, %dma_wait3A_481] : memref<2x128x64xf32, #tpu.memory_space<vmem>> -> memref<1x128x64xf32, #tpu.memory_space<vmem>>
          %dma_wait3A_483 = tpu.memref_squeeze %dma_wait3A_482 : memref<1x128x64xf32, #tpu.memory_space<vmem>> -> memref<128x64xf32, #tpu.memory_space<vmem>>
          %dma_wait3A_484 = arith.constant 0 : i32
          %dma_wait3A_485 = arith.constant 0 : i32
          %dma_wait3A_486 = tpu.memref_slice %arg2[%dma_wait3A_484, %dma_wait3A_485] : memref<10000x64xf32, #tpu.memory_space<hbm>> -> memref<128x64xf32, #tpu.memory_space<hbm>>
          %dma_wait3A_487 = arith.constant 0 : i32
          %dma_wait3A_488 = arith.constant 0 : i32
          %dma_wait3A_489 = tpu.memref_slice %arg14[%dma_wait3A_479, %dma_wait3A_487, %dma_wait3A_488] : memref<2x128x64xf32, #tpu.memory_space<vmem>> -> memref<1x128x64xf32, #tpu.memory_space<vmem>>
          %dma_wait3A_490 = tpu.memref_squeeze %dma_wait3A_489 : memref<1x128x64xf32, #tpu.memory_space<vmem>> -> memref<128x64xf32, #tpu.memory_space<vmem>>
          %dma_wait3A_491 = arith.constant 0 : i32
          %dma_wait3A_492 = arith.constant 0 : i32
          %dma_wait3A_493 = tpu.memref_slice %arg2[%dma_wait3A_491, %dma_wait3A_492] : memref<10000x64xf32, #tpu.memory_space<hbm>> -> memref<128x64xf32, #tpu.memory_space<hbm>>
          tpu.wait_dma2 semaphore(%arg21 : memref<!tpu.dma_semaphore, #tpu.memory_space<semaphore_mem>>) src(%dma_wait3A_493 : memref<128x64xf32, #tpu.memory_space<hbm>>) dst(%dma_wait3A_490 : memref<128x64xf32, #tpu.memory_space<vmem>>)
          %dma_wait3A_494 = arith.constant 1 : i32
          %dma_wait3A_495 = arith.constant 0 : i32
          %dma_wait3A_496 = arith.constant 0 : i32
          %dma_wait3A_497 = tpu.memref_slice %arg15[%dma_wait3A_494, %dma_wait3A_495, %dma_wait3A_496] : memref<2x128x64xf32, #tpu.memory_space<vmem>> -> memref<1x128x64xf32, #tpu.memory_space<vmem>>
          %dma_wait3A_498 = tpu.memref_squeeze %dma_wait3A_497 : memref<1x128x64xf32, #tpu.memory_space<vmem>> -> memref<128x64xf32, #tpu.memory_space<vmem>>
          %dma_wait3A_499 = arith.constant 0 : i32
          %dma_wait3A_500 = arith.constant 0 : i32
          %dma_wait3A_501 = tpu.memref_slice %arg3[%dma_wait3A_499, %dma_wait3A_500] : memref<10000x64xf32, #tpu.memory_space<hbm>> -> memref<128x64xf32, #tpu.memory_space<hbm>>
          %dma_wait3A_502 = arith.constant 0 : i32
          %dma_wait3A_503 = arith.constant 0 : i32
          %dma_wait3A_504 = tpu.memref_slice %arg15[%dma_wait3A_494, %dma_wait3A_502, %dma_wait3A_503] : memref<2x128x64xf32, #tpu.memory_space<vmem>> -> memref<1x128x64xf32, #tpu.memory_space<vmem>>
          %dma_wait3A_505 = tpu.memref_squeeze %dma_wait3A_504 : memref<1x128x64xf32, #tpu.memory_space<vmem>> -> memref<128x64xf32, #tpu.memory_space<vmem>>
          %dma_wait3A_506 = arith.constant 0 : i32
          %dma_wait3A_507 = arith.constant 0 : i32
          %dma_wait3A_508 = tpu.memref_slice %arg3[%dma_wait3A_506, %dma_wait3A_507] : memref<10000x64xf32, #tpu.memory_space<hbm>> -> memref<128x64xf32, #tpu.memory_space<hbm>>
          tpu.wait_dma2 semaphore(%arg21 : memref<!tpu.dma_semaphore, #tpu.memory_space<semaphore_mem>>) src(%dma_wait3A_508 : memref<128x64xf32, #tpu.memory_space<hbm>>) dst(%dma_wait3A_505 : memref<128x64xf32, #tpu.memory_space<vmem>>)
          %sub3A_509 = arith.constant 1 : i32
          %sub3A_510 = arith.subi %mul3A_117, %sub3A_509 : i32
          %mul3A_511 = arith.constant 32 : i32
          %mul3A_512 = arith.muli %sub3A_510, %mul3A_511 : i32
          %add3A_513 = arith.addi %mul3A_512, %add3A : i32
          %min3A_514 = arith.constant 2499 : i32
          %min3A_515 = arith.minsi %add3A_513, %min3A_514 : i32
          %mul3A_516 = arith.constant 128 : i32
          %mul3A_517 = arith.muli %min3A_515, %mul3A_516 : i32
          %multiple_of3A_518 = tpu.assume_multiple %mul3A_517, 128 : i32
          %dma_start3A_519 = arith.constant 1 : i32
          %dma_start3A_520 = arith.constant 0 : i32
          %dma_start3A_521 = arith.constant 0 : i32
          %dma_start3A_522 = tpu.memref_slice %arg14[%dma_start3A_519, %dma_start3A_520, %dma_start3A_521] : memref<2x128x64xf32, #tpu.memory_space<vmem>> -> memref<1x128x64xf32, #tpu.memory_space<vmem>>
          %dma_start3A_523 = tpu.memref_squeeze %dma_start3A_522 : memref<1x128x64xf32, #tpu.memory_space<vmem>> -> memref<128x64xf32, #tpu.memory_space<vmem>>
          %dma_start3A_524 = arith.constant 0 : i32
          %dma_start3A_525 = tpu.memref_slice %arg9[%multiple_of3A_518, %dma_start3A_524] : memref<320000x64xf32, #tpu.memory_space<hbm>> -> memref<128x64xf32, #tpu.memory_space<hbm>>
          %dma_start3A_526 = arith.constant 0 : i32
          %dma_start3A_527 = tpu.memref_slice %arg9[%multiple_of3A_518, %dma_start3A_526] : memref<320000x64xf32, #tpu.memory_space<hbm>> -> memref<128x64xf32, #tpu.memory_space<hbm>>
          %dma_start3A_528 = arith.constant 0 : i32
          %dma_start3A_529 = arith.constant 0 : i32
          %dma_start3A_530 = tpu.memref_slice %arg14[%dma_start3A_519, %dma_start3A_528, %dma_start3A_529] : memref<2x128x64xf32, #tpu.memory_space<vmem>> -> memref<1x128x64xf32, #tpu.memory_space<vmem>>
          %dma_start3A_531 = tpu.memref_squeeze %dma_start3A_530 : memref<1x128x64xf32, #tpu.memory_space<vmem>> -> memref<128x64xf32, #tpu.memory_space<vmem>>
          tpu.enqueue_dma source(%dma_start3A_531 : memref<128x64xf32, #tpu.memory_space<vmem>>) target(%dma_start3A_527 : memref<128x64xf32, #tpu.memory_space<hbm>>) target_semaphore(%arg22 : memref<!tpu.dma_semaphore, #tpu.memory_space<semaphore_mem>>)
          %dma_start3A_532 = arith.constant 1 : i32
          %dma_start3A_533 = arith.constant 0 : i32
          %dma_start3A_534 = arith.constant 0 : i32
          %dma_start3A_535 = tpu.memref_slice %arg15[%dma_start3A_532, %dma_start3A_533, %dma_start3A_534] : memref<2x128x64xf32, #tpu.memory_space<vmem>> -> memref<1x128x64xf32, #tpu.memory_space<vmem>>
          %dma_start3A_536 = tpu.memref_squeeze %dma_start3A_535 : memref<1x128x64xf32, #tpu.memory_space<vmem>> -> memref<128x64xf32, #tpu.memory_space<vmem>>
          %dma_start3A_537 = arith.constant 0 : i32
          %dma_start3A_538 = tpu.memref_slice %arg10[%multiple_of3A_518, %dma_start3A_537] : memref<320000x64xf32, #tpu.memory_space<hbm>> -> memref<128x64xf32, #tpu.memory_space<hbm>>
          %dma_start3A_539 = arith.constant 0 : i32
          %dma_start3A_540 = tpu.memref_slice %arg10[%multiple_of3A_518, %dma_start3A_539] : memref<320000x64xf32, #tpu.memory_space<hbm>> -> memref<128x64xf32, #tpu.memory_space<hbm>>
          %dma_start3A_541 = arith.constant 0 : i32
          %dma_start3A_542 = arith.constant 0 : i32
          %dma_start3A_543 = tpu.memref_slice %arg15[%dma_start3A_532, %dma_start3A_541, %dma_start3A_542] : memref<2x128x64xf32, #tpu.memory_space<vmem>> -> memref<1x128x64xf32, #tpu.memory_space<vmem>>
          %dma_start3A_544 = tpu.memref_squeeze %dma_start3A_543 : memref<1x128x64xf32, #tpu.memory_space<vmem>> -> memref<128x64xf32, #tpu.memory_space<vmem>>
          tpu.enqueue_dma source(%dma_start3A_544 : memref<128x64xf32, #tpu.memory_space<vmem>>) target(%dma_start3A_540 : memref<128x64xf32, #tpu.memory_space<hbm>>) target_semaphore(%arg22 : memref<!tpu.dma_semaphore, #tpu.memory_space<semaphore_mem>>)
          %dma_start3A_545 = arith.constant 1 : i32
          %dma_start3A_546 = arith.constant 0 : i32
          %dma_start3A_547 = tpu.memref_slice %arg16[%dma_start3A_545, %dma_start3A_546] : memref<2x128xf32, #tpu.memory_space<vmem>> -> memref<1x128xf32, #tpu.memory_space<vmem>>
          %dma_start3A_548 = tpu.memref_squeeze %dma_start3A_547 : memref<1x128xf32, #tpu.memory_space<vmem>> -> memref<128xf32, #tpu.memory_space<vmem>>
          %dma_start3A_549 = arith.constant 0 : i32
          %dma_start3A_550 = tpu.memref_slice %arg11[%min3A_515, %dma_start3A_549] : memref<2500x128xf32, #tpu.memory_space<hbm>> -> memref<1x128xf32, #tpu.memory_space<hbm>>
          %dma_start3A_551 = tpu.memref_squeeze %dma_start3A_550 : memref<1x128xf32, #tpu.memory_space<hbm>> -> memref<128xf32, #tpu.memory_space<hbm>>
          %dma_start3A_552 = arith.constant 0 : i32
          %dma_start3A_553 = tpu.memref_slice %arg11[%min3A_515, %dma_start3A_552] : memref<2500x128xf32, #tpu.memory_space<hbm>> -> memref<1x128xf32, #tpu.memory_space<hbm>>
          %dma_start3A_554 = tpu.memref_squeeze %dma_start3A_553 : memref<1x128xf32, #tpu.memory_space<hbm>> -> memref<128xf32, #tpu.memory_space<hbm>>
          %dma_start3A_555 = arith.constant 0 : i32
          %dma_start3A_556 = tpu.memref_slice %arg16[%dma_start3A_545, %dma_start3A_555] : memref<2x128xf32, #tpu.memory_space<vmem>> -> memref<1x128xf32, #tpu.memory_space<vmem>>
          %dma_start3A_557 = tpu.memref_squeeze %dma_start3A_556 : memref<1x128xf32, #tpu.memory_space<vmem>> -> memref<128xf32, #tpu.memory_space<vmem>>
          tpu.enqueue_dma source(%dma_start3A_557 : memref<128xf32, #tpu.memory_space<vmem>>) target(%dma_start3A_554 : memref<128xf32, #tpu.memory_space<hbm>>) target_semaphore(%arg22 : memref<!tpu.dma_semaphore, #tpu.memory_space<semaphore_mem>>)
        } else {
        }
        %add3A_184 = arith.constant 1 : i32
        %add3A_185 = arith.addi %mul3A_117, %add3A_184 : i32
        %lt3A_186 = arith.cmpi slt, %add3A_185, %select_n3A : i32
        %convert_element_type3A_187 = arith.extui %lt3A_186 : i1 to i32
        %cond3A_188 = arith.constant 0 : i32
        %cond3A_189 = arith.cmpi ne, %convert_element_type3A_187, %cond3A_188 : i32
        scf.if %cond3A_189 {
          %add3A_479 = arith.constant 1 : i32
          %add3A_480 = arith.addi %mul3A_117, %add3A_479 : i32
          %mul3A_481 = arith.constant 32 : i32
          %mul3A_482 = arith.muli %add3A_480, %mul3A_481 : i32
          %add3A_483 = arith.addi %mul3A_482, %add3A : i32
          %min3A_484 = arith.constant 2499 : i32
          %min3A_485 = arith.minsi %add3A_483, %min3A_484 : i32
          %mul3A_486 = arith.constant 128 : i32
          %mul3A_487 = arith.muli %min3A_485, %mul3A_486 : i32
          %multiple_of3A_488 = tpu.assume_multiple %mul3A_487, 128 : i32
          %dma_start3A_489 = arith.constant 1 : i32
          %dma_start3A_490 = arith.constant 0 : i32
          %dma_start3A_491 = tpu.memref_slice %arg12[%dma_start3A_489, %dma_start3A_490] : memref<2x128xi32, #tpu.memory_space<vmem>> -> memref<1x128xi32, #tpu.memory_space<vmem>>
          %dma_start3A_492 = tpu.memref_squeeze %dma_start3A_491 : memref<1x128xi32, #tpu.memory_space<vmem>> -> memref<128xi32, #tpu.memory_space<vmem>>
          %dma_start3A_493 = tpu.memref_slice %arg7[%multiple_of3A_488] : memref<320000xi32, #tpu.memory_space<hbm>> -> memref<128xi32, #tpu.memory_space<hbm>>
          %dma_start3A_494 = arith.constant 0 : i32
          %dma_start3A_495 = tpu.memref_slice %arg12[%dma_start3A_489, %dma_start3A_494] : memref<2x128xi32, #tpu.memory_space<vmem>> -> memref<1x128xi32, #tpu.memory_space<vmem>>
          %dma_start3A_496 = tpu.memref_squeeze %dma_start3A_495 : memref<1x128xi32, #tpu.memory_space<vmem>> -> memref<128xi32, #tpu.memory_space<vmem>>
          %dma_start3A_497 = tpu.memref_slice %arg7[%multiple_of3A_488] : memref<320000xi32, #tpu.memory_space<hbm>> -> memref<128xi32, #tpu.memory_space<hbm>>
          tpu.enqueue_dma source(%dma_start3A_497 : memref<128xi32, #tpu.memory_space<hbm>>) target(%dma_start3A_496 : memref<128xi32, #tpu.memory_space<vmem>>) target_semaphore(%arg20 : memref<!tpu.dma_semaphore, #tpu.memory_space<semaphore_mem>>)
          %dma_start3A_498 = arith.constant 1 : i32
          %dma_start3A_499 = arith.constant 0 : i32
          %dma_start3A_500 = tpu.memref_slice %arg13[%dma_start3A_498, %dma_start3A_499] : memref<2x128xi32, #tpu.memory_space<vmem>> -> memref<1x128xi32, #tpu.memory_space<vmem>>
          %dma_start3A_501 = tpu.memref_squeeze %dma_start3A_500 : memref<1x128xi32, #tpu.memory_space<vmem>> -> memref<128xi32, #tpu.memory_space<vmem>>
          %dma_start3A_502 = tpu.memref_slice %arg8[%multiple_of3A_488] : memref<320000xi32, #tpu.memory_space<hbm>> -> memref<128xi32, #tpu.memory_space<hbm>>
          %dma_start3A_503 = arith.constant 0 : i32
          %dma_start3A_504 = tpu.memref_slice %arg13[%dma_start3A_498, %dma_start3A_503] : memref<2x128xi32, #tpu.memory_space<vmem>> -> memref<1x128xi32, #tpu.memory_space<vmem>>
          %dma_start3A_505 = tpu.memref_squeeze %dma_start3A_504 : memref<1x128xi32, #tpu.memory_space<vmem>> -> memref<128xi32, #tpu.memory_space<vmem>>
          %dma_start3A_506 = tpu.memref_slice %arg8[%multiple_of3A_488] : memref<320000xi32, #tpu.memory_space<hbm>> -> memref<128xi32, #tpu.memory_space<hbm>>
          tpu.enqueue_dma source(%dma_start3A_506 : memref<128xi32, #tpu.memory_space<hbm>>) target(%dma_start3A_505 : memref<128xi32, #tpu.memory_space<vmem>>) target_semaphore(%arg20 : memref<!tpu.dma_semaphore, #tpu.memory_space<semaphore_mem>>)
        } else {
        }
        %iota3A = tpu.iota {dimensions = array<i32: 0>} : vector<16xi32>
        %mul3A_190 = arith.constant 2 : i32
        %mul3A_191 = vector.broadcast %mul3A_190 : i32 to vector<16xi32>
        %mul3A_192 = arith.muli %mul3A_191, %iota3A : vector<16xi32>
        %add3A_193 = arith.constant 0 : i32
        %add3A_194 = vector.broadcast %add3A_193 : i32 to vector<16xi32>
        %add3A_195 = arith.addi %add3A_194, %mul3A_192 : vector<16xi32>
        %add3A_196 = arith.constant 0 : i32
        %add3A_197 = vector.broadcast %add3A_196 : i32 to vector<16xi32>
        %add3A_198 = arith.addi %add3A_195, %add3A_197 : vector<16xi32>
        %gather3A = arith.constant 0 : i32
        %gather3A_199 = arith.constant 0 : i32
        %gather3A_200 = tpu.memref_slice %arg12[%gather3A, %gather3A_199] : memref<2x128xi32, #tpu.memory_space<vmem>> -> memref<1x128xi32, #tpu.memory_space<vmem>>
        %gather3A_201 = tpu.memref_squeeze %gather3A_200 : memref<1x128xi32, #tpu.memory_space<vmem>> -> memref<128xi32, #tpu.memory_space<vmem>>
        %gather3A_202 = tpu.vector_load_idx %gather3A_201[%add3A_198] : memref<128xi32, #tpu.memory_space<vmem>>[vector<16xi32>], vector<16xi32>,
        %gather3A_203 = arith.constant 0 : i32
        %gather3A_204 = arith.constant 0 : i32
        %gather3A_205 = tpu.memref_slice %arg13[%gather3A_203, %gather3A_204] : memref<2x128xi32, #tpu.memory_space<vmem>> -> memref<1x128xi32, #tpu.memory_space<vmem>>
        %gather3A_206 = tpu.memref_squeeze %gather3A_205 : memref<1x128xi32, #tpu.memory_space<vmem>> -> memref<128xi32, #tpu.memory_space<vmem>>
        %gather3A_207 = tpu.vector_load_idx %gather3A_206[%add3A_198] : memref<128xi32, #tpu.memory_space<vmem>>[vector<16xi32>], vector<16xi32>,
        %gather3A_208 = tpu.vector_load_idx %arg17[%gather3A_202] : memref<10000xf32, #tpu.memory_space<vmem>>[vector<16xi32>], vector<16xf32>,
        %gather3A_209 = tpu.vector_load_idx %arg17[%gather3A_207] : memref<10000xf32, #tpu.memory_space<vmem>>[vector<16xi32>], vector<16xf32>,
        %sub3A_210 = arith.subf %gather3A_208, %gather3A_209 : vector<16xf32>
        %gather3A_211 = tpu.vector_load_idx %arg18[%gather3A_202] : memref<10000xf32, #tpu.memory_space<vmem>>[vector<16xi32>], vector<16xf32>,
        %gather3A_212 = tpu.vector_load_idx %arg18[%gather3A_207] : memref<10000xf32, #tpu.memory_space<vmem>>[vector<16xi32>], vector<16xf32>,
        %sub3A_213 = arith.subf %gather3A_211, %gather3A_212 : vector<16xf32>
        %gather3A_214 = tpu.vector_load_idx %arg19[%gather3A_202] : memref<10000xf32, #tpu.memory_space<vmem>>[vector<16xi32>], vector<16xf32>,
        %gather3A_215 = tpu.vector_load_idx %arg19[%gather3A_207] : memref<10000xf32, #tpu.memory_space<vmem>>[vector<16xi32>], vector<16xf32>,
        %sub3A_216 = arith.subf %gather3A_214, %gather3A_215 : vector<16xf32>
        %multiple_of3A_217 = arith.constant 0 : i32
        %multiple_of3A_218 = tpu.assume_multiple %multiple_of3A_217, 16 : i32
        %mul3A_219 = arith.mulf %sub3A_210, %sub3A_210 : vector<16xf32>
        %mul3A_220 = arith.mulf %sub3A_213, %sub3A_213 : vector<16xf32>
        %add3A_221 = arith.addf %mul3A_219, %mul3A_220 : vector<16xf32>
        %mul3A_222 = arith.mulf %sub3A_216, %sub3A_216 : vector<16xf32>
        %add3A_223 = arith.addf %add3A_221, %mul3A_222 : vector<16xf32>
        %swap3A = arith.constant 0 : i32
        %swap3A_224 = arith.index_cast %swap3A : i32 to index
        %swap3A_225 = arith.index_cast %multiple_of3A_218 : i32 to index
        %swap3A_226 = tpu.vector_load %arg16[%swap3A_224, %swap3A_225] {strides = array<i32>} : memref<2x128xf32, #tpu.memory_space<vmem>>, vector<16xf32>,
        tpu.vector_store %arg16[%swap3A_224, %swap3A_225], %add3A_223 {strides = array<i32>} : memref<2x128xf32, #tpu.memory_space<vmem>>, vector<16xf32>,
        %add3A_227 = arith.constant 1 : i32
        %add3A_228 = vector.broadcast %add3A_227 : i32 to vector<16xi32>
        %add3A_229 = arith.addi %add3A_195, %add3A_228 : vector<16xi32>
        %gather3A_230 = arith.constant 0 : i32
        %gather3A_231 = arith.constant 0 : i32
        %gather3A_232 = tpu.memref_slice %arg12[%gather3A_230, %gather3A_231] : memref<2x128xi32, #tpu.memory_space<vmem>> -> memref<1x128xi32, #tpu.memory_space<vmem>>
        %gather3A_233 = tpu.memref_squeeze %gather3A_232 : memref<1x128xi32, #tpu.memory_space<vmem>> -> memref<128xi32, #tpu.memory_space<vmem>>
        %gather3A_234 = tpu.vector_load_idx %gather3A_233[%add3A_229] : memref<128xi32, #tpu.memory_space<vmem>>[vector<16xi32>], vector<16xi32>,
        %gather3A_235 = arith.constant 0 : i32
        %gather3A_236 = arith.constant 0 : i32
        %gather3A_237 = tpu.memref_slice %arg13[%gather3A_235, %gather3A_236] : memref<2x128xi32, #tpu.memory_space<vmem>> -> memref<1x128xi32, #tpu.memory_space<vmem>>
        %gather3A_238 = tpu.memref_squeeze %gather3A_237 : memref<1x128xi32, #tpu.memory_space<vmem>> -> memref<128xi32, #tpu.memory_space<vmem>>
        %gather3A_239 = tpu.vector_load_idx %gather3A_238[%add3A_229] : memref<128xi32, #tpu.memory_space<vmem>>[vector<16xi32>], vector<16xi32>,
        %gather3A_240 = tpu.vector_load_idx %arg17[%gather3A_234] : memref<10000xf32, #tpu.memory_space<vmem>>[vector<16xi32>], vector<16xf32>,
        %gather3A_241 = tpu.vector_load_idx %arg17[%gather3A_239] : memref<10000xf32, #tpu.memory_space<vmem>>[vector<16xi32>], vector<16xf32>,
        %sub3A_242 = arith.subf %gather3A_240, %gather3A_241 : vector<16xf32>
        %gather3A_243 = tpu.vector_load_idx %arg18[%gather3A_234] : memref<10000xf32, #tpu.memory_space<vmem>>[vector<16xi32>], vector<16xf32>,
        %gather3A_244 = tpu.vector_load_idx %arg18[%gather3A_239] : memref<10000xf32, #tpu.memory_space<vmem>>[vector<16xi32>], vector<16xf32>,
        %sub3A_245 = arith.subf %gather3A_243, %gather3A_244 : vector<16xf32>
        %gather3A_246 = tpu.vector_load_idx %arg19[%gather3A_234] : memref<10000xf32, #tpu.memory_space<vmem>>[vector<16xi32>], vector<16xf32>,
        %gather3A_247 = tpu.vector_load_idx %arg19[%gather3A_239] : memref<10000xf32, #tpu.memory_space<vmem>>[vector<16xi32>], vector<16xf32>,
        %sub3A_248 = arith.subf %gather3A_246, %gather3A_247 : vector<16xf32>
        %multiple_of3A_249 = arith.constant 64 : i32
        %multiple_of3A_250 = tpu.assume_multiple %multiple_of3A_249, 16 : i32
        %mul3A_251 = arith.mulf %sub3A_242, %sub3A_242 : vector<16xf32>
        %mul3A_252 = arith.mulf %sub3A_245, %sub3A_245 : vector<16xf32>
        %add3A_253 = arith.addf %mul3A_251, %mul3A_252 : vector<16xf32>
        %mul3A_254 = arith.mulf %sub3A_248, %sub3A_248 : vector<16xf32>
        %add3A_255 = arith.addf %add3A_253, %mul3A_254 : vector<16xf32>
        %swap3A_256 = arith.constant 0 : i32
        %swap3A_257 = arith.index_cast %swap3A_256 : i32 to index
        %swap3A_258 = arith.index_cast %multiple_of3A_250 : i32 to index
        %swap3A_259 = tpu.vector_load %arg16[%swap3A_257, %swap3A_258] {strides = array<i32>} : memref<2x128xf32, #tpu.memory_space<vmem>>, vector<16xf32>,
        tpu.vector_store %arg16[%swap3A_257, %swap3A_258], %add3A_255 {strides = array<i32>} : memref<2x128xf32, #tpu.memory_space<vmem>>, vector<16xf32>,
        %iota3A_260 = tpu.iota {dimensions = array<i32: 0>} : vector<16xi32>
        %mul3A_261 = arith.constant 2 : i32
        %mul3A_262 = vector.broadcast %mul3A_261 : i32 to vector<16xi32>
        %mul3A_263 = arith.muli %mul3A_262, %iota3A_260 : vector<16xi32>
        %add3A_264 = arith.constant 32 : i32
        %add3A_265 = vector.broadcast %add3A_264 : i32 to vector<16xi32>
        %add3A_266 = arith.addi %add3A_265, %mul3A_263 : vector<16xi32>
        %add3A_267 = arith.constant 0 : i32
        %add3A_268 = vector.broadcast %add3A_267 : i32 to vector<16xi32>
        %add3A_269 = arith.addi %add3A_266, %add3A_268 : vector<16xi32>
        %gather3A_270 = arith.constant 0 : i32
        %gather3A_271 = arith.constant 0 : i32
        %gather3A_272 = tpu.memref_slice %arg12[%gather3A_270, %gather3A_271] : memref<2x128xi32, #tpu.memory_space<vmem>> -> memref<1x128xi32, #tpu.memory_space<vmem>>
        %gather3A_273 = tpu.memref_squeeze %gather3A_272 : memref<1x128xi32, #tpu.memory_space<vmem>> -> memref<128xi32, #tpu.memory_space<vmem>>
        %gather3A_274 = tpu.vector_load_idx %gather3A_273[%add3A_269] : memref<128xi32, #tpu.memory_space<vmem>>[vector<16xi32>], vector<16xi32>,
        %gather3A_275 = arith.constant 0 : i32
        %gather3A_276 = arith.constant 0 : i32
        %gather3A_277 = tpu.memref_slice %arg13[%gather3A_275, %gather3A_276] : memref<2x128xi32, #tpu.memory_space<vmem>> -> memref<1x128xi32, #tpu.memory_space<vmem>>
        %gather3A_278 = tpu.memref_squeeze %gather3A_277 : memref<1x128xi32, #tpu.memory_space<vmem>> -> memref<128xi32, #tpu.memory_space<vmem>>
        %gather3A_279 = tpu.vector_load_idx %gather3A_278[%add3A_269] : memref<128xi32, #tpu.memory_space<vmem>>[vector<16xi32>], vector<16xi32>,
        %gather3A_280 = tpu.vector_load_idx %arg17[%gather3A_274] : memref<10000xf32, #tpu.memory_space<vmem>>[vector<16xi32>], vector<16xf32>,
        %gather3A_281 = tpu.vector_load_idx %arg17[%gather3A_279] : memref<10000xf32, #tpu.memory_space<vmem>>[vector<16xi32>], vector<16xf32>,
        %sub3A_282 = arith.subf %gather3A_280, %gather3A_281 : vector<16xf32>
        %gather3A_283 = tpu.vector_load_idx %arg18[%gather3A_274] : memref<10000xf32, #tpu.memory_space<vmem>>[vector<16xi32>], vector<16xf32>,
        %gather3A_284 = tpu.vector_load_idx %arg18[%gather3A_279] : memref<10000xf32, #tpu.memory_space<vmem>>[vector<16xi32>], vector<16xf32>,
        %sub3A_285 = arith.subf %gather3A_283, %gather3A_284 : vector<16xf32>
        %gather3A_286 = tpu.vector_load_idx %arg19[%gather3A_274] : memref<10000xf32, #tpu.memory_space<vmem>>[vector<16xi32>], vector<16xf32>,
        %gather3A_287 = tpu.vector_load_idx %arg19[%gather3A_279] : memref<10000xf32, #tpu.memory_space<vmem>>[vector<16xi32>], vector<16xf32>,
        %sub3A_288 = arith.subf %gather3A_286, %gather3A_287 : vector<16xf32>
        %multiple_of3A_289 = arith.constant 16 : i32
        %multiple_of3A_290 = tpu.assume_multiple %multiple_of3A_289, 16 : i32
        %mul3A_291 = arith.mulf %sub3A_282, %sub3A_282 : vector<16xf32>
        %mul3A_292 = arith.mulf %sub3A_285, %sub3A_285 : vector<16xf32>
        %add3A_293 = arith.addf %mul3A_291, %mul3A_292 : vector<16xf32>
        %mul3A_294 = arith.mulf %sub3A_288, %sub3A_288 : vector<16xf32>
        %add3A_295 = arith.addf %add3A_293, %mul3A_294 : vector<16xf32>
        %swap3A_296 = arith.constant 0 : i32
        %swap3A_297 = arith.index_cast %swap3A_296 : i32 to index
        %swap3A_298 = arith.index_cast %multiple_of3A_290 : i32 to index
        %swap3A_299 = tpu.vector_load %arg16[%swap3A_297, %swap3A_298] {strides = array<i32>} : memref<2x128xf32, #tpu.memory_space<vmem>>, vector<16xf32>,
        tpu.vector_store %arg16[%swap3A_297, %swap3A_298], %add3A_295 {strides = array<i32>} : memref<2x128xf32, #tpu.memory_space<vmem>>, vector<16xf32>,
        %add3A_300 = arith.constant 1 : i32
        %add3A_301 = vector.broadcast %add3A_300 : i32 to vector<16xi32>
        %add3A_302 = arith.addi %add3A_266, %add3A_301 : vector<16xi32>
        %gather3A_303 = arith.constant 0 : i32
        %gather3A_304 = arith.constant 0 : i32
        %gather3A_305 = tpu.memref_slice %arg12[%gather3A_303, %gather3A_304] : memref<2x128xi32, #tpu.memory_space<vmem>> -> memref<1x128xi32, #tpu.memory_space<vmem>>
        %gather3A_306 = tpu.memref_squeeze %gather3A_305 : memref<1x128xi32, #tpu.memory_space<vmem>> -> memref<128xi32, #tpu.memory_space<vmem>>
        %gather3A_307 = tpu.vector_load_idx %gather3A_306[%add3A_302] : memref<128xi32, #tpu.memory_space<vmem>>[vector<16xi32>], vector<16xi32>,
        %gather3A_308 = arith.constant 0 : i32
        %gather3A_309 = arith.constant 0 : i32
        %gather3A_310 = tpu.memref_slice %arg13[%gather3A_308, %gather3A_309] : memref<2x128xi32, #tpu.memory_space<vmem>> -> memref<1x128xi32, #tpu.memory_space<vmem>>
        %gather3A_311 = tpu.memref_squeeze %gather3A_310 : memref<1x128xi32, #tpu.memory_space<vmem>> -> memref<128xi32, #tpu.memory_space<vmem>>
        %gather3A_312 = tpu.vector_load_idx %gather3A_311[%add3A_302] : memref<128xi32, #tpu.memory_space<vmem>>[vector<16xi32>], vector<16xi32>,
        %gather3A_313 = tpu.vector_load_idx %arg17[%gather3A_307] : memref<10000xf32, #tpu.memory_space<vmem>>[vector<16xi32>], vector<16xf32>,
        %gather3A_314 = tpu.vector_load_idx %arg17[%gather3A_312] : memref<10000xf32, #tpu.memory_space<vmem>>[vector<16xi32>], vector<16xf32>,
        %sub3A_315 = arith.subf %gather3A_313, %gather3A_314 : vector<16xf32>
        %gather3A_316 = tpu.vector_load_idx %arg18[%gather3A_307] : memref<10000xf32, #tpu.memory_space<vmem>>[vector<16xi32>], vector<16xf32>,
        %gather3A_317 = tpu.vector_load_idx %arg18[%gather3A_312] : memref<10000xf32, #tpu.memory_space<vmem>>[vector<16xi32>], vector<16xf32>,
        %sub3A_318 = arith.subf %gather3A_316, %gather3A_317 : vector<16xf32>
        %gather3A_319 = tpu.vector_load_idx %arg19[%gather3A_307] : memref<10000xf32, #tpu.memory_space<vmem>>[vector<16xi32>], vector<16xf32>,
        %gather3A_320 = tpu.vector_load_idx %arg19[%gather3A_312] : memref<10000xf32, #tpu.memory_space<vmem>>[vector<16xi32>], vector<16xf32>,
        %sub3A_321 = arith.subf %gather3A_319, %gather3A_320 : vector<16xf32>
        %multiple_of3A_322 = arith.constant 80 : i32
        %multiple_of3A_323 = tpu.assume_multiple %multiple_of3A_322, 16 : i32
        %mul3A_324 = arith.mulf %sub3A_315, %sub3A_315 : vector<16xf32>
        %mul3A_325 = arith.mulf %sub3A_318, %sub3A_318 : vector<16xf32>
        %add3A_326 = arith.addf %mul3A_324, %mul3A_325 : vector<16xf32>
        %mul3A_327 = arith.mulf %sub3A_321, %sub3A_321 : vector<16xf32>
        %add3A_328 = arith.addf %add3A_326, %mul3A_327 : vector<16xf32>
        %swap3A_329 = arith.constant 0 : i32
        %swap3A_330 = arith.index_cast %swap3A_329 : i32 to index
        %swap3A_331 = arith.index_cast %multiple_of3A_323 : i32 to index
        %swap3A_332 = tpu.vector_load %arg16[%swap3A_330, %swap3A_331] {strides = array<i32>} : memref<2x128xf32, #tpu.memory_space<vmem>>, vector<16xf32>,
        tpu.vector_store %arg16[%swap3A_330, %swap3A_331], %add3A_328 {strides = array<i32>} : memref<2x128xf32, #tpu.memory_space<vmem>>, vector<16xf32>,
        %iota3A_333 = tpu.iota {dimensions = array<i32: 0>} : vector<16xi32>
        %mul3A_334 = arith.constant 2 : i32
        %mul3A_335 = vector.broadcast %mul3A_334 : i32 to vector<16xi32>
        %mul3A_336 = arith.muli %mul3A_335, %iota3A_333 : vector<16xi32>
        %add3A_337 = arith.constant 64 : i32
        %add3A_338 = vector.broadcast %add3A_337 : i32 to vector<16xi32>
        %add3A_339 = arith.addi %add3A_338, %mul3A_336 : vector<16xi32>
        %add3A_340 = arith.constant 0 : i32
        %add3A_341 = vector.broadcast %add3A_340 : i32 to vector<16xi32>
        %add3A_342 = arith.addi %add3A_339, %add3A_341 : vector<16xi32>
        %gather3A_343 = arith.constant 0 : i32
        %gather3A_344 = arith.constant 0 : i32
        %gather3A_345 = tpu.memref_slice %arg12[%gather3A_343, %gather3A_344] : memref<2x128xi32, #tpu.memory_space<vmem>> -> memref<1x128xi32, #tpu.memory_space<vmem>>
        %gather3A_346 = tpu.memref_squeeze %gather3A_345 : memref<1x128xi32, #tpu.memory_space<vmem>> -> memref<128xi32, #tpu.memory_space<vmem>>
        %gather3A_347 = tpu.vector_load_idx %gather3A_346[%add3A_342] : memref<128xi32, #tpu.memory_space<vmem>>[vector<16xi32>], vector<16xi32>,
        %gather3A_348 = arith.constant 0 : i32
        %gather3A_349 = arith.constant 0 : i32
        %gather3A_350 = tpu.memref_slice %arg13[%gather3A_348, %gather3A_349] : memref<2x128xi32, #tpu.memory_space<vmem>> -> memref<1x128xi32, #tpu.memory_space<vmem>>
        %gather3A_351 = tpu.memref_squeeze %gather3A_350 : memref<1x128xi32, #tpu.memory_space<vmem>> -> memref<128xi32, #tpu.memory_space<vmem>>
        %gather3A_352 = tpu.vector_load_idx %gather3A_351[%add3A_342] : memref<128xi32, #tpu.memory_space<vmem>>[vector<16xi32>], vector<16xi32>,
        %gather3A_353 = tpu.vector_load_idx %arg17[%gather3A_347] : memref<10000xf32, #tpu.memory_space<vmem>>[vector<16xi32>], vector<16xf32>,
        %gather3A_354 = tpu.vector_load_idx %arg17[%gather3A_352] : memref<10000xf32, #tpu.memory_space<vmem>>[vector<16xi32>], vector<16xf32>,
        %sub3A_355 = arith.subf %gather3A_353, %gather3A_354 : vector<16xf32>
        %gather3A_356 = tpu.vector_load_idx %arg18[%gather3A_347] : memref<10000xf32, #tpu.memory_space<vmem>>[vector<16xi32>], vector<16xf32>,
        %gather3A_357 = tpu.vector_load_idx %arg18[%gather3A_352] : memref<10000xf32, #tpu.memory_space<vmem>>[vector<16xi32>], vector<16xf32>,
        %sub3A_358 = arith.subf %gather3A_356, %gather3A_357 : vector<16xf32>
        %gather3A_359 = tpu.vector_load_idx %arg19[%gather3A_347] : memref<10000xf32, #tpu.memory_space<vmem>>[vector<16xi32>], vector<16xf32>,
        %gather3A_360 = tpu.vector_load_idx %arg19[%gather3A_352] : memref<10000xf32, #tpu.memory_space<vmem>>[vector<16xi32>], vector<16xf32>,
        %sub3A_361 = arith.subf %gather3A_359, %gather3A_360 : vector<16xf32>
        %multiple_of3A_362 = arith.constant 32 : i32
        %multiple_of3A_363 = tpu.assume_multiple %multiple_of3A_362, 16 : i32
        %mul3A_364 = arith.mulf %sub3A_355, %sub3A_355 : vector<16xf32>
        %mul3A_365 = arith.mulf %sub3A_358, %sub3A_358 : vector<16xf32>
        %add3A_366 = arith.addf %mul3A_364, %mul3A_365 : vector<16xf32>
        %mul3A_367 = arith.mulf %sub3A_361, %sub3A_361 : vector<16xf32>
        %add3A_368 = arith.addf %add3A_366, %mul3A_367 : vector<16xf32>
        %swap3A_369 = arith.constant 0 : i32
        %swap3A_370 = arith.index_cast %swap3A_369 : i32 to index
        %swap3A_371 = arith.index_cast %multiple_of3A_363 : i32 to index
        %swap3A_372 = tpu.vector_load %arg16[%swap3A_370, %swap3A_371] {strides = array<i32>} : memref<2x128xf32, #tpu.memory_space<vmem>>, vector<16xf32>,
        tpu.vector_store %arg16[%swap3A_370, %swap3A_371], %add3A_368 {strides = array<i32>} : memref<2x128xf32, #tpu.memory_space<vmem>>, vector<16xf32>,
        %add3A_373 = arith.constant 1 : i32
        %add3A_374 = vector.broadcast %add3A_373 : i32 to vector<16xi32>
        %add3A_375 = arith.addi %add3A_339, %add3A_374 : vector<16xi32>
        %gather3A_376 = arith.constant 0 : i32
        %gather3A_377 = arith.constant 0 : i32
        %gather3A_378 = tpu.memref_slice %arg12[%gather3A_376, %gather3A_377] : memref<2x128xi32, #tpu.memory_space<vmem>> -> memref<1x128xi32, #tpu.memory_space<vmem>>
        %gather3A_379 = tpu.memref_squeeze %gather3A_378 : memref<1x128xi32, #tpu.memory_space<vmem>> -> memref<128xi32, #tpu.memory_space<vmem>>
        %gather3A_380 = tpu.vector_load_idx %gather3A_379[%add3A_375] : memref<128xi32, #tpu.memory_space<vmem>>[vector<16xi32>], vector<16xi32>,
        %gather3A_381 = arith.constant 0 : i32
        %gather3A_382 = arith.constant 0 : i32
        %gather3A_383 = tpu.memref_slice %arg13[%gather3A_381, %gather3A_382] : memref<2x128xi32, #tpu.memory_space<vmem>> -> memref<1x128xi32, #tpu.memory_space<vmem>>
        %gather3A_384 = tpu.memref_squeeze %gather3A_383 : memref<1x128xi32, #tpu.memory_space<vmem>> -> memref<128xi32, #tpu.memory_space<vmem>>
        %gather3A_385 = tpu.vector_load_idx %gather3A_384[%add3A_375] : memref<128xi32, #tpu.memory_space<vmem>>[vector<16xi32>], vector<16xi32>,
        %gather3A_386 = tpu.vector_load_idx %arg17[%gather3A_380] : memref<10000xf32, #tpu.memory_space<vmem>>[vector<16xi32>], vector<16xf32>,
        %gather3A_387 = tpu.vector_load_idx %arg17[%gather3A_385] : memref<10000xf32, #tpu.memory_space<vmem>>[vector<16xi32>], vector<16xf32>,
        %sub3A_388 = arith.subf %gather3A_386, %gather3A_387 : vector<16xf32>
        %gather3A_389 = tpu.vector_load_idx %arg18[%gather3A_380] : memref<10000xf32, #tpu.memory_space<vmem>>[vector<16xi32>], vector<16xf32>,
        %gather3A_390 = tpu.vector_load_idx %arg18[%gather3A_385] : memref<10000xf32, #tpu.memory_space<vmem>>[vector<16xi32>], vector<16xf32>,
        %sub3A_391 = arith.subf %gather3A_389, %gather3A_390 : vector<16xf32>
        %gather3A_392 = tpu.vector_load_idx %arg19[%gather3A_380] : memref<10000xf32, #tpu.memory_space<vmem>>[vector<16xi32>], vector<16xf32>,
        %gather3A_393 = tpu.vector_load_idx %arg19[%gather3A_385] : memref<10000xf32, #tpu.memory_space<vmem>>[vector<16xi32>], vector<16xf32>,
        %sub3A_394 = arith.subf %gather3A_392, %gather3A_393 : vector<16xf32>
        %multiple_of3A_395 = arith.constant 96 : i32
        %multiple_of3A_396 = tpu.assume_multiple %multiple_of3A_395, 16 : i32
        %mul3A_397 = arith.mulf %sub3A_388, %sub3A_388 : vector<16xf32>
        %mul3A_398 = arith.mulf %sub3A_391, %sub3A_391 : vector<16xf32>
        %add3A_399 = arith.addf %mul3A_397, %mul3A_398 : vector<16xf32>
        %mul3A_400 = arith.mulf %sub3A_394, %sub3A_394 : vector<16xf32>
        %add3A_401 = arith.addf %add3A_399, %mul3A_400 : vector<16xf32>
        %swap3A_402 = arith.constant 0 : i32
        %swap3A_403 = arith.index_cast %swap3A_402 : i32 to index
        %swap3A_404 = arith.index_cast %multiple_of3A_396 : i32 to index
        %swap3A_405 = tpu.vector_load %arg16[%swap3A_403, %swap3A_404] {strides = array<i32>} : memref<2x128xf32, #tpu.memory_space<vmem>>, vector<16xf32>,
        tpu.vector_store %arg16[%swap3A_403, %swap3A_404], %add3A_401 {strides = array<i32>} : memref<2x128xf32, #tpu.memory_space<vmem>>, vector<16xf32>,
        %iota3A_406 = tpu.iota {dimensions = array<i32: 0>} : vector<16xi32>
        %mul3A_407 = arith.constant 2 : i32
        %mul3A_408 = vector.broadcast %mul3A_407 : i32 to vector<16xi32>
        %mul3A_409 = arith.muli %mul3A_408, %iota3A_406 : vector<16xi32>
        %add3A_410 = arith.constant 96 : i32
        %add3A_411 = vector.broadcast %add3A_410 : i32 to vector<16xi32>
        %add3A_412 = arith.addi %add3A_411, %mul3A_409 : vector<16xi32>
        %add3A_413 = arith.constant 0 : i32
        %add3A_414 = vector.broadcast %add3A_413 : i32 to vector<16xi32>
        %add3A_415 = arith.addi %add3A_412, %add3A_414 : vector<16xi32>
        %gather3A_416 = arith.constant 0 : i32
        %gather3A_417 = arith.constant 0 : i32
        %gather3A_418 = tpu.memref_slice %arg12[%gather3A_416, %gather3A_417] : memref<2x128xi32, #tpu.memory_space<vmem>> -> memref<1x128xi32, #tpu.memory_space<vmem>>
        %gather3A_419 = tpu.memref_squeeze %gather3A_418 : memref<1x128xi32, #tpu.memory_space<vmem>> -> memref<128xi32, #tpu.memory_space<vmem>>
        %gather3A_420 = tpu.vector_load_idx %gather3A_419[%add3A_415] : memref<128xi32, #tpu.memory_space<vmem>>[vector<16xi32>], vector<16xi32>,
        %gather3A_421 = arith.constant 0 : i32
        %gather3A_422 = arith.constant 0 : i32
        %gather3A_423 = tpu.memref_slice %arg13[%gather3A_421, %gather3A_422] : memref<2x128xi32, #tpu.memory_space<vmem>> -> memref<1x128xi32, #tpu.memory_space<vmem>>
        %gather3A_424 = tpu.memref_squeeze %gather3A_423 : memref<1x128xi32, #tpu.memory_space<vmem>> -> memref<128xi32, #tpu.memory_space<vmem>>
        %gather3A_425 = tpu.vector_load_idx %gather3A_424[%add3A_415] : memref<128xi32, #tpu.memory_space<vmem>>[vector<16xi32>], vector<16xi32>,
        %gather3A_426 = tpu.vector_load_idx %arg17[%gather3A_420] : memref<10000xf32, #tpu.memory_space<vmem>>[vector<16xi32>], vector<16xf32>,
        %gather3A_427 = tpu.vector_load_idx %arg17[%gather3A_425] : memref<10000xf32, #tpu.memory_space<vmem>>[vector<16xi32>], vector<16xf32>,
        %sub3A_428 = arith.subf %gather3A_426, %gather3A_427 : vector<16xf32>
        %gather3A_429 = tpu.vector_load_idx %arg18[%gather3A_420] : memref<10000xf32, #tpu.memory_space<vmem>>[vector<16xi32>], vector<16xf32>,
        %gather3A_430 = tpu.vector_load_idx %arg18[%gather3A_425] : memref<10000xf32, #tpu.memory_space<vmem>>[vector<16xi32>], vector<16xf32>,
        %sub3A_431 = arith.subf %gather3A_429, %gather3A_430 : vector<16xf32>
        %gather3A_432 = tpu.vector_load_idx %arg19[%gather3A_420] : memref<10000xf32, #tpu.memory_space<vmem>>[vector<16xi32>], vector<16xf32>,
        %gather3A_433 = tpu.vector_load_idx %arg19[%gather3A_425] : memref<10000xf32, #tpu.memory_space<vmem>>[vector<16xi32>], vector<16xf32>,
        %sub3A_434 = arith.subf %gather3A_432, %gather3A_433 : vector<16xf32>
        %multiple_of3A_435 = arith.constant 48 : i32
        %multiple_of3A_436 = tpu.assume_multiple %multiple_of3A_435, 16 : i32
        %mul3A_437 = arith.mulf %sub3A_428, %sub3A_428 : vector<16xf32>
        %mul3A_438 = arith.mulf %sub3A_431, %sub3A_431 : vector<16xf32>
        %add3A_439 = arith.addf %mul3A_437, %mul3A_438 : vector<16xf32>
        %mul3A_440 = arith.mulf %sub3A_434, %sub3A_434 : vector<16xf32>
        %add3A_441 = arith.addf %add3A_439, %mul3A_440 : vector<16xf32>
        %swap3A_442 = arith.constant 0 : i32
        %swap3A_443 = arith.index_cast %swap3A_442 : i32 to index
        %swap3A_444 = arith.index_cast %multiple_of3A_436 : i32 to index
        %swap3A_445 = tpu.vector_load %arg16[%swap3A_443, %swap3A_444] {strides = array<i32>} : memref<2x128xf32, #tpu.memory_space<vmem>>, vector<16xf32>,
        tpu.vector_store %arg16[%swap3A_443, %swap3A_444], %add3A_441 {strides = array<i32>} : memref<2x128xf32, #tpu.memory_space<vmem>>, vector<16xf32>,
        %add3A_446 = arith.constant 1 : i32
        %add3A_447 = vector.broadcast %add3A_446 : i32 to vector<16xi32>
        %add3A_448 = arith.addi %add3A_412, %add3A_447 : vector<16xi32>
        %gather3A_449 = arith.constant 0 : i32
        %gather3A_450 = arith.constant 0 : i32
        %gather3A_451 = tpu.memref_slice %arg12[%gather3A_449, %gather3A_450] : memref<2x128xi32, #tpu.memory_space<vmem>> -> memref<1x128xi32, #tpu.memory_space<vmem>>
        %gather3A_452 = tpu.memref_squeeze %gather3A_451 : memref<1x128xi32, #tpu.memory_space<vmem>> -> memref<128xi32, #tpu.memory_space<vmem>>
        %gather3A_453 = tpu.vector_load_idx %gather3A_452[%add3A_448] : memref<128xi32, #tpu.memory_space<vmem>>[vector<16xi32>], vector<16xi32>,
        %gather3A_454 = arith.constant 0 : i32
        %gather3A_455 = arith.constant 0 : i32
        %gather3A_456 = tpu.memref_slice %arg13[%gather3A_454, %gather3A_455] : memref<2x128xi32, #tpu.memory_space<vmem>> -> memref<1x128xi32, #tpu.memory_space<vmem>>
        %gather3A_457 = tpu.memref_squeeze %gather3A_456 : memref<1x128xi32, #tpu.memory_space<vmem>> -> memref<128xi32, #tpu.memory_space<vmem>>
        %gather3A_458 = tpu.vector_load_idx %gather3A_457[%add3A_448] : memref<128xi32, #tpu.memory_space<vmem>>[vector<16xi32>], vector<16xi32>,
        %gather3A_459 = tpu.vector_load_idx %arg17[%gather3A_453] : memref<10000xf32, #tpu.memory_space<vmem>>[vector<16xi32>], vector<16xf32>,
        %gather3A_460 = tpu.vector_load_idx %arg17[%gather3A_458] : memref<10000xf32, #tpu.memory_space<vmem>>[vector<16xi32>], vector<16xf32>,
        %sub3A_461 = arith.subf %gather3A_459, %gather3A_460 : vector<16xf32>
        %gather3A_462 = tpu.vector_load_idx %arg18[%gather3A_453] : memref<10000xf32, #tpu.memory_space<vmem>>[vector<16xi32>], vector<16xf32>,
        %gather3A_463 = tpu.vector_load_idx %arg18[%gather3A_458] : memref<10000xf32, #tpu.memory_space<vmem>>[vector<16xi32>], vector<16xf32>,
        %sub3A_464 = arith.subf %gather3A_462, %gather3A_463 : vector<16xf32>
        %gather3A_465 = tpu.vector_load_idx %arg19[%gather3A_453] : memref<10000xf32, #tpu.memory_space<vmem>>[vector<16xi32>], vector<16xf32>,
        %gather3A_466 = tpu.vector_load_idx %arg19[%gather3A_458] : memref<10000xf32, #tpu.memory_space<vmem>>[vector<16xi32>], vector<16xf32>,
        %sub3A_467 = arith.subf %gather3A_465, %gather3A_466 : vector<16xf32>
        %multiple_of3A_468 = arith.constant 112 : i32
        %multiple_of3A_469 = tpu.assume_multiple %multiple_of3A_468, 16 : i32
        %mul3A_470 = arith.mulf %sub3A_461, %sub3A_461 : vector<16xf32>
        %mul3A_471 = arith.mulf %sub3A_464, %sub3A_464 : vector<16xf32>
        %add3A_472 = arith.addf %mul3A_470, %mul3A_471 : vector<16xf32>
        %mul3A_473 = arith.mulf %sub3A_467, %sub3A_467 : vector<16xf32>
        %add3A_474 = arith.addf %add3A_472, %mul3A_473 : vector<16xf32>
        %swap3A_475 = arith.constant 0 : i32
        %swap3A_476 = arith.index_cast %swap3A_475 : i32 to index
        %swap3A_477 = arith.index_cast %multiple_of3A_469 : i32 to index
        %swap3A_478 = tpu.vector_load %arg16[%swap3A_476, %swap3A_477] {strides = array<i32>} : memref<2x128xf32, #tpu.memory_space<vmem>>, vector<16xf32>,
        tpu.vector_store %arg16[%swap3A_476, %swap3A_477], %add3A_474 {strides = array<i32>} : memref<2x128xf32, #tpu.memory_space<vmem>>, vector<16xf32>,
      } else {
      }
      %mul3A_122 = arith.constant 2 : i32
      %mul3A_123 = arith.muli %mul3A_122, %add3A_115 : i32
      %add3A_124 = arith.constant 1 : i32
      %add3A_125 = arith.addi %mul3A_123, %add3A_124 : i32
      %lt3A_126 = arith.cmpi slt, %add3A_125, %select_n3A : i32
      %convert_element_type3A_127 = arith.extui %lt3A_126 : i1 to i32
      %cond3A_128 = arith.constant 0 : i32
      %cond3A_129 = arith.cmpi ne, %convert_element_type3A_127, %cond3A_128 : i32
      scf.if %cond3A_129 {
        %ge3A = arith.constant 2 : i32
        %ge3A_130 = arith.cmpi sge, %add3A_125, %ge3A : i32
        %convert_element_type3A_131 = arith.extui %ge3A_130 : i1 to i32
        %cond3A_132 = arith.constant 0 : i32
        %cond3A_133 = arith.cmpi ne, %convert_element_type3A_131, %cond3A_132 : i32
        scf.if %cond3A_133 {
          %dma_wait3A_479 = arith.constant 1 : i32
          %dma_wait3A_480 = arith.constant 0 : i32
          %dma_wait3A_481 = arith.constant 0 : i32
          %dma_wait3A_482 = tpu.memref_slice %arg14[%dma_wait3A_479, %dma_wait3A_480, %dma_wait3A_481] : memref<2x128x64xf32, #tpu.memory_space<vmem>> -> memref<1x128x64xf32, #tpu.memory_space<vmem>>
          %dma_wait3A_483 = tpu.memref_squeeze %dma_wait3A_482 : memref<1x128x64xf32, #tpu.memory_space<vmem>> -> memref<128x64xf32, #tpu.memory_space<vmem>>
          %dma_wait3A_484 = arith.constant 0 : i32
          %dma_wait3A_485 = arith.constant 0 : i32
          %dma_wait3A_486 = tpu.memref_slice %arg9[%dma_wait3A_484, %dma_wait3A_485] : memref<320000x64xf32, #tpu.memory_space<hbm>> -> memref<128x64xf32, #tpu.memory_space<hbm>>
          %dma_wait3A_487 = arith.constant 0 : i32
          %dma_wait3A_488 = arith.constant 0 : i32
          %dma_wait3A_489 = tpu.memref_slice %arg9[%dma_wait3A_487, %dma_wait3A_488] : memref<320000x64xf32, #tpu.memory_space<hbm>> -> memref<128x64xf32, #tpu.memory_space<hbm>>
          %dma_wait3A_490 = arith.constant 0 : i32
          %dma_wait3A_491 = arith.constant 0 : i32
          %dma_wait3A_492 = tpu.memref_slice %arg14[%dma_wait3A_479, %dma_wait3A_490, %dma_wait3A_491] : memref<2x128x64xf32, #tpu.memory_space<vmem>> -> memref<1x128x64xf32, #tpu.memory_space<vmem>>
          %dma_wait3A_493 = tpu.memref_squeeze %dma_wait3A_492 : memref<1x128x64xf32, #tpu.memory_space<vmem>> -> memref<128x64xf32, #tpu.memory_space<vmem>>
          tpu.wait_dma2 semaphore(%arg22 : memref<!tpu.dma_semaphore, #tpu.memory_space<semaphore_mem>>) src(%dma_wait3A_493 : memref<128x64xf32, #tpu.memory_space<vmem>>) dst(%dma_wait3A_489 : memref<128x64xf32, #tpu.memory_space<hbm>>)
          %dma_wait3A_494 = arith.constant 1 : i32
          %dma_wait3A_495 = arith.constant 0 : i32
          %dma_wait3A_496 = arith.constant 0 : i32
          %dma_wait3A_497 = tpu.memref_slice %arg15[%dma_wait3A_494, %dma_wait3A_495, %dma_wait3A_496] : memref<2x128x64xf32, #tpu.memory_space<vmem>> -> memref<1x128x64xf32, #tpu.memory_space<vmem>>
          %dma_wait3A_498 = tpu.memref_squeeze %dma_wait3A_497 : memref<1x128x64xf32, #tpu.memory_space<vmem>> -> memref<128x64xf32, #tpu.memory_space<vmem>>
          %dma_wait3A_499 = arith.constant 0 : i32
          %dma_wait3A_500 = arith.constant 0 : i32
          %dma_wait3A_501 = tpu.memref_slice %arg10[%dma_wait3A_499, %dma_wait3A_500] : memref<320000x64xf32, #tpu.memory_space<hbm>> -> memref<128x64xf32, #tpu.memory_space<hbm>>
          %dma_wait3A_502 = arith.constant 0 : i32
          %dma_wait3A_503 = arith.constant 0 : i32
          %dma_wait3A_504 = tpu.memref_slice %arg10[%dma_wait3A_502, %dma_wait3A_503] : memref<320000x64xf32, #tpu.memory_space<hbm>> -> memref<128x64xf32, #tpu.memory_space<hbm>>
          %dma_wait3A_505 = arith.constant 0 : i32
          %dma_wait3A_506 = arith.constant 0 : i32
          %dma_wait3A_507 = tpu.memref_slice %arg15[%dma_wait3A_494, %dma_wait3A_505, %dma_wait3A_506] : memref<2x128x64xf32, #tpu.memory_space<vmem>> -> memref<1x128x64xf32, #tpu.memory_space<vmem>>
          %dma_wait3A_508 = tpu.memref_squeeze %dma_wait3A_507 : memref<1x128x64xf32, #tpu.memory_space<vmem>> -> memref<128x64xf32, #tpu.memory_space<vmem>>
          tpu.wait_dma2 semaphore(%arg22 : memref<!tpu.dma_semaphore, #tpu.memory_space<semaphore_mem>>) src(%dma_wait3A_508 : memref<128x64xf32, #tpu.memory_space<vmem>>) dst(%dma_wait3A_504 : memref<128x64xf32, #tpu.memory_space<hbm>>)
          %dma_wait3A_509 = arith.constant 1 : i32
          %dma_wait3A_510 = arith.constant 0 : i32
          %dma_wait3A_511 = arith.constant 0 : i32
          %dma_wait3A_512 = tpu.memref_slice %arg16[%dma_wait3A_509, %dma_wait3A_511] : memref<2x128xf32, #tpu.memory_space<vmem>> -> memref<1x128xf32, #tpu.memory_space<vmem>>
          %dma_wait3A_513 = tpu.memref_squeeze %dma_wait3A_512 : memref<1x128xf32, #tpu.memory_space<vmem>> -> memref<128xf32, #tpu.memory_space<vmem>>
          %dma_wait3A_514 = arith.constant 0 : i32
          %dma_wait3A_515 = tpu.memref_slice %arg11[%dma_wait3A_510, %dma_wait3A_514] : memref<2500x128xf32, #tpu.memory_space<hbm>> -> memref<1x128xf32, #tpu.memory_space<hbm>>
          %dma_wait3A_516 = tpu.memref_squeeze %dma_wait3A_515 : memref<1x128xf32, #tpu.memory_space<hbm>> -> memref<128xf32, #tpu.memory_space<hbm>>
          %dma_wait3A_517 = arith.constant 0 : i32
          %dma_wait3A_518 = tpu.memref_slice %arg11[%dma_wait3A_510, %dma_wait3A_517] : memref<2500x128xf32, #tpu.memory_space<hbm>> -> memref<1x128xf32, #tpu.memory_space<hbm>>
          %dma_wait3A_519 = tpu.memref_squeeze %dma_wait3A_518 : memref<1x128xf32, #tpu.memory_space<hbm>> -> memref<128xf32, #tpu.memory_space<hbm>>
          %dma_wait3A_520 = arith.constant 0 : i32
          %dma_wait3A_521 = tpu.memref_slice %arg16[%dma_wait3A_509, %dma_wait3A_520] : memref<2x128xf32, #tpu.memory_space<vmem>> -> memref<1x128xf32, #tpu.memory_space<vmem>>
          %dma_wait3A_522 = tpu.memref_squeeze %dma_wait3A_521 : memref<1x128xf32, #tpu.memory_space<vmem>> -> memref<128xf32, #tpu.memory_space<vmem>>
          tpu.wait_dma2 semaphore(%arg22 : memref<!tpu.dma_semaphore, #tpu.memory_space<semaphore_mem>>) src(%dma_wait3A_522 : memref<128xf32, #tpu.memory_space<vmem>>) dst(%dma_wait3A_519 : memref<128xf32, #tpu.memory_space<hbm>>)
        } else {
        }
        %dma_wait3A = arith.constant 1 : i32
        %dma_wait3A_134 = arith.constant 0 : i32
        %dma_wait3A_135 = tpu.memref_slice %arg12[%dma_wait3A, %dma_wait3A_134] : memref<2x128xi32, #tpu.memory_space<vmem>> -> memref<1x128xi32, #tpu.memory_space<vmem>>
        %dma_wait3A_136 = tpu.memref_squeeze %dma_wait3A_135 : memref<1x128xi32, #tpu.memory_space<vmem>> -> memref<128xi32, #tpu.memory_space<vmem>>
        %dma_wait3A_137 = arith.constant 0 : i32
        %dma_wait3A_138 = tpu.memref_slice %arg7[%dma_wait3A_137] : memref<320000xi32, #tpu.memory_space<hbm>> -> memref<128xi32, #tpu.memory_space<hbm>>
        %dma_wait3A_139 = arith.constant 0 : i32
        %dma_wait3A_140 = tpu.memref_slice %arg12[%dma_wait3A, %dma_wait3A_139] : memref<2x128xi32, #tpu.memory_space<vmem>> -> memref<1x128xi32, #tpu.memory_space<vmem>>
        %dma_wait3A_141 = tpu.memref_squeeze %dma_wait3A_140 : memref<1x128xi32, #tpu.memory_space<vmem>> -> memref<128xi32, #tpu.memory_space<vmem>>
        %dma_wait3A_142 = arith.constant 0 : i32
        %dma_wait3A_143 = tpu.memref_slice %arg7[%dma_wait3A_142] : memref<320000xi32, #tpu.memory_space<hbm>> -> memref<128xi32, #tpu.memory_space<hbm>>
        tpu.wait_dma2 semaphore(%arg20 : memref<!tpu.dma_semaphore, #tpu.memory_space<semaphore_mem>>) src(%dma_wait3A_143 : memref<128xi32, #tpu.memory_space<hbm>>) dst(%dma_wait3A_141 : memref<128xi32, #tpu.memory_space<vmem>>)
        %dma_wait3A_144 = arith.constant 1 : i32
        %dma_wait3A_145 = arith.constant 0 : i32
        %dma_wait3A_146 = tpu.memref_slice %arg13[%dma_wait3A_144, %dma_wait3A_145] : memref<2x128xi32, #tpu.memory_space<vmem>> -> memref<1x128xi32, #tpu.memory_space<vmem>>
        %dma_wait3A_147 = tpu.memref_squeeze %dma_wait3A_146 : memref<1x128xi32, #tpu.memory_space<vmem>> -> memref<128xi32, #tpu.memory_space<vmem>>
        %dma_wait3A_148 = arith.constant 0 : i32
        %dma_wait3A_149 = tpu.memref_slice %arg8[%dma_wait3A_148] : memref<320000xi32, #tpu.memory_space<hbm>> -> memref<128xi32, #tpu.memory_space<hbm>>
        %dma_wait3A_150 = arith.constant 0 : i32
        %dma_wait3A_151 = tpu.memref_slice %arg13[%dma_wait3A_144, %dma_wait3A_150] : memref<2x128xi32, #tpu.memory_space<vmem>> -> memref<1x128xi32, #tpu.memory_space<vmem>>
        %dma_wait3A_152 = tpu.memref_squeeze %dma_wait3A_151 : memref<1x128xi32, #tpu.memory_space<vmem>> -> memref<128xi32, #tpu.memory_space<vmem>>
        %dma_wait3A_153 = arith.constant 0 : i32
        %dma_wait3A_154 = tpu.memref_slice %arg8[%dma_wait3A_153] : memref<320000xi32, #tpu.memory_space<hbm>> -> memref<128xi32, #tpu.memory_space<hbm>>
        tpu.wait_dma2 semaphore(%arg20 : memref<!tpu.dma_semaphore, #tpu.memory_space<semaphore_mem>>) src(%dma_wait3A_154 : memref<128xi32, #tpu.memory_space<hbm>>) dst(%dma_wait3A_152 : memref<128xi32, #tpu.memory_space<vmem>>)
        %dma_start3A_155 = arith.constant 1 : i32
        %dma_start3A_156 = arith.constant 1 : i32
        %dma_start3A_157 = arith.constant 0 : i32
        %dma_start3A_158 = arith.constant 0 : i32
        %dma_start3A_159 = tpu.memref_slice %arg14[%dma_start3A_156, %dma_start3A_157, %dma_start3A_158] : memref<2x128x64xf32, #tpu.memory_space<vmem>> -> memref<1x128x64xf32, #tpu.memory_space<vmem>>
        %dma_start3A_160 = tpu.memref_squeeze %dma_start3A_159 : memref<1x128x64xf32, #tpu.memory_space<vmem>> -> memref<128x64xf32, #tpu.memory_space<vmem>>
        %dma_start3A_161 = arith.constant 0 : i32
        %dma_start3A_162 = tpu.memref_slice %arg12[%dma_start3A_155, %dma_start3A_161] : memref<2x128xi32, #tpu.memory_space<vmem>> -> memref<1x128xi32, #tpu.memory_space<vmem>>
        %dma_start3A_163 = tpu.memref_squeeze %dma_start3A_162 : memref<1x128xi32, #tpu.memory_space<vmem>> -> memref<128xi32, #tpu.memory_space<vmem>>
        %dma_start3A_164 = arith.constant 0 : i32
        %dma_start3A_165 = arith.constant 0 : i32
        %dma_start3A_166 = tpu.memref_slice %arg2[%dma_start3A_164, %dma_start3A_165] : memref<10000x64xf32, #tpu.memory_space<hbm>> -> memref<10000x64xf32, #tpu.memory_space<hbm>>
        tpu.enqueue_indirect_dma source(%dma_start3A_166 : memref<10000x64xf32, #tpu.memory_space<hbm>>) target(%dma_start3A_160 : memref<128x64xf32, #tpu.memory_space<vmem>>) offsets(%dma_start3A_163 : memref<128xi32, #tpu.memory_space<vmem>>) semaphore(%arg21 : memref<!tpu.dma_semaphore, #tpu.memory_space<semaphore_mem>>)
        %dma_start3A_167 = arith.constant 1 : i32
        %dma_start3A_168 = arith.constant 1 : i32
        %dma_start3A_169 = arith.constant 0 : i32
        %dma_start3A_170 = arith.constant 0 : i32
        %dma_start3A_171 = tpu.memref_slice %arg15[%dma_start3A_168, %dma_start3A_169, %dma_start3A_170] : memref<2x128x64xf32, #tpu.memory_space<vmem>> -> memref<1x128x64xf32, #tpu.memory_space<vmem>>
        %dma_start3A_172 = tpu.memref_squeeze %dma_start3A_171 : memref<1x128x64xf32, #tpu.memory_space<vmem>> -> memref<128x64xf32, #tpu.memory_space<vmem>>
        %dma_start3A_173 = arith.constant 0 : i32
        %dma_start3A_174 = tpu.memref_slice %arg13[%dma_start3A_167, %dma_start3A_173] : memref<2x128xi32, #tpu.memory_space<vmem>> -> memref<1x128xi32, #tpu.memory_space<vmem>>
        %dma_start3A_175 = tpu.memref_squeeze %dma_start3A_174 : memref<1x128xi32, #tpu.memory_space<vmem>> -> memref<128xi32, #tpu.memory_space<vmem>>
        %dma_start3A_176 = arith.constant 0 : i32
        %dma_start3A_177 = arith.constant 0 : i32
        %dma_start3A_178 = tpu.memref_slice %arg3[%dma_start3A_176, %dma_start3A_177] : memref<10000x64xf32, #tpu.memory_space<hbm>> -> memref<10000x64xf32, #tpu.memory_space<hbm>>
        tpu.enqueue_indirect_dma source(%dma_start3A_178 : memref<10000x64xf32, #tpu.memory_space<hbm>>) target(%dma_start3A_172 : memref<128x64xf32, #tpu.memory_space<vmem>>) offsets(%dma_start3A_175 : memref<128xi32, #tpu.memory_space<vmem>>) semaphore(%arg21 : memref<!tpu.dma_semaphore, #tpu.memory_space<semaphore_mem>>)
        %ge3A_179 = arith.constant 1 : i32
        %ge3A_180 = arith.cmpi sge, %add3A_125, %ge3A_179 : i32
        %convert_element_type3A_181 = arith.extui %ge3A_180 : i1 to i32
        %cond3A_182 = arith.constant 0 : i32
        %cond3A_183 = arith.cmpi ne, %convert_element_type3A_181, %cond3A_182 : i32
        scf.if %cond3A_183 {
          %dma_wait3A_479 = arith.constant 0 : i32
          %dma_wait3A_480 = arith.constant 0 : i32
          %dma_wait3A_481 = arith.constant 0 : i32
          %dma_wait3A_482 = tpu.memref_slice %arg14[%dma_wait3A_479, %dma_wait3A_480, %dma_wait3A_481] : memref<2x128x64xf32, #tpu.memory_space<vmem>> -> memref<1x128x64xf32, #tpu.memory_space<vmem>>
          %dma_wait3A_483 = tpu.memref_squeeze %dma_wait3A_482 : memref<1x128x64xf32, #tpu.memory_space<vmem>> -> memref<128x64xf32, #tpu.memory_space<vmem>>
          %dma_wait3A_484 = arith.constant 0 : i32
          %dma_wait3A_485 = arith.constant 0 : i32
          %dma_wait3A_486 = tpu.memref_slice %arg2[%dma_wait3A_484, %dma_wait3A_485] : memref<10000x64xf32, #tpu.memory_space<hbm>> -> memref<128x64xf32, #tpu.memory_space<hbm>>
          %dma_wait3A_487 = arith.constant 0 : i32
          %dma_wait3A_488 = arith.constant 0 : i32
          %dma_wait3A_489 = tpu.memref_slice %arg14[%dma_wait3A_479, %dma_wait3A_487, %dma_wait3A_488] : memref<2x128x64xf32, #tpu.memory_space<vmem>> -> memref<1x128x64xf32, #tpu.memory_space<vmem>>
          %dma_wait3A_490 = tpu.memref_squeeze %dma_wait3A_489 : memref<1x128x64xf32, #tpu.memory_space<vmem>> -> memref<128x64xf32, #tpu.memory_space<vmem>>
          %dma_wait3A_491 = arith.constant 0 : i32
          %dma_wait3A_492 = arith.constant 0 : i32
          %dma_wait3A_493 = tpu.memref_slice %arg2[%dma_wait3A_491, %dma_wait3A_492] : memref<10000x64xf32, #tpu.memory_space<hbm>> -> memref<128x64xf32, #tpu.memory_space<hbm>>
          tpu.wait_dma2 semaphore(%arg21 : memref<!tpu.dma_semaphore, #tpu.memory_space<semaphore_mem>>) src(%dma_wait3A_493 : memref<128x64xf32, #tpu.memory_space<hbm>>) dst(%dma_wait3A_490 : memref<128x64xf32, #tpu.memory_space<vmem>>)
          %dma_wait3A_494 = arith.constant 0 : i32
          %dma_wait3A_495 = arith.constant 0 : i32
          %dma_wait3A_496 = arith.constant 0 : i32
          %dma_wait3A_497 = tpu.memref_slice %arg15[%dma_wait3A_494, %dma_wait3A_495, %dma_wait3A_496] : memref<2x128x64xf32, #tpu.memory_space<vmem>> -> memref<1x128x64xf32, #tpu.memory_space<vmem>>
          %dma_wait3A_498 = tpu.memref_squeeze %dma_wait3A_497 : memref<1x128x64xf32, #tpu.memory_space<vmem>> -> memref<128x64xf32, #tpu.memory_space<vmem>>
          %dma_wait3A_499 = arith.constant 0 : i32
          %dma_wait3A_500 = arith.constant 0 : i32
          %dma_wait3A_501 = tpu.memref_slice %arg3[%dma_wait3A_499, %dma_wait3A_500] : memref<10000x64xf32, #tpu.memory_space<hbm>> -> memref<128x64xf32, #tpu.memory_space<hbm>>
          %dma_wait3A_502 = arith.constant 0 : i32
          %dma_wait3A_503 = arith.constant 0 : i32
          %dma_wait3A_504 = tpu.memref_slice %arg15[%dma_wait3A_494, %dma_wait3A_502, %dma_wait3A_503] : memref<2x128x64xf32, #tpu.memory_space<vmem>> -> memref<1x128x64xf32, #tpu.memory_space<vmem>>
          %dma_wait3A_505 = tpu.memref_squeeze %dma_wait3A_504 : memref<1x128x64xf32, #tpu.memory_space<vmem>> -> memref<128x64xf32, #tpu.memory_space<vmem>>
          %dma_wait3A_506 = arith.constant 0 : i32
          %dma_wait3A_507 = arith.constant 0 : i32
          %dma_wait3A_508 = tpu.memref_slice %arg3[%dma_wait3A_506, %dma_wait3A_507] : memref<10000x64xf32, #tpu.memory_space<hbm>> -> memref<128x64xf32, #tpu.memory_space<hbm>>
          tpu.wait_dma2 semaphore(%arg21 : memref<!tpu.dma_semaphore, #tpu.memory_space<semaphore_mem>>) src(%dma_wait3A_508 : memref<128x64xf32, #tpu.memory_space<hbm>>) dst(%dma_wait3A_505 : memref<128x64xf32, #tpu.memory_space<vmem>>)
          %sub3A_509 = arith.constant 1 : i32
          %sub3A_510 = arith.subi %add3A_125, %sub3A_509 : i32
          %mul3A_511 = arith.constant 32 : i32
          %mul3A_512 = arith.muli %sub3A_510, %mul3A_511 : i32
          %add3A_513 = arith.addi %mul3A_512, %add3A : i32
          %min3A_514 = arith.constant 2499 : i32
          %min3A_515 = arith.minsi %add3A_513, %min3A_514 : i32
          %mul3A_516 = arith.constant 128 : i32
          %mul3A_517 = arith.muli %min3A_515, %mul3A_516 : i32
          %multiple_of3A_518 = tpu.assume_multiple %mul3A_517, 128 : i32
          %dma_start3A_519 = arith.constant 0 : i32
          %dma_start3A_520 = arith.constant 0 : i32
          %dma_start3A_521 = arith.constant 0 : i32
          %dma_start3A_522 = tpu.memref_slice %arg14[%dma_start3A_519, %dma_start3A_520, %dma_start3A_521] : memref<2x128x64xf32, #tpu.memory_space<vmem>> -> memref<1x128x64xf32, #tpu.memory_space<vmem>>
          %dma_start3A_523 = tpu.memref_squeeze %dma_start3A_522 : memref<1x128x64xf32, #tpu.memory_space<vmem>> -> memref<128x64xf32, #tpu.memory_space<vmem>>
          %dma_start3A_524 = arith.constant 0 : i32
          %dma_start3A_525 = tpu.memref_slice %arg9[%multiple_of3A_518, %dma_start3A_524] : memref<320000x64xf32, #tpu.memory_space<hbm>> -> memref<128x64xf32, #tpu.memory_space<hbm>>
          %dma_start3A_526 = arith.constant 0 : i32
          %dma_start3A_527 = tpu.memref_slice %arg9[%multiple_of3A_518, %dma_start3A_526] : memref<320000x64xf32, #tpu.memory_space<hbm>> -> memref<128x64xf32, #tpu.memory_space<hbm>>
          %dma_start3A_528 = arith.constant 0 : i32
          %dma_start3A_529 = arith.constant 0 : i32
          %dma_start3A_530 = tpu.memref_slice %arg14[%dma_start3A_519, %dma_start3A_528, %dma_start3A_529] : memref<2x128x64xf32, #tpu.memory_space<vmem>> -> memref<1x128x64xf32, #tpu.memory_space<vmem>>
          %dma_start3A_531 = tpu.memref_squeeze %dma_start3A_530 : memref<1x128x64xf32, #tpu.memory_space<vmem>> -> memref<128x64xf32, #tpu.memory_space<vmem>>
          tpu.enqueue_dma source(%dma_start3A_531 : memref<128x64xf32, #tpu.memory_space<vmem>>) target(%dma_start3A_527 : memref<128x64xf32, #tpu.memory_space<hbm>>) target_semaphore(%arg22 : memref<!tpu.dma_semaphore, #tpu.memory_space<semaphore_mem>>)
          %dma_start3A_532 = arith.constant 0 : i32
          %dma_start3A_533 = arith.constant 0 : i32
          %dma_start3A_534 = arith.constant 0 : i32
          %dma_start3A_535 = tpu.memref_slice %arg15[%dma_start3A_532, %dma_start3A_533, %dma_start3A_534] : memref<2x128x64xf32, #tpu.memory_space<vmem>> -> memref<1x128x64xf32, #tpu.memory_space<vmem>>
          %dma_start3A_536 = tpu.memref_squeeze %dma_start3A_535 : memref<1x128x64xf32, #tpu.memory_space<vmem>> -> memref<128x64xf32, #tpu.memory_space<vmem>>
          %dma_start3A_537 = arith.constant 0 : i32
          %dma_start3A_538 = tpu.memref_slice %arg10[%multiple_of3A_518, %dma_start3A_537] : memref<320000x64xf32, #tpu.memory_space<hbm>> -> memref<128x64xf32, #tpu.memory_space<hbm>>
          %dma_start3A_539 = arith.constant 0 : i32
          %dma_start3A_540 = tpu.memref_slice %arg10[%multiple_of3A_518, %dma_start3A_539] : memref<320000x64xf32, #tpu.memory_space<hbm>> -> memref<128x64xf32, #tpu.memory_space<hbm>>
          %dma_start3A_541 = arith.constant 0 : i32
          %dma_start3A_542 = arith.constant 0 : i32
          %dma_start3A_543 = tpu.memref_slice %arg15[%dma_start3A_532, %dma_start3A_541, %dma_start3A_542] : memref<2x128x64xf32, #tpu.memory_space<vmem>> -> memref<1x128x64xf32, #tpu.memory_space<vmem>>
          %dma_start3A_544 = tpu.memref_squeeze %dma_start3A_543 : memref<1x128x64xf32, #tpu.memory_space<vmem>> -> memref<128x64xf32, #tpu.memory_space<vmem>>
          tpu.enqueue_dma source(%dma_start3A_544 : memref<128x64xf32, #tpu.memory_space<vmem>>) target(%dma_start3A_540 : memref<128x64xf32, #tpu.memory_space<hbm>>) target_semaphore(%arg22 : memref<!tpu.dma_semaphore, #tpu.memory_space<semaphore_mem>>)
          %dma_start3A_545 = arith.constant 0 : i32
          %dma_start3A_546 = arith.constant 0 : i32
          %dma_start3A_547 = tpu.memref_slice %arg16[%dma_start3A_545, %dma_start3A_546] : memref<2x128xf32, #tpu.memory_space<vmem>> -> memref<1x128xf32, #tpu.memory_space<vmem>>
          %dma_start3A_548 = tpu.memref_squeeze %dma_start3A_547 : memref<1x128xf32, #tpu.memory_space<vmem>> -> memref<128xf32, #tpu.memory_space<vmem>>
          %dma_start3A_549 = arith.constant 0 : i32
          %dma_start3A_550 = tpu.memref_slice %arg11[%min3A_515, %dma_start3A_549] : memref<2500x128xf32, #tpu.memory_space<hbm>> -> memref<1x128xf32, #tpu.memory_space<hbm>>
          %dma_start3A_551 = tpu.memref_squeeze %dma_start3A_550 : memref<1x128xf32, #tpu.memory_space<hbm>> -> memref<128xf32, #tpu.memory_space<hbm>>
          %dma_start3A_552 = arith.constant 0 : i32
          %dma_start3A_553 = tpu.memref_slice %arg11[%min3A_515, %dma_start3A_552] : memref<2500x128xf32, #tpu.memory_space<hbm>> -> memref<1x128xf32, #tpu.memory_space<hbm>>
          %dma_start3A_554 = tpu.memref_squeeze %dma_start3A_553 : memref<1x128xf32, #tpu.memory_space<hbm>> -> memref<128xf32, #tpu.memory_space<hbm>>
          %dma_start3A_555 = arith.constant 0 : i32
          %dma_start3A_556 = tpu.memref_slice %arg16[%dma_start3A_545, %dma_start3A_555] : memref<2x128xf32, #tpu.memory_space<vmem>> -> memref<1x128xf32, #tpu.memory_space<vmem>>
          %dma_start3A_557 = tpu.memref_squeeze %dma_start3A_556 : memref<1x128xf32, #tpu.memory_space<vmem>> -> memref<128xf32, #tpu.memory_space<vmem>>
          tpu.enqueue_dma source(%dma_start3A_557 : memref<128xf32, #tpu.memory_space<vmem>>) target(%dma_start3A_554 : memref<128xf32, #tpu.memory_space<hbm>>) target_semaphore(%arg22 : memref<!tpu.dma_semaphore, #tpu.memory_space<semaphore_mem>>)
        } else {
        }
        %add3A_184 = arith.constant 1 : i32
        %add3A_185 = arith.addi %add3A_125, %add3A_184 : i32
        %lt3A_186 = arith.cmpi slt, %add3A_185, %select_n3A : i32
        %convert_element_type3A_187 = arith.extui %lt3A_186 : i1 to i32
        %cond3A_188 = arith.constant 0 : i32
        %cond3A_189 = arith.cmpi ne, %convert_element_type3A_187, %cond3A_188 : i32
        scf.if %cond3A_189 {
          %add3A_479 = arith.constant 1 : i32
          %add3A_480 = arith.addi %add3A_125, %add3A_479 : i32
          %mul3A_481 = arith.constant 32 : i32
          %mul3A_482 = arith.muli %add3A_480, %mul3A_481 : i32
          %add3A_483 = arith.addi %mul3A_482, %add3A : i32
          %min3A_484 = arith.constant 2499 : i32
          %min3A_485 = arith.minsi %add3A_483, %min3A_484 : i32
          %mul3A_486 = arith.constant 128 : i32
          %mul3A_487 = arith.muli %min3A_485, %mul3A_486 : i32
          %multiple_of3A_488 = tpu.assume_multiple %mul3A_487, 128 : i32
          %dma_start3A_489 = arith.constant 0 : i32
          %dma_start3A_490 = arith.constant 0 : i32
          %dma_start3A_491 = tpu.memref_slice %arg12[%dma_start3A_489, %dma_start3A_490] : memref<2x128xi32, #tpu.memory_space<vmem>> -> memref<1x128xi32, #tpu.memory_space<vmem>>
          %dma_start3A_492 = tpu.memref_squeeze %dma_start3A_491 : memref<1x128xi32, #tpu.memory_space<vmem>> -> memref<128xi32, #tpu.memory_space<vmem>>
          %dma_start3A_493 = tpu.memref_slice %arg7[%multiple_of3A_488] : memref<320000xi32, #tpu.memory_space<hbm>> -> memref<128xi32, #tpu.memory_space<hbm>>
          %dma_start3A_494 = arith.constant 0 : i32
          %dma_start3A_495 = tpu.memref_slice %arg12[%dma_start3A_489, %dma_start3A_494] : memref<2x128xi32, #tpu.memory_space<vmem>> -> memref<1x128xi32, #tpu.memory_space<vmem>>
          %dma_start3A_496 = tpu.memref_squeeze %dma_start3A_495 : memref<1x128xi32, #tpu.memory_space<vmem>> -> memref<128xi32, #tpu.memory_space<vmem>>
          %dma_start3A_497 = tpu.memref_slice %arg7[%multiple_of3A_488] : memref<320000xi32, #tpu.memory_space<hbm>> -> memref<128xi32, #tpu.memory_space<hbm>>
          tpu.enqueue_dma source(%dma_start3A_497 : memref<128xi32, #tpu.memory_space<hbm>>) target(%dma_start3A_496 : memref<128xi32, #tpu.memory_space<vmem>>) target_semaphore(%arg20 : memref<!tpu.dma_semaphore, #tpu.memory_space<semaphore_mem>>)
          %dma_start3A_498 = arith.constant 0 : i32
          %dma_start3A_499 = arith.constant 0 : i32
          %dma_start3A_500 = tpu.memref_slice %arg13[%dma_start3A_498, %dma_start3A_499] : memref<2x128xi32, #tpu.memory_space<vmem>> -> memref<1x128xi32, #tpu.memory_space<vmem>>
          %dma_start3A_501 = tpu.memref_squeeze %dma_start3A_500 : memref<1x128xi32, #tpu.memory_space<vmem>> -> memref<128xi32, #tpu.memory_space<vmem>>
          %dma_start3A_502 = tpu.memref_slice %arg8[%multiple_of3A_488] : memref<320000xi32, #tpu.memory_space<hbm>> -> memref<128xi32, #tpu.memory_space<hbm>>
          %dma_start3A_503 = arith.constant 0 : i32
          %dma_start3A_504 = tpu.memref_slice %arg13[%dma_start3A_498, %dma_start3A_503] : memref<2x128xi32, #tpu.memory_space<vmem>> -> memref<1x128xi32, #tpu.memory_space<vmem>>
          %dma_start3A_505 = tpu.memref_squeeze %dma_start3A_504 : memref<1x128xi32, #tpu.memory_space<vmem>> -> memref<128xi32, #tpu.memory_space<vmem>>
          %dma_start3A_506 = tpu.memref_slice %arg8[%multiple_of3A_488] : memref<320000xi32, #tpu.memory_space<hbm>> -> memref<128xi32, #tpu.memory_space<hbm>>
          tpu.enqueue_dma source(%dma_start3A_506 : memref<128xi32, #tpu.memory_space<hbm>>) target(%dma_start3A_505 : memref<128xi32, #tpu.memory_space<vmem>>) target_semaphore(%arg20 : memref<!tpu.dma_semaphore, #tpu.memory_space<semaphore_mem>>)
        } else {
        }
        %iota3A = tpu.iota {dimensions = array<i32: 0>} : vector<16xi32>
        %mul3A_190 = arith.constant 2 : i32
        %mul3A_191 = vector.broadcast %mul3A_190 : i32 to vector<16xi32>
        %mul3A_192 = arith.muli %mul3A_191, %iota3A : vector<16xi32>
        %add3A_193 = arith.constant 0 : i32
        %add3A_194 = vector.broadcast %add3A_193 : i32 to vector<16xi32>
        %add3A_195 = arith.addi %add3A_194, %mul3A_192 : vector<16xi32>
        %add3A_196 = arith.constant 0 : i32
        %add3A_197 = vector.broadcast %add3A_196 : i32 to vector<16xi32>
        %add3A_198 = arith.addi %add3A_195, %add3A_197 : vector<16xi32>
        %gather3A = arith.constant 1 : i32
        %gather3A_199 = arith.constant 0 : i32
        %gather3A_200 = tpu.memref_slice %arg12[%gather3A, %gather3A_199] : memref<2x128xi32, #tpu.memory_space<vmem>> -> memref<1x128xi32, #tpu.memory_space<vmem>>
        %gather3A_201 = tpu.memref_squeeze %gather3A_200 : memref<1x128xi32, #tpu.memory_space<vmem>> -> memref<128xi32, #tpu.memory_space<vmem>>
        %gather3A_202 = tpu.vector_load_idx %gather3A_201[%add3A_198] : memref<128xi32, #tpu.memory_space<vmem>>[vector<16xi32>], vector<16xi32>,
        %gather3A_203 = arith.constant 1 : i32
        %gather3A_204 = arith.constant 0 : i32
        %gather3A_205 = tpu.memref_slice %arg13[%gather3A_203, %gather3A_204] : memref<2x128xi32, #tpu.memory_space<vmem>> -> memref<1x128xi32, #tpu.memory_space<vmem>>
        %gather3A_206 = tpu.memref_squeeze %gather3A_205 : memref<1x128xi32, #tpu.memory_space<vmem>> -> memref<128xi32, #tpu.memory_space<vmem>>
        %gather3A_207 = tpu.vector_load_idx %gather3A_206[%add3A_198] : memref<128xi32, #tpu.memory_space<vmem>>[vector<16xi32>], vector<16xi32>,
        %gather3A_208 = tpu.vector_load_idx %arg17[%gather3A_202] : memref<10000xf32, #tpu.memory_space<vmem>>[vector<16xi32>], vector<16xf32>,
        %gather3A_209 = tpu.vector_load_idx %arg17[%gather3A_207] : memref<10000xf32, #tpu.memory_space<vmem>>[vector<16xi32>], vector<16xf32>,
        %sub3A_210 = arith.subf %gather3A_208, %gather3A_209 : vector<16xf32>
        %gather3A_211 = tpu.vector_load_idx %arg18[%gather3A_202] : memref<10000xf32, #tpu.memory_space<vmem>>[vector<16xi32>], vector<16xf32>,
        %gather3A_212 = tpu.vector_load_idx %arg18[%gather3A_207] : memref<10000xf32, #tpu.memory_space<vmem>>[vector<16xi32>], vector<16xf32>,
        %sub3A_213 = arith.subf %gather3A_211, %gather3A_212 : vector<16xf32>
        %gather3A_214 = tpu.vector_load_idx %arg19[%gather3A_202] : memref<10000xf32, #tpu.memory_space<vmem>>[vector<16xi32>], vector<16xf32>,
        %gather3A_215 = tpu.vector_load_idx %arg19[%gather3A_207] : memref<10000xf32, #tpu.memory_space<vmem>>[vector<16xi32>], vector<16xf32>,
        %sub3A_216 = arith.subf %gather3A_214, %gather3A_215 : vector<16xf32>
        %multiple_of3A_217 = arith.constant 0 : i32
        %multiple_of3A_218 = tpu.assume_multiple %multiple_of3A_217, 16 : i32
        %mul3A_219 = arith.mulf %sub3A_210, %sub3A_210 : vector<16xf32>
        %mul3A_220 = arith.mulf %sub3A_213, %sub3A_213 : vector<16xf32>
        %add3A_221 = arith.addf %mul3A_219, %mul3A_220 : vector<16xf32>
        %mul3A_222 = arith.mulf %sub3A_216, %sub3A_216 : vector<16xf32>
        %add3A_223 = arith.addf %add3A_221, %mul3A_222 : vector<16xf32>
        %swap3A = arith.constant 1 : i32
        %swap3A_224 = arith.index_cast %swap3A : i32 to index
        %swap3A_225 = arith.index_cast %multiple_of3A_218 : i32 to index
        %swap3A_226 = tpu.vector_load %arg16[%swap3A_224, %swap3A_225] {strides = array<i32>} : memref<2x128xf32, #tpu.memory_space<vmem>>, vector<16xf32>,
        tpu.vector_store %arg16[%swap3A_224, %swap3A_225], %add3A_223 {strides = array<i32>} : memref<2x128xf32, #tpu.memory_space<vmem>>, vector<16xf32>,
        %add3A_227 = arith.constant 1 : i32
        %add3A_228 = vector.broadcast %add3A_227 : i32 to vector<16xi32>
        %add3A_229 = arith.addi %add3A_195, %add3A_228 : vector<16xi32>
        %gather3A_230 = arith.constant 1 : i32
        %gather3A_231 = arith.constant 0 : i32
        %gather3A_232 = tpu.memref_slice %arg12[%gather3A_230, %gather3A_231] : memref<2x128xi32, #tpu.memory_space<vmem>> -> memref<1x128xi32, #tpu.memory_space<vmem>>
        %gather3A_233 = tpu.memref_squeeze %gather3A_232 : memref<1x128xi32, #tpu.memory_space<vmem>> -> memref<128xi32, #tpu.memory_space<vmem>>
        %gather3A_234 = tpu.vector_load_idx %gather3A_233[%add3A_229] : memref<128xi32, #tpu.memory_space<vmem>>[vector<16xi32>], vector<16xi32>,
        %gather3A_235 = arith.constant 1 : i32
        %gather3A_236 = arith.constant 0 : i32
        %gather3A_237 = tpu.memref_slice %arg13[%gather3A_235, %gather3A_236] : memref<2x128xi32, #tpu.memory_space<vmem>> -> memref<1x128xi32, #tpu.memory_space<vmem>>
        %gather3A_238 = tpu.memref_squeeze %gather3A_237 : memref<1x128xi32, #tpu.memory_space<vmem>> -> memref<128xi32, #tpu.memory_space<vmem>>
        %gather3A_239 = tpu.vector_load_idx %gather3A_238[%add3A_229] : memref<128xi32, #tpu.memory_space<vmem>>[vector<16xi32>], vector<16xi32>,
        %gather3A_240 = tpu.vector_load_idx %arg17[%gather3A_234] : memref<10000xf32, #tpu.memory_space<vmem>>[vector<16xi32>], vector<16xf32>,
        %gather3A_241 = tpu.vector_load_idx %arg17[%gather3A_239] : memref<10000xf32, #tpu.memory_space<vmem>>[vector<16xi32>], vector<16xf32>,
        %sub3A_242 = arith.subf %gather3A_240, %gather3A_241 : vector<16xf32>
        %gather3A_243 = tpu.vector_load_idx %arg18[%gather3A_234] : memref<10000xf32, #tpu.memory_space<vmem>>[vector<16xi32>], vector<16xf32>,
        %gather3A_244 = tpu.vector_load_idx %arg18[%gather3A_239] : memref<10000xf32, #tpu.memory_space<vmem>>[vector<16xi32>], vector<16xf32>,
        %sub3A_245 = arith.subf %gather3A_243, %gather3A_244 : vector<16xf32>
        %gather3A_246 = tpu.vector_load_idx %arg19[%gather3A_234] : memref<10000xf32, #tpu.memory_space<vmem>>[vector<16xi32>], vector<16xf32>,
        %gather3A_247 = tpu.vector_load_idx %arg19[%gather3A_239] : memref<10000xf32, #tpu.memory_space<vmem>>[vector<16xi32>], vector<16xf32>,
        %sub3A_248 = arith.subf %gather3A_246, %gather3A_247 : vector<16xf32>
        %multiple_of3A_249 = arith.constant 64 : i32
        %multiple_of3A_250 = tpu.assume_multiple %multiple_of3A_249, 16 : i32
        %mul3A_251 = arith.mulf %sub3A_242, %sub3A_242 : vector<16xf32>
        %mul3A_252 = arith.mulf %sub3A_245, %sub3A_245 : vector<16xf32>
        %add3A_253 = arith.addf %mul3A_251, %mul3A_252 : vector<16xf32>
        %mul3A_254 = arith.mulf %sub3A_248, %sub3A_248 : vector<16xf32>
        %add3A_255 = arith.addf %add3A_253, %mul3A_254 : vector<16xf32>
        %swap3A_256 = arith.constant 1 : i32
        %swap3A_257 = arith.index_cast %swap3A_256 : i32 to index
        %swap3A_258 = arith.index_cast %multiple_of3A_250 : i32 to index
        %swap3A_259 = tpu.vector_load %arg16[%swap3A_257, %swap3A_258] {strides = array<i32>} : memref<2x128xf32, #tpu.memory_space<vmem>>, vector<16xf32>,
        tpu.vector_store %arg16[%swap3A_257, %swap3A_258], %add3A_255 {strides = array<i32>} : memref<2x128xf32, #tpu.memory_space<vmem>>, vector<16xf32>,
        %iota3A_260 = tpu.iota {dimensions = array<i32: 0>} : vector<16xi32>
        %mul3A_261 = arith.constant 2 : i32
        %mul3A_262 = vector.broadcast %mul3A_261 : i32 to vector<16xi32>
        %mul3A_263 = arith.muli %mul3A_262, %iota3A_260 : vector<16xi32>
        %add3A_264 = arith.constant 32 : i32
        %add3A_265 = vector.broadcast %add3A_264 : i32 to vector<16xi32>
        %add3A_266 = arith.addi %add3A_265, %mul3A_263 : vector<16xi32>
        %add3A_267 = arith.constant 0 : i32
        %add3A_268 = vector.broadcast %add3A_267 : i32 to vector<16xi32>
        %add3A_269 = arith.addi %add3A_266, %add3A_268 : vector<16xi32>
        %gather3A_270 = arith.constant 1 : i32
        %gather3A_271 = arith.constant 0 : i32
        %gather3A_272 = tpu.memref_slice %arg12[%gather3A_270, %gather3A_271] : memref<2x128xi32, #tpu.memory_space<vmem>> -> memref<1x128xi32, #tpu.memory_space<vmem>>
        %gather3A_273 = tpu.memref_squeeze %gather3A_272 : memref<1x128xi32, #tpu.memory_space<vmem>> -> memref<128xi32, #tpu.memory_space<vmem>>
        %gather3A_274 = tpu.vector_load_idx %gather3A_273[%add3A_269] : memref<128xi32, #tpu.memory_space<vmem>>[vector<16xi32>], vector<16xi32>,
        %gather3A_275 = arith.constant 1 : i32
        %gather3A_276 = arith.constant 0 : i32
        %gather3A_277 = tpu.memref_slice %arg13[%gather3A_275, %gather3A_276] : memref<2x128xi32, #tpu.memory_space<vmem>> -> memref<1x128xi32, #tpu.memory_space<vmem>>
        %gather3A_278 = tpu.memref_squeeze %gather3A_277 : memref<1x128xi32, #tpu.memory_space<vmem>> -> memref<128xi32, #tpu.memory_space<vmem>>
        %gather3A_279 = tpu.vector_load_idx %gather3A_278[%add3A_269] : memref<128xi32, #tpu.memory_space<vmem>>[vector<16xi32>], vector<16xi32>,
        %gather3A_280 = tpu.vector_load_idx %arg17[%gather3A_274] : memref<10000xf32, #tpu.memory_space<vmem>>[vector<16xi32>], vector<16xf32>,
        %gather3A_281 = tpu.vector_load_idx %arg17[%gather3A_279] : memref<10000xf32, #tpu.memory_space<vmem>>[vector<16xi32>], vector<16xf32>,
        %sub3A_282 = arith.subf %gather3A_280, %gather3A_281 : vector<16xf32>
        %gather3A_283 = tpu.vector_load_idx %arg18[%gather3A_274] : memref<10000xf32, #tpu.memory_space<vmem>>[vector<16xi32>], vector<16xf32>,
        %gather3A_284 = tpu.vector_load_idx %arg18[%gather3A_279] : memref<10000xf32, #tpu.memory_space<vmem>>[vector<16xi32>], vector<16xf32>,
        %sub3A_285 = arith.subf %gather3A_283, %gather3A_284 : vector<16xf32>
        %gather3A_286 = tpu.vector_load_idx %arg19[%gather3A_274] : memref<10000xf32, #tpu.memory_space<vmem>>[vector<16xi32>], vector<16xf32>,
        %gather3A_287 = tpu.vector_load_idx %arg19[%gather3A_279] : memref<10000xf32, #tpu.memory_space<vmem>>[vector<16xi32>], vector<16xf32>,
        %sub3A_288 = arith.subf %gather3A_286, %gather3A_287 : vector<16xf32>
        %multiple_of3A_289 = arith.constant 16 : i32
        %multiple_of3A_290 = tpu.assume_multiple %multiple_of3A_289, 16 : i32
        %mul3A_291 = arith.mulf %sub3A_282, %sub3A_282 : vector<16xf32>
        %mul3A_292 = arith.mulf %sub3A_285, %sub3A_285 : vector<16xf32>
        %add3A_293 = arith.addf %mul3A_291, %mul3A_292 : vector<16xf32>
        %mul3A_294 = arith.mulf %sub3A_288, %sub3A_288 : vector<16xf32>
        %add3A_295 = arith.addf %add3A_293, %mul3A_294 : vector<16xf32>
        %swap3A_296 = arith.constant 1 : i32
        %swap3A_297 = arith.index_cast %swap3A_296 : i32 to index
        %swap3A_298 = arith.index_cast %multiple_of3A_290 : i32 to index
        %swap3A_299 = tpu.vector_load %arg16[%swap3A_297, %swap3A_298] {strides = array<i32>} : memref<2x128xf32, #tpu.memory_space<vmem>>, vector<16xf32>,
        tpu.vector_store %arg16[%swap3A_297, %swap3A_298], %add3A_295 {strides = array<i32>} : memref<2x128xf32, #tpu.memory_space<vmem>>, vector<16xf32>,
        %add3A_300 = arith.constant 1 : i32
        %add3A_301 = vector.broadcast %add3A_300 : i32 to vector<16xi32>
        %add3A_302 = arith.addi %add3A_266, %add3A_301 : vector<16xi32>
        %gather3A_303 = arith.constant 1 : i32
        %gather3A_304 = arith.constant 0 : i32
        %gather3A_305 = tpu.memref_slice %arg12[%gather3A_303, %gather3A_304] : memref<2x128xi32, #tpu.memory_space<vmem>> -> memref<1x128xi32, #tpu.memory_space<vmem>>
        %gather3A_306 = tpu.memref_squeeze %gather3A_305 : memref<1x128xi32, #tpu.memory_space<vmem>> -> memref<128xi32, #tpu.memory_space<vmem>>
        %gather3A_307 = tpu.vector_load_idx %gather3A_306[%add3A_302] : memref<128xi32, #tpu.memory_space<vmem>>[vector<16xi32>], vector<16xi32>,
        %gather3A_308 = arith.constant 1 : i32
        %gather3A_309 = arith.constant 0 : i32
        %gather3A_310 = tpu.memref_slice %arg13[%gather3A_308, %gather3A_309] : memref<2x128xi32, #tpu.memory_space<vmem>> -> memref<1x128xi32, #tpu.memory_space<vmem>>
        %gather3A_311 = tpu.memref_squeeze %gather3A_310 : memref<1x128xi32, #tpu.memory_space<vmem>> -> memref<128xi32, #tpu.memory_space<vmem>>
        %gather3A_312 = tpu.vector_load_idx %gather3A_311[%add3A_302] : memref<128xi32, #tpu.memory_space<vmem>>[vector<16xi32>], vector<16xi32>,
        %gather3A_313 = tpu.vector_load_idx %arg17[%gather3A_307] : memref<10000xf32, #tpu.memory_space<vmem>>[vector<16xi32>], vector<16xf32>,
        %gather3A_314 = tpu.vector_load_idx %arg17[%gather3A_312] : memref<10000xf32, #tpu.memory_space<vmem>>[vector<16xi32>], vector<16xf32>,
        %sub3A_315 = arith.subf %gather3A_313, %gather3A_314 : vector<16xf32>
        %gather3A_316 = tpu.vector_load_idx %arg18[%gather3A_307] : memref<10000xf32, #tpu.memory_space<vmem>>[vector<16xi32>], vector<16xf32>,
        %gather3A_317 = tpu.vector_load_idx %arg18[%gather3A_312] : memref<10000xf32, #tpu.memory_space<vmem>>[vector<16xi32>], vector<16xf32>,
        %sub3A_318 = arith.subf %gather3A_316, %gather3A_317 : vector<16xf32>
        %gather3A_319 = tpu.vector_load_idx %arg19[%gather3A_307] : memref<10000xf32, #tpu.memory_space<vmem>>[vector<16xi32>], vector<16xf32>,
        %gather3A_320 = tpu.vector_load_idx %arg19[%gather3A_312] : memref<10000xf32, #tpu.memory_space<vmem>>[vector<16xi32>], vector<16xf32>,
        %sub3A_321 = arith.subf %gather3A_319, %gather3A_320 : vector<16xf32>
        %multiple_of3A_322 = arith.constant 80 : i32
        %multiple_of3A_323 = tpu.assume_multiple %multiple_of3A_322, 16 : i32
        %mul3A_324 = arith.mulf %sub3A_315, %sub3A_315 : vector<16xf32>
        %mul3A_325 = arith.mulf %sub3A_318, %sub3A_318 : vector<16xf32>
        %add3A_326 = arith.addf %mul3A_324, %mul3A_325 : vector<16xf32>
        %mul3A_327 = arith.mulf %sub3A_321, %sub3A_321 : vector<16xf32>
        %add3A_328 = arith.addf %add3A_326, %mul3A_327 : vector<16xf32>
        %swap3A_329 = arith.constant 1 : i32
        %swap3A_330 = arith.index_cast %swap3A_329 : i32 to index
        %swap3A_331 = arith.index_cast %multiple_of3A_323 : i32 to index
        %swap3A_332 = tpu.vector_load %arg16[%swap3A_330, %swap3A_331] {strides = array<i32>} : memref<2x128xf32, #tpu.memory_space<vmem>>, vector<16xf32>,
        tpu.vector_store %arg16[%swap3A_330, %swap3A_331], %add3A_328 {strides = array<i32>} : memref<2x128xf32, #tpu.memory_space<vmem>>, vector<16xf32>,
        %iota3A_333 = tpu.iota {dimensions = array<i32: 0>} : vector<16xi32>
        %mul3A_334 = arith.constant 2 : i32
        %mul3A_335 = vector.broadcast %mul3A_334 : i32 to vector<16xi32>
        %mul3A_336 = arith.muli %mul3A_335, %iota3A_333 : vector<16xi32>
        %add3A_337 = arith.constant 64 : i32
        %add3A_338 = vector.broadcast %add3A_337 : i32 to vector<16xi32>
        %add3A_339 = arith.addi %add3A_338, %mul3A_336 : vector<16xi32>
        %add3A_340 = arith.constant 0 : i32
        %add3A_341 = vector.broadcast %add3A_340 : i32 to vector<16xi32>
        %add3A_342 = arith.addi %add3A_339, %add3A_341 : vector<16xi32>
        %gather3A_343 = arith.constant 1 : i32
        %gather3A_344 = arith.constant 0 : i32
        %gather3A_345 = tpu.memref_slice %arg12[%gather3A_343, %gather3A_344] : memref<2x128xi32, #tpu.memory_space<vmem>> -> memref<1x128xi32, #tpu.memory_space<vmem>>
        %gather3A_346 = tpu.memref_squeeze %gather3A_345 : memref<1x128xi32, #tpu.memory_space<vmem>> -> memref<128xi32, #tpu.memory_space<vmem>>
        %gather3A_347 = tpu.vector_load_idx %gather3A_346[%add3A_342] : memref<128xi32, #tpu.memory_space<vmem>>[vector<16xi32>], vector<16xi32>,
        %gather3A_348 = arith.constant 1 : i32
        %gather3A_349 = arith.constant 0 : i32
        %gather3A_350 = tpu.memref_slice %arg13[%gather3A_348, %gather3A_349] : memref<2x128xi32, #tpu.memory_space<vmem>> -> memref<1x128xi32, #tpu.memory_space<vmem>>
        %gather3A_351 = tpu.memref_squeeze %gather3A_350 : memref<1x128xi32, #tpu.memory_space<vmem>> -> memref<128xi32, #tpu.memory_space<vmem>>
        %gather3A_352 = tpu.vector_load_idx %gather3A_351[%add3A_342] : memref<128xi32, #tpu.memory_space<vmem>>[vector<16xi32>], vector<16xi32>,
        %gather3A_353 = tpu.vector_load_idx %arg17[%gather3A_347] : memref<10000xf32, #tpu.memory_space<vmem>>[vector<16xi32>], vector<16xf32>,
        %gather3A_354 = tpu.vector_load_idx %arg17[%gather3A_352] : memref<10000xf32, #tpu.memory_space<vmem>>[vector<16xi32>], vector<16xf32>,
        %sub3A_355 = arith.subf %gather3A_353, %gather3A_354 : vector<16xf32>
        %gather3A_356 = tpu.vector_load_idx %arg18[%gather3A_347] : memref<10000xf32, #tpu.memory_space<vmem>>[vector<16xi32>], vector<16xf32>,
        %gather3A_357 = tpu.vector_load_idx %arg18[%gather3A_352] : memref<10000xf32, #tpu.memory_space<vmem>>[vector<16xi32>], vector<16xf32>,
        %sub3A_358 = arith.subf %gather3A_356, %gather3A_357 : vector<16xf32>
        %gather3A_359 = tpu.vector_load_idx %arg19[%gather3A_347] : memref<10000xf32, #tpu.memory_space<vmem>>[vector<16xi32>], vector<16xf32>,
        %gather3A_360 = tpu.vector_load_idx %arg19[%gather3A_352] : memref<10000xf32, #tpu.memory_space<vmem>>[vector<16xi32>], vector<16xf32>,
        %sub3A_361 = arith.subf %gather3A_359, %gather3A_360 : vector<16xf32>
        %multiple_of3A_362 = arith.constant 32 : i32
        %multiple_of3A_363 = tpu.assume_multiple %multiple_of3A_362, 16 : i32
        %mul3A_364 = arith.mulf %sub3A_355, %sub3A_355 : vector<16xf32>
        %mul3A_365 = arith.mulf %sub3A_358, %sub3A_358 : vector<16xf32>
        %add3A_366 = arith.addf %mul3A_364, %mul3A_365 : vector<16xf32>
        %mul3A_367 = arith.mulf %sub3A_361, %sub3A_361 : vector<16xf32>
        %add3A_368 = arith.addf %add3A_366, %mul3A_367 : vector<16xf32>
        %swap3A_369 = arith.constant 1 : i32
        %swap3A_370 = arith.index_cast %swap3A_369 : i32 to index
        %swap3A_371 = arith.index_cast %multiple_of3A_363 : i32 to index
        %swap3A_372 = tpu.vector_load %arg16[%swap3A_370, %swap3A_371] {strides = array<i32>} : memref<2x128xf32, #tpu.memory_space<vmem>>, vector<16xf32>,
        tpu.vector_store %arg16[%swap3A_370, %swap3A_371], %add3A_368 {strides = array<i32>} : memref<2x128xf32, #tpu.memory_space<vmem>>, vector<16xf32>,
        %add3A_373 = arith.constant 1 : i32
        %add3A_374 = vector.broadcast %add3A_373 : i32 to vector<16xi32>
        %add3A_375 = arith.addi %add3A_339, %add3A_374 : vector<16xi32>
        %gather3A_376 = arith.constant 1 : i32
        %gather3A_377 = arith.constant 0 : i32
        %gather3A_378 = tpu.memref_slice %arg12[%gather3A_376, %gather3A_377] : memref<2x128xi32, #tpu.memory_space<vmem>> -> memref<1x128xi32, #tpu.memory_space<vmem>>
        %gather3A_379 = tpu.memref_squeeze %gather3A_378 : memref<1x128xi32, #tpu.memory_space<vmem>> -> memref<128xi32, #tpu.memory_space<vmem>>
        %gather3A_380 = tpu.vector_load_idx %gather3A_379[%add3A_375] : memref<128xi32, #tpu.memory_space<vmem>>[vector<16xi32>], vector<16xi32>,
        %gather3A_381 = arith.constant 1 : i32
        %gather3A_382 = arith.constant 0 : i32
        %gather3A_383 = tpu.memref_slice %arg13[%gather3A_381, %gather3A_382] : memref<2x128xi32, #tpu.memory_space<vmem>> -> memref<1x128xi32, #tpu.memory_space<vmem>>
        %gather3A_384 = tpu.memref_squeeze %gather3A_383 : memref<1x128xi32, #tpu.memory_space<vmem>> -> memref<128xi32, #tpu.memory_space<vmem>>
        %gather3A_385 = tpu.vector_load_idx %gather3A_384[%add3A_375] : memref<128xi32, #tpu.memory_space<vmem>>[vector<16xi32>], vector<16xi32>,
        %gather3A_386 = tpu.vector_load_idx %arg17[%gather3A_380] : memref<10000xf32, #tpu.memory_space<vmem>>[vector<16xi32>], vector<16xf32>,
        %gather3A_387 = tpu.vector_load_idx %arg17[%gather3A_385] : memref<10000xf32, #tpu.memory_space<vmem>>[vector<16xi32>], vector<16xf32>,
        %sub3A_388 = arith.subf %gather3A_386, %gather3A_387 : vector<16xf32>
        %gather3A_389 = tpu.vector_load_idx %arg18[%gather3A_380] : memref<10000xf32, #tpu.memory_space<vmem>>[vector<16xi32>], vector<16xf32>,
        %gather3A_390 = tpu.vector_load_idx %arg18[%gather3A_385] : memref<10000xf32, #tpu.memory_space<vmem>>[vector<16xi32>], vector<16xf32>,
        %sub3A_391 = arith.subf %gather3A_389, %gather3A_390 : vector<16xf32>
        %gather3A_392 = tpu.vector_load_idx %arg19[%gather3A_380] : memref<10000xf32, #tpu.memory_space<vmem>>[vector<16xi32>], vector<16xf32>,
        %gather3A_393 = tpu.vector_load_idx %arg19[%gather3A_385] : memref<10000xf32, #tpu.memory_space<vmem>>[vector<16xi32>], vector<16xf32>,
        %sub3A_394 = arith.subf %gather3A_392, %gather3A_393 : vector<16xf32>
        %multiple_of3A_395 = arith.constant 96 : i32
        %multiple_of3A_396 = tpu.assume_multiple %multiple_of3A_395, 16 : i32
        %mul3A_397 = arith.mulf %sub3A_388, %sub3A_388 : vector<16xf32>
        %mul3A_398 = arith.mulf %sub3A_391, %sub3A_391 : vector<16xf32>
        %add3A_399 = arith.addf %mul3A_397, %mul3A_398 : vector<16xf32>
        %mul3A_400 = arith.mulf %sub3A_394, %sub3A_394 : vector<16xf32>
        %add3A_401 = arith.addf %add3A_399, %mul3A_400 : vector<16xf32>
        %swap3A_402 = arith.constant 1 : i32
        %swap3A_403 = arith.index_cast %swap3A_402 : i32 to index
        %swap3A_404 = arith.index_cast %multiple_of3A_396 : i32 to index
        %swap3A_405 = tpu.vector_load %arg16[%swap3A_403, %swap3A_404] {strides = array<i32>} : memref<2x128xf32, #tpu.memory_space<vmem>>, vector<16xf32>,
        tpu.vector_store %arg16[%swap3A_403, %swap3A_404], %add3A_401 {strides = array<i32>} : memref<2x128xf32, #tpu.memory_space<vmem>>, vector<16xf32>,
        %iota3A_406 = tpu.iota {dimensions = array<i32: 0>} : vector<16xi32>
        %mul3A_407 = arith.constant 2 : i32
        %mul3A_408 = vector.broadcast %mul3A_407 : i32 to vector<16xi32>
        %mul3A_409 = arith.muli %mul3A_408, %iota3A_406 : vector<16xi32>
        %add3A_410 = arith.constant 96 : i32
        %add3A_411 = vector.broadcast %add3A_410 : i32 to vector<16xi32>
        %add3A_412 = arith.addi %add3A_411, %mul3A_409 : vector<16xi32>
        %add3A_413 = arith.constant 0 : i32
        %add3A_414 = vector.broadcast %add3A_413 : i32 to vector<16xi32>
        %add3A_415 = arith.addi %add3A_412, %add3A_414 : vector<16xi32>
        %gather3A_416 = arith.constant 1 : i32
        %gather3A_417 = arith.constant 0 : i32
        %gather3A_418 = tpu.memref_slice %arg12[%gather3A_416, %gather3A_417] : memref<2x128xi32, #tpu.memory_space<vmem>> -> memref<1x128xi32, #tpu.memory_space<vmem>>
        %gather3A_419 = tpu.memref_squeeze %gather3A_418 : memref<1x128xi32, #tpu.memory_space<vmem>> -> memref<128xi32, #tpu.memory_space<vmem>>
        %gather3A_420 = tpu.vector_load_idx %gather3A_419[%add3A_415] : memref<128xi32, #tpu.memory_space<vmem>>[vector<16xi32>], vector<16xi32>,
        %gather3A_421 = arith.constant 1 : i32
        %gather3A_422 = arith.constant 0 : i32
        %gather3A_423 = tpu.memref_slice %arg13[%gather3A_421, %gather3A_422] : memref<2x128xi32, #tpu.memory_space<vmem>> -> memref<1x128xi32, #tpu.memory_space<vmem>>
        %gather3A_424 = tpu.memref_squeeze %gather3A_423 : memref<1x128xi32, #tpu.memory_space<vmem>> -> memref<128xi32, #tpu.memory_space<vmem>>
        %gather3A_425 = tpu.vector_load_idx %gather3A_424[%add3A_415] : memref<128xi32, #tpu.memory_space<vmem>>[vector<16xi32>], vector<16xi32>,
        %gather3A_426 = tpu.vector_load_idx %arg17[%gather3A_420] : memref<10000xf32, #tpu.memory_space<vmem>>[vector<16xi32>], vector<16xf32>,
        %gather3A_427 = tpu.vector_load_idx %arg17[%gather3A_425] : memref<10000xf32, #tpu.memory_space<vmem>>[vector<16xi32>], vector<16xf32>,
        %sub3A_428 = arith.subf %gather3A_426, %gather3A_427 : vector<16xf32>
        %gather3A_429 = tpu.vector_load_idx %arg18[%gather3A_420] : memref<10000xf32, #tpu.memory_space<vmem>>[vector<16xi32>], vector<16xf32>,
        %gather3A_430 = tpu.vector_load_idx %arg18[%gather3A_425] : memref<10000xf32, #tpu.memory_space<vmem>>[vector<16xi32>], vector<16xf32>,
        %sub3A_431 = arith.subf %gather3A_429, %gather3A_430 : vector<16xf32>
        %gather3A_432 = tpu.vector_load_idx %arg19[%gather3A_420] : memref<10000xf32, #tpu.memory_space<vmem>>[vector<16xi32>], vector<16xf32>,
        %gather3A_433 = tpu.vector_load_idx %arg19[%gather3A_425] : memref<10000xf32, #tpu.memory_space<vmem>>[vector<16xi32>], vector<16xf32>,
        %sub3A_434 = arith.subf %gather3A_432, %gather3A_433 : vector<16xf32>
        %multiple_of3A_435 = arith.constant 48 : i32
        %multiple_of3A_436 = tpu.assume_multiple %multiple_of3A_435, 16 : i32
        %mul3A_437 = arith.mulf %sub3A_428, %sub3A_428 : vector<16xf32>
        %mul3A_438 = arith.mulf %sub3A_431, %sub3A_431 : vector<16xf32>
        %add3A_439 = arith.addf %mul3A_437, %mul3A_438 : vector<16xf32>
        %mul3A_440 = arith.mulf %sub3A_434, %sub3A_434 : vector<16xf32>
        %add3A_441 = arith.addf %add3A_439, %mul3A_440 : vector<16xf32>
        %swap3A_442 = arith.constant 1 : i32
        %swap3A_443 = arith.index_cast %swap3A_442 : i32 to index
        %swap3A_444 = arith.index_cast %multiple_of3A_436 : i32 to index
        %swap3A_445 = tpu.vector_load %arg16[%swap3A_443, %swap3A_444] {strides = array<i32>} : memref<2x128xf32, #tpu.memory_space<vmem>>, vector<16xf32>,
        tpu.vector_store %arg16[%swap3A_443, %swap3A_444], %add3A_441 {strides = array<i32>} : memref<2x128xf32, #tpu.memory_space<vmem>>, vector<16xf32>,
        %add3A_446 = arith.constant 1 : i32
        %add3A_447 = vector.broadcast %add3A_446 : i32 to vector<16xi32>
        %add3A_448 = arith.addi %add3A_412, %add3A_447 : vector<16xi32>
        %gather3A_449 = arith.constant 1 : i32
        %gather3A_450 = arith.constant 0 : i32
        %gather3A_451 = tpu.memref_slice %arg12[%gather3A_449, %gather3A_450] : memref<2x128xi32, #tpu.memory_space<vmem>> -> memref<1x128xi32, #tpu.memory_space<vmem>>
        %gather3A_452 = tpu.memref_squeeze %gather3A_451 : memref<1x128xi32, #tpu.memory_space<vmem>> -> memref<128xi32, #tpu.memory_space<vmem>>
        %gather3A_453 = tpu.vector_load_idx %gather3A_452[%add3A_448] : memref<128xi32, #tpu.memory_space<vmem>>[vector<16xi32>], vector<16xi32>,
        %gather3A_454 = arith.constant 1 : i32
        %gather3A_455 = arith.constant 0 : i32
        %gather3A_456 = tpu.memref_slice %arg13[%gather3A_454, %gather3A_455] : memref<2x128xi32, #tpu.memory_space<vmem>> -> memref<1x128xi32, #tpu.memory_space<vmem>>
        %gather3A_457 = tpu.memref_squeeze %gather3A_456 : memref<1x128xi32, #tpu.memory_space<vmem>> -> memref<128xi32, #tpu.memory_space<vmem>>
        %gather3A_458 = tpu.vector_load_idx %gather3A_457[%add3A_448] : memref<128xi32, #tpu.memory_space<vmem>>[vector<16xi32>], vector<16xi32>,
        %gather3A_459 = tpu.vector_load_idx %arg17[%gather3A_453] : memref<10000xf32, #tpu.memory_space<vmem>>[vector<16xi32>], vector<16xf32>,
        %gather3A_460 = tpu.vector_load_idx %arg17[%gather3A_458] : memref<10000xf32, #tpu.memory_space<vmem>>[vector<16xi32>], vector<16xf32>,
        %sub3A_461 = arith.subf %gather3A_459, %gather3A_460 : vector<16xf32>
        %gather3A_462 = tpu.vector_load_idx %arg18[%gather3A_453] : memref<10000xf32, #tpu.memory_space<vmem>>[vector<16xi32>], vector<16xf32>,
        %gather3A_463 = tpu.vector_load_idx %arg18[%gather3A_458] : memref<10000xf32, #tpu.memory_space<vmem>>[vector<16xi32>], vector<16xf32>,
        %sub3A_464 = arith.subf %gather3A_462, %gather3A_463 : vector<16xf32>
        %gather3A_465 = tpu.vector_load_idx %arg19[%gather3A_453] : memref<10000xf32, #tpu.memory_space<vmem>>[vector<16xi32>], vector<16xf32>,
        %gather3A_466 = tpu.vector_load_idx %arg19[%gather3A_458] : memref<10000xf32, #tpu.memory_space<vmem>>[vector<16xi32>], vector<16xf32>,
        %sub3A_467 = arith.subf %gather3A_465, %gather3A_466 : vector<16xf32>
        %multiple_of3A_468 = arith.constant 112 : i32
        %multiple_of3A_469 = tpu.assume_multiple %multiple_of3A_468, 16 : i32
        %mul3A_470 = arith.mulf %sub3A_461, %sub3A_461 : vector<16xf32>
        %mul3A_471 = arith.mulf %sub3A_464, %sub3A_464 : vector<16xf32>
        %add3A_472 = arith.addf %mul3A_470, %mul3A_471 : vector<16xf32>
        %mul3A_473 = arith.mulf %sub3A_467, %sub3A_467 : vector<16xf32>
        %add3A_474 = arith.addf %add3A_472, %mul3A_473 : vector<16xf32>
        %swap3A_475 = arith.constant 1 : i32
        %swap3A_476 = arith.index_cast %swap3A_475 : i32 to index
        %swap3A_477 = arith.index_cast %multiple_of3A_469 : i32 to index
        %swap3A_478 = tpu.vector_load %arg16[%swap3A_476, %swap3A_477] {strides = array<i32>} : memref<2x128xf32, #tpu.memory_space<vmem>>, vector<16xf32>,
        tpu.vector_store %arg16[%swap3A_476, %swap3A_477], %add3A_474 {strides = array<i32>} : memref<2x128xf32, #tpu.memory_space<vmem>>, vector<16xf32>,
      } else {
      }
    }
    %while3A_88 = arith.constant 1 : i32
    scf.for %while3A_113 = %while3A_86 to %while3A_82 step %while3A_88  : i32 {
      %mul3A_114 = arith.muli %while3A_113, %while3A : i32
      %add3A_115 = arith.addi %while3A_79, %mul3A_114 : i32
      %mul3A_116 = arith.constant 2 : i32
      %mul3A_117 = arith.muli %mul3A_116, %add3A_115 : i32
      %lt3A_118 = arith.cmpi slt, %mul3A_117, %select_n3A : i32
      %convert_element_type3A_119 = arith.extui %lt3A_118 : i1 to i32
      %cond3A_120 = arith.constant 0 : i32
      %cond3A_121 = arith.cmpi ne, %convert_element_type3A_119, %cond3A_120 : i32
      scf.if %cond3A_121 {
        %ge3A = arith.constant 2 : i32
        %ge3A_130 = arith.cmpi sge, %mul3A_117, %ge3A : i32
        %convert_element_type3A_131 = arith.extui %ge3A_130 : i1 to i32
        %cond3A_132 = arith.constant 0 : i32
        %cond3A_133 = arith.cmpi ne, %convert_element_type3A_131, %cond3A_132 : i32
        scf.if %cond3A_133 {
          %dma_wait3A_479 = arith.constant 0 : i32
          %dma_wait3A_480 = arith.constant 0 : i32
          %dma_wait3A_481 = arith.constant 0 : i32
          %dma_wait3A_482 = tpu.memref_slice %arg14[%dma_wait3A_479, %dma_wait3A_480, %dma_wait3A_481] : memref<2x128x64xf32, #tpu.memory_space<vmem>> -> memref<1x128x64xf32, #tpu.memory_space<vmem>>
          %dma_wait3A_483 = tpu.memref_squeeze %dma_wait3A_482 : memref<1x128x64xf32, #tpu.memory_space<vmem>> -> memref<128x64xf32, #tpu.memory_space<vmem>>
          %dma_wait3A_484 = arith.constant 0 : i32
          %dma_wait3A_485 = arith.constant 0 : i32
          %dma_wait3A_486 = tpu.memref_slice %arg9[%dma_wait3A_484, %dma_wait3A_485] : memref<320000x64xf32, #tpu.memory_space<hbm>> -> memref<128x64xf32, #tpu.memory_space<hbm>>
          %dma_wait3A_487 = arith.constant 0 : i32
          %dma_wait3A_488 = arith.constant 0 : i32
          %dma_wait3A_489 = tpu.memref_slice %arg9[%dma_wait3A_487, %dma_wait3A_488] : memref<320000x64xf32, #tpu.memory_space<hbm>> -> memref<128x64xf32, #tpu.memory_space<hbm>>
          %dma_wait3A_490 = arith.constant 0 : i32
          %dma_wait3A_491 = arith.constant 0 : i32
          %dma_wait3A_492 = tpu.memref_slice %arg14[%dma_wait3A_479, %dma_wait3A_490, %dma_wait3A_491] : memref<2x128x64xf32, #tpu.memory_space<vmem>> -> memref<1x128x64xf32, #tpu.memory_space<vmem>>
          %dma_wait3A_493 = tpu.memref_squeeze %dma_wait3A_492 : memref<1x128x64xf32, #tpu.memory_space<vmem>> -> memref<128x64xf32, #tpu.memory_space<vmem>>
          tpu.wait_dma2 semaphore(%arg22 : memref<!tpu.dma_semaphore, #tpu.memory_space<semaphore_mem>>) src(%dma_wait3A_493 : memref<128x64xf32, #tpu.memory_space<vmem>>) dst(%dma_wait3A_489 : memref<128x64xf32, #tpu.memory_space<hbm>>)
          %dma_wait3A_494 = arith.constant 0 : i32
          %dma_wait3A_495 = arith.constant 0 : i32
          %dma_wait3A_496 = arith.constant 0 : i32
          %dma_wait3A_497 = tpu.memref_slice %arg15[%dma_wait3A_494, %dma_wait3A_495, %dma_wait3A_496] : memref<2x128x64xf32, #tpu.memory_space<vmem>> -> memref<1x128x64xf32, #tpu.memory_space<vmem>>
          %dma_wait3A_498 = tpu.memref_squeeze %dma_wait3A_497 : memref<1x128x64xf32, #tpu.memory_space<vmem>> -> memref<128x64xf32, #tpu.memory_space<vmem>>
          %dma_wait3A_499 = arith.constant 0 : i32
          %dma_wait3A_500 = arith.constant 0 : i32
          %dma_wait3A_501 = tpu.memref_slice %arg10[%dma_wait3A_499, %dma_wait3A_500] : memref<320000x64xf32, #tpu.memory_space<hbm>> -> memref<128x64xf32, #tpu.memory_space<hbm>>
          %dma_wait3A_502 = arith.constant 0 : i32
          %dma_wait3A_503 = arith.constant 0 : i32
          %dma_wait3A_504 = tpu.memref_slice %arg10[%dma_wait3A_502, %dma_wait3A_503] : memref<320000x64xf32, #tpu.memory_space<hbm>> -> memref<128x64xf32, #tpu.memory_space<hbm>>
          %dma_wait3A_505 = arith.constant 0 : i32
          %dma_wait3A_506 = arith.constant 0 : i32
          %dma_wait3A_507 = tpu.memref_slice %arg15[%dma_wait3A_494, %dma_wait3A_505, %dma_wait3A_506] : memref<2x128x64xf32, #tpu.memory_space<vmem>> -> memref<1x128x64xf32, #tpu.memory_space<vmem>>
          %dma_wait3A_508 = tpu.memref_squeeze %dma_wait3A_507 : memref<1x128x64xf32, #tpu.memory_space<vmem>> -> memref<128x64xf32, #tpu.memory_space<vmem>>
          tpu.wait_dma2 semaphore(%arg22 : memref<!tpu.dma_semaphore, #tpu.memory_space<semaphore_mem>>) src(%dma_wait3A_508 : memref<128x64xf32, #tpu.memory_space<vmem>>) dst(%dma_wait3A_504 : memref<128x64xf32, #tpu.memory_space<hbm>>)
          %dma_wait3A_509 = arith.constant 0 : i32
          %dma_wait3A_510 = arith.constant 0 : i32
          %dma_wait3A_511 = arith.constant 0 : i32
          %dma_wait3A_512 = tpu.memref_slice %arg16[%dma_wait3A_509, %dma_wait3A_511] : memref<2x128xf32, #tpu.memory_space<vmem>> -> memref<1x128xf32, #tpu.memory_space<vmem>>
          %dma_wait3A_513 = tpu.memref_squeeze %dma_wait3A_512 : memref<1x128xf32, #tpu.memory_space<vmem>> -> memref<128xf32, #tpu.memory_space<vmem>>
          %dma_wait3A_514 = arith.constant 0 : i32
          %dma_wait3A_515 = tpu.memref_slice %arg11[%dma_wait3A_510, %dma_wait3A_514] : memref<2500x128xf32, #tpu.memory_space<hbm>> -> memref<1x128xf32, #tpu.memory_space<hbm>>
          %dma_wait3A_516 = tpu.memref_squeeze %dma_wait3A_515 : memref<1x128xf32, #tpu.memory_space<hbm>> -> memref<128xf32, #tpu.memory_space<hbm>>
          %dma_wait3A_517 = arith.constant 0 : i32
          %dma_wait3A_518 = tpu.memref_slice %arg11[%dma_wait3A_510, %dma_wait3A_517] : memref<2500x128xf32, #tpu.memory_space<hbm>> -> memref<1x128xf32, #tpu.memory_space<hbm>>
          %dma_wait3A_519 = tpu.memref_squeeze %dma_wait3A_518 : memref<1x128xf32, #tpu.memory_space<hbm>> -> memref<128xf32, #tpu.memory_space<hbm>>
          %dma_wait3A_520 = arith.constant 0 : i32
          %dma_wait3A_521 = tpu.memref_slice %arg16[%dma_wait3A_509, %dma_wait3A_520] : memref<2x128xf32, #tpu.memory_space<vmem>> -> memref<1x128xf32, #tpu.memory_space<vmem>>
          %dma_wait3A_522 = tpu.memref_squeeze %dma_wait3A_521 : memref<1x128xf32, #tpu.memory_space<vmem>> -> memref<128xf32, #tpu.memory_space<vmem>>
          tpu.wait_dma2 semaphore(%arg22 : memref<!tpu.dma_semaphore, #tpu.memory_space<semaphore_mem>>) src(%dma_wait3A_522 : memref<128xf32, #tpu.memory_space<vmem>>) dst(%dma_wait3A_519 : memref<128xf32, #tpu.memory_space<hbm>>)
        } else {
        }
        %dma_wait3A = arith.constant 0 : i32
        %dma_wait3A_134 = arith.constant 0 : i32
        %dma_wait3A_135 = tpu.memref_slice %arg12[%dma_wait3A, %dma_wait3A_134] : memref<2x128xi32, #tpu.memory_space<vmem>> -> memref<1x128xi32, #tpu.memory_space<vmem>>
        %dma_wait3A_136 = tpu.memref_squeeze %dma_wait3A_135 : memref<1x128xi32, #tpu.memory_space<vmem>> -> memref<128xi32, #tpu.memory_space<vmem>>
        %dma_wait3A_137 = arith.constant 0 : i32
        %dma_wait3A_138 = tpu.memref_slice %arg7[%dma_wait3A_137] : memref<320000xi32, #tpu.memory_space<hbm>> -> memref<128xi32, #tpu.memory_space<hbm>>
        %dma_wait3A_139 = arith.constant 0 : i32
        %dma_wait3A_140 = tpu.memref_slice %arg12[%dma_wait3A, %dma_wait3A_139] : memref<2x128xi32, #tpu.memory_space<vmem>> -> memref<1x128xi32, #tpu.memory_space<vmem>>
        %dma_wait3A_141 = tpu.memref_squeeze %dma_wait3A_140 : memref<1x128xi32, #tpu.memory_space<vmem>> -> memref<128xi32, #tpu.memory_space<vmem>>
        %dma_wait3A_142 = arith.constant 0 : i32
        %dma_wait3A_143 = tpu.memref_slice %arg7[%dma_wait3A_142] : memref<320000xi32, #tpu.memory_space<hbm>> -> memref<128xi32, #tpu.memory_space<hbm>>
        tpu.wait_dma2 semaphore(%arg20 : memref<!tpu.dma_semaphore, #tpu.memory_space<semaphore_mem>>) src(%dma_wait3A_143 : memref<128xi32, #tpu.memory_space<hbm>>) dst(%dma_wait3A_141 : memref<128xi32, #tpu.memory_space<vmem>>)
        %dma_wait3A_144 = arith.constant 0 : i32
        %dma_wait3A_145 = arith.constant 0 : i32
        %dma_wait3A_146 = tpu.memref_slice %arg13[%dma_wait3A_144, %dma_wait3A_145] : memref<2x128xi32, #tpu.memory_space<vmem>> -> memref<1x128xi32, #tpu.memory_space<vmem>>
        %dma_wait3A_147 = tpu.memref_squeeze %dma_wait3A_146 : memref<1x128xi32, #tpu.memory_space<vmem>> -> memref<128xi32, #tpu.memory_space<vmem>>
        %dma_wait3A_148 = arith.constant 0 : i32
        %dma_wait3A_149 = tpu.memref_slice %arg8[%dma_wait3A_148] : memref<320000xi32, #tpu.memory_space<hbm>> -> memref<128xi32, #tpu.memory_space<hbm>>
        %dma_wait3A_150 = arith.constant 0 : i32
        %dma_wait3A_151 = tpu.memref_slice %arg13[%dma_wait3A_144, %dma_wait3A_150] : memref<2x128xi32, #tpu.memory_space<vmem>> -> memref<1x128xi32, #tpu.memory_space<vmem>>
        %dma_wait3A_152 = tpu.memref_squeeze %dma_wait3A_151 : memref<1x128xi32, #tpu.memory_space<vmem>> -> memref<128xi32, #tpu.memory_space<vmem>>
        %dma_wait3A_153 = arith.constant 0 : i32
        %dma_wait3A_154 = tpu.memref_slice %arg8[%dma_wait3A_153] : memref<320000xi32, #tpu.memory_space<hbm>> -> memref<128xi32, #tpu.memory_space<hbm>>
        tpu.wait_dma2 semaphore(%arg20 : memref<!tpu.dma_semaphore, #tpu.memory_space<semaphore_mem>>) src(%dma_wait3A_154 : memref<128xi32, #tpu.memory_space<hbm>>) dst(%dma_wait3A_152 : memref<128xi32, #tpu.memory_space<vmem>>)
        %dma_start3A_155 = arith.constant 0 : i32
        %dma_start3A_156 = arith.constant 0 : i32
        %dma_start3A_157 = arith.constant 0 : i32
        %dma_start3A_158 = arith.constant 0 : i32
        %dma_start3A_159 = tpu.memref_slice %arg14[%dma_start3A_156, %dma_start3A_157, %dma_start3A_158] : memref<2x128x64xf32, #tpu.memory_space<vmem>> -> memref<1x128x64xf32, #tpu.memory_space<vmem>>
        %dma_start3A_160 = tpu.memref_squeeze %dma_start3A_159 : memref<1x128x64xf32, #tpu.memory_space<vmem>> -> memref<128x64xf32, #tpu.memory_space<vmem>>
        %dma_start3A_161 = arith.constant 0 : i32
        %dma_start3A_162 = tpu.memref_slice %arg12[%dma_start3A_155, %dma_start3A_161] : memref<2x128xi32, #tpu.memory_space<vmem>> -> memref<1x128xi32, #tpu.memory_space<vmem>>
        %dma_start3A_163 = tpu.memref_squeeze %dma_start3A_162 : memref<1x128xi32, #tpu.memory_space<vmem>> -> memref<128xi32, #tpu.memory_space<vmem>>
        %dma_start3A_164 = arith.constant 0 : i32
        %dma_start3A_165 = arith.constant 0 : i32
        %dma_start3A_166 = tpu.memref_slice %arg2[%dma_start3A_164, %dma_start3A_165] : memref<10000x64xf32, #tpu.memory_space<hbm>> -> memref<10000x64xf32, #tpu.memory_space<hbm>>
        tpu.enqueue_indirect_dma source(%dma_start3A_166 : memref<10000x64xf32, #tpu.memory_space<hbm>>) target(%dma_start3A_160 : memref<128x64xf32, #tpu.memory_space<vmem>>) offsets(%dma_start3A_163 : memref<128xi32, #tpu.memory_space<vmem>>) semaphore(%arg21 : memref<!tpu.dma_semaphore, #tpu.memory_space<semaphore_mem>>)
        %dma_start3A_167 = arith.constant 0 : i32
        %dma_start3A_168 = arith.constant 0 : i32
        %dma_start3A_169 = arith.constant 0 : i32
        %dma_start3A_170 = arith.constant 0 : i32
        %dma_start3A_171 = tpu.memref_slice %arg15[%dma_start3A_168, %dma_start3A_169, %dma_start3A_170] : memref<2x128x64xf32, #tpu.memory_space<vmem>> -> memref<1x128x64xf32, #tpu.memory_space<vmem>>
        %dma_start3A_172 = tpu.memref_squeeze %dma_start3A_171 : memref<1x128x64xf32, #tpu.memory_space<vmem>> -> memref<128x64xf32, #tpu.memory_space<vmem>>
        %dma_start3A_173 = arith.constant 0 : i32
        %dma_start3A_174 = tpu.memref_slice %arg13[%dma_start3A_167, %dma_start3A_173] : memref<2x128xi32, #tpu.memory_space<vmem>> -> memref<1x128xi32, #tpu.memory_space<vmem>>
        %dma_start3A_175 = tpu.memref_squeeze %dma_start3A_174 : memref<1x128xi32, #tpu.memory_space<vmem>> -> memref<128xi32, #tpu.memory_space<vmem>>
        %dma_start3A_176 = arith.constant 0 : i32
        %dma_start3A_177 = arith.constant 0 : i32
        %dma_start3A_178 = tpu.memref_slice %arg3[%dma_start3A_176, %dma_start3A_177] : memref<10000x64xf32, #tpu.memory_space<hbm>> -> memref<10000x64xf32, #tpu.memory_space<hbm>>
        tpu.enqueue_indirect_dma source(%dma_start3A_178 : memref<10000x64xf32, #tpu.memory_space<hbm>>) target(%dma_start3A_172 : memref<128x64xf32, #tpu.memory_space<vmem>>) offsets(%dma_start3A_175 : memref<128xi32, #tpu.memory_space<vmem>>) semaphore(%arg21 : memref<!tpu.dma_semaphore, #tpu.memory_space<semaphore_mem>>)
        %ge3A_179 = arith.constant 1 : i32
        %ge3A_180 = arith.cmpi sge, %mul3A_117, %ge3A_179 : i32
        %convert_element_type3A_181 = arith.extui %ge3A_180 : i1 to i32
        %cond3A_182 = arith.constant 0 : i32
        %cond3A_183 = arith.cmpi ne, %convert_element_type3A_181, %cond3A_182 : i32
        scf.if %cond3A_183 {
          %dma_wait3A_479 = arith.constant 1 : i32
          %dma_wait3A_480 = arith.constant 0 : i32
          %dma_wait3A_481 = arith.constant 0 : i32
          %dma_wait3A_482 = tpu.memref_slice %arg14[%dma_wait3A_479, %dma_wait3A_480, %dma_wait3A_481] : memref<2x128x64xf32, #tpu.memory_space<vmem>> -> memref<1x128x64xf32, #tpu.memory_space<vmem>>
          %dma_wait3A_483 = tpu.memref_squeeze %dma_wait3A_482 : memref<1x128x64xf32, #tpu.memory_space<vmem>> -> memref<128x64xf32, #tpu.memory_space<vmem>>
          %dma_wait3A_484 = arith.constant 0 : i32
          %dma_wait3A_485 = arith.constant 0 : i32
          %dma_wait3A_486 = tpu.memref_slice %arg2[%dma_wait3A_484, %dma_wait3A_485] : memref<10000x64xf32, #tpu.memory_space<hbm>> -> memref<128x64xf32, #tpu.memory_space<hbm>>
          %dma_wait3A_487 = arith.constant 0 : i32
          %dma_wait3A_488 = arith.constant 0 : i32
          %dma_wait3A_489 = tpu.memref_slice %arg14[%dma_wait3A_479, %dma_wait3A_487, %dma_wait3A_488] : memref<2x128x64xf32, #tpu.memory_space<vmem>> -> memref<1x128x64xf32, #tpu.memory_space<vmem>>
          %dma_wait3A_490 = tpu.memref_squeeze %dma_wait3A_489 : memref<1x128x64xf32, #tpu.memory_space<vmem>> -> memref<128x64xf32, #tpu.memory_space<vmem>>
          %dma_wait3A_491 = arith.constant 0 : i32
          %dma_wait3A_492 = arith.constant 0 : i32
          %dma_wait3A_493 = tpu.memref_slice %arg2[%dma_wait3A_491, %dma_wait3A_492] : memref<10000x64xf32, #tpu.memory_space<hbm>> -> memref<128x64xf32, #tpu.memory_space<hbm>>
          tpu.wait_dma2 semaphore(%arg21 : memref<!tpu.dma_semaphore, #tpu.memory_space<semaphore_mem>>) src(%dma_wait3A_493 : memref<128x64xf32, #tpu.memory_space<hbm>>) dst(%dma_wait3A_490 : memref<128x64xf32, #tpu.memory_space<vmem>>)
          %dma_wait3A_494 = arith.constant 1 : i32
          %dma_wait3A_495 = arith.constant 0 : i32
          %dma_wait3A_496 = arith.constant 0 : i32
          %dma_wait3A_497 = tpu.memref_slice %arg15[%dma_wait3A_494, %dma_wait3A_495, %dma_wait3A_496] : memref<2x128x64xf32, #tpu.memory_space<vmem>> -> memref<1x128x64xf32, #tpu.memory_space<vmem>>
          %dma_wait3A_498 = tpu.memref_squeeze %dma_wait3A_497 : memref<1x128x64xf32, #tpu.memory_space<vmem>> -> memref<128x64xf32, #tpu.memory_space<vmem>>
          %dma_wait3A_499 = arith.constant 0 : i32
          %dma_wait3A_500 = arith.constant 0 : i32
          %dma_wait3A_501 = tpu.memref_slice %arg3[%dma_wait3A_499, %dma_wait3A_500] : memref<10000x64xf32, #tpu.memory_space<hbm>> -> memref<128x64xf32, #tpu.memory_space<hbm>>
          %dma_wait3A_502 = arith.constant 0 : i32
          %dma_wait3A_503 = arith.constant 0 : i32
          %dma_wait3A_504 = tpu.memref_slice %arg15[%dma_wait3A_494, %dma_wait3A_502, %dma_wait3A_503] : memref<2x128x64xf32, #tpu.memory_space<vmem>> -> memref<1x128x64xf32, #tpu.memory_space<vmem>>
          %dma_wait3A_505 = tpu.memref_squeeze %dma_wait3A_504 : memref<1x128x64xf32, #tpu.memory_space<vmem>> -> memref<128x64xf32, #tpu.memory_space<vmem>>
          %dma_wait3A_506 = arith.constant 0 : i32
          %dma_wait3A_507 = arith.constant 0 : i32
          %dma_wait3A_508 = tpu.memref_slice %arg3[%dma_wait3A_506, %dma_wait3A_507] : memref<10000x64xf32, #tpu.memory_space<hbm>> -> memref<128x64xf32, #tpu.memory_space<hbm>>
          tpu.wait_dma2 semaphore(%arg21 : memref<!tpu.dma_semaphore, #tpu.memory_space<semaphore_mem>>) src(%dma_wait3A_508 : memref<128x64xf32, #tpu.memory_space<hbm>>) dst(%dma_wait3A_505 : memref<128x64xf32, #tpu.memory_space<vmem>>)
          %sub3A_509 = arith.constant 1 : i32
          %sub3A_510 = arith.subi %mul3A_117, %sub3A_509 : i32
          %mul3A_511 = arith.constant 32 : i32
          %mul3A_512 = arith.muli %sub3A_510, %mul3A_511 : i32
          %add3A_513 = arith.addi %mul3A_512, %add3A : i32
          %min3A_514 = arith.constant 2499 : i32
          %min3A_515 = arith.minsi %add3A_513, %min3A_514 : i32
          %mul3A_516 = arith.constant 128 : i32
          %mul3A_517 = arith.muli %min3A_515, %mul3A_516 : i32
          %multiple_of3A_518 = tpu.assume_multiple %mul3A_517, 128 : i32
          %dma_start3A_519 = arith.constant 1 : i32
          %dma_start3A_520 = arith.constant 0 : i32
          %dma_start3A_521 = arith.constant 0 : i32
          %dma_start3A_522 = tpu.memref_slice %arg14[%dma_start3A_519, %dma_start3A_520, %dma_start3A_521] : memref<2x128x64xf32, #tpu.memory_space<vmem>> -> memref<1x128x64xf32, #tpu.memory_space<vmem>>
          %dma_start3A_523 = tpu.memref_squeeze %dma_start3A_522 : memref<1x128x64xf32, #tpu.memory_space<vmem>> -> memref<128x64xf32, #tpu.memory_space<vmem>>
          %dma_start3A_524 = arith.constant 0 : i32
          %dma_start3A_525 = tpu.memref_slice %arg9[%multiple_of3A_518, %dma_start3A_524] : memref<320000x64xf32, #tpu.memory_space<hbm>> -> memref<128x64xf32, #tpu.memory_space<hbm>>
          %dma_start3A_526 = arith.constant 0 : i32
          %dma_start3A_527 = tpu.memref_slice %arg9[%multiple_of3A_518, %dma_start3A_526] : memref<320000x64xf32, #tpu.memory_space<hbm>> -> memref<128x64xf32, #tpu.memory_space<hbm>>
          %dma_start3A_528 = arith.constant 0 : i32
          %dma_start3A_529 = arith.constant 0 : i32
          %dma_start3A_530 = tpu.memref_slice %arg14[%dma_start3A_519, %dma_start3A_528, %dma_start3A_529] : memref<2x128x64xf32, #tpu.memory_space<vmem>> -> memref<1x128x64xf32, #tpu.memory_space<vmem>>
          %dma_start3A_531 = tpu.memref_squeeze %dma_start3A_530 : memref<1x128x64xf32, #tpu.memory_space<vmem>> -> memref<128x64xf32, #tpu.memory_space<vmem>>
          tpu.enqueue_dma source(%dma_start3A_531 : memref<128x64xf32, #tpu.memory_space<vmem>>) target(%dma_start3A_527 : memref<128x64xf32, #tpu.memory_space<hbm>>) target_semaphore(%arg22 : memref<!tpu.dma_semaphore, #tpu.memory_space<semaphore_mem>>)
          %dma_start3A_532 = arith.constant 1 : i32
          %dma_start3A_533 = arith.constant 0 : i32
          %dma_start3A_534 = arith.constant 0 : i32
          %dma_start3A_535 = tpu.memref_slice %arg15[%dma_start3A_532, %dma_start3A_533, %dma_start3A_534] : memref<2x128x64xf32, #tpu.memory_space<vmem>> -> memref<1x128x64xf32, #tpu.memory_space<vmem>>
          %dma_start3A_536 = tpu.memref_squeeze %dma_start3A_535 : memref<1x128x64xf32, #tpu.memory_space<vmem>> -> memref<128x64xf32, #tpu.memory_space<vmem>>
          %dma_start3A_537 = arith.constant 0 : i32
          %dma_start3A_538 = tpu.memref_slice %arg10[%multiple_of3A_518, %dma_start3A_537] : memref<320000x64xf32, #tpu.memory_space<hbm>> -> memref<128x64xf32, #tpu.memory_space<hbm>>
          %dma_start3A_539 = arith.constant 0 : i32
          %dma_start3A_540 = tpu.memref_slice %arg10[%multiple_of3A_518, %dma_start3A_539] : memref<320000x64xf32, #tpu.memory_space<hbm>> -> memref<128x64xf32, #tpu.memory_space<hbm>>
          %dma_start3A_541 = arith.constant 0 : i32
          %dma_start3A_542 = arith.constant 0 : i32
          %dma_start3A_543 = tpu.memref_slice %arg15[%dma_start3A_532, %dma_start3A_541, %dma_start3A_542] : memref<2x128x64xf32, #tpu.memory_space<vmem>> -> memref<1x128x64xf32, #tpu.memory_space<vmem>>
          %dma_start3A_544 = tpu.memref_squeeze %dma_start3A_543 : memref<1x128x64xf32, #tpu.memory_space<vmem>> -> memref<128x64xf32, #tpu.memory_space<vmem>>
          tpu.enqueue_dma source(%dma_start3A_544 : memref<128x64xf32, #tpu.memory_space<vmem>>) target(%dma_start3A_540 : memref<128x64xf32, #tpu.memory_space<hbm>>) target_semaphore(%arg22 : memref<!tpu.dma_semaphore, #tpu.memory_space<semaphore_mem>>)
          %dma_start3A_545 = arith.constant 1 : i32
          %dma_start3A_546 = arith.constant 0 : i32
          %dma_start3A_547 = tpu.memref_slice %arg16[%dma_start3A_545, %dma_start3A_546] : memref<2x128xf32, #tpu.memory_space<vmem>> -> memref<1x128xf32, #tpu.memory_space<vmem>>
          %dma_start3A_548 = tpu.memref_squeeze %dma_start3A_547 : memref<1x128xf32, #tpu.memory_space<vmem>> -> memref<128xf32, #tpu.memory_space<vmem>>
          %dma_start3A_549 = arith.constant 0 : i32
          %dma_start3A_550 = tpu.memref_slice %arg11[%min3A_515, %dma_start3A_549] : memref<2500x128xf32, #tpu.memory_space<hbm>> -> memref<1x128xf32, #tpu.memory_space<hbm>>
          %dma_start3A_551 = tpu.memref_squeeze %dma_start3A_550 : memref<1x128xf32, #tpu.memory_space<hbm>> -> memref<128xf32, #tpu.memory_space<hbm>>
          %dma_start3A_552 = arith.constant 0 : i32
          %dma_start3A_553 = tpu.memref_slice %arg11[%min3A_515, %dma_start3A_552] : memref<2500x128xf32, #tpu.memory_space<hbm>> -> memref<1x128xf32, #tpu.memory_space<hbm>>
          %dma_start3A_554 = tpu.memref_squeeze %dma_start3A_553 : memref<1x128xf32, #tpu.memory_space<hbm>> -> memref<128xf32, #tpu.memory_space<hbm>>
          %dma_start3A_555 = arith.constant 0 : i32
          %dma_start3A_556 = tpu.memref_slice %arg16[%dma_start3A_545, %dma_start3A_555] : memref<2x128xf32, #tpu.memory_space<vmem>> -> memref<1x128xf32, #tpu.memory_space<vmem>>
          %dma_start3A_557 = tpu.memref_squeeze %dma_start3A_556 : memref<1x128xf32, #tpu.memory_space<vmem>> -> memref<128xf32, #tpu.memory_space<vmem>>
          tpu.enqueue_dma source(%dma_start3A_557 : memref<128xf32, #tpu.memory_space<vmem>>) target(%dma_start3A_554 : memref<128xf32, #tpu.memory_space<hbm>>) target_semaphore(%arg22 : memref<!tpu.dma_semaphore, #tpu.memory_space<semaphore_mem>>)
        } else {
        }
        %add3A_184 = arith.constant 1 : i32
        %add3A_185 = arith.addi %mul3A_117, %add3A_184 : i32
        %lt3A_186 = arith.cmpi slt, %add3A_185, %select_n3A : i32
        %convert_element_type3A_187 = arith.extui %lt3A_186 : i1 to i32
        %cond3A_188 = arith.constant 0 : i32
        %cond3A_189 = arith.cmpi ne, %convert_element_type3A_187, %cond3A_188 : i32
        scf.if %cond3A_189 {
          %add3A_479 = arith.constant 1 : i32
          %add3A_480 = arith.addi %mul3A_117, %add3A_479 : i32
          %mul3A_481 = arith.constant 32 : i32
          %mul3A_482 = arith.muli %add3A_480, %mul3A_481 : i32
          %add3A_483 = arith.addi %mul3A_482, %add3A : i32
          %min3A_484 = arith.constant 2499 : i32
          %min3A_485 = arith.minsi %add3A_483, %min3A_484 : i32
          %mul3A_486 = arith.constant 128 : i32
          %mul3A_487 = arith.muli %min3A_485, %mul3A_486 : i32
          %multiple_of3A_488 = tpu.assume_multiple %mul3A_487, 128 : i32
          %dma_start3A_489 = arith.constant 1 : i32
          %dma_start3A_490 = arith.constant 0 : i32
          %dma_start3A_491 = tpu.memref_slice %arg12[%dma_start3A_489, %dma_start3A_490] : memref<2x128xi32, #tpu.memory_space<vmem>> -> memref<1x128xi32, #tpu.memory_space<vmem>>
          %dma_start3A_492 = tpu.memref_squeeze %dma_start3A_491 : memref<1x128xi32, #tpu.memory_space<vmem>> -> memref<128xi32, #tpu.memory_space<vmem>>
          %dma_start3A_493 = tpu.memref_slice %arg7[%multiple_of3A_488] : memref<320000xi32, #tpu.memory_space<hbm>> -> memref<128xi32, #tpu.memory_space<hbm>>
          %dma_start3A_494 = arith.constant 0 : i32
          %dma_start3A_495 = tpu.memref_slice %arg12[%dma_start3A_489, %dma_start3A_494] : memref<2x128xi32, #tpu.memory_space<vmem>> -> memref<1x128xi32, #tpu.memory_space<vmem>>
          %dma_start3A_496 = tpu.memref_squeeze %dma_start3A_495 : memref<1x128xi32, #tpu.memory_space<vmem>> -> memref<128xi32, #tpu.memory_space<vmem>>
          %dma_start3A_497 = tpu.memref_slice %arg7[%multiple_of3A_488] : memref<320000xi32, #tpu.memory_space<hbm>> -> memref<128xi32, #tpu.memory_space<hbm>>
          tpu.enqueue_dma source(%dma_start3A_497 : memref<128xi32, #tpu.memory_space<hbm>>) target(%dma_start3A_496 : memref<128xi32, #tpu.memory_space<vmem>>) target_semaphore(%arg20 : memref<!tpu.dma_semaphore, #tpu.memory_space<semaphore_mem>>)
          %dma_start3A_498 = arith.constant 1 : i32
          %dma_start3A_499 = arith.constant 0 : i32
          %dma_start3A_500 = tpu.memref_slice %arg13[%dma_start3A_498, %dma_start3A_499] : memref<2x128xi32, #tpu.memory_space<vmem>> -> memref<1x128xi32, #tpu.memory_space<vmem>>
          %dma_start3A_501 = tpu.memref_squeeze %dma_start3A_500 : memref<1x128xi32, #tpu.memory_space<vmem>> -> memref<128xi32, #tpu.memory_space<vmem>>
          %dma_start3A_502 = tpu.memref_slice %arg8[%multiple_of3A_488] : memref<320000xi32, #tpu.memory_space<hbm>> -> memref<128xi32, #tpu.memory_space<hbm>>
          %dma_start3A_503 = arith.constant 0 : i32
          %dma_start3A_504 = tpu.memref_slice %arg13[%dma_start3A_498, %dma_start3A_503] : memref<2x128xi32, #tpu.memory_space<vmem>> -> memref<1x128xi32, #tpu.memory_space<vmem>>
          %dma_start3A_505 = tpu.memref_squeeze %dma_start3A_504 : memref<1x128xi32, #tpu.memory_space<vmem>> -> memref<128xi32, #tpu.memory_space<vmem>>
          %dma_start3A_506 = tpu.memref_slice %arg8[%multiple_of3A_488] : memref<320000xi32, #tpu.memory_space<hbm>> -> memref<128xi32, #tpu.memory_space<hbm>>
          tpu.enqueue_dma source(%dma_start3A_506 : memref<128xi32, #tpu.memory_space<hbm>>) target(%dma_start3A_505 : memref<128xi32, #tpu.memory_space<vmem>>) target_semaphore(%arg20 : memref<!tpu.dma_semaphore, #tpu.memory_space<semaphore_mem>>)
        } else {
        }
        %iota3A = tpu.iota {dimensions = array<i32: 0>} : vector<16xi32>
        %mul3A_190 = arith.constant 2 : i32
        %mul3A_191 = vector.broadcast %mul3A_190 : i32 to vector<16xi32>
        %mul3A_192 = arith.muli %mul3A_191, %iota3A : vector<16xi32>
        %add3A_193 = arith.constant 0 : i32
        %add3A_194 = vector.broadcast %add3A_193 : i32 to vector<16xi32>
        %add3A_195 = arith.addi %add3A_194, %mul3A_192 : vector<16xi32>
        %add3A_196 = arith.constant 0 : i32
        %add3A_197 = vector.broadcast %add3A_196 : i32 to vector<16xi32>
        %add3A_198 = arith.addi %add3A_195, %add3A_197 : vector<16xi32>
        %gather3A = arith.constant 0 : i32
        %gather3A_199 = arith.constant 0 : i32
        %gather3A_200 = tpu.memref_slice %arg12[%gather3A, %gather3A_199] : memref<2x128xi32, #tpu.memory_space<vmem>> -> memref<1x128xi32, #tpu.memory_space<vmem>>
        %gather3A_201 = tpu.memref_squeeze %gather3A_200 : memref<1x128xi32, #tpu.memory_space<vmem>> -> memref<128xi32, #tpu.memory_space<vmem>>
        %gather3A_202 = tpu.vector_load_idx %gather3A_201[%add3A_198] : memref<128xi32, #tpu.memory_space<vmem>>[vector<16xi32>], vector<16xi32>,
        %gather3A_203 = arith.constant 0 : i32
        %gather3A_204 = arith.constant 0 : i32
        %gather3A_205 = tpu.memref_slice %arg13[%gather3A_203, %gather3A_204] : memref<2x128xi32, #tpu.memory_space<vmem>> -> memref<1x128xi32, #tpu.memory_space<vmem>>
        %gather3A_206 = tpu.memref_squeeze %gather3A_205 : memref<1x128xi32, #tpu.memory_space<vmem>> -> memref<128xi32, #tpu.memory_space<vmem>>
        %gather3A_207 = tpu.vector_load_idx %gather3A_206[%add3A_198] : memref<128xi32, #tpu.memory_space<vmem>>[vector<16xi32>], vector<16xi32>,
        %gather3A_208 = tpu.vector_load_idx %arg17[%gather3A_202] : memref<10000xf32, #tpu.memory_space<vmem>>[vector<16xi32>], vector<16xf32>,
        %gather3A_209 = tpu.vector_load_idx %arg17[%gather3A_207] : memref<10000xf32, #tpu.memory_space<vmem>>[vector<16xi32>], vector<16xf32>,
        %sub3A_210 = arith.subf %gather3A_208, %gather3A_209 : vector<16xf32>
        %gather3A_211 = tpu.vector_load_idx %arg18[%gather3A_202] : memref<10000xf32, #tpu.memory_space<vmem>>[vector<16xi32>], vector<16xf32>,
        %gather3A_212 = tpu.vector_load_idx %arg18[%gather3A_207] : memref<10000xf32, #tpu.memory_space<vmem>>[vector<16xi32>], vector<16xf32>,
        %sub3A_213 = arith.subf %gather3A_211, %gather3A_212 : vector<16xf32>
        %gather3A_214 = tpu.vector_load_idx %arg19[%gather3A_202] : memref<10000xf32, #tpu.memory_space<vmem>>[vector<16xi32>], vector<16xf32>,
        %gather3A_215 = tpu.vector_load_idx %arg19[%gather3A_207] : memref<10000xf32, #tpu.memory_space<vmem>>[vector<16xi32>], vector<16xf32>,
        %sub3A_216 = arith.subf %gather3A_214, %gather3A_215 : vector<16xf32>
        %multiple_of3A_217 = arith.constant 0 : i32
        %multiple_of3A_218 = tpu.assume_multiple %multiple_of3A_217, 16 : i32
        %mul3A_219 = arith.mulf %sub3A_210, %sub3A_210 : vector<16xf32>
        %mul3A_220 = arith.mulf %sub3A_213, %sub3A_213 : vector<16xf32>
        %add3A_221 = arith.addf %mul3A_219, %mul3A_220 : vector<16xf32>
        %mul3A_222 = arith.mulf %sub3A_216, %sub3A_216 : vector<16xf32>
        %add3A_223 = arith.addf %add3A_221, %mul3A_222 : vector<16xf32>
        %swap3A = arith.constant 0 : i32
        %swap3A_224 = arith.index_cast %swap3A : i32 to index
        %swap3A_225 = arith.index_cast %multiple_of3A_218 : i32 to index
        %swap3A_226 = tpu.vector_load %arg16[%swap3A_224, %swap3A_225] {strides = array<i32>} : memref<2x128xf32, #tpu.memory_space<vmem>>, vector<16xf32>,
        tpu.vector_store %arg16[%swap3A_224, %swap3A_225], %add3A_223 {strides = array<i32>} : memref<2x128xf32, #tpu.memory_space<vmem>>, vector<16xf32>,
        %add3A_227 = arith.constant 1 : i32
        %add3A_228 = vector.broadcast %add3A_227 : i32 to vector<16xi32>
        %add3A_229 = arith.addi %add3A_195, %add3A_228 : vector<16xi32>
        %gather3A_230 = arith.constant 0 : i32
        %gather3A_231 = arith.constant 0 : i32
        %gather3A_232 = tpu.memref_slice %arg12[%gather3A_230, %gather3A_231] : memref<2x128xi32, #tpu.memory_space<vmem>> -> memref<1x128xi32, #tpu.memory_space<vmem>>
        %gather3A_233 = tpu.memref_squeeze %gather3A_232 : memref<1x128xi32, #tpu.memory_space<vmem>> -> memref<128xi32, #tpu.memory_space<vmem>>
        %gather3A_234 = tpu.vector_load_idx %gather3A_233[%add3A_229] : memref<128xi32, #tpu.memory_space<vmem>>[vector<16xi32>], vector<16xi32>,
        %gather3A_235 = arith.constant 0 : i32
        %gather3A_236 = arith.constant 0 : i32
        %gather3A_237 = tpu.memref_slice %arg13[%gather3A_235, %gather3A_236] : memref<2x128xi32, #tpu.memory_space<vmem>> -> memref<1x128xi32, #tpu.memory_space<vmem>>
        %gather3A_238 = tpu.memref_squeeze %gather3A_237 : memref<1x128xi32, #tpu.memory_space<vmem>> -> memref<128xi32, #tpu.memory_space<vmem>>
        %gather3A_239 = tpu.vector_load_idx %gather3A_238[%add3A_229] : memref<128xi32, #tpu.memory_space<vmem>>[vector<16xi32>], vector<16xi32>,
        %gather3A_240 = tpu.vector_load_idx %arg17[%gather3A_234] : memref<10000xf32, #tpu.memory_space<vmem>>[vector<16xi32>], vector<16xf32>,
        %gather3A_241 = tpu.vector_load_idx %arg17[%gather3A_239] : memref<10000xf32, #tpu.memory_space<vmem>>[vector<16xi32>], vector<16xf32>,
        %sub3A_242 = arith.subf %gather3A_240, %gather3A_241 : vector<16xf32>
        %gather3A_243 = tpu.vector_load_idx %arg18[%gather3A_234] : memref<10000xf32, #tpu.memory_space<vmem>>[vector<16xi32>], vector<16xf32>,
        %gather3A_244 = tpu.vector_load_idx %arg18[%gather3A_239] : memref<10000xf32, #tpu.memory_space<vmem>>[vector<16xi32>], vector<16xf32>,
        %sub3A_245 = arith.subf %gather3A_243, %gather3A_244 : vector<16xf32>
        %gather3A_246 = tpu.vector_load_idx %arg19[%gather3A_234] : memref<10000xf32, #tpu.memory_space<vmem>>[vector<16xi32>], vector<16xf32>,
        %gather3A_247 = tpu.vector_load_idx %arg19[%gather3A_239] : memref<10000xf32, #tpu.memory_space<vmem>>[vector<16xi32>], vector<16xf32>,
        %sub3A_248 = arith.subf %gather3A_246, %gather3A_247 : vector<16xf32>
        %multiple_of3A_249 = arith.constant 64 : i32
        %multiple_of3A_250 = tpu.assume_multiple %multiple_of3A_249, 16 : i32
        %mul3A_251 = arith.mulf %sub3A_242, %sub3A_242 : vector<16xf32>
        %mul3A_252 = arith.mulf %sub3A_245, %sub3A_245 : vector<16xf32>
        %add3A_253 = arith.addf %mul3A_251, %mul3A_252 : vector<16xf32>
        %mul3A_254 = arith.mulf %sub3A_248, %sub3A_248 : vector<16xf32>
        %add3A_255 = arith.addf %add3A_253, %mul3A_254 : vector<16xf32>
        %swap3A_256 = arith.constant 0 : i32
        %swap3A_257 = arith.index_cast %swap3A_256 : i32 to index
        %swap3A_258 = arith.index_cast %multiple_of3A_250 : i32 to index
        %swap3A_259 = tpu.vector_load %arg16[%swap3A_257, %swap3A_258] {strides = array<i32>} : memref<2x128xf32, #tpu.memory_space<vmem>>, vector<16xf32>,
        tpu.vector_store %arg16[%swap3A_257, %swap3A_258], %add3A_255 {strides = array<i32>} : memref<2x128xf32, #tpu.memory_space<vmem>>, vector<16xf32>,
        %iota3A_260 = tpu.iota {dimensions = array<i32: 0>} : vector<16xi32>
        %mul3A_261 = arith.constant 2 : i32
        %mul3A_262 = vector.broadcast %mul3A_261 : i32 to vector<16xi32>
        %mul3A_263 = arith.muli %mul3A_262, %iota3A_260 : vector<16xi32>
        %add3A_264 = arith.constant 32 : i32
        %add3A_265 = vector.broadcast %add3A_264 : i32 to vector<16xi32>
        %add3A_266 = arith.addi %add3A_265, %mul3A_263 : vector<16xi32>
        %add3A_267 = arith.constant 0 : i32
        %add3A_268 = vector.broadcast %add3A_267 : i32 to vector<16xi32>
        %add3A_269 = arith.addi %add3A_266, %add3A_268 : vector<16xi32>
        %gather3A_270 = arith.constant 0 : i32
        %gather3A_271 = arith.constant 0 : i32
        %gather3A_272 = tpu.memref_slice %arg12[%gather3A_270, %gather3A_271] : memref<2x128xi32, #tpu.memory_space<vmem>> -> memref<1x128xi32, #tpu.memory_space<vmem>>
        %gather3A_273 = tpu.memref_squeeze %gather3A_272 : memref<1x128xi32, #tpu.memory_space<vmem>> -> memref<128xi32, #tpu.memory_space<vmem>>
        %gather3A_274 = tpu.vector_load_idx %gather3A_273[%add3A_269] : memref<128xi32, #tpu.memory_space<vmem>>[vector<16xi32>], vector<16xi32>,
        %gather3A_275 = arith.constant 0 : i32
        %gather3A_276 = arith.constant 0 : i32
        %gather3A_277 = tpu.memref_slice %arg13[%gather3A_275, %gather3A_276] : memref<2x128xi32, #tpu.memory_space<vmem>> -> memref<1x128xi32, #tpu.memory_space<vmem>>
        %gather3A_278 = tpu.memref_squeeze %gather3A_277 : memref<1x128xi32, #tpu.memory_space<vmem>> -> memref<128xi32, #tpu.memory_space<vmem>>
        %gather3A_279 = tpu.vector_load_idx %gather3A_278[%add3A_269] : memref<128xi32, #tpu.memory_space<vmem>>[vector<16xi32>], vector<16xi32>,
        %gather3A_280 = tpu.vector_load_idx %arg17[%gather3A_274] : memref<10000xf32, #tpu.memory_space<vmem>>[vector<16xi32>], vector<16xf32>,
        %gather3A_281 = tpu.vector_load_idx %arg17[%gather3A_279] : memref<10000xf32, #tpu.memory_space<vmem>>[vector<16xi32>], vector<16xf32>,
        %sub3A_282 = arith.subf %gather3A_280, %gather3A_281 : vector<16xf32>
        %gather3A_283 = tpu.vector_load_idx %arg18[%gather3A_274] : memref<10000xf32, #tpu.memory_space<vmem>>[vector<16xi32>], vector<16xf32>,
        %gather3A_284 = tpu.vector_load_idx %arg18[%gather3A_279] : memref<10000xf32, #tpu.memory_space<vmem>>[vector<16xi32>], vector<16xf32>,
        %sub3A_285 = arith.subf %gather3A_283, %gather3A_284 : vector<16xf32>
        %gather3A_286 = tpu.vector_load_idx %arg19[%gather3A_274] : memref<10000xf32, #tpu.memory_space<vmem>>[vector<16xi32>], vector<16xf32>,
        %gather3A_287 = tpu.vector_load_idx %arg19[%gather3A_279] : memref<10000xf32, #tpu.memory_space<vmem>>[vector<16xi32>], vector<16xf32>,
        %sub3A_288 = arith.subf %gather3A_286, %gather3A_287 : vector<16xf32>
        %multiple_of3A_289 = arith.constant 16 : i32
        %multiple_of3A_290 = tpu.assume_multiple %multiple_of3A_289, 16 : i32
        %mul3A_291 = arith.mulf %sub3A_282, %sub3A_282 : vector<16xf32>
        %mul3A_292 = arith.mulf %sub3A_285, %sub3A_285 : vector<16xf32>
        %add3A_293 = arith.addf %mul3A_291, %mul3A_292 : vector<16xf32>
        %mul3A_294 = arith.mulf %sub3A_288, %sub3A_288 : vector<16xf32>
        %add3A_295 = arith.addf %add3A_293, %mul3A_294 : vector<16xf32>
        %swap3A_296 = arith.constant 0 : i32
        %swap3A_297 = arith.index_cast %swap3A_296 : i32 to index
        %swap3A_298 = arith.index_cast %multiple_of3A_290 : i32 to index
        %swap3A_299 = tpu.vector_load %arg16[%swap3A_297, %swap3A_298] {strides = array<i32>} : memref<2x128xf32, #tpu.memory_space<vmem>>, vector<16xf32>,
        tpu.vector_store %arg16[%swap3A_297, %swap3A_298], %add3A_295 {strides = array<i32>} : memref<2x128xf32, #tpu.memory_space<vmem>>, vector<16xf32>,
        %add3A_300 = arith.constant 1 : i32
        %add3A_301 = vector.broadcast %add3A_300 : i32 to vector<16xi32>
        %add3A_302 = arith.addi %add3A_266, %add3A_301 : vector<16xi32>
        %gather3A_303 = arith.constant 0 : i32
        %gather3A_304 = arith.constant 0 : i32
        %gather3A_305 = tpu.memref_slice %arg12[%gather3A_303, %gather3A_304] : memref<2x128xi32, #tpu.memory_space<vmem>> -> memref<1x128xi32, #tpu.memory_space<vmem>>
        %gather3A_306 = tpu.memref_squeeze %gather3A_305 : memref<1x128xi32, #tpu.memory_space<vmem>> -> memref<128xi32, #tpu.memory_space<vmem>>
        %gather3A_307 = tpu.vector_load_idx %gather3A_306[%add3A_302] : memref<128xi32, #tpu.memory_space<vmem>>[vector<16xi32>], vector<16xi32>,
        %gather3A_308 = arith.constant 0 : i32
        %gather3A_309 = arith.constant 0 : i32
        %gather3A_310 = tpu.memref_slice %arg13[%gather3A_308, %gather3A_309] : memref<2x128xi32, #tpu.memory_space<vmem>> -> memref<1x128xi32, #tpu.memory_space<vmem>>
        %gather3A_311 = tpu.memref_squeeze %gather3A_310 : memref<1x128xi32, #tpu.memory_space<vmem>> -> memref<128xi32, #tpu.memory_space<vmem>>
        %gather3A_312 = tpu.vector_load_idx %gather3A_311[%add3A_302] : memref<128xi32, #tpu.memory_space<vmem>>[vector<16xi32>], vector<16xi32>,
        %gather3A_313 = tpu.vector_load_idx %arg17[%gather3A_307] : memref<10000xf32, #tpu.memory_space<vmem>>[vector<16xi32>], vector<16xf32>,
        %gather3A_314 = tpu.vector_load_idx %arg17[%gather3A_312] : memref<10000xf32, #tpu.memory_space<vmem>>[vector<16xi32>], vector<16xf32>,
        %sub3A_315 = arith.subf %gather3A_313, %gather3A_314 : vector<16xf32>
        %gather3A_316 = tpu.vector_load_idx %arg18[%gather3A_307] : memref<10000xf32, #tpu.memory_space<vmem>>[vector<16xi32>], vector<16xf32>,
        %gather3A_317 = tpu.vector_load_idx %arg18[%gather3A_312] : memref<10000xf32, #tpu.memory_space<vmem>>[vector<16xi32>], vector<16xf32>,
        %sub3A_318 = arith.subf %gather3A_316, %gather3A_317 : vector<16xf32>
        %gather3A_319 = tpu.vector_load_idx %arg19[%gather3A_307] : memref<10000xf32, #tpu.memory_space<vmem>>[vector<16xi32>], vector<16xf32>,
        %gather3A_320 = tpu.vector_load_idx %arg19[%gather3A_312] : memref<10000xf32, #tpu.memory_space<vmem>>[vector<16xi32>], vector<16xf32>,
        %sub3A_321 = arith.subf %gather3A_319, %gather3A_320 : vector<16xf32>
        %multiple_of3A_322 = arith.constant 80 : i32
        %multiple_of3A_323 = tpu.assume_multiple %multiple_of3A_322, 16 : i32
        %mul3A_324 = arith.mulf %sub3A_315, %sub3A_315 : vector<16xf32>
        %mul3A_325 = arith.mulf %sub3A_318, %sub3A_318 : vector<16xf32>
        %add3A_326 = arith.addf %mul3A_324, %mul3A_325 : vector<16xf32>
        %mul3A_327 = arith.mulf %sub3A_321, %sub3A_321 : vector<16xf32>
        %add3A_328 = arith.addf %add3A_326, %mul3A_327 : vector<16xf32>
        %swap3A_329 = arith.constant 0 : i32
        %swap3A_330 = arith.index_cast %swap3A_329 : i32 to index
        %swap3A_331 = arith.index_cast %multiple_of3A_323 : i32 to index
        %swap3A_332 = tpu.vector_load %arg16[%swap3A_330, %swap3A_331] {strides = array<i32>} : memref<2x128xf32, #tpu.memory_space<vmem>>, vector<16xf32>,
        tpu.vector_store %arg16[%swap3A_330, %swap3A_331], %add3A_328 {strides = array<i32>} : memref<2x128xf32, #tpu.memory_space<vmem>>, vector<16xf32>,
        %iota3A_333 = tpu.iota {dimensions = array<i32: 0>} : vector<16xi32>
        %mul3A_334 = arith.constant 2 : i32
        %mul3A_335 = vector.broadcast %mul3A_334 : i32 to vector<16xi32>
        %mul3A_336 = arith.muli %mul3A_335, %iota3A_333 : vector<16xi32>
        %add3A_337 = arith.constant 64 : i32
        %add3A_338 = vector.broadcast %add3A_337 : i32 to vector<16xi32>
        %add3A_339 = arith.addi %add3A_338, %mul3A_336 : vector<16xi32>
        %add3A_340 = arith.constant 0 : i32
        %add3A_341 = vector.broadcast %add3A_340 : i32 to vector<16xi32>
        %add3A_342 = arith.addi %add3A_339, %add3A_341 : vector<16xi32>
        %gather3A_343 = arith.constant 0 : i32
        %gather3A_344 = arith.constant 0 : i32
        %gather3A_345 = tpu.memref_slice %arg12[%gather3A_343, %gather3A_344] : memref<2x128xi32, #tpu.memory_space<vmem>> -> memref<1x128xi32, #tpu.memory_space<vmem>>
        %gather3A_346 = tpu.memref_squeeze %gather3A_345 : memref<1x128xi32, #tpu.memory_space<vmem>> -> memref<128xi32, #tpu.memory_space<vmem>>
        %gather3A_347 = tpu.vector_load_idx %gather3A_346[%add3A_342] : memref<128xi32, #tpu.memory_space<vmem>>[vector<16xi32>], vector<16xi32>,
        %gather3A_348 = arith.constant 0 : i32
        %gather3A_349 = arith.constant 0 : i32
        %gather3A_350 = tpu.memref_slice %arg13[%gather3A_348, %gather3A_349] : memref<2x128xi32, #tpu.memory_space<vmem>> -> memref<1x128xi32, #tpu.memory_space<vmem>>
        %gather3A_351 = tpu.memref_squeeze %gather3A_350 : memref<1x128xi32, #tpu.memory_space<vmem>> -> memref<128xi32, #tpu.memory_space<vmem>>
        %gather3A_352 = tpu.vector_load_idx %gather3A_351[%add3A_342] : memref<128xi32, #tpu.memory_space<vmem>>[vector<16xi32>], vector<16xi32>,
        %gather3A_353 = tpu.vector_load_idx %arg17[%gather3A_347] : memref<10000xf32, #tpu.memory_space<vmem>>[vector<16xi32>], vector<16xf32>,
        %gather3A_354 = tpu.vector_load_idx %arg17[%gather3A_352] : memref<10000xf32, #tpu.memory_space<vmem>>[vector<16xi32>], vector<16xf32>,
        %sub3A_355 = arith.subf %gather3A_353, %gather3A_354 : vector<16xf32>
        %gather3A_356 = tpu.vector_load_idx %arg18[%gather3A_347] : memref<10000xf32, #tpu.memory_space<vmem>>[vector<16xi32>], vector<16xf32>,
        %gather3A_357 = tpu.vector_load_idx %arg18[%gather3A_352] : memref<10000xf32, #tpu.memory_space<vmem>>[vector<16xi32>], vector<16xf32>,
        %sub3A_358 = arith.subf %gather3A_356, %gather3A_357 : vector<16xf32>
        %gather3A_359 = tpu.vector_load_idx %arg19[%gather3A_347] : memref<10000xf32, #tpu.memory_space<vmem>>[vector<16xi32>], vector<16xf32>,
        %gather3A_360 = tpu.vector_load_idx %arg19[%gather3A_352] : memref<10000xf32, #tpu.memory_space<vmem>>[vector<16xi32>], vector<16xf32>,
        %sub3A_361 = arith.subf %gather3A_359, %gather3A_360 : vector<16xf32>
        %multiple_of3A_362 = arith.constant 32 : i32
        %multiple_of3A_363 = tpu.assume_multiple %multiple_of3A_362, 16 : i32
        %mul3A_364 = arith.mulf %sub3A_355, %sub3A_355 : vector<16xf32>
        %mul3A_365 = arith.mulf %sub3A_358, %sub3A_358 : vector<16xf32>
        %add3A_366 = arith.addf %mul3A_364, %mul3A_365 : vector<16xf32>
        %mul3A_367 = arith.mulf %sub3A_361, %sub3A_361 : vector<16xf32>
        %add3A_368 = arith.addf %add3A_366, %mul3A_367 : vector<16xf32>
        %swap3A_369 = arith.constant 0 : i32
        %swap3A_370 = arith.index_cast %swap3A_369 : i32 to index
        %swap3A_371 = arith.index_cast %multiple_of3A_363 : i32 to index
        %swap3A_372 = tpu.vector_load %arg16[%swap3A_370, %swap3A_371] {strides = array<i32>} : memref<2x128xf32, #tpu.memory_space<vmem>>, vector<16xf32>,
        tpu.vector_store %arg16[%swap3A_370, %swap3A_371], %add3A_368 {strides = array<i32>} : memref<2x128xf32, #tpu.memory_space<vmem>>, vector<16xf32>,
        %add3A_373 = arith.constant 1 : i32
        %add3A_374 = vector.broadcast %add3A_373 : i32 to vector<16xi32>
        %add3A_375 = arith.addi %add3A_339, %add3A_374 : vector<16xi32>
        %gather3A_376 = arith.constant 0 : i32
        %gather3A_377 = arith.constant 0 : i32
        %gather3A_378 = tpu.memref_slice %arg12[%gather3A_376, %gather3A_377] : memref<2x128xi32, #tpu.memory_space<vmem>> -> memref<1x128xi32, #tpu.memory_space<vmem>>
        %gather3A_379 = tpu.memref_squeeze %gather3A_378 : memref<1x128xi32, #tpu.memory_space<vmem>> -> memref<128xi32, #tpu.memory_space<vmem>>
        %gather3A_380 = tpu.vector_load_idx %gather3A_379[%add3A_375] : memref<128xi32, #tpu.memory_space<vmem>>[vector<16xi32>], vector<16xi32>,
        %gather3A_381 = arith.constant 0 : i32
        %gather3A_382 = arith.constant 0 : i32
        %gather3A_383 = tpu.memref_slice %arg13[%gather3A_381, %gather3A_382] : memref<2x128xi32, #tpu.memory_space<vmem>> -> memref<1x128xi32, #tpu.memory_space<vmem>>
        %gather3A_384 = tpu.memref_squeeze %gather3A_383 : memref<1x128xi32, #tpu.memory_space<vmem>> -> memref<128xi32, #tpu.memory_space<vmem>>
        %gather3A_385 = tpu.vector_load_idx %gather3A_384[%add3A_375] : memref<128xi32, #tpu.memory_space<vmem>>[vector<16xi32>], vector<16xi32>,
        %gather3A_386 = tpu.vector_load_idx %arg17[%gather3A_380] : memref<10000xf32, #tpu.memory_space<vmem>>[vector<16xi32>], vector<16xf32>,
        %gather3A_387 = tpu.vector_load_idx %arg17[%gather3A_385] : memref<10000xf32, #tpu.memory_space<vmem>>[vector<16xi32>], vector<16xf32>,
        %sub3A_388 = arith.subf %gather3A_386, %gather3A_387 : vector<16xf32>
        %gather3A_389 = tpu.vector_load_idx %arg18[%gather3A_380] : memref<10000xf32, #tpu.memory_space<vmem>>[vector<16xi32>], vector<16xf32>,
        %gather3A_390 = tpu.vector_load_idx %arg18[%gather3A_385] : memref<10000xf32, #tpu.memory_space<vmem>>[vector<16xi32>], vector<16xf32>,
        %sub3A_391 = arith.subf %gather3A_389, %gather3A_390 : vector<16xf32>
        %gather3A_392 = tpu.vector_load_idx %arg19[%gather3A_380] : memref<10000xf32, #tpu.memory_space<vmem>>[vector<16xi32>], vector<16xf32>,
        %gather3A_393 = tpu.vector_load_idx %arg19[%gather3A_385] : memref<10000xf32, #tpu.memory_space<vmem>>[vector<16xi32>], vector<16xf32>,
        %sub3A_394 = arith.subf %gather3A_392, %gather3A_393 : vector<16xf32>
        %multiple_of3A_395 = arith.constant 96 : i32
        %multiple_of3A_396 = tpu.assume_multiple %multiple_of3A_395, 16 : i32
        %mul3A_397 = arith.mulf %sub3A_388, %sub3A_388 : vector<16xf32>
        %mul3A_398 = arith.mulf %sub3A_391, %sub3A_391 : vector<16xf32>
        %add3A_399 = arith.addf %mul3A_397, %mul3A_398 : vector<16xf32>
        %mul3A_400 = arith.mulf %sub3A_394, %sub3A_394 : vector<16xf32>
        %add3A_401 = arith.addf %add3A_399, %mul3A_400 : vector<16xf32>
        %swap3A_402 = arith.constant 0 : i32
        %swap3A_403 = arith.index_cast %swap3A_402 : i32 to index
        %swap3A_404 = arith.index_cast %multiple_of3A_396 : i32 to index
        %swap3A_405 = tpu.vector_load %arg16[%swap3A_403, %swap3A_404] {strides = array<i32>} : memref<2x128xf32, #tpu.memory_space<vmem>>, vector<16xf32>,
        tpu.vector_store %arg16[%swap3A_403, %swap3A_404], %add3A_401 {strides = array<i32>} : memref<2x128xf32, #tpu.memory_space<vmem>>, vector<16xf32>,
        %iota3A_406 = tpu.iota {dimensions = array<i32: 0>} : vector<16xi32>
        %mul3A_407 = arith.constant 2 : i32
        %mul3A_408 = vector.broadcast %mul3A_407 : i32 to vector<16xi32>
        %mul3A_409 = arith.muli %mul3A_408, %iota3A_406 : vector<16xi32>
        %add3A_410 = arith.constant 96 : i32
        %add3A_411 = vector.broadcast %add3A_410 : i32 to vector<16xi32>
        %add3A_412 = arith.addi %add3A_411, %mul3A_409 : vector<16xi32>
        %add3A_413 = arith.constant 0 : i32
        %add3A_414 = vector.broadcast %add3A_413 : i32 to vector<16xi32>
        %add3A_415 = arith.addi %add3A_412, %add3A_414 : vector<16xi32>
        %gather3A_416 = arith.constant 0 : i32
        %gather3A_417 = arith.constant 0 : i32
        %gather3A_418 = tpu.memref_slice %arg12[%gather3A_416, %gather3A_417] : memref<2x128xi32, #tpu.memory_space<vmem>> -> memref<1x128xi32, #tpu.memory_space<vmem>>
        %gather3A_419 = tpu.memref_squeeze %gather3A_418 : memref<1x128xi32, #tpu.memory_space<vmem>> -> memref<128xi32, #tpu.memory_space<vmem>>
        %gather3A_420 = tpu.vector_load_idx %gather3A_419[%add3A_415] : memref<128xi32, #tpu.memory_space<vmem>>[vector<16xi32>], vector<16xi32>,
        %gather3A_421 = arith.constant 0 : i32
        %gather3A_422 = arith.constant 0 : i32
        %gather3A_423 = tpu.memref_slice %arg13[%gather3A_421, %gather3A_422] : memref<2x128xi32, #tpu.memory_space<vmem>> -> memref<1x128xi32, #tpu.memory_space<vmem>>
        %gather3A_424 = tpu.memref_squeeze %gather3A_423 : memref<1x128xi32, #tpu.memory_space<vmem>> -> memref<128xi32, #tpu.memory_space<vmem>>
        %gather3A_425 = tpu.vector_load_idx %gather3A_424[%add3A_415] : memref<128xi32, #tpu.memory_space<vmem>>[vector<16xi32>], vector<16xi32>,
        %gather3A_426 = tpu.vector_load_idx %arg17[%gather3A_420] : memref<10000xf32, #tpu.memory_space<vmem>>[vector<16xi32>], vector<16xf32>,
        %gather3A_427 = tpu.vector_load_idx %arg17[%gather3A_425] : memref<10000xf32, #tpu.memory_space<vmem>>[vector<16xi32>], vector<16xf32>,
        %sub3A_428 = arith.subf %gather3A_426, %gather3A_427 : vector<16xf32>
        %gather3A_429 = tpu.vector_load_idx %arg18[%gather3A_420] : memref<10000xf32, #tpu.memory_space<vmem>>[vector<16xi32>], vector<16xf32>,
        %gather3A_430 = tpu.vector_load_idx %arg18[%gather3A_425] : memref<10000xf32, #tpu.memory_space<vmem>>[vector<16xi32>], vector<16xf32>,
        %sub3A_431 = arith.subf %gather3A_429, %gather3A_430 : vector<16xf32>
        %gather3A_432 = tpu.vector_load_idx %arg19[%gather3A_420] : memref<10000xf32, #tpu.memory_space<vmem>>[vector<16xi32>], vector<16xf32>,
        %gather3A_433 = tpu.vector_load_idx %arg19[%gather3A_425] : memref<10000xf32, #tpu.memory_space<vmem>>[vector<16xi32>], vector<16xf32>,
        %sub3A_434 = arith.subf %gather3A_432, %gather3A_433 : vector<16xf32>
        %multiple_of3A_435 = arith.constant 48 : i32
        %multiple_of3A_436 = tpu.assume_multiple %multiple_of3A_435, 16 : i32
        %mul3A_437 = arith.mulf %sub3A_428, %sub3A_428 : vector<16xf32>
        %mul3A_438 = arith.mulf %sub3A_431, %sub3A_431 : vector<16xf32>
        %add3A_439 = arith.addf %mul3A_437, %mul3A_438 : vector<16xf32>
        %mul3A_440 = arith.mulf %sub3A_434, %sub3A_434 : vector<16xf32>
        %add3A_441 = arith.addf %add3A_439, %mul3A_440 : vector<16xf32>
        %swap3A_442 = arith.constant 0 : i32
        %swap3A_443 = arith.index_cast %swap3A_442 : i32 to index
        %swap3A_444 = arith.index_cast %multiple_of3A_436 : i32 to index
        %swap3A_445 = tpu.vector_load %arg16[%swap3A_443, %swap3A_444] {strides = array<i32>} : memref<2x128xf32, #tpu.memory_space<vmem>>, vector<16xf32>,
        tpu.vector_store %arg16[%swap3A_443, %swap3A_444], %add3A_441 {strides = array<i32>} : memref<2x128xf32, #tpu.memory_space<vmem>>, vector<16xf32>,
        %add3A_446 = arith.constant 1 : i32
        %add3A_447 = vector.broadcast %add3A_446 : i32 to vector<16xi32>
        %add3A_448 = arith.addi %add3A_412, %add3A_447 : vector<16xi32>
        %gather3A_449 = arith.constant 0 : i32
        %gather3A_450 = arith.constant 0 : i32
        %gather3A_451 = tpu.memref_slice %arg12[%gather3A_449, %gather3A_450] : memref<2x128xi32, #tpu.memory_space<vmem>> -> memref<1x128xi32, #tpu.memory_space<vmem>>
        %gather3A_452 = tpu.memref_squeeze %gather3A_451 : memref<1x128xi32, #tpu.memory_space<vmem>> -> memref<128xi32, #tpu.memory_space<vmem>>
        %gather3A_453 = tpu.vector_load_idx %gather3A_452[%add3A_448] : memref<128xi32, #tpu.memory_space<vmem>>[vector<16xi32>], vector<16xi32>,
        %gather3A_454 = arith.constant 0 : i32
        %gather3A_455 = arith.constant 0 : i32
        %gather3A_456 = tpu.memref_slice %arg13[%gather3A_454, %gather3A_455] : memref<2x128xi32, #tpu.memory_space<vmem>> -> memref<1x128xi32, #tpu.memory_space<vmem>>
        %gather3A_457 = tpu.memref_squeeze %gather3A_456 : memref<1x128xi32, #tpu.memory_space<vmem>> -> memref<128xi32, #tpu.memory_space<vmem>>
        %gather3A_458 = tpu.vector_load_idx %gather3A_457[%add3A_448] : memref<128xi32, #tpu.memory_space<vmem>>[vector<16xi32>], vector<16xi32>,
        %gather3A_459 = tpu.vector_load_idx %arg17[%gather3A_453] : memref<10000xf32, #tpu.memory_space<vmem>>[vector<16xi32>], vector<16xf32>,
        %gather3A_460 = tpu.vector_load_idx %arg17[%gather3A_458] : memref<10000xf32, #tpu.memory_space<vmem>>[vector<16xi32>], vector<16xf32>,
        %sub3A_461 = arith.subf %gather3A_459, %gather3A_460 : vector<16xf32>
        %gather3A_462 = tpu.vector_load_idx %arg18[%gather3A_453] : memref<10000xf32, #tpu.memory_space<vmem>>[vector<16xi32>], vector<16xf32>,
        %gather3A_463 = tpu.vector_load_idx %arg18[%gather3A_458] : memref<10000xf32, #tpu.memory_space<vmem>>[vector<16xi32>], vector<16xf32>,
        %sub3A_464 = arith.subf %gather3A_462, %gather3A_463 : vector<16xf32>
        %gather3A_465 = tpu.vector_load_idx %arg19[%gather3A_453] : memref<10000xf32, #tpu.memory_space<vmem>>[vector<16xi32>], vector<16xf32>,
        %gather3A_466 = tpu.vector_load_idx %arg19[%gather3A_458] : memref<10000xf32, #tpu.memory_space<vmem>>[vector<16xi32>], vector<16xf32>,
        %sub3A_467 = arith.subf %gather3A_465, %gather3A_466 : vector<16xf32>
        %multiple_of3A_468 = arith.constant 112 : i32
        %multiple_of3A_469 = tpu.assume_multiple %multiple_of3A_468, 16 : i32
        %mul3A_470 = arith.mulf %sub3A_461, %sub3A_461 : vector<16xf32>
        %mul3A_471 = arith.mulf %sub3A_464, %sub3A_464 : vector<16xf32>
        %add3A_472 = arith.addf %mul3A_470, %mul3A_471 : vector<16xf32>
        %mul3A_473 = arith.mulf %sub3A_467, %sub3A_467 : vector<16xf32>
        %add3A_474 = arith.addf %add3A_472, %mul3A_473 : vector<16xf32>
        %swap3A_475 = arith.constant 0 : i32
        %swap3A_476 = arith.index_cast %swap3A_475 : i32 to index
        %swap3A_477 = arith.index_cast %multiple_of3A_469 : i32 to index
        %swap3A_478 = tpu.vector_load %arg16[%swap3A_476, %swap3A_477] {strides = array<i32>} : memref<2x128xf32, #tpu.memory_space<vmem>>, vector<16xf32>,
        tpu.vector_store %arg16[%swap3A_476, %swap3A_477], %add3A_474 {strides = array<i32>} : memref<2x128xf32, #tpu.memory_space<vmem>>, vector<16xf32>,
      } else {
      }
      %mul3A_122 = arith.constant 2 : i32
      %mul3A_123 = arith.muli %mul3A_122, %add3A_115 : i32
      %add3A_124 = arith.constant 1 : i32
      %add3A_125 = arith.addi %mul3A_123, %add3A_124 : i32
      %lt3A_126 = arith.cmpi slt, %add3A_125, %select_n3A : i32
      %convert_element_type3A_127 = arith.extui %lt3A_126 : i1 to i32
      %cond3A_128 = arith.constant 0 : i32
      %cond3A_129 = arith.cmpi ne, %convert_element_type3A_127, %cond3A_128 : i32
      scf.if %cond3A_129 {
        %ge3A = arith.constant 2 : i32
        %ge3A_130 = arith.cmpi sge, %add3A_125, %ge3A : i32
        %convert_element_type3A_131 = arith.extui %ge3A_130 : i1 to i32
        %cond3A_132 = arith.constant 0 : i32
        %cond3A_133 = arith.cmpi ne, %convert_element_type3A_131, %cond3A_132 : i32
        scf.if %cond3A_133 {
          %dma_wait3A_479 = arith.constant 1 : i32
          %dma_wait3A_480 = arith.constant 0 : i32
          %dma_wait3A_481 = arith.constant 0 : i32
          %dma_wait3A_482 = tpu.memref_slice %arg14[%dma_wait3A_479, %dma_wait3A_480, %dma_wait3A_481] : memref<2x128x64xf32, #tpu.memory_space<vmem>> -> memref<1x128x64xf32, #tpu.memory_space<vmem>>
          %dma_wait3A_483 = tpu.memref_squeeze %dma_wait3A_482 : memref<1x128x64xf32, #tpu.memory_space<vmem>> -> memref<128x64xf32, #tpu.memory_space<vmem>>
          %dma_wait3A_484 = arith.constant 0 : i32
          %dma_wait3A_485 = arith.constant 0 : i32
          %dma_wait3A_486 = tpu.memref_slice %arg9[%dma_wait3A_484, %dma_wait3A_485] : memref<320000x64xf32, #tpu.memory_space<hbm>> -> memref<128x64xf32, #tpu.memory_space<hbm>>
          %dma_wait3A_487 = arith.constant 0 : i32
          %dma_wait3A_488 = arith.constant 0 : i32
          %dma_wait3A_489 = tpu.memref_slice %arg9[%dma_wait3A_487, %dma_wait3A_488] : memref<320000x64xf32, #tpu.memory_space<hbm>> -> memref<128x64xf32, #tpu.memory_space<hbm>>
          %dma_wait3A_490 = arith.constant 0 : i32
          %dma_wait3A_491 = arith.constant 0 : i32
          %dma_wait3A_492 = tpu.memref_slice %arg14[%dma_wait3A_479, %dma_wait3A_490, %dma_wait3A_491] : memref<2x128x64xf32, #tpu.memory_space<vmem>> -> memref<1x128x64xf32, #tpu.memory_space<vmem>>
          %dma_wait3A_493 = tpu.memref_squeeze %dma_wait3A_492 : memref<1x128x64xf32, #tpu.memory_space<vmem>> -> memref<128x64xf32, #tpu.memory_space<vmem>>
          tpu.wait_dma2 semaphore(%arg22 : memref<!tpu.dma_semaphore, #tpu.memory_space<semaphore_mem>>) src(%dma_wait3A_493 : memref<128x64xf32, #tpu.memory_space<vmem>>) dst(%dma_wait3A_489 : memref<128x64xf32, #tpu.memory_space<hbm>>)
          %dma_wait3A_494 = arith.constant 1 : i32
          %dma_wait3A_495 = arith.constant 0 : i32
          %dma_wait3A_496 = arith.constant 0 : i32
          %dma_wait3A_497 = tpu.memref_slice %arg15[%dma_wait3A_494, %dma_wait3A_495, %dma_wait3A_496] : memref<2x128x64xf32, #tpu.memory_space<vmem>> -> memref<1x128x64xf32, #tpu.memory_space<vmem>>
          %dma_wait3A_498 = tpu.memref_squeeze %dma_wait3A_497 : memref<1x128x64xf32, #tpu.memory_space<vmem>> -> memref<128x64xf32, #tpu.memory_space<vmem>>
          %dma_wait3A_499 = arith.constant 0 : i32
          %dma_wait3A_500 = arith.constant 0 : i32
          %dma_wait3A_501 = tpu.memref_slice %arg10[%dma_wait3A_499, %dma_wait3A_500] : memref<320000x64xf32, #tpu.memory_space<hbm>> -> memref<128x64xf32, #tpu.memory_space<hbm>>
          %dma_wait3A_502 = arith.constant 0 : i32
          %dma_wait3A_503 = arith.constant 0 : i32
          %dma_wait3A_504 = tpu.memref_slice %arg10[%dma_wait3A_502, %dma_wait3A_503] : memref<320000x64xf32, #tpu.memory_space<hbm>> -> memref<128x64xf32, #tpu.memory_space<hbm>>
          %dma_wait3A_505 = arith.constant 0 : i32
          %dma_wait3A_506 = arith.constant 0 : i32
          %dma_wait3A_507 = tpu.memref_slice %arg15[%dma_wait3A_494, %dma_wait3A_505, %dma_wait3A_506] : memref<2x128x64xf32, #tpu.memory_space<vmem>> -> memref<1x128x64xf32, #tpu.memory_space<vmem>>
          %dma_wait3A_508 = tpu.memref_squeeze %dma_wait3A_507 : memref<1x128x64xf32, #tpu.memory_space<vmem>> -> memref<128x64xf32, #tpu.memory_space<vmem>>
          tpu.wait_dma2 semaphore(%arg22 : memref<!tpu.dma_semaphore, #tpu.memory_space<semaphore_mem>>) src(%dma_wait3A_508 : memref<128x64xf32, #tpu.memory_space<vmem>>) dst(%dma_wait3A_504 : memref<128x64xf32, #tpu.memory_space<hbm>>)
          %dma_wait3A_509 = arith.constant 1 : i32
          %dma_wait3A_510 = arith.constant 0 : i32
          %dma_wait3A_511 = arith.constant 0 : i32
          %dma_wait3A_512 = tpu.memref_slice %arg16[%dma_wait3A_509, %dma_wait3A_511] : memref<2x128xf32, #tpu.memory_space<vmem>> -> memref<1x128xf32, #tpu.memory_space<vmem>>
          %dma_wait3A_513 = tpu.memref_squeeze %dma_wait3A_512 : memref<1x128xf32, #tpu.memory_space<vmem>> -> memref<128xf32, #tpu.memory_space<vmem>>
          %dma_wait3A_514 = arith.constant 0 : i32
          %dma_wait3A_515 = tpu.memref_slice %arg11[%dma_wait3A_510, %dma_wait3A_514] : memref<2500x128xf32, #tpu.memory_space<hbm>> -> memref<1x128xf32, #tpu.memory_space<hbm>>
          %dma_wait3A_516 = tpu.memref_squeeze %dma_wait3A_515 : memref<1x128xf32, #tpu.memory_space<hbm>> -> memref<128xf32, #tpu.memory_space<hbm>>
          %dma_wait3A_517 = arith.constant 0 : i32
          %dma_wait3A_518 = tpu.memref_slice %arg11[%dma_wait3A_510, %dma_wait3A_517] : memref<2500x128xf32, #tpu.memory_space<hbm>> -> memref<1x128xf32, #tpu.memory_space<hbm>>
          %dma_wait3A_519 = tpu.memref_squeeze %dma_wait3A_518 : memref<1x128xf32, #tpu.memory_space<hbm>> -> memref<128xf32, #tpu.memory_space<hbm>>
          %dma_wait3A_520 = arith.constant 0 : i32
          %dma_wait3A_521 = tpu.memref_slice %arg16[%dma_wait3A_509, %dma_wait3A_520] : memref<2x128xf32, #tpu.memory_space<vmem>> -> memref<1x128xf32, #tpu.memory_space<vmem>>
          %dma_wait3A_522 = tpu.memref_squeeze %dma_wait3A_521 : memref<1x128xf32, #tpu.memory_space<vmem>> -> memref<128xf32, #tpu.memory_space<vmem>>
          tpu.wait_dma2 semaphore(%arg22 : memref<!tpu.dma_semaphore, #tpu.memory_space<semaphore_mem>>) src(%dma_wait3A_522 : memref<128xf32, #tpu.memory_space<vmem>>) dst(%dma_wait3A_519 : memref<128xf32, #tpu.memory_space<hbm>>)
        } else {
        }
        %dma_wait3A = arith.constant 1 : i32
        %dma_wait3A_134 = arith.constant 0 : i32
        %dma_wait3A_135 = tpu.memref_slice %arg12[%dma_wait3A, %dma_wait3A_134] : memref<2x128xi32, #tpu.memory_space<vmem>> -> memref<1x128xi32, #tpu.memory_space<vmem>>
        %dma_wait3A_136 = tpu.memref_squeeze %dma_wait3A_135 : memref<1x128xi32, #tpu.memory_space<vmem>> -> memref<128xi32, #tpu.memory_space<vmem>>
        %dma_wait3A_137 = arith.constant 0 : i32
        %dma_wait3A_138 = tpu.memref_slice %arg7[%dma_wait3A_137] : memref<320000xi32, #tpu.memory_space<hbm>> -> memref<128xi32, #tpu.memory_space<hbm>>
        %dma_wait3A_139 = arith.constant 0 : i32
        %dma_wait3A_140 = tpu.memref_slice %arg12[%dma_wait3A, %dma_wait3A_139] : memref<2x128xi32, #tpu.memory_space<vmem>> -> memref<1x128xi32, #tpu.memory_space<vmem>>
        %dma_wait3A_141 = tpu.memref_squeeze %dma_wait3A_140 : memref<1x128xi32, #tpu.memory_space<vmem>> -> memref<128xi32, #tpu.memory_space<vmem>>
        %dma_wait3A_142 = arith.constant 0 : i32
        %dma_wait3A_143 = tpu.memref_slice %arg7[%dma_wait3A_142] : memref<320000xi32, #tpu.memory_space<hbm>> -> memref<128xi32, #tpu.memory_space<hbm>>
        tpu.wait_dma2 semaphore(%arg20 : memref<!tpu.dma_semaphore, #tpu.memory_space<semaphore_mem>>) src(%dma_wait3A_143 : memref<128xi32, #tpu.memory_space<hbm>>) dst(%dma_wait3A_141 : memref<128xi32, #tpu.memory_space<vmem>>)
        %dma_wait3A_144 = arith.constant 1 : i32
        %dma_wait3A_145 = arith.constant 0 : i32
        %dma_wait3A_146 = tpu.memref_slice %arg13[%dma_wait3A_144, %dma_wait3A_145] : memref<2x128xi32, #tpu.memory_space<vmem>> -> memref<1x128xi32, #tpu.memory_space<vmem>>
        %dma_wait3A_147 = tpu.memref_squeeze %dma_wait3A_146 : memref<1x128xi32, #tpu.memory_space<vmem>> -> memref<128xi32, #tpu.memory_space<vmem>>
        %dma_wait3A_148 = arith.constant 0 : i32
        %dma_wait3A_149 = tpu.memref_slice %arg8[%dma_wait3A_148] : memref<320000xi32, #tpu.memory_space<hbm>> -> memref<128xi32, #tpu.memory_space<hbm>>
        %dma_wait3A_150 = arith.constant 0 : i32
        %dma_wait3A_151 = tpu.memref_slice %arg13[%dma_wait3A_144, %dma_wait3A_150] : memref<2x128xi32, #tpu.memory_space<vmem>> -> memref<1x128xi32, #tpu.memory_space<vmem>>
        %dma_wait3A_152 = tpu.memref_squeeze %dma_wait3A_151 : memref<1x128xi32, #tpu.memory_space<vmem>> -> memref<128xi32, #tpu.memory_space<vmem>>
        %dma_wait3A_153 = arith.constant 0 : i32
        %dma_wait3A_154 = tpu.memref_slice %arg8[%dma_wait3A_153] : memref<320000xi32, #tpu.memory_space<hbm>> -> memref<128xi32, #tpu.memory_space<hbm>>
        tpu.wait_dma2 semaphore(%arg20 : memref<!tpu.dma_semaphore, #tpu.memory_space<semaphore_mem>>) src(%dma_wait3A_154 : memref<128xi32, #tpu.memory_space<hbm>>) dst(%dma_wait3A_152 : memref<128xi32, #tpu.memory_space<vmem>>)
        %dma_start3A_155 = arith.constant 1 : i32
        %dma_start3A_156 = arith.constant 1 : i32
        %dma_start3A_157 = arith.constant 0 : i32
        %dma_start3A_158 = arith.constant 0 : i32
        %dma_start3A_159 = tpu.memref_slice %arg14[%dma_start3A_156, %dma_start3A_157, %dma_start3A_158] : memref<2x128x64xf32, #tpu.memory_space<vmem>> -> memref<1x128x64xf32, #tpu.memory_space<vmem>>
        %dma_start3A_160 = tpu.memref_squeeze %dma_start3A_159 : memref<1x128x64xf32, #tpu.memory_space<vmem>> -> memref<128x64xf32, #tpu.memory_space<vmem>>
        %dma_start3A_161 = arith.constant 0 : i32
        %dma_start3A_162 = tpu.memref_slice %arg12[%dma_start3A_155, %dma_start3A_161] : memref<2x128xi32, #tpu.memory_space<vmem>> -> memref<1x128xi32, #tpu.memory_space<vmem>>
        %dma_start3A_163 = tpu.memref_squeeze %dma_start3A_162 : memref<1x128xi32, #tpu.memory_space<vmem>> -> memref<128xi32, #tpu.memory_space<vmem>>
        %dma_start3A_164 = arith.constant 0 : i32
        %dma_start3A_165 = arith.constant 0 : i32
        %dma_start3A_166 = tpu.memref_slice %arg2[%dma_start3A_164, %dma_start3A_165] : memref<10000x64xf32, #tpu.memory_space<hbm>> -> memref<10000x64xf32, #tpu.memory_space<hbm>>
        tpu.enqueue_indirect_dma source(%dma_start3A_166 : memref<10000x64xf32, #tpu.memory_space<hbm>>) target(%dma_start3A_160 : memref<128x64xf32, #tpu.memory_space<vmem>>) offsets(%dma_start3A_163 : memref<128xi32, #tpu.memory_space<vmem>>) semaphore(%arg21 : memref<!tpu.dma_semaphore, #tpu.memory_space<semaphore_mem>>)
        %dma_start3A_167 = arith.constant 1 : i32
        %dma_start3A_168 = arith.constant 1 : i32
        %dma_start3A_169 = arith.constant 0 : i32
        %dma_start3A_170 = arith.constant 0 : i32
        %dma_start3A_171 = tpu.memref_slice %arg15[%dma_start3A_168, %dma_start3A_169, %dma_start3A_170] : memref<2x128x64xf32, #tpu.memory_space<vmem>> -> memref<1x128x64xf32, #tpu.memory_space<vmem>>
        %dma_start3A_172 = tpu.memref_squeeze %dma_start3A_171 : memref<1x128x64xf32, #tpu.memory_space<vmem>> -> memref<128x64xf32, #tpu.memory_space<vmem>>
        %dma_start3A_173 = arith.constant 0 : i32
        %dma_start3A_174 = tpu.memref_slice %arg13[%dma_start3A_167, %dma_start3A_173] : memref<2x128xi32, #tpu.memory_space<vmem>> -> memref<1x128xi32, #tpu.memory_space<vmem>>
        %dma_start3A_175 = tpu.memref_squeeze %dma_start3A_174 : memref<1x128xi32, #tpu.memory_space<vmem>> -> memref<128xi32, #tpu.memory_space<vmem>>
        %dma_start3A_176 = arith.constant 0 : i32
        %dma_start3A_177 = arith.constant 0 : i32
        %dma_start3A_178 = tpu.memref_slice %arg3[%dma_start3A_176, %dma_start3A_177] : memref<10000x64xf32, #tpu.memory_space<hbm>> -> memref<10000x64xf32, #tpu.memory_space<hbm>>
        tpu.enqueue_indirect_dma source(%dma_start3A_178 : memref<10000x64xf32, #tpu.memory_space<hbm>>) target(%dma_start3A_172 : memref<128x64xf32, #tpu.memory_space<vmem>>) offsets(%dma_start3A_175 : memref<128xi32, #tpu.memory_space<vmem>>) semaphore(%arg21 : memref<!tpu.dma_semaphore, #tpu.memory_space<semaphore_mem>>)
        %ge3A_179 = arith.constant 1 : i32
        %ge3A_180 = arith.cmpi sge, %add3A_125, %ge3A_179 : i32
        %convert_element_type3A_181 = arith.extui %ge3A_180 : i1 to i32
        %cond3A_182 = arith.constant 0 : i32
        %cond3A_183 = arith.cmpi ne, %convert_element_type3A_181, %cond3A_182 : i32
        scf.if %cond3A_183 {
          %dma_wait3A_479 = arith.constant 0 : i32
          %dma_wait3A_480 = arith.constant 0 : i32
          %dma_wait3A_481 = arith.constant 0 : i32
          %dma_wait3A_482 = tpu.memref_slice %arg14[%dma_wait3A_479, %dma_wait3A_480, %dma_wait3A_481] : memref<2x128x64xf32, #tpu.memory_space<vmem>> -> memref<1x128x64xf32, #tpu.memory_space<vmem>>
          %dma_wait3A_483 = tpu.memref_squeeze %dma_wait3A_482 : memref<1x128x64xf32, #tpu.memory_space<vmem>> -> memref<128x64xf32, #tpu.memory_space<vmem>>
          %dma_wait3A_484 = arith.constant 0 : i32
          %dma_wait3A_485 = arith.constant 0 : i32
          %dma_wait3A_486 = tpu.memref_slice %arg2[%dma_wait3A_484, %dma_wait3A_485] : memref<10000x64xf32, #tpu.memory_space<hbm>> -> memref<128x64xf32, #tpu.memory_space<hbm>>
          %dma_wait3A_487 = arith.constant 0 : i32
          %dma_wait3A_488 = arith.constant 0 : i32
          %dma_wait3A_489 = tpu.memref_slice %arg14[%dma_wait3A_479, %dma_wait3A_487, %dma_wait3A_488] : memref<2x128x64xf32, #tpu.memory_space<vmem>> -> memref<1x128x64xf32, #tpu.memory_space<vmem>>
          %dma_wait3A_490 = tpu.memref_squeeze %dma_wait3A_489 : memref<1x128x64xf32, #tpu.memory_space<vmem>> -> memref<128x64xf32, #tpu.memory_space<vmem>>
          %dma_wait3A_491 = arith.constant 0 : i32
          %dma_wait3A_492 = arith.constant 0 : i32
          %dma_wait3A_493 = tpu.memref_slice %arg2[%dma_wait3A_491, %dma_wait3A_492] : memref<10000x64xf32, #tpu.memory_space<hbm>> -> memref<128x64xf32, #tpu.memory_space<hbm>>
          tpu.wait_dma2 semaphore(%arg21 : memref<!tpu.dma_semaphore, #tpu.memory_space<semaphore_mem>>) src(%dma_wait3A_493 : memref<128x64xf32, #tpu.memory_space<hbm>>) dst(%dma_wait3A_490 : memref<128x64xf32, #tpu.memory_space<vmem>>)
          %dma_wait3A_494 = arith.constant 0 : i32
          %dma_wait3A_495 = arith.constant 0 : i32
          %dma_wait3A_496 = arith.constant 0 : i32
          %dma_wait3A_497 = tpu.memref_slice %arg15[%dma_wait3A_494, %dma_wait3A_495, %dma_wait3A_496] : memref<2x128x64xf32, #tpu.memory_space<vmem>> -> memref<1x128x64xf32, #tpu.memory_space<vmem>>
          %dma_wait3A_498 = tpu.memref_squeeze %dma_wait3A_497 : memref<1x128x64xf32, #tpu.memory_space<vmem>> -> memref<128x64xf32, #tpu.memory_space<vmem>>
          %dma_wait3A_499 = arith.constant 0 : i32
          %dma_wait3A_500 = arith.constant 0 : i32
          %dma_wait3A_501 = tpu.memref_slice %arg3[%dma_wait3A_499, %dma_wait3A_500] : memref<10000x64xf32, #tpu.memory_space<hbm>> -> memref<128x64xf32, #tpu.memory_space<hbm>>
          %dma_wait3A_502 = arith.constant 0 : i32
          %dma_wait3A_503 = arith.constant 0 : i32
          %dma_wait3A_504 = tpu.memref_slice %arg15[%dma_wait3A_494, %dma_wait3A_502, %dma_wait3A_503] : memref<2x128x64xf32, #tpu.memory_space<vmem>> -> memref<1x128x64xf32, #tpu.memory_space<vmem>>
          %dma_wait3A_505 = tpu.memref_squeeze %dma_wait3A_504 : memref<1x128x64xf32, #tpu.memory_space<vmem>> -> memref<128x64xf32, #tpu.memory_space<vmem>>
          %dma_wait3A_506 = arith.constant 0 : i32
          %dma_wait3A_507 = arith.constant 0 : i32
          %dma_wait3A_508 = tpu.memref_slice %arg3[%dma_wait3A_506, %dma_wait3A_507] : memref<10000x64xf32, #tpu.memory_space<hbm>> -> memref<128x64xf32, #tpu.memory_space<hbm>>
          tpu.wait_dma2 semaphore(%arg21 : memref<!tpu.dma_semaphore, #tpu.memory_space<semaphore_mem>>) src(%dma_wait3A_508 : memref<128x64xf32, #tpu.memory_space<hbm>>) dst(%dma_wait3A_505 : memref<128x64xf32, #tpu.memory_space<vmem>>)
          %sub3A_509 = arith.constant 1 : i32
          %sub3A_510 = arith.subi %add3A_125, %sub3A_509 : i32
          %mul3A_511 = arith.constant 32 : i32
          %mul3A_512 = arith.muli %sub3A_510, %mul3A_511 : i32
          %add3A_513 = arith.addi %mul3A_512, %add3A : i32
          %min3A_514 = arith.constant 2499 : i32
          %min3A_515 = arith.minsi %add3A_513, %min3A_514 : i32
          %mul3A_516 = arith.constant 128 : i32
          %mul3A_517 = arith.muli %min3A_515, %mul3A_516 : i32
          %multiple_of3A_518 = tpu.assume_multiple %mul3A_517, 128 : i32
          %dma_start3A_519 = arith.constant 0 : i32
          %dma_start3A_520 = arith.constant 0 : i32
          %dma_start3A_521 = arith.constant 0 : i32
          %dma_start3A_522 = tpu.memref_slice %arg14[%dma_start3A_519, %dma_start3A_520, %dma_start3A_521] : memref<2x128x64xf32, #tpu.memory_space<vmem>> -> memref<1x128x64xf32, #tpu.memory_space<vmem>>
          %dma_start3A_523 = tpu.memref_squeeze %dma_start3A_522 : memref<1x128x64xf32, #tpu.memory_space<vmem>> -> memref<128x64xf32, #tpu.memory_space<vmem>>
          %dma_start3A_524 = arith.constant 0 : i32
          %dma_start3A_525 = tpu.memref_slice %arg9[%multiple_of3A_518, %dma_start3A_524] : memref<320000x64xf32, #tpu.memory_space<hbm>> -> memref<128x64xf32, #tpu.memory_space<hbm>>
          %dma_start3A_526 = arith.constant 0 : i32
          %dma_start3A_527 = tpu.memref_slice %arg9[%multiple_of3A_518, %dma_start3A_526] : memref<320000x64xf32, #tpu.memory_space<hbm>> -> memref<128x64xf32, #tpu.memory_space<hbm>>
          %dma_start3A_528 = arith.constant 0 : i32
          %dma_start3A_529 = arith.constant 0 : i32
          %dma_start3A_530 = tpu.memref_slice %arg14[%dma_start3A_519, %dma_start3A_528, %dma_start3A_529] : memref<2x128x64xf32, #tpu.memory_space<vmem>> -> memref<1x128x64xf32, #tpu.memory_space<vmem>>
          %dma_start3A_531 = tpu.memref_squeeze %dma_start3A_530 : memref<1x128x64xf32, #tpu.memory_space<vmem>> -> memref<128x64xf32, #tpu.memory_space<vmem>>
          tpu.enqueue_dma source(%dma_start3A_531 : memref<128x64xf32, #tpu.memory_space<vmem>>) target(%dma_start3A_527 : memref<128x64xf32, #tpu.memory_space<hbm>>) target_semaphore(%arg22 : memref<!tpu.dma_semaphore, #tpu.memory_space<semaphore_mem>>)
          %dma_start3A_532 = arith.constant 0 : i32
          %dma_start3A_533 = arith.constant 0 : i32
          %dma_start3A_534 = arith.constant 0 : i32
          %dma_start3A_535 = tpu.memref_slice %arg15[%dma_start3A_532, %dma_start3A_533, %dma_start3A_534] : memref<2x128x64xf32, #tpu.memory_space<vmem>> -> memref<1x128x64xf32, #tpu.memory_space<vmem>>
          %dma_start3A_536 = tpu.memref_squeeze %dma_start3A_535 : memref<1x128x64xf32, #tpu.memory_space<vmem>> -> memref<128x64xf32, #tpu.memory_space<vmem>>
          %dma_start3A_537 = arith.constant 0 : i32
          %dma_start3A_538 = tpu.memref_slice %arg10[%multiple_of3A_518, %dma_start3A_537] : memref<320000x64xf32, #tpu.memory_space<hbm>> -> memref<128x64xf32, #tpu.memory_space<hbm>>
          %dma_start3A_539 = arith.constant 0 : i32
          %dma_start3A_540 = tpu.memref_slice %arg10[%multiple_of3A_518, %dma_start3A_539] : memref<320000x64xf32, #tpu.memory_space<hbm>> -> memref<128x64xf32, #tpu.memory_space<hbm>>
          %dma_start3A_541 = arith.constant 0 : i32
          %dma_start3A_542 = arith.constant 0 : i32
          %dma_start3A_543 = tpu.memref_slice %arg15[%dma_start3A_532, %dma_start3A_541, %dma_start3A_542] : memref<2x128x64xf32, #tpu.memory_space<vmem>> -> memref<1x128x64xf32, #tpu.memory_space<vmem>>
          %dma_start3A_544 = tpu.memref_squeeze %dma_start3A_543 : memref<1x128x64xf32, #tpu.memory_space<vmem>> -> memref<128x64xf32, #tpu.memory_space<vmem>>
          tpu.enqueue_dma source(%dma_start3A_544 : memref<128x64xf32, #tpu.memory_space<vmem>>) target(%dma_start3A_540 : memref<128x64xf32, #tpu.memory_space<hbm>>) target_semaphore(%arg22 : memref<!tpu.dma_semaphore, #tpu.memory_space<semaphore_mem>>)
          %dma_start3A_545 = arith.constant 0 : i32
          %dma_start3A_546 = arith.constant 0 : i32
          %dma_start3A_547 = tpu.memref_slice %arg16[%dma_start3A_545, %dma_start3A_546] : memref<2x128xf32, #tpu.memory_space<vmem>> -> memref<1x128xf32, #tpu.memory_space<vmem>>
          %dma_start3A_548 = tpu.memref_squeeze %dma_start3A_547 : memref<1x128xf32, #tpu.memory_space<vmem>> -> memref<128xf32, #tpu.memory_space<vmem>>
          %dma_start3A_549 = arith.constant 0 : i32
          %dma_start3A_550 = tpu.memref_slice %arg11[%min3A_515, %dma_start3A_549] : memref<2500x128xf32, #tpu.memory_space<hbm>> -> memref<1x128xf32, #tpu.memory_space<hbm>>
          %dma_start3A_551 = tpu.memref_squeeze %dma_start3A_550 : memref<1x128xf32, #tpu.memory_space<hbm>> -> memref<128xf32, #tpu.memory_space<hbm>>
          %dma_start3A_552 = arith.constant 0 : i32
          %dma_start3A_553 = tpu.memref_slice %arg11[%min3A_515, %dma_start3A_552] : memref<2500x128xf32, #tpu.memory_space<hbm>> -> memref<1x128xf32, #tpu.memory_space<hbm>>
          %dma_start3A_554 = tpu.memref_squeeze %dma_start3A_553 : memref<1x128xf32, #tpu.memory_space<hbm>> -> memref<128xf32, #tpu.memory_space<hbm>>
          %dma_start3A_555 = arith.constant 0 : i32
          %dma_start3A_556 = tpu.memref_slice %arg16[%dma_start3A_545, %dma_start3A_555] : memref<2x128xf32, #tpu.memory_space<vmem>> -> memref<1x128xf32, #tpu.memory_space<vmem>>
          %dma_start3A_557 = tpu.memref_squeeze %dma_start3A_556 : memref<1x128xf32, #tpu.memory_space<vmem>> -> memref<128xf32, #tpu.memory_space<vmem>>
          tpu.enqueue_dma source(%dma_start3A_557 : memref<128xf32, #tpu.memory_space<vmem>>) target(%dma_start3A_554 : memref<128xf32, #tpu.memory_space<hbm>>) target_semaphore(%arg22 : memref<!tpu.dma_semaphore, #tpu.memory_space<semaphore_mem>>)
        } else {
        }
        %add3A_184 = arith.constant 1 : i32
        %add3A_185 = arith.addi %add3A_125, %add3A_184 : i32
        %lt3A_186 = arith.cmpi slt, %add3A_185, %select_n3A : i32
        %convert_element_type3A_187 = arith.extui %lt3A_186 : i1 to i32
        %cond3A_188 = arith.constant 0 : i32
        %cond3A_189 = arith.cmpi ne, %convert_element_type3A_187, %cond3A_188 : i32
        scf.if %cond3A_189 {
          %add3A_479 = arith.constant 1 : i32
          %add3A_480 = arith.addi %add3A_125, %add3A_479 : i32
          %mul3A_481 = arith.constant 32 : i32
          %mul3A_482 = arith.muli %add3A_480, %mul3A_481 : i32
          %add3A_483 = arith.addi %mul3A_482, %add3A : i32
          %min3A_484 = arith.constant 2499 : i32
          %min3A_485 = arith.minsi %add3A_483, %min3A_484 : i32
          %mul3A_486 = arith.constant 128 : i32
          %mul3A_487 = arith.muli %min3A_485, %mul3A_486 : i32
          %multiple_of3A_488 = tpu.assume_multiple %mul3A_487, 128 : i32
          %dma_start3A_489 = arith.constant 0 : i32
          %dma_start3A_490 = arith.constant 0 : i32
          %dma_start3A_491 = tpu.memref_slice %arg12[%dma_start3A_489, %dma_start3A_490] : memref<2x128xi32, #tpu.memory_space<vmem>> -> memref<1x128xi32, #tpu.memory_space<vmem>>
          %dma_start3A_492 = tpu.memref_squeeze %dma_start3A_491 : memref<1x128xi32, #tpu.memory_space<vmem>> -> memref<128xi32, #tpu.memory_space<vmem>>
          %dma_start3A_493 = tpu.memref_slice %arg7[%multiple_of3A_488] : memref<320000xi32, #tpu.memory_space<hbm>> -> memref<128xi32, #tpu.memory_space<hbm>>
          %dma_start3A_494 = arith.constant 0 : i32
          %dma_start3A_495 = tpu.memref_slice %arg12[%dma_start3A_489, %dma_start3A_494] : memref<2x128xi32, #tpu.memory_space<vmem>> -> memref<1x128xi32, #tpu.memory_space<vmem>>
          %dma_start3A_496 = tpu.memref_squeeze %dma_start3A_495 : memref<1x128xi32, #tpu.memory_space<vmem>> -> memref<128xi32, #tpu.memory_space<vmem>>
          %dma_start3A_497 = tpu.memref_slice %arg7[%multiple_of3A_488] : memref<320000xi32, #tpu.memory_space<hbm>> -> memref<128xi32, #tpu.memory_space<hbm>>
          tpu.enqueue_dma source(%dma_start3A_497 : memref<128xi32, #tpu.memory_space<hbm>>) target(%dma_start3A_496 : memref<128xi32, #tpu.memory_space<vmem>>) target_semaphore(%arg20 : memref<!tpu.dma_semaphore, #tpu.memory_space<semaphore_mem>>)
          %dma_start3A_498 = arith.constant 0 : i32
          %dma_start3A_499 = arith.constant 0 : i32
          %dma_start3A_500 = tpu.memref_slice %arg13[%dma_start3A_498, %dma_start3A_499] : memref<2x128xi32, #tpu.memory_space<vmem>> -> memref<1x128xi32, #tpu.memory_space<vmem>>
          %dma_start3A_501 = tpu.memref_squeeze %dma_start3A_500 : memref<1x128xi32, #tpu.memory_space<vmem>> -> memref<128xi32, #tpu.memory_space<vmem>>
          %dma_start3A_502 = tpu.memref_slice %arg8[%multiple_of3A_488] : memref<320000xi32, #tpu.memory_space<hbm>> -> memref<128xi32, #tpu.memory_space<hbm>>
          %dma_start3A_503 = arith.constant 0 : i32
          %dma_start3A_504 = tpu.memref_slice %arg13[%dma_start3A_498, %dma_start3A_503] : memref<2x128xi32, #tpu.memory_space<vmem>> -> memref<1x128xi32, #tpu.memory_space<vmem>>
          %dma_start3A_505 = tpu.memref_squeeze %dma_start3A_504 : memref<1x128xi32, #tpu.memory_space<vmem>> -> memref<128xi32, #tpu.memory_space<vmem>>
          %dma_start3A_506 = tpu.memref_slice %arg8[%multiple_of3A_488] : memref<320000xi32, #tpu.memory_space<hbm>> -> memref<128xi32, #tpu.memory_space<hbm>>
          tpu.enqueue_dma source(%dma_start3A_506 : memref<128xi32, #tpu.memory_space<hbm>>) target(%dma_start3A_505 : memref<128xi32, #tpu.memory_space<vmem>>) target_semaphore(%arg20 : memref<!tpu.dma_semaphore, #tpu.memory_space<semaphore_mem>>)
        } else {
        }
        %iota3A = tpu.iota {dimensions = array<i32: 0>} : vector<16xi32>
        %mul3A_190 = arith.constant 2 : i32
        %mul3A_191 = vector.broadcast %mul3A_190 : i32 to vector<16xi32>
        %mul3A_192 = arith.muli %mul3A_191, %iota3A : vector<16xi32>
        %add3A_193 = arith.constant 0 : i32
        %add3A_194 = vector.broadcast %add3A_193 : i32 to vector<16xi32>
        %add3A_195 = arith.addi %add3A_194, %mul3A_192 : vector<16xi32>
        %add3A_196 = arith.constant 0 : i32
        %add3A_197 = vector.broadcast %add3A_196 : i32 to vector<16xi32>
        %add3A_198 = arith.addi %add3A_195, %add3A_197 : vector<16xi32>
        %gather3A = arith.constant 1 : i32
        %gather3A_199 = arith.constant 0 : i32
        %gather3A_200 = tpu.memref_slice %arg12[%gather3A, %gather3A_199] : memref<2x128xi32, #tpu.memory_space<vmem>> -> memref<1x128xi32, #tpu.memory_space<vmem>>
        %gather3A_201 = tpu.memref_squeeze %gather3A_200 : memref<1x128xi32, #tpu.memory_space<vmem>> -> memref<128xi32, #tpu.memory_space<vmem>>
        %gather3A_202 = tpu.vector_load_idx %gather3A_201[%add3A_198] : memref<128xi32, #tpu.memory_space<vmem>>[vector<16xi32>], vector<16xi32>,
        %gather3A_203 = arith.constant 1 : i32
        %gather3A_204 = arith.constant 0 : i32
        %gather3A_205 = tpu.memref_slice %arg13[%gather3A_203, %gather3A_204] : memref<2x128xi32, #tpu.memory_space<vmem>> -> memref<1x128xi32, #tpu.memory_space<vmem>>
        %gather3A_206 = tpu.memref_squeeze %gather3A_205 : memref<1x128xi32, #tpu.memory_space<vmem>> -> memref<128xi32, #tpu.memory_space<vmem>>
        %gather3A_207 = tpu.vector_load_idx %gather3A_206[%add3A_198] : memref<128xi32, #tpu.memory_space<vmem>>[vector<16xi32>], vector<16xi32>,
        %gather3A_208 = tpu.vector_load_idx %arg17[%gather3A_202] : memref<10000xf32, #tpu.memory_space<vmem>>[vector<16xi32>], vector<16xf32>,
        %gather3A_209 = tpu.vector_load_idx %arg17[%gather3A_207] : memref<10000xf32, #tpu.memory_space<vmem>>[vector<16xi32>], vector<16xf32>,
        %sub3A_210 = arith.subf %gather3A_208, %gather3A_209 : vector<16xf32>
        %gather3A_211 = tpu.vector_load_idx %arg18[%gather3A_202] : memref<10000xf32, #tpu.memory_space<vmem>>[vector<16xi32>], vector<16xf32>,
        %gather3A_212 = tpu.vector_load_idx %arg18[%gather3A_207] : memref<10000xf32, #tpu.memory_space<vmem>>[vector<16xi32>], vector<16xf32>,
        %sub3A_213 = arith.subf %gather3A_211, %gather3A_212 : vector<16xf32>
        %gather3A_214 = tpu.vector_load_idx %arg19[%gather3A_202] : memref<10000xf32, #tpu.memory_space<vmem>>[vector<16xi32>], vector<16xf32>,
        %gather3A_215 = tpu.vector_load_idx %arg19[%gather3A_207] : memref<10000xf32, #tpu.memory_space<vmem>>[vector<16xi32>], vector<16xf32>,
        %sub3A_216 = arith.subf %gather3A_214, %gather3A_215 : vector<16xf32>
        %multiple_of3A_217 = arith.constant 0 : i32
        %multiple_of3A_218 = tpu.assume_multiple %multiple_of3A_217, 16 : i32
        %mul3A_219 = arith.mulf %sub3A_210, %sub3A_210 : vector<16xf32>
        %mul3A_220 = arith.mulf %sub3A_213, %sub3A_213 : vector<16xf32>
        %add3A_221 = arith.addf %mul3A_219, %mul3A_220 : vector<16xf32>
        %mul3A_222 = arith.mulf %sub3A_216, %sub3A_216 : vector<16xf32>
        %add3A_223 = arith.addf %add3A_221, %mul3A_222 : vector<16xf32>
        %swap3A = arith.constant 1 : i32
        %swap3A_224 = arith.index_cast %swap3A : i32 to index
        %swap3A_225 = arith.index_cast %multiple_of3A_218 : i32 to index
        %swap3A_226 = tpu.vector_load %arg16[%swap3A_224, %swap3A_225] {strides = array<i32>} : memref<2x128xf32, #tpu.memory_space<vmem>>, vector<16xf32>,
        tpu.vector_store %arg16[%swap3A_224, %swap3A_225], %add3A_223 {strides = array<i32>} : memref<2x128xf32, #tpu.memory_space<vmem>>, vector<16xf32>,
        %add3A_227 = arith.constant 1 : i32
        %add3A_228 = vector.broadcast %add3A_227 : i32 to vector<16xi32>
        %add3A_229 = arith.addi %add3A_195, %add3A_228 : vector<16xi32>
        %gather3A_230 = arith.constant 1 : i32
        %gather3A_231 = arith.constant 0 : i32
        %gather3A_232 = tpu.memref_slice %arg12[%gather3A_230, %gather3A_231] : memref<2x128xi32, #tpu.memory_space<vmem>> -> memref<1x128xi32, #tpu.memory_space<vmem>>
        %gather3A_233 = tpu.memref_squeeze %gather3A_232 : memref<1x128xi32, #tpu.memory_space<vmem>> -> memref<128xi32, #tpu.memory_space<vmem>>
        %gather3A_234 = tpu.vector_load_idx %gather3A_233[%add3A_229] : memref<128xi32, #tpu.memory_space<vmem>>[vector<16xi32>], vector<16xi32>,
        %gather3A_235 = arith.constant 1 : i32
        %gather3A_236 = arith.constant 0 : i32
        %gather3A_237 = tpu.memref_slice %arg13[%gather3A_235, %gather3A_236] : memref<2x128xi32, #tpu.memory_space<vmem>> -> memref<1x128xi32, #tpu.memory_space<vmem>>
        %gather3A_238 = tpu.memref_squeeze %gather3A_237 : memref<1x128xi32, #tpu.memory_space<vmem>> -> memref<128xi32, #tpu.memory_space<vmem>>
        %gather3A_239 = tpu.vector_load_idx %gather3A_238[%add3A_229] : memref<128xi32, #tpu.memory_space<vmem>>[vector<16xi32>], vector<16xi32>,
        %gather3A_240 = tpu.vector_load_idx %arg17[%gather3A_234] : memref<10000xf32, #tpu.memory_space<vmem>>[vector<16xi32>], vector<16xf32>,
        %gather3A_241 = tpu.vector_load_idx %arg17[%gather3A_239] : memref<10000xf32, #tpu.memory_space<vmem>>[vector<16xi32>], vector<16xf32>,
        %sub3A_242 = arith.subf %gather3A_240, %gather3A_241 : vector<16xf32>
        %gather3A_243 = tpu.vector_load_idx %arg18[%gather3A_234] : memref<10000xf32, #tpu.memory_space<vmem>>[vector<16xi32>], vector<16xf32>,
        %gather3A_244 = tpu.vector_load_idx %arg18[%gather3A_239] : memref<10000xf32, #tpu.memory_space<vmem>>[vector<16xi32>], vector<16xf32>,
        %sub3A_245 = arith.subf %gather3A_243, %gather3A_244 : vector<16xf32>
        %gather3A_246 = tpu.vector_load_idx %arg19[%gather3A_234] : memref<10000xf32, #tpu.memory_space<vmem>>[vector<16xi32>], vector<16xf32>,
        %gather3A_247 = tpu.vector_load_idx %arg19[%gather3A_239] : memref<10000xf32, #tpu.memory_space<vmem>>[vector<16xi32>], vector<16xf32>,
        %sub3A_248 = arith.subf %gather3A_246, %gather3A_247 : vector<16xf32>
        %multiple_of3A_249 = arith.constant 64 : i32
        %multiple_of3A_250 = tpu.assume_multiple %multiple_of3A_249, 16 : i32
        %mul3A_251 = arith.mulf %sub3A_242, %sub3A_242 : vector<16xf32>
        %mul3A_252 = arith.mulf %sub3A_245, %sub3A_245 : vector<16xf32>
        %add3A_253 = arith.addf %mul3A_251, %mul3A_252 : vector<16xf32>
        %mul3A_254 = arith.mulf %sub3A_248, %sub3A_248 : vector<16xf32>
        %add3A_255 = arith.addf %add3A_253, %mul3A_254 : vector<16xf32>
        %swap3A_256 = arith.constant 1 : i32
        %swap3A_257 = arith.index_cast %swap3A_256 : i32 to index
        %swap3A_258 = arith.index_cast %multiple_of3A_250 : i32 to index
        %swap3A_259 = tpu.vector_load %arg16[%swap3A_257, %swap3A_258] {strides = array<i32>} : memref<2x128xf32, #tpu.memory_space<vmem>>, vector<16xf32>,
        tpu.vector_store %arg16[%swap3A_257, %swap3A_258], %add3A_255 {strides = array<i32>} : memref<2x128xf32, #tpu.memory_space<vmem>>, vector<16xf32>,
        %iota3A_260 = tpu.iota {dimensions = array<i32: 0>} : vector<16xi32>
        %mul3A_261 = arith.constant 2 : i32
        %mul3A_262 = vector.broadcast %mul3A_261 : i32 to vector<16xi32>
        %mul3A_263 = arith.muli %mul3A_262, %iota3A_260 : vector<16xi32>
        %add3A_264 = arith.constant 32 : i32
        %add3A_265 = vector.broadcast %add3A_264 : i32 to vector<16xi32>
        %add3A_266 = arith.addi %add3A_265, %mul3A_263 : vector<16xi32>
        %add3A_267 = arith.constant 0 : i32
        %add3A_268 = vector.broadcast %add3A_267 : i32 to vector<16xi32>
        %add3A_269 = arith.addi %add3A_266, %add3A_268 : vector<16xi32>
        %gather3A_270 = arith.constant 1 : i32
        %gather3A_271 = arith.constant 0 : i32
        %gather3A_272 = tpu.memref_slice %arg12[%gather3A_270, %gather3A_271] : memref<2x128xi32, #tpu.memory_space<vmem>> -> memref<1x128xi32, #tpu.memory_space<vmem>>
        %gather3A_273 = tpu.memref_squeeze %gather3A_272 : memref<1x128xi32, #tpu.memory_space<vmem>> -> memref<128xi32, #tpu.memory_space<vmem>>
        %gather3A_274 = tpu.vector_load_idx %gather3A_273[%add3A_269] : memref<128xi32, #tpu.memory_space<vmem>>[vector<16xi32>], vector<16xi32>,
        %gather3A_275 = arith.constant 1 : i32
        %gather3A_276 = arith.constant 0 : i32
        %gather3A_277 = tpu.memref_slice %arg13[%gather3A_275, %gather3A_276] : memref<2x128xi32, #tpu.memory_space<vmem>> -> memref<1x128xi32, #tpu.memory_space<vmem>>
        %gather3A_278 = tpu.memref_squeeze %gather3A_277 : memref<1x128xi32, #tpu.memory_space<vmem>> -> memref<128xi32, #tpu.memory_space<vmem>>
        %gather3A_279 = tpu.vector_load_idx %gather3A_278[%add3A_269] : memref<128xi32, #tpu.memory_space<vmem>>[vector<16xi32>], vector<16xi32>,
        %gather3A_280 = tpu.vector_load_idx %arg17[%gather3A_274] : memref<10000xf32, #tpu.memory_space<vmem>>[vector<16xi32>], vector<16xf32>,
        %gather3A_281 = tpu.vector_load_idx %arg17[%gather3A_279] : memref<10000xf32, #tpu.memory_space<vmem>>[vector<16xi32>], vector<16xf32>,
        %sub3A_282 = arith.subf %gather3A_280, %gather3A_281 : vector<16xf32>
        %gather3A_283 = tpu.vector_load_idx %arg18[%gather3A_274] : memref<10000xf32, #tpu.memory_space<vmem>>[vector<16xi32>], vector<16xf32>,
        %gather3A_284 = tpu.vector_load_idx %arg18[%gather3A_279] : memref<10000xf32, #tpu.memory_space<vmem>>[vector<16xi32>], vector<16xf32>,
        %sub3A_285 = arith.subf %gather3A_283, %gather3A_284 : vector<16xf32>
        %gather3A_286 = tpu.vector_load_idx %arg19[%gather3A_274] : memref<10000xf32, #tpu.memory_space<vmem>>[vector<16xi32>], vector<16xf32>,
        %gather3A_287 = tpu.vector_load_idx %arg19[%gather3A_279] : memref<10000xf32, #tpu.memory_space<vmem>>[vector<16xi32>], vector<16xf32>,
        %sub3A_288 = arith.subf %gather3A_286, %gather3A_287 : vector<16xf32>
        %multiple_of3A_289 = arith.constant 16 : i32
        %multiple_of3A_290 = tpu.assume_multiple %multiple_of3A_289, 16 : i32
        %mul3A_291 = arith.mulf %sub3A_282, %sub3A_282 : vector<16xf32>
        %mul3A_292 = arith.mulf %sub3A_285, %sub3A_285 : vector<16xf32>
        %add3A_293 = arith.addf %mul3A_291, %mul3A_292 : vector<16xf32>
        %mul3A_294 = arith.mulf %sub3A_288, %sub3A_288 : vector<16xf32>
        %add3A_295 = arith.addf %add3A_293, %mul3A_294 : vector<16xf32>
        %swap3A_296 = arith.constant 1 : i32
        %swap3A_297 = arith.index_cast %swap3A_296 : i32 to index
        %swap3A_298 = arith.index_cast %multiple_of3A_290 : i32 to index
        %swap3A_299 = tpu.vector_load %arg16[%swap3A_297, %swap3A_298] {strides = array<i32>} : memref<2x128xf32, #tpu.memory_space<vmem>>, vector<16xf32>,
        tpu.vector_store %arg16[%swap3A_297, %swap3A_298], %add3A_295 {strides = array<i32>} : memref<2x128xf32, #tpu.memory_space<vmem>>, vector<16xf32>,
        %add3A_300 = arith.constant 1 : i32
        %add3A_301 = vector.broadcast %add3A_300 : i32 to vector<16xi32>
        %add3A_302 = arith.addi %add3A_266, %add3A_301 : vector<16xi32>
        %gather3A_303 = arith.constant 1 : i32
        %gather3A_304 = arith.constant 0 : i32
        %gather3A_305 = tpu.memref_slice %arg12[%gather3A_303, %gather3A_304] : memref<2x128xi32, #tpu.memory_space<vmem>> -> memref<1x128xi32, #tpu.memory_space<vmem>>
        %gather3A_306 = tpu.memref_squeeze %gather3A_305 : memref<1x128xi32, #tpu.memory_space<vmem>> -> memref<128xi32, #tpu.memory_space<vmem>>
        %gather3A_307 = tpu.vector_load_idx %gather3A_306[%add3A_302] : memref<128xi32, #tpu.memory_space<vmem>>[vector<16xi32>], vector<16xi32>,
        %gather3A_308 = arith.constant 1 : i32
        %gather3A_309 = arith.constant 0 : i32
        %gather3A_310 = tpu.memref_slice %arg13[%gather3A_308, %gather3A_309] : memref<2x128xi32, #tpu.memory_space<vmem>> -> memref<1x128xi32, #tpu.memory_space<vmem>>
        %gather3A_311 = tpu.memref_squeeze %gather3A_310 : memref<1x128xi32, #tpu.memory_space<vmem>> -> memref<128xi32, #tpu.memory_space<vmem>>
        %gather3A_312 = tpu.vector_load_idx %gather3A_311[%add3A_302] : memref<128xi32, #tpu.memory_space<vmem>>[vector<16xi32>], vector<16xi32>,
        %gather3A_313 = tpu.vector_load_idx %arg17[%gather3A_307] : memref<10000xf32, #tpu.memory_space<vmem>>[vector<16xi32>], vector<16xf32>,
        %gather3A_314 = tpu.vector_load_idx %arg17[%gather3A_312] : memref<10000xf32, #tpu.memory_space<vmem>>[vector<16xi32>], vector<16xf32>,
        %sub3A_315 = arith.subf %gather3A_313, %gather3A_314 : vector<16xf32>
        %gather3A_316 = tpu.vector_load_idx %arg18[%gather3A_307] : memref<10000xf32, #tpu.memory_space<vmem>>[vector<16xi32>], vector<16xf32>,
        %gather3A_317 = tpu.vector_load_idx %arg18[%gather3A_312] : memref<10000xf32, #tpu.memory_space<vmem>>[vector<16xi32>], vector<16xf32>,
        %sub3A_318 = arith.subf %gather3A_316, %gather3A_317 : vector<16xf32>
        %gather3A_319 = tpu.vector_load_idx %arg19[%gather3A_307] : memref<10000xf32, #tpu.memory_space<vmem>>[vector<16xi32>], vector<16xf32>,
        %gather3A_320 = tpu.vector_load_idx %arg19[%gather3A_312] : memref<10000xf32, #tpu.memory_space<vmem>>[vector<16xi32>], vector<16xf32>,
        %sub3A_321 = arith.subf %gather3A_319, %gather3A_320 : vector<16xf32>
        %multiple_of3A_322 = arith.constant 80 : i32
        %multiple_of3A_323 = tpu.assume_multiple %multiple_of3A_322, 16 : i32
        %mul3A_324 = arith.mulf %sub3A_315, %sub3A_315 : vector<16xf32>
        %mul3A_325 = arith.mulf %sub3A_318, %sub3A_318 : vector<16xf32>
        %add3A_326 = arith.addf %mul3A_324, %mul3A_325 : vector<16xf32>
        %mul3A_327 = arith.mulf %sub3A_321, %sub3A_321 : vector<16xf32>
        %add3A_328 = arith.addf %add3A_326, %mul3A_327 : vector<16xf32>
        %swap3A_329 = arith.constant 1 : i32
        %swap3A_330 = arith.index_cast %swap3A_329 : i32 to index
        %swap3A_331 = arith.index_cast %multiple_of3A_323 : i32 to index
        %swap3A_332 = tpu.vector_load %arg16[%swap3A_330, %swap3A_331] {strides = array<i32>} : memref<2x128xf32, #tpu.memory_space<vmem>>, vector<16xf32>,
        tpu.vector_store %arg16[%swap3A_330, %swap3A_331], %add3A_328 {strides = array<i32>} : memref<2x128xf32, #tpu.memory_space<vmem>>, vector<16xf32>,
        %iota3A_333 = tpu.iota {dimensions = array<i32: 0>} : vector<16xi32>
        %mul3A_334 = arith.constant 2 : i32
        %mul3A_335 = vector.broadcast %mul3A_334 : i32 to vector<16xi32>
        %mul3A_336 = arith.muli %mul3A_335, %iota3A_333 : vector<16xi32>
        %add3A_337 = arith.constant 64 : i32
        %add3A_338 = vector.broadcast %add3A_337 : i32 to vector<16xi32>
        %add3A_339 = arith.addi %add3A_338, %mul3A_336 : vector<16xi32>
        %add3A_340 = arith.constant 0 : i32
        %add3A_341 = vector.broadcast %add3A_340 : i32 to vector<16xi32>
        %add3A_342 = arith.addi %add3A_339, %add3A_341 : vector<16xi32>
        %gather3A_343 = arith.constant 1 : i32
        %gather3A_344 = arith.constant 0 : i32
        %gather3A_345 = tpu.memref_slice %arg12[%gather3A_343, %gather3A_344] : memref<2x128xi32, #tpu.memory_space<vmem>> -> memref<1x128xi32, #tpu.memory_space<vmem>>
        %gather3A_346 = tpu.memref_squeeze %gather3A_345 : memref<1x128xi32, #tpu.memory_space<vmem>> -> memref<128xi32, #tpu.memory_space<vmem>>
        %gather3A_347 = tpu.vector_load_idx %gather3A_346[%add3A_342] : memref<128xi32, #tpu.memory_space<vmem>>[vector<16xi32>], vector<16xi32>,
        %gather3A_348 = arith.constant 1 : i32
        %gather3A_349 = arith.constant 0 : i32
        %gather3A_350 = tpu.memref_slice %arg13[%gather3A_348, %gather3A_349] : memref<2x128xi32, #tpu.memory_space<vmem>> -> memref<1x128xi32, #tpu.memory_space<vmem>>
        %gather3A_351 = tpu.memref_squeeze %gather3A_350 : memref<1x128xi32, #tpu.memory_space<vmem>> -> memref<128xi32, #tpu.memory_space<vmem>>
        %gather3A_352 = tpu.vector_load_idx %gather3A_351[%add3A_342] : memref<128xi32, #tpu.memory_space<vmem>>[vector<16xi32>], vector<16xi32>,
        %gather3A_353 = tpu.vector_load_idx %arg17[%gather3A_347] : memref<10000xf32, #tpu.memory_space<vmem>>[vector<16xi32>], vector<16xf32>,
        %gather3A_354 = tpu.vector_load_idx %arg17[%gather3A_352] : memref<10000xf32, #tpu.memory_space<vmem>>[vector<16xi32>], vector<16xf32>,
        %sub3A_355 = arith.subf %gather3A_353, %gather3A_354 : vector<16xf32>
        %gather3A_356 = tpu.vector_load_idx %arg18[%gather3A_347] : memref<10000xf32, #tpu.memory_space<vmem>>[vector<16xi32>], vector<16xf32>,
        %gather3A_357 = tpu.vector_load_idx %arg18[%gather3A_352] : memref<10000xf32, #tpu.memory_space<vmem>>[vector<16xi32>], vector<16xf32>,
        %sub3A_358 = arith.subf %gather3A_356, %gather3A_357 : vector<16xf32>
        %gather3A_359 = tpu.vector_load_idx %arg19[%gather3A_347] : memref<10000xf32, #tpu.memory_space<vmem>>[vector<16xi32>], vector<16xf32>,
        %gather3A_360 = tpu.vector_load_idx %arg19[%gather3A_352] : memref<10000xf32, #tpu.memory_space<vmem>>[vector<16xi32>], vector<16xf32>,
        %sub3A_361 = arith.subf %gather3A_359, %gather3A_360 : vector<16xf32>
        %multiple_of3A_362 = arith.constant 32 : i32
        %multiple_of3A_363 = tpu.assume_multiple %multiple_of3A_362, 16 : i32
        %mul3A_364 = arith.mulf %sub3A_355, %sub3A_355 : vector<16xf32>
        %mul3A_365 = arith.mulf %sub3A_358, %sub3A_358 : vector<16xf32>
        %add3A_366 = arith.addf %mul3A_364, %mul3A_365 : vector<16xf32>
        %mul3A_367 = arith.mulf %sub3A_361, %sub3A_361 : vector<16xf32>
        %add3A_368 = arith.addf %add3A_366, %mul3A_367 : vector<16xf32>
        %swap3A_369 = arith.constant 1 : i32
        %swap3A_370 = arith.index_cast %swap3A_369 : i32 to index
        %swap3A_371 = arith.index_cast %multiple_of3A_363 : i32 to index
        %swap3A_372 = tpu.vector_load %arg16[%swap3A_370, %swap3A_371] {strides = array<i32>} : memref<2x128xf32, #tpu.memory_space<vmem>>, vector<16xf32>,
        tpu.vector_store %arg16[%swap3A_370, %swap3A_371], %add3A_368 {strides = array<i32>} : memref<2x128xf32, #tpu.memory_space<vmem>>, vector<16xf32>,
        %add3A_373 = arith.constant 1 : i32
        %add3A_374 = vector.broadcast %add3A_373 : i32 to vector<16xi32>
        %add3A_375 = arith.addi %add3A_339, %add3A_374 : vector<16xi32>
        %gather3A_376 = arith.constant 1 : i32
        %gather3A_377 = arith.constant 0 : i32
        %gather3A_378 = tpu.memref_slice %arg12[%gather3A_376, %gather3A_377] : memref<2x128xi32, #tpu.memory_space<vmem>> -> memref<1x128xi32, #tpu.memory_space<vmem>>
        %gather3A_379 = tpu.memref_squeeze %gather3A_378 : memref<1x128xi32, #tpu.memory_space<vmem>> -> memref<128xi32, #tpu.memory_space<vmem>>
        %gather3A_380 = tpu.vector_load_idx %gather3A_379[%add3A_375] : memref<128xi32, #tpu.memory_space<vmem>>[vector<16xi32>], vector<16xi32>,
        %gather3A_381 = arith.constant 1 : i32
        %gather3A_382 = arith.constant 0 : i32
        %gather3A_383 = tpu.memref_slice %arg13[%gather3A_381, %gather3A_382] : memref<2x128xi32, #tpu.memory_space<vmem>> -> memref<1x128xi32, #tpu.memory_space<vmem>>
        %gather3A_384 = tpu.memref_squeeze %gather3A_383 : memref<1x128xi32, #tpu.memory_space<vmem>> -> memref<128xi32, #tpu.memory_space<vmem>>
        %gather3A_385 = tpu.vector_load_idx %gather3A_384[%add3A_375] : memref<128xi32, #tpu.memory_space<vmem>>[vector<16xi32>], vector<16xi32>,
        %gather3A_386 = tpu.vector_load_idx %arg17[%gather3A_380] : memref<10000xf32, #tpu.memory_space<vmem>>[vector<16xi32>], vector<16xf32>,
        %gather3A_387 = tpu.vector_load_idx %arg17[%gather3A_385] : memref<10000xf32, #tpu.memory_space<vmem>>[vector<16xi32>], vector<16xf32>,
        %sub3A_388 = arith.subf %gather3A_386, %gather3A_387 : vector<16xf32>
        %gather3A_389 = tpu.vector_load_idx %arg18[%gather3A_380] : memref<10000xf32, #tpu.memory_space<vmem>>[vector<16xi32>], vector<16xf32>,
        %gather3A_390 = tpu.vector_load_idx %arg18[%gather3A_385] : memref<10000xf32, #tpu.memory_space<vmem>>[vector<16xi32>], vector<16xf32>,
        %sub3A_391 = arith.subf %gather3A_389, %gather3A_390 : vector<16xf32>
        %gather3A_392 = tpu.vector_load_idx %arg19[%gather3A_380] : memref<10000xf32, #tpu.memory_space<vmem>>[vector<16xi32>], vector<16xf32>,
        %gather3A_393 = tpu.vector_load_idx %arg19[%gather3A_385] : memref<10000xf32, #tpu.memory_space<vmem>>[vector<16xi32>], vector<16xf32>,
        %sub3A_394 = arith.subf %gather3A_392, %gather3A_393 : vector<16xf32>
        %multiple_of3A_395 = arith.constant 96 : i32
        %multiple_of3A_396 = tpu.assume_multiple %multiple_of3A_395, 16 : i32
        %mul3A_397 = arith.mulf %sub3A_388, %sub3A_388 : vector<16xf32>
        %mul3A_398 = arith.mulf %sub3A_391, %sub3A_391 : vector<16xf32>
        %add3A_399 = arith.addf %mul3A_397, %mul3A_398 : vector<16xf32>
        %mul3A_400 = arith.mulf %sub3A_394, %sub3A_394 : vector<16xf32>
        %add3A_401 = arith.addf %add3A_399, %mul3A_400 : vector<16xf32>
        %swap3A_402 = arith.constant 1 : i32
        %swap3A_403 = arith.index_cast %swap3A_402 : i32 to index
        %swap3A_404 = arith.index_cast %multiple_of3A_396 : i32 to index
        %swap3A_405 = tpu.vector_load %arg16[%swap3A_403, %swap3A_404] {strides = array<i32>} : memref<2x128xf32, #tpu.memory_space<vmem>>, vector<16xf32>,
        tpu.vector_store %arg16[%swap3A_403, %swap3A_404], %add3A_401 {strides = array<i32>} : memref<2x128xf32, #tpu.memory_space<vmem>>, vector<16xf32>,
        %iota3A_406 = tpu.iota {dimensions = array<i32: 0>} : vector<16xi32>
        %mul3A_407 = arith.constant 2 : i32
        %mul3A_408 = vector.broadcast %mul3A_407 : i32 to vector<16xi32>
        %mul3A_409 = arith.muli %mul3A_408, %iota3A_406 : vector<16xi32>
        %add3A_410 = arith.constant 96 : i32
        %add3A_411 = vector.broadcast %add3A_410 : i32 to vector<16xi32>
        %add3A_412 = arith.addi %add3A_411, %mul3A_409 : vector<16xi32>
        %add3A_413 = arith.constant 0 : i32
        %add3A_414 = vector.broadcast %add3A_413 : i32 to vector<16xi32>
        %add3A_415 = arith.addi %add3A_412, %add3A_414 : vector<16xi32>
        %gather3A_416 = arith.constant 1 : i32
        %gather3A_417 = arith.constant 0 : i32
        %gather3A_418 = tpu.memref_slice %arg12[%gather3A_416, %gather3A_417] : memref<2x128xi32, #tpu.memory_space<vmem>> -> memref<1x128xi32, #tpu.memory_space<vmem>>
        %gather3A_419 = tpu.memref_squeeze %gather3A_418 : memref<1x128xi32, #tpu.memory_space<vmem>> -> memref<128xi32, #tpu.memory_space<vmem>>
        %gather3A_420 = tpu.vector_load_idx %gather3A_419[%add3A_415] : memref<128xi32, #tpu.memory_space<vmem>>[vector<16xi32>], vector<16xi32>,
        %gather3A_421 = arith.constant 1 : i32
        %gather3A_422 = arith.constant 0 : i32
        %gather3A_423 = tpu.memref_slice %arg13[%gather3A_421, %gather3A_422] : memref<2x128xi32, #tpu.memory_space<vmem>> -> memref<1x128xi32, #tpu.memory_space<vmem>>
        %gather3A_424 = tpu.memref_squeeze %gather3A_423 : memref<1x128xi32, #tpu.memory_space<vmem>> -> memref<128xi32, #tpu.memory_space<vmem>>
        %gather3A_425 = tpu.vector_load_idx %gather3A_424[%add3A_415] : memref<128xi32, #tpu.memory_space<vmem>>[vector<16xi32>], vector<16xi32>,
        %gather3A_426 = tpu.vector_load_idx %arg17[%gather3A_420] : memref<10000xf32, #tpu.memory_space<vmem>>[vector<16xi32>], vector<16xf32>,
        %gather3A_427 = tpu.vector_load_idx %arg17[%gather3A_425] : memref<10000xf32, #tpu.memory_space<vmem>>[vector<16xi32>], vector<16xf32>,
        %sub3A_428 = arith.subf %gather3A_426, %gather3A_427 : vector<16xf32>
        %gather3A_429 = tpu.vector_load_idx %arg18[%gather3A_420] : memref<10000xf32, #tpu.memory_space<vmem>>[vector<16xi32>], vector<16xf32>,
        %gather3A_430 = tpu.vector_load_idx %arg18[%gather3A_425] : memref<10000xf32, #tpu.memory_space<vmem>>[vector<16xi32>], vector<16xf32>,
        %sub3A_431 = arith.subf %gather3A_429, %gather3A_430 : vector<16xf32>
        %gather3A_432 = tpu.vector_load_idx %arg19[%gather3A_420] : memref<10000xf32, #tpu.memory_space<vmem>>[vector<16xi32>], vector<16xf32>,
        %gather3A_433 = tpu.vector_load_idx %arg19[%gather3A_425] : memref<10000xf32, #tpu.memory_space<vmem>>[vector<16xi32>], vector<16xf32>,
        %sub3A_434 = arith.subf %gather3A_432, %gather3A_433 : vector<16xf32>
        %multiple_of3A_435 = arith.constant 48 : i32
        %multiple_of3A_436 = tpu.assume_multiple %multiple_of3A_435, 16 : i32
        %mul3A_437 = arith.mulf %sub3A_428, %sub3A_428 : vector<16xf32>
        %mul3A_438 = arith.mulf %sub3A_431, %sub3A_431 : vector<16xf32>
        %add3A_439 = arith.addf %mul3A_437, %mul3A_438 : vector<16xf32>
        %mul3A_440 = arith.mulf %sub3A_434, %sub3A_434 : vector<16xf32>
        %add3A_441 = arith.addf %add3A_439, %mul3A_440 : vector<16xf32>
        %swap3A_442 = arith.constant 1 : i32
        %swap3A_443 = arith.index_cast %swap3A_442 : i32 to index
        %swap3A_444 = arith.index_cast %multiple_of3A_436 : i32 to index
        %swap3A_445 = tpu.vector_load %arg16[%swap3A_443, %swap3A_444] {strides = array<i32>} : memref<2x128xf32, #tpu.memory_space<vmem>>, vector<16xf32>,
        tpu.vector_store %arg16[%swap3A_443, %swap3A_444], %add3A_441 {strides = array<i32>} : memref<2x128xf32, #tpu.memory_space<vmem>>, vector<16xf32>,
        %add3A_446 = arith.constant 1 : i32
        %add3A_447 = vector.broadcast %add3A_446 : i32 to vector<16xi32>
        %add3A_448 = arith.addi %add3A_412, %add3A_447 : vector<16xi32>
        %gather3A_449 = arith.constant 1 : i32
        %gather3A_450 = arith.constant 0 : i32
        %gather3A_451 = tpu.memref_slice %arg12[%gather3A_449, %gather3A_450] : memref<2x128xi32, #tpu.memory_space<vmem>> -> memref<1x128xi32, #tpu.memory_space<vmem>>
        %gather3A_452 = tpu.memref_squeeze %gather3A_451 : memref<1x128xi32, #tpu.memory_space<vmem>> -> memref<128xi32, #tpu.memory_space<vmem>>
        %gather3A_453 = tpu.vector_load_idx %gather3A_452[%add3A_448] : memref<128xi32, #tpu.memory_space<vmem>>[vector<16xi32>], vector<16xi32>,
        %gather3A_454 = arith.constant 1 : i32
        %gather3A_455 = arith.constant 0 : i32
        %gather3A_456 = tpu.memref_slice %arg13[%gather3A_454, %gather3A_455] : memref<2x128xi32, #tpu.memory_space<vmem>> -> memref<1x128xi32, #tpu.memory_space<vmem>>
        %gather3A_457 = tpu.memref_squeeze %gather3A_456 : memref<1x128xi32, #tpu.memory_space<vmem>> -> memref<128xi32, #tpu.memory_space<vmem>>
        %gather3A_458 = tpu.vector_load_idx %gather3A_457[%add3A_448] : memref<128xi32, #tpu.memory_space<vmem>>[vector<16xi32>], vector<16xi32>,
        %gather3A_459 = tpu.vector_load_idx %arg17[%gather3A_453] : memref<10000xf32, #tpu.memory_space<vmem>>[vector<16xi32>], vector<16xf32>,
        %gather3A_460 = tpu.vector_load_idx %arg17[%gather3A_458] : memref<10000xf32, #tpu.memory_space<vmem>>[vector<16xi32>], vector<16xf32>,
        %sub3A_461 = arith.subf %gather3A_459, %gather3A_460 : vector<16xf32>
        %gather3A_462 = tpu.vector_load_idx %arg18[%gather3A_453] : memref<10000xf32, #tpu.memory_space<vmem>>[vector<16xi32>], vector<16xf32>,
        %gather3A_463 = tpu.vector_load_idx %arg18[%gather3A_458] : memref<10000xf32, #tpu.memory_space<vmem>>[vector<16xi32>], vector<16xf32>,
        %sub3A_464 = arith.subf %gather3A_462, %gather3A_463 : vector<16xf32>
        %gather3A_465 = tpu.vector_load_idx %arg19[%gather3A_453] : memref<10000xf32, #tpu.memory_space<vmem>>[vector<16xi32>], vector<16xf32>,
        %gather3A_466 = tpu.vector_load_idx %arg19[%gather3A_458] : memref<10000xf32, #tpu.memory_space<vmem>>[vector<16xi32>], vector<16xf32>,
        %sub3A_467 = arith.subf %gather3A_465, %gather3A_466 : vector<16xf32>
        %multiple_of3A_468 = arith.constant 112 : i32
        %multiple_of3A_469 = tpu.assume_multiple %multiple_of3A_468, 16 : i32
        %mul3A_470 = arith.mulf %sub3A_461, %sub3A_461 : vector<16xf32>
        %mul3A_471 = arith.mulf %sub3A_464, %sub3A_464 : vector<16xf32>
        %add3A_472 = arith.addf %mul3A_470, %mul3A_471 : vector<16xf32>
        %mul3A_473 = arith.mulf %sub3A_467, %sub3A_467 : vector<16xf32>
        %add3A_474 = arith.addf %add3A_472, %mul3A_473 : vector<16xf32>
        %swap3A_475 = arith.constant 1 : i32
        %swap3A_476 = arith.index_cast %swap3A_475 : i32 to index
        %swap3A_477 = arith.index_cast %multiple_of3A_469 : i32 to index
        %swap3A_478 = tpu.vector_load %arg16[%swap3A_476, %swap3A_477] {strides = array<i32>} : memref<2x128xf32, #tpu.memory_space<vmem>>, vector<16xf32>,
        tpu.vector_store %arg16[%swap3A_476, %swap3A_477], %add3A_474 {strides = array<i32>} : memref<2x128xf32, #tpu.memory_space<vmem>>, vector<16xf32>,
      } else {
      }
    }
    %sub3A_89 = arith.constant 1 : i32
    %sub3A_90 = arith.subi %select_n3A, %sub3A_89 : i32
    %jit3A_91 = arith.constant 2 : i32
    %eq3A = arith.constant 0 : i32
    %eq3A_92 = arith.cmpi eq, %jit3A_91, %eq3A : i32
    %jit3A_93 = arith.constant 1 : i32
    %select_n3A_94 = arith.select %eq3A_92, %jit3A_93, %jit3A_91 : i32
    %rem3A_95 = arith.remsi %sub3A_90, %select_n3A_94 : i32
    %ne3A_96 = arith.constant 0 : i32
    %ne3A_97 = arith.cmpi ne, %rem3A_95, %ne3A_96 : i32
    %lt3A = arith.constant 0 : i32
    %lt3A_98 = arith.cmpi slt, %rem3A_95, %lt3A : i32
    %lt3A_99 = arith.constant 0 : i32
    %lt3A_100 = arith.cmpi slt, %select_n3A_94, %lt3A_99 : i32
    %ne3A_101 = arith.xori %lt3A_98, %lt3A_100 : i1
    %and3A_102 = arith.andi %ne3A_101, %ne3A_97 : i1
    %add3A_103 = arith.addi %rem3A_95, %select_n3A_94 : i32
    %select_n3A_104 = arith.select %and3A_102, %add3A_103, %rem3A_95 : i32
    %eq3A_105 = arith.constant 0 : i32
    %eq3A_106 = arith.cmpi eq, %select_n3A_104, %eq3A_105 : i32
    %convert_element_type3A = arith.extui %eq3A_106 : i1 to i32
    %cond3A = arith.constant 0 : i32
    %cond3A_107 = arith.cmpi ne, %convert_element_type3A, %cond3A : i32
    scf.if %cond3A_107 {
      %dma_wait3A = arith.constant 0 : i32
      %dma_wait3A_113 = arith.constant 0 : i32
      %dma_wait3A_114 = arith.constant 0 : i32
      %dma_wait3A_115 = tpu.memref_slice %arg14[%dma_wait3A, %dma_wait3A_113, %dma_wait3A_114] : memref<2x128x64xf32, #tpu.memory_space<vmem>> -> memref<1x128x64xf32, #tpu.memory_space<vmem>>
      %dma_wait3A_116 = tpu.memref_squeeze %dma_wait3A_115 : memref<1x128x64xf32, #tpu.memory_space<vmem>> -> memref<128x64xf32, #tpu.memory_space<vmem>>
      %dma_wait3A_117 = arith.constant 0 : i32
      %dma_wait3A_118 = arith.constant 0 : i32
      %dma_wait3A_119 = tpu.memref_slice %arg2[%dma_wait3A_117, %dma_wait3A_118] : memref<10000x64xf32, #tpu.memory_space<hbm>> -> memref<128x64xf32, #tpu.memory_space<hbm>>
      %dma_wait3A_120 = arith.constant 0 : i32
      %dma_wait3A_121 = arith.constant 0 : i32
      %dma_wait3A_122 = tpu.memref_slice %arg14[%dma_wait3A, %dma_wait3A_120, %dma_wait3A_121] : memref<2x128x64xf32, #tpu.memory_space<vmem>> -> memref<1x128x64xf32, #tpu.memory_space<vmem>>
      %dma_wait3A_123 = tpu.memref_squeeze %dma_wait3A_122 : memref<1x128x64xf32, #tpu.memory_space<vmem>> -> memref<128x64xf32, #tpu.memory_space<vmem>>
      %dma_wait3A_124 = arith.constant 0 : i32
      %dma_wait3A_125 = arith.constant 0 : i32
      %dma_wait3A_126 = tpu.memref_slice %arg2[%dma_wait3A_124, %dma_wait3A_125] : memref<10000x64xf32, #tpu.memory_space<hbm>> -> memref<128x64xf32, #tpu.memory_space<hbm>>
      tpu.wait_dma2 semaphore(%arg21 : memref<!tpu.dma_semaphore, #tpu.memory_space<semaphore_mem>>) src(%dma_wait3A_126 : memref<128x64xf32, #tpu.memory_space<hbm>>) dst(%dma_wait3A_123 : memref<128x64xf32, #tpu.memory_space<vmem>>)
      %dma_wait3A_127 = arith.constant 0 : i32
      %dma_wait3A_128 = arith.constant 0 : i32
      %dma_wait3A_129 = arith.constant 0 : i32
      %dma_wait3A_130 = tpu.memref_slice %arg15[%dma_wait3A_127, %dma_wait3A_128, %dma_wait3A_129] : memref<2x128x64xf32, #tpu.memory_space<vmem>> -> memref<1x128x64xf32, #tpu.memory_space<vmem>>
      %dma_wait3A_131 = tpu.memref_squeeze %dma_wait3A_130 : memref<1x128x64xf32, #tpu.memory_space<vmem>> -> memref<128x64xf32, #tpu.memory_space<vmem>>
      %dma_wait3A_132 = arith.constant 0 : i32
      %dma_wait3A_133 = arith.constant 0 : i32
      %dma_wait3A_134 = tpu.memref_slice %arg3[%dma_wait3A_132, %dma_wait3A_133] : memref<10000x64xf32, #tpu.memory_space<hbm>> -> memref<128x64xf32, #tpu.memory_space<hbm>>
      %dma_wait3A_135 = arith.constant 0 : i32
      %dma_wait3A_136 = arith.constant 0 : i32
      %dma_wait3A_137 = tpu.memref_slice %arg15[%dma_wait3A_127, %dma_wait3A_135, %dma_wait3A_136] : memref<2x128x64xf32, #tpu.memory_space<vmem>> -> memref<1x128x64xf32, #tpu.memory_space<vmem>>
      %dma_wait3A_138 = tpu.memref_squeeze %dma_wait3A_137 : memref<1x128x64xf32, #tpu.memory_space<vmem>> -> memref<128x64xf32, #tpu.memory_space<vmem>>
      %dma_wait3A_139 = arith.constant 0 : i32
      %dma_wait3A_140 = arith.constant 0 : i32
      %dma_wait3A_141 = tpu.memref_slice %arg3[%dma_wait3A_139, %dma_wait3A_140] : memref<10000x64xf32, #tpu.memory_space<hbm>> -> memref<128x64xf32, #tpu.memory_space<hbm>>
      tpu.wait_dma2 semaphore(%arg21 : memref<!tpu.dma_semaphore, #tpu.memory_space<semaphore_mem>>) src(%dma_wait3A_141 : memref<128x64xf32, #tpu.memory_space<hbm>>) dst(%dma_wait3A_138 : memref<128x64xf32, #tpu.memory_space<vmem>>)
      %sub3A_142 = arith.constant 1 : i32
      %sub3A_143 = arith.subi %select_n3A, %sub3A_142 : i32
      %mul3A_144 = arith.constant 32 : i32
      %mul3A_145 = arith.muli %sub3A_143, %mul3A_144 : i32
      %add3A_146 = arith.addi %mul3A_145, %add3A : i32
      %min3A_147 = arith.constant 2499 : i32
      %min3A_148 = arith.minsi %add3A_146, %min3A_147 : i32
      %mul3A_149 = arith.constant 128 : i32
      %mul3A_150 = arith.muli %min3A_148, %mul3A_149 : i32
      %multiple_of3A_151 = tpu.assume_multiple %mul3A_150, 128 : i32
      %dma_start3A_152 = arith.constant 0 : i32
      %dma_start3A_153 = arith.constant 0 : i32
      %dma_start3A_154 = arith.constant 0 : i32
      %dma_start3A_155 = tpu.memref_slice %arg14[%dma_start3A_152, %dma_start3A_153, %dma_start3A_154] : memref<2x128x64xf32, #tpu.memory_space<vmem>> -> memref<1x128x64xf32, #tpu.memory_space<vmem>>
      %dma_start3A_156 = tpu.memref_squeeze %dma_start3A_155 : memref<1x128x64xf32, #tpu.memory_space<vmem>> -> memref<128x64xf32, #tpu.memory_space<vmem>>
      %dma_start3A_157 = arith.constant 0 : i32
      %dma_start3A_158 = tpu.memref_slice %arg9[%multiple_of3A_151, %dma_start3A_157] : memref<320000x64xf32, #tpu.memory_space<hbm>> -> memref<128x64xf32, #tpu.memory_space<hbm>>
      %dma_start3A_159 = arith.constant 0 : i32
      %dma_start3A_160 = tpu.memref_slice %arg9[%multiple_of3A_151, %dma_start3A_159] : memref<320000x64xf32, #tpu.memory_space<hbm>> -> memref<128x64xf32, #tpu.memory_space<hbm>>
      %dma_start3A_161 = arith.constant 0 : i32
      %dma_start3A_162 = arith.constant 0 : i32
      %dma_start3A_163 = tpu.memref_slice %arg14[%dma_start3A_152, %dma_start3A_161, %dma_start3A_162] : memref<2x128x64xf32, #tpu.memory_space<vmem>> -> memref<1x128x64xf32, #tpu.memory_space<vmem>>
      %dma_start3A_164 = tpu.memref_squeeze %dma_start3A_163 : memref<1x128x64xf32, #tpu.memory_space<vmem>> -> memref<128x64xf32, #tpu.memory_space<vmem>>
      tpu.enqueue_dma source(%dma_start3A_164 : memref<128x64xf32, #tpu.memory_space<vmem>>) target(%dma_start3A_160 : memref<128x64xf32, #tpu.memory_space<hbm>>) target_semaphore(%arg22 : memref<!tpu.dma_semaphore, #tpu.memory_space<semaphore_mem>>)
      %dma_start3A_165 = arith.constant 0 : i32
      %dma_start3A_166 = arith.constant 0 : i32
      %dma_start3A_167 = arith.constant 0 : i32
      %dma_start3A_168 = tpu.memref_slice %arg15[%dma_start3A_165, %dma_start3A_166, %dma_start3A_167] : memref<2x128x64xf32, #tpu.memory_space<vmem>> -> memref<1x128x64xf32, #tpu.memory_space<vmem>>
      %dma_start3A_169 = tpu.memref_squeeze %dma_start3A_168 : memref<1x128x64xf32, #tpu.memory_space<vmem>> -> memref<128x64xf32, #tpu.memory_space<vmem>>
      %dma_start3A_170 = arith.constant 0 : i32
      %dma_start3A_171 = tpu.memref_slice %arg10[%multiple_of3A_151, %dma_start3A_170] : memref<320000x64xf32, #tpu.memory_space<hbm>> -> memref<128x64xf32, #tpu.memory_space<hbm>>
      %dma_start3A_172 = arith.constant 0 : i32
      %dma_start3A_173 = tpu.memref_slice %arg10[%multiple_of3A_151, %dma_start3A_172] : memref<320000x64xf32, #tpu.memory_space<hbm>> -> memref<128x64xf32, #tpu.memory_space<hbm>>
      %dma_start3A_174 = arith.constant 0 : i32
      %dma_start3A_175 = arith.constant 0 : i32
      %dma_start3A_176 = tpu.memref_slice %arg15[%dma_start3A_165, %dma_start3A_174, %dma_start3A_175] : memref<2x128x64xf32, #tpu.memory_space<vmem>> -> memref<1x128x64xf32, #tpu.memory_space<vmem>>
      %dma_start3A_177 = tpu.memref_squeeze %dma_start3A_176 : memref<1x128x64xf32, #tpu.memory_space<vmem>> -> memref<128x64xf32, #tpu.memory_space<vmem>>
      tpu.enqueue_dma source(%dma_start3A_177 : memref<128x64xf32, #tpu.memory_space<vmem>>) target(%dma_start3A_173 : memref<128x64xf32, #tpu.memory_space<hbm>>) target_semaphore(%arg22 : memref<!tpu.dma_semaphore, #tpu.memory_space<semaphore_mem>>)
      %dma_start3A_178 = arith.constant 0 : i32
      %dma_start3A_179 = arith.constant 0 : i32
      %dma_start3A_180 = tpu.memref_slice %arg16[%dma_start3A_178, %dma_start3A_179] : memref<2x128xf32, #tpu.memory_space<vmem>> -> memref<1x128xf32, #tpu.memory_space<vmem>>
      %dma_start3A_181 = tpu.memref_squeeze %dma_start3A_180 : memref<1x128xf32, #tpu.memory_space<vmem>> -> memref<128xf32, #tpu.memory_space<vmem>>
      %dma_start3A_182 = arith.constant 0 : i32
      %dma_start3A_183 = tpu.memref_slice %arg11[%min3A_148, %dma_start3A_182] : memref<2500x128xf32, #tpu.memory_space<hbm>> -> memref<1x128xf32, #tpu.memory_space<hbm>>
      %dma_start3A_184 = tpu.memref_squeeze %dma_start3A_183 : memref<1x128xf32, #tpu.memory_space<hbm>> -> memref<128xf32, #tpu.memory_space<hbm>>
      %dma_start3A_185 = arith.constant 0 : i32
      %dma_start3A_186 = tpu.memref_slice %arg11[%min3A_148, %dma_start3A_185] : memref<2500x128xf32, #tpu.memory_space<hbm>> -> memref<1x128xf32, #tpu.memory_space<hbm>>
      %dma_start3A_187 = tpu.memref_squeeze %dma_start3A_186 : memref<1x128xf32, #tpu.memory_space<hbm>> -> memref<128xf32, #tpu.memory_space<hbm>>
      %dma_start3A_188 = arith.constant 0 : i32
      %dma_start3A_189 = tpu.memref_slice %arg16[%dma_start3A_178, %dma_start3A_188] : memref<2x128xf32, #tpu.memory_space<vmem>> -> memref<1x128xf32, #tpu.memory_space<vmem>>
      %dma_start3A_190 = tpu.memref_squeeze %dma_start3A_189 : memref<1x128xf32, #tpu.memory_space<vmem>> -> memref<128xf32, #tpu.memory_space<vmem>>
      tpu.enqueue_dma source(%dma_start3A_190 : memref<128xf32, #tpu.memory_space<vmem>>) target(%dma_start3A_187 : memref<128xf32, #tpu.memory_space<hbm>>) target_semaphore(%arg22 : memref<!tpu.dma_semaphore, #tpu.memory_space<semaphore_mem>>)
      %dma_wait3A_191 = arith.constant 1 : i32
      %dma_wait3A_192 = arith.constant 0 : i32
      %dma_wait3A_193 = arith.constant 0 : i32
      %dma_wait3A_194 = tpu.memref_slice %arg14[%dma_wait3A_191, %dma_wait3A_192, %dma_wait3A_193] : memref<2x128x64xf32, #tpu.memory_space<vmem>> -> memref<1x128x64xf32, #tpu.memory_space<vmem>>
      %dma_wait3A_195 = tpu.memref_squeeze %dma_wait3A_194 : memref<1x128x64xf32, #tpu.memory_space<vmem>> -> memref<128x64xf32, #tpu.memory_space<vmem>>
      %dma_wait3A_196 = arith.constant 0 : i32
      %dma_wait3A_197 = arith.constant 0 : i32
      %dma_wait3A_198 = tpu.memref_slice %arg9[%dma_wait3A_196, %dma_wait3A_197] : memref<320000x64xf32, #tpu.memory_space<hbm>> -> memref<128x64xf32, #tpu.memory_space<hbm>>
      %dma_wait3A_199 = arith.constant 0 : i32
      %dma_wait3A_200 = arith.constant 0 : i32
      %dma_wait3A_201 = tpu.memref_slice %arg9[%dma_wait3A_199, %dma_wait3A_200] : memref<320000x64xf32, #tpu.memory_space<hbm>> -> memref<128x64xf32, #tpu.memory_space<hbm>>
      %dma_wait3A_202 = arith.constant 0 : i32
      %dma_wait3A_203 = arith.constant 0 : i32
      %dma_wait3A_204 = tpu.memref_slice %arg14[%dma_wait3A_191, %dma_wait3A_202, %dma_wait3A_203] : memref<2x128x64xf32, #tpu.memory_space<vmem>> -> memref<1x128x64xf32, #tpu.memory_space<vmem>>
      %dma_wait3A_205 = tpu.memref_squeeze %dma_wait3A_204 : memref<1x128x64xf32, #tpu.memory_space<vmem>> -> memref<128x64xf32, #tpu.memory_space<vmem>>
      tpu.wait_dma2 semaphore(%arg22 : memref<!tpu.dma_semaphore, #tpu.memory_space<semaphore_mem>>) src(%dma_wait3A_205 : memref<128x64xf32, #tpu.memory_space<vmem>>) dst(%dma_wait3A_201 : memref<128x64xf32, #tpu.memory_space<hbm>>)
      %dma_wait3A_206 = arith.constant 1 : i32
      %dma_wait3A_207 = arith.constant 0 : i32
      %dma_wait3A_208 = arith.constant 0 : i32
      %dma_wait3A_209 = tpu.memref_slice %arg15[%dma_wait3A_206, %dma_wait3A_207, %dma_wait3A_208] : memref<2x128x64xf32, #tpu.memory_space<vmem>> -> memref<1x128x64xf32, #tpu.memory_space<vmem>>
      %dma_wait3A_210 = tpu.memref_squeeze %dma_wait3A_209 : memref<1x128x64xf32, #tpu.memory_space<vmem>> -> memref<128x64xf32, #tpu.memory_space<vmem>>
      %dma_wait3A_211 = arith.constant 0 : i32
      %dma_wait3A_212 = arith.constant 0 : i32
      %dma_wait3A_213 = tpu.memref_slice %arg10[%dma_wait3A_211, %dma_wait3A_212] : memref<320000x64xf32, #tpu.memory_space<hbm>> -> memref<128x64xf32, #tpu.memory_space<hbm>>
      %dma_wait3A_214 = arith.constant 0 : i32
      %dma_wait3A_215 = arith.constant 0 : i32
      %dma_wait3A_216 = tpu.memref_slice %arg10[%dma_wait3A_214, %dma_wait3A_215] : memref<320000x64xf32, #tpu.memory_space<hbm>> -> memref<128x64xf32, #tpu.memory_space<hbm>>
      %dma_wait3A_217 = arith.constant 0 : i32
      %dma_wait3A_218 = arith.constant 0 : i32
      %dma_wait3A_219 = tpu.memref_slice %arg15[%dma_wait3A_206, %dma_wait3A_217, %dma_wait3A_218] : memref<2x128x64xf32, #tpu.memory_space<vmem>> -> memref<1x128x64xf32, #tpu.memory_space<vmem>>
      %dma_wait3A_220 = tpu.memref_squeeze %dma_wait3A_219 : memref<1x128x64xf32, #tpu.memory_space<vmem>> -> memref<128x64xf32, #tpu.memory_space<vmem>>
      tpu.wait_dma2 semaphore(%arg22 : memref<!tpu.dma_semaphore, #tpu.memory_space<semaphore_mem>>) src(%dma_wait3A_220 : memref<128x64xf32, #tpu.memory_space<vmem>>) dst(%dma_wait3A_216 : memref<128x64xf32, #tpu.memory_space<hbm>>)
      %dma_wait3A_221 = arith.constant 1 : i32
      %dma_wait3A_222 = arith.constant 0 : i32
      %dma_wait3A_223 = arith.constant 0 : i32
      %dma_wait3A_224 = tpu.memref_slice %arg16[%dma_wait3A_221, %dma_wait3A_223] : memref<2x128xf32, #tpu.memory_space<vmem>> -> memref<1x128xf32, #tpu.memory_space<vmem>>
      %dma_wait3A_225 = tpu.memref_squeeze %dma_wait3A_224 : memref<1x128xf32, #tpu.memory_space<vmem>> -> memref<128xf32, #tpu.memory_space<vmem>>
      %dma_wait3A_226 = arith.constant 0 : i32
      %dma_wait3A_227 = tpu.memref_slice %arg11[%dma_wait3A_222, %dma_wait3A_226] : memref<2500x128xf32, #tpu.memory_space<hbm>> -> memref<1x128xf32, #tpu.memory_space<hbm>>
      %dma_wait3A_228 = tpu.memref_squeeze %dma_wait3A_227 : memref<1x128xf32, #tpu.memory_space<hbm>> -> memref<128xf32, #tpu.memory_space<hbm>>
      %dma_wait3A_229 = arith.constant 0 : i32
      %dma_wait3A_230 = tpu.memref_slice %arg11[%dma_wait3A_222, %dma_wait3A_229] : memref<2500x128xf32, #tpu.memory_space<hbm>> -> memref<1x128xf32, #tpu.memory_space<hbm>>
      %dma_wait3A_231 = tpu.memref_squeeze %dma_wait3A_230 : memref<1x128xf32, #tpu.memory_space<hbm>> -> memref<128xf32, #tpu.memory_space<hbm>>
      %dma_wait3A_232 = arith.constant 0 : i32
      %dma_wait3A_233 = tpu.memref_slice %arg16[%dma_wait3A_221, %dma_wait3A_232] : memref<2x128xf32, #tpu.memory_space<vmem>> -> memref<1x128xf32, #tpu.memory_space<vmem>>
      %dma_wait3A_234 = tpu.memref_squeeze %dma_wait3A_233 : memref<1x128xf32, #tpu.memory_space<vmem>> -> memref<128xf32, #tpu.memory_space<vmem>>
      tpu.wait_dma2 semaphore(%arg22 : memref<!tpu.dma_semaphore, #tpu.memory_space<semaphore_mem>>) src(%dma_wait3A_234 : memref<128xf32, #tpu.memory_space<vmem>>) dst(%dma_wait3A_231 : memref<128xf32, #tpu.memory_space<hbm>>)
      %dma_wait3A_235 = arith.constant 0 : i32
      %dma_wait3A_236 = arith.constant 0 : i32
      %dma_wait3A_237 = arith.constant 0 : i32
      %dma_wait3A_238 = tpu.memref_slice %arg14[%dma_wait3A_235, %dma_wait3A_236, %dma_wait3A_237] : memref<2x128x64xf32, #tpu.memory_space<vmem>> -> memref<1x128x64xf32, #tpu.memory_space<vmem>>
      %dma_wait3A_239 = tpu.memref_squeeze %dma_wait3A_238 : memref<1x128x64xf32, #tpu.memory_space<vmem>> -> memref<128x64xf32, #tpu.memory_space<vmem>>
      %dma_wait3A_240 = arith.constant 0 : i32
      %dma_wait3A_241 = arith.constant 0 : i32
      %dma_wait3A_242 = tpu.memref_slice %arg9[%dma_wait3A_240, %dma_wait3A_241] : memref<320000x64xf32, #tpu.memory_space<hbm>> -> memref<128x64xf32, #tpu.memory_space<hbm>>
      %dma_wait3A_243 = arith.constant 0 : i32
      %dma_wait3A_244 = arith.constant 0 : i32
      %dma_wait3A_245 = tpu.memref_slice %arg9[%dma_wait3A_243, %dma_wait3A_244] : memref<320000x64xf32, #tpu.memory_space<hbm>> -> memref<128x64xf32, #tpu.memory_space<hbm>>
      %dma_wait3A_246 = arith.constant 0 : i32
      %dma_wait3A_247 = arith.constant 0 : i32
      %dma_wait3A_248 = tpu.memref_slice %arg14[%dma_wait3A_235, %dma_wait3A_246, %dma_wait3A_247] : memref<2x128x64xf32, #tpu.memory_space<vmem>> -> memref<1x128x64xf32, #tpu.memory_space<vmem>>
      %dma_wait3A_249 = tpu.memref_squeeze %dma_wait3A_248 : memref<1x128x64xf32, #tpu.memory_space<vmem>> -> memref<128x64xf32, #tpu.memory_space<vmem>>
      tpu.wait_dma2 semaphore(%arg22 : memref<!tpu.dma_semaphore, #tpu.memory_space<semaphore_mem>>) src(%dma_wait3A_249 : memref<128x64xf32, #tpu.memory_space<vmem>>) dst(%dma_wait3A_245 : memref<128x64xf32, #tpu.memory_space<hbm>>)
      %dma_wait3A_250 = arith.constant 0 : i32
      %dma_wait3A_251 = arith.constant 0 : i32
      %dma_wait3A_252 = arith.constant 0 : i32
      %dma_wait3A_253 = tpu.memref_slice %arg15[%dma_wait3A_250, %dma_wait3A_251, %dma_wait3A_252] : memref<2x128x64xf32, #tpu.memory_space<vmem>> -> memref<1x128x64xf32, #tpu.memory_space<vmem>>
      %dma_wait3A_254 = tpu.memref_squeeze %dma_wait3A_253 : memref<1x128x64xf32, #tpu.memory_space<vmem>> -> memref<128x64xf32, #tpu.memory_space<vmem>>
      %dma_wait3A_255 = arith.constant 0 : i32
      %dma_wait3A_256 = arith.constant 0 : i32
      %dma_wait3A_257 = tpu.memref_slice %arg10[%dma_wait3A_255, %dma_wait3A_256] : memref<320000x64xf32, #tpu.memory_space<hbm>> -> memref<128x64xf32, #tpu.memory_space<hbm>>
      %dma_wait3A_258 = arith.constant 0 : i32
      %dma_wait3A_259 = arith.constant 0 : i32
      %dma_wait3A_260 = tpu.memref_slice %arg10[%dma_wait3A_258, %dma_wait3A_259] : memref<320000x64xf32, #tpu.memory_space<hbm>> -> memref<128x64xf32, #tpu.memory_space<hbm>>
      %dma_wait3A_261 = arith.constant 0 : i32
      %dma_wait3A_262 = arith.constant 0 : i32
      %dma_wait3A_263 = tpu.memref_slice %arg15[%dma_wait3A_250, %dma_wait3A_261, %dma_wait3A_262] : memref<2x128x64xf32, #tpu.memory_space<vmem>> -> memref<1x128x64xf32, #tpu.memory_space<vmem>>
      %dma_wait3A_264 = tpu.memref_squeeze %dma_wait3A_263 : memref<1x128x64xf32, #tpu.memory_space<vmem>> -> memref<128x64xf32, #tpu.memory_space<vmem>>
      tpu.wait_dma2 semaphore(%arg22 : memref<!tpu.dma_semaphore, #tpu.memory_space<semaphore_mem>>) src(%dma_wait3A_264 : memref<128x64xf32, #tpu.memory_space<vmem>>) dst(%dma_wait3A_260 : memref<128x64xf32, #tpu.memory_space<hbm>>)
      %dma_wait3A_265 = arith.constant 0 : i32
      %dma_wait3A_266 = arith.constant 0 : i32
      %dma_wait3A_267 = arith.constant 0 : i32
      %dma_wait3A_268 = tpu.memref_slice %arg16[%dma_wait3A_265, %dma_wait3A_267] : memref<2x128xf32, #tpu.memory_space<vmem>> -> memref<1x128xf32, #tpu.memory_space<vmem>>
      %dma_wait3A_269 = tpu.memref_squeeze %dma_wait3A_268 : memref<1x128xf32, #tpu.memory_space<vmem>> -> memref<128xf32, #tpu.memory_space<vmem>>
      %dma_wait3A_270 = arith.constant 0 : i32
      %dma_wait3A_271 = tpu.memref_slice %arg11[%dma_wait3A_266, %dma_wait3A_270] : memref<2500x128xf32, #tpu.memory_space<hbm>> -> memref<1x128xf32, #tpu.memory_space<hbm>>
      %dma_wait3A_272 = tpu.memref_squeeze %dma_wait3A_271 : memref<1x128xf32, #tpu.memory_space<hbm>> -> memref<128xf32, #tpu.memory_space<hbm>>
      %dma_wait3A_273 = arith.constant 0 : i32
      %dma_wait3A_274 = tpu.memref_slice %arg11[%dma_wait3A_266, %dma_wait3A_273] : memref<2500x128xf32, #tpu.memory_space<hbm>> -> memref<1x128xf32, #tpu.memory_space<hbm>>
      %dma_wait3A_275 = tpu.memref_squeeze %dma_wait3A_274 : memref<1x128xf32, #tpu.memory_space<hbm>> -> memref<128xf32, #tpu.memory_space<hbm>>
      %dma_wait3A_276 = arith.constant 0 : i32
      %dma_wait3A_277 = tpu.memref_slice %arg16[%dma_wait3A_265, %dma_wait3A_276] : memref<2x128xf32, #tpu.memory_space<vmem>> -> memref<1x128xf32, #tpu.memory_space<vmem>>
      %dma_wait3A_278 = tpu.memref_squeeze %dma_wait3A_277 : memref<1x128xf32, #tpu.memory_space<vmem>> -> memref<128xf32, #tpu.memory_space<vmem>>
      tpu.wait_dma2 semaphore(%arg22 : memref<!tpu.dma_semaphore, #tpu.memory_space<semaphore_mem>>) src(%dma_wait3A_278 : memref<128xf32, #tpu.memory_space<vmem>>) dst(%dma_wait3A_275 : memref<128xf32, #tpu.memory_space<hbm>>)
    } else {
    }
    %eq3A_108 = arith.constant 1 : i32
    %eq3A_109 = arith.cmpi eq, %select_n3A_104, %eq3A_108 : i32
    %convert_element_type3A_110 = arith.extui %eq3A_109 : i1 to i32
    %cond3A_111 = arith.constant 0 : i32
    %cond3A_112 = arith.cmpi ne, %convert_element_type3A_110, %cond3A_111 : i32
    scf.if %cond3A_112 {
      %dma_wait3A = arith.constant 1 : i32
      %dma_wait3A_113 = arith.constant 0 : i32
      %dma_wait3A_114 = arith.constant 0 : i32
      %dma_wait3A_115 = tpu.memref_slice %arg14[%dma_wait3A, %dma_wait3A_113, %dma_wait3A_114] : memref<2x128x64xf32, #tpu.memory_space<vmem>> -> memref<1x128x64xf32, #tpu.memory_space<vmem>>
      %dma_wait3A_116 = tpu.memref_squeeze %dma_wait3A_115 : memref<1x128x64xf32, #tpu.memory_space<vmem>> -> memref<128x64xf32, #tpu.memory_space<vmem>>
      %dma_wait3A_117 = arith.constant 0 : i32
      %dma_wait3A_118 = arith.constant 0 : i32
      %dma_wait3A_119 = tpu.memref_slice %arg2[%dma_wait3A_117, %dma_wait3A_118] : memref<10000x64xf32, #tpu.memory_space<hbm>> -> memref<128x64xf32, #tpu.memory_space<hbm>>
      %dma_wait3A_120 = arith.constant 0 : i32
      %dma_wait3A_121 = arith.constant 0 : i32
      %dma_wait3A_122 = tpu.memref_slice %arg14[%dma_wait3A, %dma_wait3A_120, %dma_wait3A_121] : memref<2x128x64xf32, #tpu.memory_space<vmem>> -> memref<1x128x64xf32, #tpu.memory_space<vmem>>
      %dma_wait3A_123 = tpu.memref_squeeze %dma_wait3A_122 : memref<1x128x64xf32, #tpu.memory_space<vmem>> -> memref<128x64xf32, #tpu.memory_space<vmem>>
      %dma_wait3A_124 = arith.constant 0 : i32
      %dma_wait3A_125 = arith.constant 0 : i32
      %dma_wait3A_126 = tpu.memref_slice %arg2[%dma_wait3A_124, %dma_wait3A_125] : memref<10000x64xf32, #tpu.memory_space<hbm>> -> memref<128x64xf32, #tpu.memory_space<hbm>>
      tpu.wait_dma2 semaphore(%arg21 : memref<!tpu.dma_semaphore, #tpu.memory_space<semaphore_mem>>) src(%dma_wait3A_126 : memref<128x64xf32, #tpu.memory_space<hbm>>) dst(%dma_wait3A_123 : memref<128x64xf32, #tpu.memory_space<vmem>>)
      %dma_wait3A_127 = arith.constant 1 : i32
      %dma_wait3A_128 = arith.constant 0 : i32
      %dma_wait3A_129 = arith.constant 0 : i32
      %dma_wait3A_130 = tpu.memref_slice %arg15[%dma_wait3A_127, %dma_wait3A_128, %dma_wait3A_129] : memref<2x128x64xf32, #tpu.memory_space<vmem>> -> memref<1x128x64xf32, #tpu.memory_space<vmem>>
      %dma_wait3A_131 = tpu.memref_squeeze %dma_wait3A_130 : memref<1x128x64xf32, #tpu.memory_space<vmem>> -> memref<128x64xf32, #tpu.memory_space<vmem>>
      %dma_wait3A_132 = arith.constant 0 : i32
      %dma_wait3A_133 = arith.constant 0 : i32
      %dma_wait3A_134 = tpu.memref_slice %arg3[%dma_wait3A_132, %dma_wait3A_133] : memref<10000x64xf32, #tpu.memory_space<hbm>> -> memref<128x64xf32, #tpu.memory_space<hbm>>
      %dma_wait3A_135 = arith.constant 0 : i32
      %dma_wait3A_136 = arith.constant 0 : i32
      %dma_wait3A_137 = tpu.memref_slice %arg15[%dma_wait3A_127, %dma_wait3A_135, %dma_wait3A_136] : memref<2x128x64xf32, #tpu.memory_space<vmem>> -> memref<1x128x64xf32, #tpu.memory_space<vmem>>
      %dma_wait3A_138 = tpu.memref_squeeze %dma_wait3A_137 : memref<1x128x64xf32, #tpu.memory_space<vmem>> -> memref<128x64xf32, #tpu.memory_space<vmem>>
      %dma_wait3A_139 = arith.constant 0 : i32
      %dma_wait3A_140 = arith.constant 0 : i32
      %dma_wait3A_141 = tpu.memref_slice %arg3[%dma_wait3A_139, %dma_wait3A_140] : memref<10000x64xf32, #tpu.memory_space<hbm>> -> memref<128x64xf32, #tpu.memory_space<hbm>>
      tpu.wait_dma2 semaphore(%arg21 : memref<!tpu.dma_semaphore, #tpu.memory_space<semaphore_mem>>) src(%dma_wait3A_141 : memref<128x64xf32, #tpu.memory_space<hbm>>) dst(%dma_wait3A_138 : memref<128x64xf32, #tpu.memory_space<vmem>>)
      %sub3A_142 = arith.constant 1 : i32
      %sub3A_143 = arith.subi %select_n3A, %sub3A_142 : i32
      %mul3A_144 = arith.constant 32 : i32
      %mul3A_145 = arith.muli %sub3A_143, %mul3A_144 : i32
      %add3A_146 = arith.addi %mul3A_145, %add3A : i32
      %min3A_147 = arith.constant 2499 : i32
      %min3A_148 = arith.minsi %add3A_146, %min3A_147 : i32
      %mul3A_149 = arith.constant 128 : i32
      %mul3A_150 = arith.muli %min3A_148, %mul3A_149 : i32
      %multiple_of3A_151 = tpu.assume_multiple %mul3A_150, 128 : i32
      %dma_start3A_152 = arith.constant 1 : i32
      %dma_start3A_153 = arith.constant 0 : i32
      %dma_start3A_154 = arith.constant 0 : i32
      %dma_start3A_155 = tpu.memref_slice %arg14[%dma_start3A_152, %dma_start3A_153, %dma_start3A_154] : memref<2x128x64xf32, #tpu.memory_space<vmem>> -> memref<1x128x64xf32, #tpu.memory_space<vmem>>
      %dma_start3A_156 = tpu.memref_squeeze %dma_start3A_155 : memref<1x128x64xf32, #tpu.memory_space<vmem>> -> memref<128x64xf32, #tpu.memory_space<vmem>>
      %dma_start3A_157 = arith.constant 0 : i32
      %dma_start3A_158 = tpu.memref_slice %arg9[%multiple_of3A_151, %dma_start3A_157] : memref<320000x64xf32, #tpu.memory_space<hbm>> -> memref<128x64xf32, #tpu.memory_space<hbm>>
      %dma_start3A_159 = arith.constant 0 : i32
      %dma_start3A_160 = tpu.memref_slice %arg9[%multiple_of3A_151, %dma_start3A_159] : memref<320000x64xf32, #tpu.memory_space<hbm>> -> memref<128x64xf32, #tpu.memory_space<hbm>>
      %dma_start3A_161 = arith.constant 0 : i32
      %dma_start3A_162 = arith.constant 0 : i32
      %dma_start3A_163 = tpu.memref_slice %arg14[%dma_start3A_152, %dma_start3A_161, %dma_start3A_162] : memref<2x128x64xf32, #tpu.memory_space<vmem>> -> memref<1x128x64xf32, #tpu.memory_space<vmem>>
      %dma_start3A_164 = tpu.memref_squeeze %dma_start3A_163 : memref<1x128x64xf32, #tpu.memory_space<vmem>> -> memref<128x64xf32, #tpu.memory_space<vmem>>
      tpu.enqueue_dma source(%dma_start3A_164 : memref<128x64xf32, #tpu.memory_space<vmem>>) target(%dma_start3A_160 : memref<128x64xf32, #tpu.memory_space<hbm>>) target_semaphore(%arg22 : memref<!tpu.dma_semaphore, #tpu.memory_space<semaphore_mem>>)
      %dma_start3A_165 = arith.constant 1 : i32
      %dma_start3A_166 = arith.constant 0 : i32
      %dma_start3A_167 = arith.constant 0 : i32
      %dma_start3A_168 = tpu.memref_slice %arg15[%dma_start3A_165, %dma_start3A_166, %dma_start3A_167] : memref<2x128x64xf32, #tpu.memory_space<vmem>> -> memref<1x128x64xf32, #tpu.memory_space<vmem>>
      %dma_start3A_169 = tpu.memref_squeeze %dma_start3A_168 : memref<1x128x64xf32, #tpu.memory_space<vmem>> -> memref<128x64xf32, #tpu.memory_space<vmem>>
      %dma_start3A_170 = arith.constant 0 : i32
      %dma_start3A_171 = tpu.memref_slice %arg10[%multiple_of3A_151, %dma_start3A_170] : memref<320000x64xf32, #tpu.memory_space<hbm>> -> memref<128x64xf32, #tpu.memory_space<hbm>>
      %dma_start3A_172 = arith.constant 0 : i32
      %dma_start3A_173 = tpu.memref_slice %arg10[%multiple_of3A_151, %dma_start3A_172] : memref<320000x64xf32, #tpu.memory_space<hbm>> -> memref<128x64xf32, #tpu.memory_space<hbm>>
      %dma_start3A_174 = arith.constant 0 : i32
      %dma_start3A_175 = arith.constant 0 : i32
      %dma_start3A_176 = tpu.memref_slice %arg15[%dma_start3A_165, %dma_start3A_174, %dma_start3A_175] : memref<2x128x64xf32, #tpu.memory_space<vmem>> -> memref<1x128x64xf32, #tpu.memory_space<vmem>>
      %dma_start3A_177 = tpu.memref_squeeze %dma_start3A_176 : memref<1x128x64xf32, #tpu.memory_space<vmem>> -> memref<128x64xf32, #tpu.memory_space<vmem>>
      tpu.enqueue_dma source(%dma_start3A_177 : memref<128x64xf32, #tpu.memory_space<vmem>>) target(%dma_start3A_173 : memref<128x64xf32, #tpu.memory_space<hbm>>) target_semaphore(%arg22 : memref<!tpu.dma_semaphore, #tpu.memory_space<semaphore_mem>>)
      %dma_start3A_178 = arith.constant 1 : i32
      %dma_start3A_179 = arith.constant 0 : i32
      %dma_start3A_180 = tpu.memref_slice %arg16[%dma_start3A_178, %dma_start3A_179] : memref<2x128xf32, #tpu.memory_space<vmem>> -> memref<1x128xf32, #tpu.memory_space<vmem>>
      %dma_start3A_181 = tpu.memref_squeeze %dma_start3A_180 : memref<1x128xf32, #tpu.memory_space<vmem>> -> memref<128xf32, #tpu.memory_space<vmem>>
      %dma_start3A_182 = arith.constant 0 : i32
      %dma_start3A_183 = tpu.memref_slice %arg11[%min3A_148, %dma_start3A_182] : memref<2500x128xf32, #tpu.memory_space<hbm>> -> memref<1x128xf32, #tpu.memory_space<hbm>>
      %dma_start3A_184 = tpu.memref_squeeze %dma_start3A_183 : memref<1x128xf32, #tpu.memory_space<hbm>> -> memref<128xf32, #tpu.memory_space<hbm>>
      %dma_start3A_185 = arith.constant 0 : i32
      %dma_start3A_186 = tpu.memref_slice %arg11[%min3A_148, %dma_start3A_185] : memref<2500x128xf32, #tpu.memory_space<hbm>> -> memref<1x128xf32, #tpu.memory_space<hbm>>
      %dma_start3A_187 = tpu.memref_squeeze %dma_start3A_186 : memref<1x128xf32, #tpu.memory_space<hbm>> -> memref<128xf32, #tpu.memory_space<hbm>>
      %dma_start3A_188 = arith.constant 0 : i32
      %dma_start3A_189 = tpu.memref_slice %arg16[%dma_start3A_178, %dma_start3A_188] : memref<2x128xf32, #tpu.memory_space<vmem>> -> memref<1x128xf32, #tpu.memory_space<vmem>>
      %dma_start3A_190 = tpu.memref_squeeze %dma_start3A_189 : memref<1x128xf32, #tpu.memory_space<vmem>> -> memref<128xf32, #tpu.memory_space<vmem>>
      tpu.enqueue_dma source(%dma_start3A_190 : memref<128xf32, #tpu.memory_space<vmem>>) target(%dma_start3A_187 : memref<128xf32, #tpu.memory_space<hbm>>) target_semaphore(%arg22 : memref<!tpu.dma_semaphore, #tpu.memory_space<semaphore_mem>>)
      %dma_wait3A_191 = arith.constant 0 : i32
      %dma_wait3A_192 = arith.constant 0 : i32
      %dma_wait3A_193 = arith.constant 0 : i32
      %dma_wait3A_194 = tpu.memref_slice %arg14[%dma_wait3A_191, %dma_wait3A_192, %dma_wait3A_193] : memref<2x128x64xf32, #tpu.memory_space<vmem>> -> memref<1x128x64xf32, #tpu.memory_space<vmem>>
      %dma_wait3A_195 = tpu.memref_squeeze %dma_wait3A_194 : memref<1x128x64xf32, #tpu.memory_space<vmem>> -> memref<128x64xf32, #tpu.memory_space<vmem>>
      %dma_wait3A_196 = arith.constant 0 : i32
      %dma_wait3A_197 = arith.constant 0 : i32
      %dma_wait3A_198 = tpu.memref_slice %arg9[%dma_wait3A_196, %dma_wait3A_197] : memref<320000x64xf32, #tpu.memory_space<hbm>> -> memref<128x64xf32, #tpu.memory_space<hbm>>
      %dma_wait3A_199 = arith.constant 0 : i32
      %dma_wait3A_200 = arith.constant 0 : i32
      %dma_wait3A_201 = tpu.memref_slice %arg9[%dma_wait3A_199, %dma_wait3A_200] : memref<320000x64xf32, #tpu.memory_space<hbm>> -> memref<128x64xf32, #tpu.memory_space<hbm>>
      %dma_wait3A_202 = arith.constant 0 : i32
      %dma_wait3A_203 = arith.constant 0 : i32
      %dma_wait3A_204 = tpu.memref_slice %arg14[%dma_wait3A_191, %dma_wait3A_202, %dma_wait3A_203] : memref<2x128x64xf32, #tpu.memory_space<vmem>> -> memref<1x128x64xf32, #tpu.memory_space<vmem>>
      %dma_wait3A_205 = tpu.memref_squeeze %dma_wait3A_204 : memref<1x128x64xf32, #tpu.memory_space<vmem>> -> memref<128x64xf32, #tpu.memory_space<vmem>>
      tpu.wait_dma2 semaphore(%arg22 : memref<!tpu.dma_semaphore, #tpu.memory_space<semaphore_mem>>) src(%dma_wait3A_205 : memref<128x64xf32, #tpu.memory_space<vmem>>) dst(%dma_wait3A_201 : memref<128x64xf32, #tpu.memory_space<hbm>>)
      %dma_wait3A_206 = arith.constant 0 : i32
      %dma_wait3A_207 = arith.constant 0 : i32
      %dma_wait3A_208 = arith.constant 0 : i32
      %dma_wait3A_209 = tpu.memref_slice %arg15[%dma_wait3A_206, %dma_wait3A_207, %dma_wait3A_208] : memref<2x128x64xf32, #tpu.memory_space<vmem>> -> memref<1x128x64xf32, #tpu.memory_space<vmem>>
      %dma_wait3A_210 = tpu.memref_squeeze %dma_wait3A_209 : memref<1x128x64xf32, #tpu.memory_space<vmem>> -> memref<128x64xf32, #tpu.memory_space<vmem>>
      %dma_wait3A_211 = arith.constant 0 : i32
      %dma_wait3A_212 = arith.constant 0 : i32
      %dma_wait3A_213 = tpu.memref_slice %arg10[%dma_wait3A_211, %dma_wait3A_212] : memref<320000x64xf32, #tpu.memory_space<hbm>> -> memref<128x64xf32, #tpu.memory_space<hbm>>
      %dma_wait3A_214 = arith.constant 0 : i32
      %dma_wait3A_215 = arith.constant 0 : i32
      %dma_wait3A_216 = tpu.memref_slice %arg10[%dma_wait3A_214, %dma_wait3A_215] : memref<320000x64xf32, #tpu.memory_space<hbm>> -> memref<128x64xf32, #tpu.memory_space<hbm>>
      %dma_wait3A_217 = arith.constant 0 : i32
      %dma_wait3A_218 = arith.constant 0 : i32
      %dma_wait3A_219 = tpu.memref_slice %arg15[%dma_wait3A_206, %dma_wait3A_217, %dma_wait3A_218] : memref<2x128x64xf32, #tpu.memory_space<vmem>> -> memref<1x128x64xf32, #tpu.memory_space<vmem>>
      %dma_wait3A_220 = tpu.memref_squeeze %dma_wait3A_219 : memref<1x128x64xf32, #tpu.memory_space<vmem>> -> memref<128x64xf32, #tpu.memory_space<vmem>>
      tpu.wait_dma2 semaphore(%arg22 : memref<!tpu.dma_semaphore, #tpu.memory_space<semaphore_mem>>) src(%dma_wait3A_220 : memref<128x64xf32, #tpu.memory_space<vmem>>) dst(%dma_wait3A_216 : memref<128x64xf32, #tpu.memory_space<hbm>>)
      %dma_wait3A_221 = arith.constant 0 : i32
      %dma_wait3A_222 = arith.constant 0 : i32
      %dma_wait3A_223 = arith.constant 0 : i32
      %dma_wait3A_224 = tpu.memref_slice %arg16[%dma_wait3A_221, %dma_wait3A_223] : memref<2x128xf32, #tpu.memory_space<vmem>> -> memref<1x128xf32, #tpu.memory_space<vmem>>
      %dma_wait3A_225 = tpu.memref_squeeze %dma_wait3A_224 : memref<1x128xf32, #tpu.memory_space<vmem>> -> memref<128xf32, #tpu.memory_space<vmem>>
      %dma_wait3A_226 = arith.constant 0 : i32
      %dma_wait3A_227 = tpu.memref_slice %arg11[%dma_wait3A_222, %dma_wait3A_226] : memref<2500x128xf32, #tpu.memory_space<hbm>> -> memref<1x128xf32, #tpu.memory_space<hbm>>
      %dma_wait3A_228 = tpu.memref_squeeze %dma_wait3A_227 : memref<1x128xf32, #tpu.memory_space<hbm>> -> memref<128xf32, #tpu.memory_space<hbm>>
      %dma_wait3A_229 = arith.constant 0 : i32
      %dma_wait3A_230 = tpu.memref_slice %arg11[%dma_wait3A_222, %dma_wait3A_229] : memref<2500x128xf32, #tpu.memory_space<hbm>> -> memref<1x128xf32, #tpu.memory_space<hbm>>
      %dma_wait3A_231 = tpu.memref_squeeze %dma_wait3A_230 : memref<1x128xf32, #tpu.memory_space<hbm>> -> memref<128xf32, #tpu.memory_space<hbm>>
      %dma_wait3A_232 = arith.constant 0 : i32
      %dma_wait3A_233 = tpu.memref_slice %arg16[%dma_wait3A_221, %dma_wait3A_232] : memref<2x128xf32, #tpu.memory_space<vmem>> -> memref<1x128xf32, #tpu.memory_space<vmem>>
      %dma_wait3A_234 = tpu.memref_squeeze %dma_wait3A_233 : memref<1x128xf32, #tpu.memory_space<vmem>> -> memref<128xf32, #tpu.memory_space<vmem>>
      tpu.wait_dma2 semaphore(%arg22 : memref<!tpu.dma_semaphore, #tpu.memory_space<semaphore_mem>>) src(%dma_wait3A_234 : memref<128xf32, #tpu.memory_space<vmem>>) dst(%dma_wait3A_231 : memref<128xf32, #tpu.memory_space<hbm>>)
      %dma_wait3A_235 = arith.constant 1 : i32
      %dma_wait3A_236 = arith.constant 0 : i32
      %dma_wait3A_237 = arith.constant 0 : i32
      %dma_wait3A_238 = tpu.memref_slice %arg14[%dma_wait3A_235, %dma_wait3A_236, %dma_wait3A_237] : memref<2x128x64xf32, #tpu.memory_space<vmem>> -> memref<1x128x64xf32, #tpu.memory_space<vmem>>
      %dma_wait3A_239 = tpu.memref_squeeze %dma_wait3A_238 : memref<1x128x64xf32, #tpu.memory_space<vmem>> -> memref<128x64xf32, #tpu.memory_space<vmem>>
      %dma_wait3A_240 = arith.constant 0 : i32
      %dma_wait3A_241 = arith.constant 0 : i32
      %dma_wait3A_242 = tpu.memref_slice %arg9[%dma_wait3A_240, %dma_wait3A_241] : memref<320000x64xf32, #tpu.memory_space<hbm>> -> memref<128x64xf32, #tpu.memory_space<hbm>>
      %dma_wait3A_243 = arith.constant 0 : i32
      %dma_wait3A_244 = arith.constant 0 : i32
      %dma_wait3A_245 = tpu.memref_slice %arg9[%dma_wait3A_243, %dma_wait3A_244] : memref<320000x64xf32, #tpu.memory_space<hbm>> -> memref<128x64xf32, #tpu.memory_space<hbm>>
      %dma_wait3A_246 = arith.constant 0 : i32
      %dma_wait3A_247 = arith.constant 0 : i32
      %dma_wait3A_248 = tpu.memref_slice %arg14[%dma_wait3A_235, %dma_wait3A_246, %dma_wait3A_247] : memref<2x128x64xf32, #tpu.memory_space<vmem>> -> memref<1x128x64xf32, #tpu.memory_space<vmem>>
      %dma_wait3A_249 = tpu.memref_squeeze %dma_wait3A_248 : memref<1x128x64xf32, #tpu.memory_space<vmem>> -> memref<128x64xf32, #tpu.memory_space<vmem>>
      tpu.wait_dma2 semaphore(%arg22 : memref<!tpu.dma_semaphore, #tpu.memory_space<semaphore_mem>>) src(%dma_wait3A_249 : memref<128x64xf32, #tpu.memory_space<vmem>>) dst(%dma_wait3A_245 : memref<128x64xf32, #tpu.memory_space<hbm>>)
      %dma_wait3A_250 = arith.constant 1 : i32
      %dma_wait3A_251 = arith.constant 0 : i32
      %dma_wait3A_252 = arith.constant 0 : i32
      %dma_wait3A_253 = tpu.memref_slice %arg15[%dma_wait3A_250, %dma_wait3A_251, %dma_wait3A_252] : memref<2x128x64xf32, #tpu.memory_space<vmem>> -> memref<1x128x64xf32, #tpu.memory_space<vmem>>
      %dma_wait3A_254 = tpu.memref_squeeze %dma_wait3A_253 : memref<1x128x64xf32, #tpu.memory_space<vmem>> -> memref<128x64xf32, #tpu.memory_space<vmem>>
      %dma_wait3A_255 = arith.constant 0 : i32
      %dma_wait3A_256 = arith.constant 0 : i32
      %dma_wait3A_257 = tpu.memref_slice %arg10[%dma_wait3A_255, %dma_wait3A_256] : memref<320000x64xf32, #tpu.memory_space<hbm>> -> memref<128x64xf32, #tpu.memory_space<hbm>>
      %dma_wait3A_258 = arith.constant 0 : i32
      %dma_wait3A_259 = arith.constant 0 : i32
      %dma_wait3A_260 = tpu.memref_slice %arg10[%dma_wait3A_258, %dma_wait3A_259] : memref<320000x64xf32, #tpu.memory_space<hbm>> -> memref<128x64xf32, #tpu.memory_space<hbm>>
      %dma_wait3A_261 = arith.constant 0 : i32
      %dma_wait3A_262 = arith.constant 0 : i32
      %dma_wait3A_263 = tpu.memref_slice %arg15[%dma_wait3A_250, %dma_wait3A_261, %dma_wait3A_262] : memref<2x128x64xf32, #tpu.memory_space<vmem>> -> memref<1x128x64xf32, #tpu.memory_space<vmem>>
      %dma_wait3A_264 = tpu.memref_squeeze %dma_wait3A_263 : memref<1x128x64xf32, #tpu.memory_space<vmem>> -> memref<128x64xf32, #tpu.memory_space<vmem>>
      tpu.wait_dma2 semaphore(%arg22 : memref<!tpu.dma_semaphore, #tpu.memory_space<semaphore_mem>>) src(%dma_wait3A_264 : memref<128x64xf32, #tpu.memory_space<vmem>>) dst(%dma_wait3A_260 : memref<128x64xf32, #tpu.memory_space<hbm>>)
      %dma_wait3A_265 = arith.constant 1 : i32
      %dma_wait3A_266 = arith.constant 0 : i32
      %dma_wait3A_267 = arith.constant 0 : i32
      %dma_wait3A_268 = tpu.memref_slice %arg16[%dma_wait3A_265, %dma_wait3A_267] : memref<2x128xf32, #tpu.memory_space<vmem>> -> memref<1x128xf32, #tpu.memory_space<vmem>>
      %dma_wait3A_269 = tpu.memref_squeeze %dma_wait3A_268 : memref<1x128xf32, #tpu.memory_space<vmem>> -> memref<128xf32, #tpu.memory_space<vmem>>
      %dma_wait3A_270 = arith.constant 0 : i32
      %dma_wait3A_271 = tpu.memref_slice %arg11[%dma_wait3A_266, %dma_wait3A_270] : memref<2500x128xf32, #tpu.memory_space<hbm>> -> memref<1x128xf32, #tpu.memory_space<hbm>>
      %dma_wait3A_272 = tpu.memref_squeeze %dma_wait3A_271 : memref<1x128xf32, #tpu.memory_space<hbm>> -> memref<128xf32, #tpu.memory_space<hbm>>
      %dma_wait3A_273 = arith.constant 0 : i32
      %dma_wait3A_274 = tpu.memref_slice %arg11[%dma_wait3A_266, %dma_wait3A_273] : memref<2500x128xf32, #tpu.memory_space<hbm>> -> memref<1x128xf32, #tpu.memory_space<hbm>>
      %dma_wait3A_275 = tpu.memref_squeeze %dma_wait3A_274 : memref<1x128xf32, #tpu.memory_space<hbm>> -> memref<128xf32, #tpu.memory_space<hbm>>
      %dma_wait3A_276 = arith.constant 0 : i32
      %dma_wait3A_277 = tpu.memref_slice %arg16[%dma_wait3A_265, %dma_wait3A_276] : memref<2x128xf32, #tpu.memory_space<vmem>> -> memref<1x128xf32, #tpu.memory_space<vmem>>
      %dma_wait3A_278 = tpu.memref_squeeze %dma_wait3A_277 : memref<1x128xf32, #tpu.memory_space<vmem>> -> memref<128xf32, #tpu.memory_space<vmem>>
      tpu.wait_dma2 semaphore(%arg22 : memref<!tpu.dma_semaphore, #tpu.memory_space<semaphore_mem>>) src(%dma_wait3A_278 : memref<128xf32, #tpu.memory_space<vmem>>) dst(%dma_wait3A_275 : memref<128xf32, #tpu.memory_space<hbm>>)
    } else {
    }
    return
  }
}

module attributes {stable_mosaic.version = 14 : i64} {
  func.func @_proj_body(%arg0: i32, %arg1: memref<2000x128xf32, #tpu.memory_space<vmem>>, %arg2: memref<128x64xf32, #tpu.memory_space<vmem>>, %arg3: memref<128x64xf32, #tpu.memory_space<vmem>>, %arg4: memref<2000x64xf32, #tpu.memory_space<vmem>>, %arg5: memref<2000x64xf32, #tpu.memory_space<vmem>>) attributes {dimension_semantics = [#tpu.dimension_semantics<arbitrary>], iteration_bounds = array<i64: 5>, scalar_prefetch = 0 : i64, scratch_operands = 0 : i64, tpu.core_type = #tpu.core_type<tc>, window_params = [{transform_indices = @transform_0, window_bounds = array<i64: 2000, 128>}, {pipeline_mode = #tpu.pipeline_mode<synchronous>, transform_indices = @transform_1, window_bounds = array<i64: 128, 64>}, {pipeline_mode = #tpu.pipeline_mode<synchronous>, transform_indices = @transform_2, window_bounds = array<i64: 128, 64>}, {transform_indices = @transform_3, window_bounds = array<i64: 2000, 64>}, {transform_indices = @transform_4, window_bounds = array<i64: 2000, 64>}]} {
    %get3A = arith.constant 0 : index
    %get3A_0 = arith.constant 0 : index
    %get3A_1 = vector.load %arg1[%get3A, %get3A_0] : memref<2000x128xf32, #tpu.memory_space<vmem>>, vector<2000x128xf32>
    %get3A_2 = arith.constant 0 : index
    %get3A_3 = arith.constant 0 : index
    %get3A_4 = vector.load %arg2[%get3A_2, %get3A_3] : memref<128x64xf32, #tpu.memory_space<vmem>>, vector<128x64xf32>
    %dot_general3A = arith.constant dense<0.000000e+00> : vector<2000x64xf32>
    %dot_general3A_5 = tpu.matmul %get3A_1, %get3A_4, %dot_general3A {dimension_numbers = #tpu.dot_dimension_numbers<[1], [0], [0], [1], [0, 0, 1, 1], [], []>, transpose_lhs_hint = false} : vector<2000x128xf32>, vector<128x64xf32>, vector<2000x64xf32> -> vector<2000x64xf32>
    %swap3A = arith.constant 0 : index
    %swap3A_6 = arith.constant 0 : index
    %swap3A_7 = vector.load %arg4[%swap3A, %swap3A_6] : memref<2000x64xf32, #tpu.memory_space<vmem>>, vector<2000x64xf32>
    tpu.vector_store %arg4[%swap3A, %swap3A_6], %dot_general3A_5 {strides = array<i32>} : memref<2000x64xf32, #tpu.memory_space<vmem>>, vector<2000x64xf32>,
    %get3A_8 = arith.constant 0 : index
    %get3A_9 = arith.constant 0 : index
    %get3A_10 = vector.load %arg3[%get3A_8, %get3A_9] : memref<128x64xf32, #tpu.memory_space<vmem>>, vector<128x64xf32>
    %dot_general3A_11 = arith.constant dense<0.000000e+00> : vector<2000x64xf32>
    %dot_general3A_12 = tpu.matmul %get3A_1, %get3A_10, %dot_general3A_11 {dimension_numbers = #tpu.dot_dimension_numbers<[1], [0], [0], [1], [0, 0, 1, 1], [], []>, transpose_lhs_hint = false} : vector<2000x128xf32>, vector<128x64xf32>, vector<2000x64xf32> -> vector<2000x64xf32>
    %swap3A_13 = arith.constant 0 : index
    %swap3A_14 = arith.constant 0 : index
    %swap3A_15 = vector.load %arg5[%swap3A_13, %swap3A_14] : memref<2000x64xf32, #tpu.memory_space<vmem>>, vector<2000x64xf32>
    tpu.vector_store %arg5[%swap3A_13, %swap3A_14], %dot_general3A_12 {strides = array<i32>} : memref<2000x64xf32, #tpu.memory_space<vmem>>, vector<2000x64xf32>,
    return
  }
  func.func @transform_0(%arg0: i32) -> (i32, i32) {
    %c0_i32 = arith.constant 0 : i32
    %c0_i32_0 = arith.constant 0 : i32
    return %arg0, %c0_i32 : i32, i32
  }
  func.func @transform_1(%arg0: i32) -> (i32, i32) {
    %c0_i32 = arith.constant 0 : i32
    %c0_i32_0 = arith.constant 0 : i32
    %c0_i32_1 = arith.constant 0 : i32
    return %c0_i32, %c0_i32_0 : i32, i32
  }
  func.func @transform_2(%arg0: i32) -> (i32, i32) {
    %c0_i32 = arith.constant 0 : i32
    %c0_i32_0 = arith.constant 0 : i32
    %c0_i32_1 = arith.constant 0 : i32
    return %c0_i32, %c0_i32_0 : i32, i32
  }
  func.func @transform_3(%arg0: i32) -> (i32, i32) {
    %c0_i32 = arith.constant 0 : i32
    %c0_i32_0 = arith.constant 0 : i32
    return %arg0, %c0_i32 : i32, i32
  }
  func.func @transform_4(%arg0: i32) -> (i32, i32) {
    %c0_i32 = arith.constant 0 : i32
    %c0_i32_0 = arith.constant 0 : i32
    return %arg0, %c0_i32 : i32, i32
  }
}

module attributes {stable_mosaic.version = 14 : i64} {
  func.func @_edge_mlp_body(%arg0: i32, %arg1: memref<1280x128xf32, #tpu.memory_space<vmem>>, %arg2: memref<1280x128xf32, #tpu.memory_space<vmem>>, %arg3: memref<2500x128xf32, #tpu.memory_space<vmem>>, %arg4: memref<128x128xf32, #tpu.memory_space<vmem>>, %arg5: memref<1x64xf32, #tpu.memory_space<vmem>>, %arg6: memref<1x64xf32, #tpu.memory_space<vmem>>, %arg7: memref<64x64xf32, #tpu.memory_space<vmem>>, %arg8: memref<1x64xf32, #tpu.memory_space<vmem>>, %arg9: memref<1280x128xf32, #tpu.memory_space<vmem>>) attributes {dimension_semantics = [#tpu.dimension_semantics<arbitrary>], iteration_bounds = array<i64: 125>, scalar_prefetch = 0 : i64, scratch_operands = 0 : i64, tpu.core_type = #tpu.core_type<tc>, window_params = [{transform_indices = @transform_0, window_bounds = array<i64: 1280, 128>}, {transform_indices = @transform_1, window_bounds = array<i64: 1280, 128>}, {pipeline_mode = #tpu.pipeline_mode<synchronous>, transform_indices = @transform_2, window_bounds = array<i64: 2500, 128>}, {pipeline_mode = #tpu.pipeline_mode<synchronous>, transform_indices = @transform_3, window_bounds = array<i64: 128, 128>}, {pipeline_mode = #tpu.pipeline_mode<synchronous>, transform_indices = @transform_4, window_bounds = array<i64: 1, 64>}, {pipeline_mode = #tpu.pipeline_mode<synchronous>, transform_indices = @transform_5, window_bounds = array<i64: 1, 64>}, {pipeline_mode = #tpu.pipeline_mode<synchronous>, transform_indices = @transform_6, window_bounds = array<i64: 64, 64>}, {pipeline_mode = #tpu.pipeline_mode<synchronous>, transform_indices = @transform_7, window_bounds = array<i64: 1, 64>}, {transform_indices = @transform_8, window_bounds = array<i64: 1280, 128>}]} {
    %get3A = arith.constant 0 : index
    %get3A_0 = arith.constant 0 : index
    %get3A_1 = vector.load %arg1[%get3A, %get3A_0] : memref<1280x128xf32, #tpu.memory_space<vmem>>, vector<1280x128xf32>
    %get3A_2 = arith.constant 0 : index
    %get3A_3 = arith.constant 0 : index
    %get3A_4 = vector.load %arg2[%get3A_2, %get3A_3] : memref<1280x128xf32, #tpu.memory_space<vmem>>, vector<1280x128xf32>
    %add3A = arith.addf %get3A_1, %get3A_4 : vector<1280x128xf32>
    %mul3A = arith.constant 20 : i32
    %mul3A_5 = arith.muli %arg0, %mul3A : i32
    %get3A_6 = arith.index_cast %mul3A_5 : i32 to index
    %get3A_7 = arith.constant 0 : index
    %get3A_8 = vector.load %arg3[%get3A_6, %get3A_7] : memref<2500x128xf32, #tpu.memory_space<vmem>>, vector<20x128xf32>
    %get3A_9 = arith.constant 0 : index
    %get3A_10 = arith.constant 0 : index
    %get3A_11 = vector.load %arg4[%get3A_9, %get3A_10] : memref<128x128xf32, #tpu.memory_space<vmem>>, vector<128x128xf32>
    %dot_general3A = arith.constant dense<0.000000e+00> : vector<128x20xf32>
    %dot_general3A_12 = tpu.matmul %get3A_11, %get3A_8, %dot_general3A {dimension_numbers = #tpu.dot_dimension_numbers<[1], [1], [0], [0], [0, 0, 1, 0], [], []>, transpose_lhs_hint = false} : vector<128x128xf32>, vector<20x128xf32>, vector<128x20xf32> -> vector<128x20xf32>
    %slice3A = vector.extract_strided_slice %dot_general3A_12 {offsets = [0, 0], sizes = [64, 1], strides = [1, 1]} : vector<128x20xf32> to vector<64x1xf32>
    %slice3A_13 = vector.extract_strided_slice %dot_general3A_12 {offsets = [0, 1], sizes = [64, 1], strides = [1, 1]} : vector<128x20xf32> to vector<64x1xf32>
    %slice3A_14 = vector.extract_strided_slice %dot_general3A_12 {offsets = [0, 2], sizes = [64, 1], strides = [1, 1]} : vector<128x20xf32> to vector<64x1xf32>
    %slice3A_15 = vector.extract_strided_slice %dot_general3A_12 {offsets = [0, 3], sizes = [64, 1], strides = [1, 1]} : vector<128x20xf32> to vector<64x1xf32>
    %slice3A_16 = vector.extract_strided_slice %dot_general3A_12 {offsets = [0, 4], sizes = [64, 1], strides = [1, 1]} : vector<128x20xf32> to vector<64x1xf32>
    %slice3A_17 = vector.extract_strided_slice %dot_general3A_12 {offsets = [0, 5], sizes = [64, 1], strides = [1, 1]} : vector<128x20xf32> to vector<64x1xf32>
    %slice3A_18 = vector.extract_strided_slice %dot_general3A_12 {offsets = [0, 6], sizes = [64, 1], strides = [1, 1]} : vector<128x20xf32> to vector<64x1xf32>
    %slice3A_19 = vector.extract_strided_slice %dot_general3A_12 {offsets = [0, 7], sizes = [64, 1], strides = [1, 1]} : vector<128x20xf32> to vector<64x1xf32>
    %slice3A_20 = vector.extract_strided_slice %dot_general3A_12 {offsets = [0, 8], sizes = [64, 1], strides = [1, 1]} : vector<128x20xf32> to vector<64x1xf32>
    %slice3A_21 = vector.extract_strided_slice %dot_general3A_12 {offsets = [0, 9], sizes = [64, 1], strides = [1, 1]} : vector<128x20xf32> to vector<64x1xf32>
    %slice3A_22 = vector.extract_strided_slice %dot_general3A_12 {offsets = [0, 10], sizes = [64, 1], strides = [1, 1]} : vector<128x20xf32> to vector<64x1xf32>
    %slice3A_23 = vector.extract_strided_slice %dot_general3A_12 {offsets = [0, 11], sizes = [64, 1], strides = [1, 1]} : vector<128x20xf32> to vector<64x1xf32>
    %slice3A_24 = vector.extract_strided_slice %dot_general3A_12 {offsets = [0, 12], sizes = [64, 1], strides = [1, 1]} : vector<128x20xf32> to vector<64x1xf32>
    %slice3A_25 = vector.extract_strided_slice %dot_general3A_12 {offsets = [0, 13], sizes = [64, 1], strides = [1, 1]} : vector<128x20xf32> to vector<64x1xf32>
    %slice3A_26 = vector.extract_strided_slice %dot_general3A_12 {offsets = [0, 14], sizes = [64, 1], strides = [1, 1]} : vector<128x20xf32> to vector<64x1xf32>
    %slice3A_27 = vector.extract_strided_slice %dot_general3A_12 {offsets = [0, 15], sizes = [64, 1], strides = [1, 1]} : vector<128x20xf32> to vector<64x1xf32>
    %slice3A_28 = vector.extract_strided_slice %dot_general3A_12 {offsets = [0, 16], sizes = [64, 1], strides = [1, 1]} : vector<128x20xf32> to vector<64x1xf32>
    %slice3A_29 = vector.extract_strided_slice %dot_general3A_12 {offsets = [0, 17], sizes = [64, 1], strides = [1, 1]} : vector<128x20xf32> to vector<64x1xf32>
    %slice3A_30 = vector.extract_strided_slice %dot_general3A_12 {offsets = [0, 18], sizes = [64, 1], strides = [1, 1]} : vector<128x20xf32> to vector<64x1xf32>
    %slice3A_31 = vector.extract_strided_slice %dot_general3A_12 {offsets = [0, 19], sizes = [64, 1], strides = [1, 1]} : vector<128x20xf32> to vector<64x1xf32>
    %concatenate3A = tpu.concatenate %slice3A, %slice3A_13, %slice3A_14, %slice3A_15, %slice3A_16, %slice3A_17, %slice3A_18, %slice3A_19, %slice3A_20, %slice3A_21, %slice3A_22, %slice3A_23, %slice3A_24, %slice3A_25, %slice3A_26, %slice3A_27, %slice3A_28, %slice3A_29, %slice3A_30, %slice3A_31 in 0 : vector<64x1xf32>, vector<64x1xf32>, vector<64x1xf32>, vector<64x1xf32>, vector<64x1xf32>, vector<64x1xf32>, vector<64x1xf32>, vector<64x1xf32>, vector<64x1xf32>, vector<64x1xf32>, vector<64x1xf32>, vector<64x1xf32>, vector<64x1xf32>, vector<64x1xf32>, vector<64x1xf32>, vector<64x1xf32>, vector<64x1xf32>, vector<64x1xf32>, vector<64x1xf32>, vector<64x1xf32> -> vector<1280x1xf32>
    %slice3A_32 = vector.extract_strided_slice %dot_general3A_12 {offsets = [64, 0], sizes = [64, 1], strides = [1, 1]} : vector<128x20xf32> to vector<64x1xf32>
    %slice3A_33 = vector.extract_strided_slice %dot_general3A_12 {offsets = [64, 1], sizes = [64, 1], strides = [1, 1]} : vector<128x20xf32> to vector<64x1xf32>
    %slice3A_34 = vector.extract_strided_slice %dot_general3A_12 {offsets = [64, 2], sizes = [64, 1], strides = [1, 1]} : vector<128x20xf32> to vector<64x1xf32>
    %slice3A_35 = vector.extract_strided_slice %dot_general3A_12 {offsets = [64, 3], sizes = [64, 1], strides = [1, 1]} : vector<128x20xf32> to vector<64x1xf32>
    %slice3A_36 = vector.extract_strided_slice %dot_general3A_12 {offsets = [64, 4], sizes = [64, 1], strides = [1, 1]} : vector<128x20xf32> to vector<64x1xf32>
    %slice3A_37 = vector.extract_strided_slice %dot_general3A_12 {offsets = [64, 5], sizes = [64, 1], strides = [1, 1]} : vector<128x20xf32> to vector<64x1xf32>
    %slice3A_38 = vector.extract_strided_slice %dot_general3A_12 {offsets = [64, 6], sizes = [64, 1], strides = [1, 1]} : vector<128x20xf32> to vector<64x1xf32>
    %slice3A_39 = vector.extract_strided_slice %dot_general3A_12 {offsets = [64, 7], sizes = [64, 1], strides = [1, 1]} : vector<128x20xf32> to vector<64x1xf32>
    %slice3A_40 = vector.extract_strided_slice %dot_general3A_12 {offsets = [64, 8], sizes = [64, 1], strides = [1, 1]} : vector<128x20xf32> to vector<64x1xf32>
    %slice3A_41 = vector.extract_strided_slice %dot_general3A_12 {offsets = [64, 9], sizes = [64, 1], strides = [1, 1]} : vector<128x20xf32> to vector<64x1xf32>
    %slice3A_42 = vector.extract_strided_slice %dot_general3A_12 {offsets = [64, 10], sizes = [64, 1], strides = [1, 1]} : vector<128x20xf32> to vector<64x1xf32>
    %slice3A_43 = vector.extract_strided_slice %dot_general3A_12 {offsets = [64, 11], sizes = [64, 1], strides = [1, 1]} : vector<128x20xf32> to vector<64x1xf32>
    %slice3A_44 = vector.extract_strided_slice %dot_general3A_12 {offsets = [64, 12], sizes = [64, 1], strides = [1, 1]} : vector<128x20xf32> to vector<64x1xf32>
    %slice3A_45 = vector.extract_strided_slice %dot_general3A_12 {offsets = [64, 13], sizes = [64, 1], strides = [1, 1]} : vector<128x20xf32> to vector<64x1xf32>
    %slice3A_46 = vector.extract_strided_slice %dot_general3A_12 {offsets = [64, 14], sizes = [64, 1], strides = [1, 1]} : vector<128x20xf32> to vector<64x1xf32>
    %slice3A_47 = vector.extract_strided_slice %dot_general3A_12 {offsets = [64, 15], sizes = [64, 1], strides = [1, 1]} : vector<128x20xf32> to vector<64x1xf32>
    %slice3A_48 = vector.extract_strided_slice %dot_general3A_12 {offsets = [64, 16], sizes = [64, 1], strides = [1, 1]} : vector<128x20xf32> to vector<64x1xf32>
    %slice3A_49 = vector.extract_strided_slice %dot_general3A_12 {offsets = [64, 17], sizes = [64, 1], strides = [1, 1]} : vector<128x20xf32> to vector<64x1xf32>
    %slice3A_50 = vector.extract_strided_slice %dot_general3A_12 {offsets = [64, 18], sizes = [64, 1], strides = [1, 1]} : vector<128x20xf32> to vector<64x1xf32>
    %slice3A_51 = vector.extract_strided_slice %dot_general3A_12 {offsets = [64, 19], sizes = [64, 1], strides = [1, 1]} : vector<128x20xf32> to vector<64x1xf32>
    %concatenate3A_52 = tpu.concatenate %slice3A_32, %slice3A_33, %slice3A_34, %slice3A_35, %slice3A_36, %slice3A_37, %slice3A_38, %slice3A_39, %slice3A_40, %slice3A_41, %slice3A_42, %slice3A_43, %slice3A_44, %slice3A_45, %slice3A_46, %slice3A_47, %slice3A_48, %slice3A_49, %slice3A_50, %slice3A_51 in 0 : vector<64x1xf32>, vector<64x1xf32>, vector<64x1xf32>, vector<64x1xf32>, vector<64x1xf32>, vector<64x1xf32>, vector<64x1xf32>, vector<64x1xf32>, vector<64x1xf32>, vector<64x1xf32>, vector<64x1xf32>, vector<64x1xf32>, vector<64x1xf32>, vector<64x1xf32>, vector<64x1xf32>, vector<64x1xf32>, vector<64x1xf32>, vector<64x1xf32>, vector<64x1xf32>, vector<64x1xf32> -> vector<1280x1xf32>
    %get3A_53 = arith.constant 0 : index
    %get3A_54 = arith.constant 0 : index
    %get3A_55 = vector.load %arg5[%get3A_53, %get3A_54] : memref<1x64xf32, #tpu.memory_space<vmem>>, vector<1x64xf32>
    %get3A_56 = arith.constant 0 : index
    %get3A_57 = arith.constant 0 : index
    %get3A_58 = vector.load %arg6[%get3A_56, %get3A_57] : memref<1x64xf32, #tpu.memory_space<vmem>>, vector<1x64xf32>
    %get3A_59 = arith.constant 0 : index
    %get3A_60 = arith.constant 0 : index
    %get3A_61 = vector.load %arg7[%get3A_59, %get3A_60] : memref<64x64xf32, #tpu.memory_space<vmem>>, vector<64x64xf32>
    %get3A_62 = arith.constant 0 : index
    %get3A_63 = arith.constant 0 : index
    %get3A_64 = vector.load %arg8[%get3A_62, %get3A_63] : memref<1x64xf32, #tpu.memory_space<vmem>>, vector<1x64xf32>
    %slice3A_65 = vector.extract_strided_slice %add3A {offsets = [0, 0], sizes = [1280, 64], strides = [1, 1]} : vector<1280x128xf32> to vector<1280x64xf32>
    %mul3A_66 = vector.broadcast %concatenate3A : vector<1280x1xf32> to vector<1280x64xf32>
    %mul3A_67 = vector.broadcast %get3A_55 : vector<1x64xf32> to vector<1280x64xf32>
    %mul3A_68 = arith.mulf %mul3A_66, %mul3A_67 : vector<1280x64xf32>
    %add3A_69 = arith.addf %slice3A_65, %mul3A_68 : vector<1280x64xf32>
    %add3A_70 = vector.broadcast %get3A_58 : vector<1x64xf32> to vector<1280x64xf32>
    %add3A_71 = arith.addf %add3A_69, %add3A_70 : vector<1280x64xf32>
    %logistic3A = arith.negf %add3A_71 : vector<1280x64xf32>
    %logistic3A_72 = math.exp %logistic3A : vector<1280x64xf32>
    %logistic3A_73 = arith.constant 1.000000e+00 : f32
    %logistic3A_74 = vector.broadcast %logistic3A_73 : f32 to vector<1280x64xf32>
    %logistic3A_75 = arith.addf %logistic3A_74, %logistic3A_72 : vector<1280x64xf32>
    %logistic3A_76 = arith.divf %logistic3A_74, %logistic3A_75 : vector<1280x64xf32>
    %mul3A_77 = arith.mulf %add3A_71, %logistic3A_76 : vector<1280x64xf32>
    %slice3A_78 = vector.extract_strided_slice %add3A {offsets = [0, 64], sizes = [1280, 64], strides = [1, 1]} : vector<1280x128xf32> to vector<1280x64xf32>
    %mul3A_79 = vector.broadcast %concatenate3A_52 : vector<1280x1xf32> to vector<1280x64xf32>
    %mul3A_80 = vector.broadcast %get3A_55 : vector<1x64xf32> to vector<1280x64xf32>
    %mul3A_81 = arith.mulf %mul3A_79, %mul3A_80 : vector<1280x64xf32>
    %add3A_82 = arith.addf %slice3A_78, %mul3A_81 : vector<1280x64xf32>
    %add3A_83 = vector.broadcast %get3A_58 : vector<1x64xf32> to vector<1280x64xf32>
    %add3A_84 = arith.addf %add3A_82, %add3A_83 : vector<1280x64xf32>
    %logistic3A_85 = arith.negf %add3A_84 : vector<1280x64xf32>
    %logistic3A_86 = math.exp %logistic3A_85 : vector<1280x64xf32>
    %logistic3A_87 = arith.constant 1.000000e+00 : f32
    %logistic3A_88 = vector.broadcast %logistic3A_87 : f32 to vector<1280x64xf32>
    %logistic3A_89 = arith.addf %logistic3A_88, %logistic3A_86 : vector<1280x64xf32>
    %logistic3A_90 = arith.divf %logistic3A_88, %logistic3A_89 : vector<1280x64xf32>
    %mul3A_91 = arith.mulf %add3A_84, %logistic3A_90 : vector<1280x64xf32>
    %dot_general3A_92 = arith.constant dense<0.000000e+00> : vector<1280x64xf32>
    %dot_general3A_93 = tpu.matmul %mul3A_77, %get3A_61, %dot_general3A_92 {dimension_numbers = #tpu.dot_dimension_numbers<[1], [0], [0], [1], [0, 0, 1, 1], [], []>, transpose_lhs_hint = false} : vector<1280x64xf32>, vector<64x64xf32>, vector<1280x64xf32> -> vector<1280x64xf32>
    %add3A_94 = vector.broadcast %get3A_64 : vector<1x64xf32> to vector<1280x64xf32>
    %add3A_95 = arith.addf %dot_general3A_93, %add3A_94 : vector<1280x64xf32>
    %logistic3A_96 = arith.negf %add3A_95 : vector<1280x64xf32>
    %logistic3A_97 = math.exp %logistic3A_96 : vector<1280x64xf32>
    %logistic3A_98 = arith.constant 1.000000e+00 : f32
    %logistic3A_99 = vector.broadcast %logistic3A_98 : f32 to vector<1280x64xf32>
    %logistic3A_100 = arith.addf %logistic3A_99, %logistic3A_97 : vector<1280x64xf32>
    %logistic3A_101 = arith.divf %logistic3A_99, %logistic3A_100 : vector<1280x64xf32>
    %mul3A_102 = arith.mulf %add3A_95, %logistic3A_101 : vector<1280x64xf32>
    %dot_general3A_103 = arith.constant dense<0.000000e+00> : vector<1280x64xf32>
    %dot_general3A_104 = tpu.matmul %mul3A_91, %get3A_61, %dot_general3A_103 {dimension_numbers = #tpu.dot_dimension_numbers<[1], [0], [0], [1], [0, 0, 1, 1], [], []>, transpose_lhs_hint = false} : vector<1280x64xf32>, vector<64x64xf32>, vector<1280x64xf32> -> vector<1280x64xf32>
    %add3A_105 = vector.broadcast %get3A_64 : vector<1x64xf32> to vector<1280x64xf32>
    %add3A_106 = arith.addf %dot_general3A_104, %add3A_105 : vector<1280x64xf32>
    %logistic3A_107 = arith.negf %add3A_106 : vector<1280x64xf32>
    %logistic3A_108 = math.exp %logistic3A_107 : vector<1280x64xf32>
    %logistic3A_109 = arith.constant 1.000000e+00 : f32
    %logistic3A_110 = vector.broadcast %logistic3A_109 : f32 to vector<1280x64xf32>
    %logistic3A_111 = arith.addf %logistic3A_110, %logistic3A_108 : vector<1280x64xf32>
    %logistic3A_112 = arith.divf %logistic3A_110, %logistic3A_111 : vector<1280x64xf32>
    %mul3A_113 = arith.mulf %add3A_106, %logistic3A_112 : vector<1280x64xf32>
    %concatenate3A_114 = tpu.concatenate %mul3A_102, %mul3A_113 in 1 : vector<1280x64xf32>, vector<1280x64xf32> -> vector<1280x128xf32>
    %swap3A = arith.constant 0 : index
    %swap3A_115 = arith.constant 0 : index
    %swap3A_116 = vector.load %arg9[%swap3A, %swap3A_115] : memref<1280x128xf32, #tpu.memory_space<vmem>>, vector<1280x128xf32>
    tpu.vector_store %arg9[%swap3A, %swap3A_115], %concatenate3A_114 {strides = array<i32>} : memref<1280x128xf32, #tpu.memory_space<vmem>>, vector<1280x128xf32>,
    return
  }
  func.func @transform_0(%arg0: i32) -> (i32, i32) {
    %c0_i32 = arith.constant 0 : i32
    %c0_i32_0 = arith.constant 0 : i32
    return %arg0, %c0_i32 : i32, i32
  }
  func.func @transform_1(%arg0: i32) -> (i32, i32) {
    %c0_i32 = arith.constant 0 : i32
    %c0_i32_0 = arith.constant 0 : i32
    return %arg0, %c0_i32 : i32, i32
  }
  func.func @transform_2(%arg0: i32) -> (i32, i32) {
    %c0_i32 = arith.constant 0 : i32
    %c0_i32_0 = arith.constant 0 : i32
    %c0_i32_1 = arith.constant 0 : i32
    return %c0_i32, %c0_i32_0 : i32, i32
  }
  func.func @transform_3(%arg0: i32) -> (i32, i32) {
    %c0_i32 = arith.constant 0 : i32
    %c0_i32_0 = arith.constant 0 : i32
    %c0_i32_1 = arith.constant 0 : i32
    return %c0_i32, %c0_i32_0 : i32, i32
  }
  func.func @transform_4(%arg0: i32) -> (i32, i32) {
    %c0_i32 = arith.constant 0 : i32
    %c0_i32_0 = arith.constant 0 : i32
    %c0_i32_1 = arith.constant 0 : i32
    return %c0_i32, %c0_i32_0 : i32, i32
  }
  func.func @transform_5(%arg0: i32) -> (i32, i32) {
    %c0_i32 = arith.constant 0 : i32
    %c0_i32_0 = arith.constant 0 : i32
    %c0_i32_1 = arith.constant 0 : i32
    return %c0_i32, %c0_i32_0 : i32, i32
  }
  func.func @transform_6(%arg0: i32) -> (i32, i32) {
    %c0_i32 = arith.constant 0 : i32
    %c0_i32_0 = arith.constant 0 : i32
    %c0_i32_1 = arith.constant 0 : i32
    return %c0_i32, %c0_i32_0 : i32, i32
  }
  func.func @transform_7(%arg0: i32) -> (i32, i32) {
    %c0_i32 = arith.constant 0 : i32
    %c0_i32_0 = arith.constant 0 : i32
    %c0_i32_1 = arith.constant 0 : i32
    return %c0_i32, %c0_i32_0 : i32, i32
  }
  func.func @transform_8(%arg0: i32) -> (i32, i32) {
    %c0_i32 = arith.constant 0 : i32
    %c0_i32_0 = arith.constant 0 : i32
    return %arg0, %c0_i32 : i32, i32
  }
}

module attributes {stable_mosaic.version = 14 : i64} {
  func.func @_node_mlp_body(%arg0: i32, %arg1: memref<2000x128xf32, #tpu.memory_space<vmem>>, %arg2: memref<2000x64xf32, #tpu.memory_space<vmem>>, %arg3: memref<2000x64xf32, #tpu.memory_space<vmem>>, %arg4: memref<128x64xf32, #tpu.memory_space<vmem>>, %arg5: memref<64x64xf32, #tpu.memory_space<vmem>>, %arg6: memref<1x64xf32, #tpu.memory_space<vmem>>, %arg7: memref<64x128xf32, #tpu.memory_space<vmem>>, %arg8: memref<1x128xf32, #tpu.memory_space<vmem>>, %arg9: memref<2000x128xf32, #tpu.memory_space<vmem>>) attributes {dimension_semantics = [#tpu.dimension_semantics<arbitrary>], iteration_bounds = array<i64: 5>, scalar_prefetch = 0 : i64, scratch_operands = 0 : i64, tpu.core_type = #tpu.core_type<tc>, window_params = [{transform_indices = @transform_0, window_bounds = array<i64: 2000, 128>}, {transform_indices = @transform_1, window_bounds = array<i64: 2000, 64>}, {transform_indices = @transform_2, window_bounds = array<i64: 2000, 64>}, {pipeline_mode = #tpu.pipeline_mode<synchronous>, transform_indices = @transform_3, window_bounds = array<i64: 128, 64>}, {pipeline_mode = #tpu.pipeline_mode<synchronous>, transform_indices = @transform_4, window_bounds = array<i64: 64, 64>}, {pipeline_mode = #tpu.pipeline_mode<synchronous>, transform_indices = @transform_5, window_bounds = array<i64: 1, 64>}, {pipeline_mode = #tpu.pipeline_mode<synchronous>, transform_indices = @transform_6, window_bounds = array<i64: 64, 128>}, {pipeline_mode = #tpu.pipeline_mode<synchronous>, transform_indices = @transform_7, window_bounds = array<i64: 1, 128>}, {transform_indices = @transform_8, window_bounds = array<i64: 2000, 128>}]} {
    %get3A = arith.constant 0 : index
    %get3A_0 = arith.constant 0 : index
    %get3A_1 = vector.load %arg2[%get3A, %get3A_0] : memref<2000x64xf32, #tpu.memory_space<vmem>>, vector<2000x64xf32>
    %get3A_2 = arith.constant 0 : index
    %get3A_3 = arith.constant 0 : index
    %get3A_4 = vector.load %arg3[%get3A_2, %get3A_3] : memref<2000x64xf32, #tpu.memory_space<vmem>>, vector<2000x64xf32>
    %add3A = arith.addf %get3A_1, %get3A_4 : vector<2000x64xf32>
    %get3A_5 = arith.constant 0 : index
    %get3A_6 = arith.constant 0 : index
    %get3A_7 = vector.load %arg1[%get3A_5, %get3A_6] : memref<2000x128xf32, #tpu.memory_space<vmem>>, vector<2000x128xf32>
    %get3A_8 = arith.constant 0 : index
    %get3A_9 = arith.constant 0 : index
    %get3A_10 = vector.load %arg4[%get3A_8, %get3A_9] : memref<128x64xf32, #tpu.memory_space<vmem>>, vector<128x64xf32>
    %dot_general3A = arith.constant dense<0.000000e+00> : vector<2000x64xf32>
    %dot_general3A_11 = tpu.matmul %get3A_7, %get3A_10, %dot_general3A {dimension_numbers = #tpu.dot_dimension_numbers<[1], [0], [0], [1], [0, 0, 1, 1], [], []>, transpose_lhs_hint = false} : vector<2000x128xf32>, vector<128x64xf32>, vector<2000x64xf32> -> vector<2000x64xf32>
    %get3A_12 = arith.constant 0 : index
    %get3A_13 = arith.constant 0 : index
    %get3A_14 = vector.load %arg5[%get3A_12, %get3A_13] : memref<64x64xf32, #tpu.memory_space<vmem>>, vector<64x64xf32>
    %dot_general3A_15 = arith.constant dense<0.000000e+00> : vector<2000x64xf32>
    %dot_general3A_16 = tpu.matmul %add3A, %get3A_14, %dot_general3A_15 {dimension_numbers = #tpu.dot_dimension_numbers<[1], [0], [0], [1], [0, 0, 1, 1], [], []>, transpose_lhs_hint = false} : vector<2000x64xf32>, vector<64x64xf32>, vector<2000x64xf32> -> vector<2000x64xf32>
    %add3A_17 = arith.addf %dot_general3A_11, %dot_general3A_16 : vector<2000x64xf32>
    %get3A_18 = arith.constant 0 : index
    %get3A_19 = arith.constant 0 : index
    %get3A_20 = vector.load %arg6[%get3A_18, %get3A_19] : memref<1x64xf32, #tpu.memory_space<vmem>>, vector<1x64xf32>
    %add3A_21 = vector.broadcast %get3A_20 : vector<1x64xf32> to vector<2000x64xf32>
    %add3A_22 = arith.addf %add3A_17, %add3A_21 : vector<2000x64xf32>
    %logistic3A = arith.negf %add3A_22 : vector<2000x64xf32>
    %logistic3A_23 = math.exp %logistic3A : vector<2000x64xf32>
    %logistic3A_24 = arith.constant 1.000000e+00 : f32
    %logistic3A_25 = vector.broadcast %logistic3A_24 : f32 to vector<2000x64xf32>
    %logistic3A_26 = arith.addf %logistic3A_25, %logistic3A_23 : vector<2000x64xf32>
    %logistic3A_27 = arith.divf %logistic3A_25, %logistic3A_26 : vector<2000x64xf32>
    %mul3A = arith.mulf %add3A_22, %logistic3A_27 : vector<2000x64xf32>
    %get3A_28 = arith.constant 0 : index
    %get3A_29 = arith.constant 0 : index
    %get3A_30 = vector.load %arg7[%get3A_28, %get3A_29] : memref<64x128xf32, #tpu.memory_space<vmem>>, vector<64x128xf32>
    %dot_general3A_31 = arith.constant dense<0.000000e+00> : vector<2000x128xf32>
    %dot_general3A_32 = tpu.matmul %mul3A, %get3A_30, %dot_general3A_31 {dimension_numbers = #tpu.dot_dimension_numbers<[1], [0], [0], [1], [0, 0, 1, 1], [], []>, transpose_lhs_hint = false} : vector<2000x64xf32>, vector<64x128xf32>, vector<2000x128xf32> -> vector<2000x128xf32>
    %get3A_33 = arith.constant 0 : index
    %get3A_34 = arith.constant 0 : index
    %get3A_35 = vector.load %arg8[%get3A_33, %get3A_34] : memref<1x128xf32, #tpu.memory_space<vmem>>, vector<1x128xf32>
    %add3A_36 = vector.broadcast %get3A_35 : vector<1x128xf32> to vector<2000x128xf32>
    %add3A_37 = arith.addf %dot_general3A_32, %add3A_36 : vector<2000x128xf32>
    %swap3A = arith.constant 0 : index
    %swap3A_38 = arith.constant 0 : index
    %swap3A_39 = vector.load %arg9[%swap3A, %swap3A_38] : memref<2000x128xf32, #tpu.memory_space<vmem>>, vector<2000x128xf32>
    tpu.vector_store %arg9[%swap3A, %swap3A_38], %add3A_37 {strides = array<i32>} : memref<2000x128xf32, #tpu.memory_space<vmem>>, vector<2000x128xf32>,
    return
  }
  func.func @transform_0(%arg0: i32) -> (i32, i32) {
    %c0_i32 = arith.constant 0 : i32
    %c0_i32_0 = arith.constant 0 : i32
    return %arg0, %c0_i32 : i32, i32
  }
  func.func @transform_1(%arg0: i32) -> (i32, i32) {
    %c0_i32 = arith.constant 0 : i32
    %c0_i32_0 = arith.constant 0 : i32
    return %arg0, %c0_i32 : i32, i32
  }
  func.func @transform_2(%arg0: i32) -> (i32, i32) {
    %c0_i32 = arith.constant 0 : i32
    %c0_i32_0 = arith.constant 0 : i32
    return %arg0, %c0_i32 : i32, i32
  }
  func.func @transform_3(%arg0: i32) -> (i32, i32) {
    %c0_i32 = arith.constant 0 : i32
    %c0_i32_0 = arith.constant 0 : i32
    %c0_i32_1 = arith.constant 0 : i32
    return %c0_i32, %c0_i32_0 : i32, i32
  }
  func.func @transform_4(%arg0: i32) -> (i32, i32) {
    %c0_i32 = arith.constant 0 : i32
    %c0_i32_0 = arith.constant 0 : i32
    %c0_i32_1 = arith.constant 0 : i32
    return %c0_i32, %c0_i32_0 : i32, i32
  }
  func.func @transform_5(%arg0: i32) -> (i32, i32) {
    %c0_i32 = arith.constant 0 : i32
    %c0_i32_0 = arith.constant 0 : i32
    %c0_i32_1 = arith.constant 0 : i32
    return %c0_i32, %c0_i32_0 : i32, i32
  }
  func.func @transform_6(%arg0: i32) -> (i32, i32) {
    %c0_i32 = arith.constant 0 : i32
    %c0_i32_0 = arith.constant 0 : i32
    %c0_i32_1 = arith.constant 0 : i32
    return %c0_i32, %c0_i32_0 : i32, i32
  }
  func.func @transform_7(%arg0: i32) -> (i32, i32) {
    %c0_i32 = arith.constant 0 : i32
    %c0_i32_0 = arith.constant 0 : i32
    %c0_i32_1 = arith.constant 0 : i32
    return %c0_i32, %c0_i32_0 : i32, i32
  }
  func.func @transform_8(%arg0: i32) -> (i32, i32) {
    %c0_i32 = arith.constant 0 : i32
    %c0_i32_0 = arith.constant 0 : i32
    return %arg0, %c0_i32 : i32, i32
  }
}

</mosaic_0001>

<sc_bundles>
// kernel: kernel.10.cloned.1.call-start
scs
__scs_entry_jumppad:
0x0: {  	(pc) =	sbr.rel $0x88, $3  }
0x1: {  	(tag) =	ssettag $0x0;
	lr =	simm.s32 $0x1  }
0x2: {  	[smem:$0x3F96] =	sst lr;
	_ =	strace $0xD0000000  }
0x3: {  	_ = 	snop  }
0x4: {  	_ = 	snop  }
0x5: {  	_ = 	snop  }
0x6: {  	_ = 	snop  }
0x7: {  	_ = 	snop  }
__scs_overlays_trampoline_lowered:
0x8: {  	[smem:$0x3FA5] =	sst s0  }
0x9: {  	[smem:$0x3FA6] =	sst s1  }
0xa: {  	[smem:$0x3FA7] =	sst s2  }
0xb: {  	[smem:$0x3FA8] =	sst s3  }
0xc: {  	[smem:$0x3FA9] =	sst s4  }
0xd: {  	[smem:$0x3FAA] =	sst s5  }
0xe: {  	[smem:$0x3FAB] =	sst s6  }
0xf: {  	[smem:$0x3FAC] =	sst s7  }
0x10: {  	[smem:$0x3FAD] =	sst s8  }
0x11: {  	[smem:$0x3FAE] =	sst s9;
	s0 =	simm.s32 @!p0 $0x0  }
0x12: {  	s1 =	sld [smem:$0x3F94];
	s0 =	simm.s32 @p0 $0x1  }
0x13: {  	[smem:$0x3FAF] =	sst s0;
	s0 =	simm.s32 @!p1 $0x0  }
0x14: {  	s2 =	sld [smem:$0x3F93];
	s0 =	simm.s32 @p1 $0x1  }
0x15: {  	[smem:$0x3FB0] =	sst s0;
	s0 =	simm.s32 @!p2 $0x0  }
0x16: {  	s3 =	sld [smem:$0x3FDB];
	s0 =	simm.s32 @p2 $0x1  }
0x17: {  	s4 =	simm.s32 $0x1BF5;
	[smem:$0x3FB2] =	sst s0  }
0x18: {  	s0 =	sld [smem:$0x3F95];
	_ =	swait.ge [sflag:s4], $0x0  }
0x19: {  	s7 =	sld [smem:$0x3F96]  }
0x1a: {  	s8 =	sadd.s32 $0xFFFFE003, lr  }
0x1b: {  	s9 =	sadd.s32 $0xFFFFFEF7, lr;
	s5 =	simm.s32 $0xFFFFFFFF;
	p2 =	slt.u32 s8, $0xFFFFF086  }
0x1c: {  	p1 =	slt.u32 s9, $0xF7A;
	s5 =	simm.s32 @!p2 $0x0  }
0x1d: {  	s5 =	simm.s32 @p1 $0x1;
	p0 =	seq.s32 s7, s2  }
0x1e: {  	s7 =	smul.u32 @!p0 $0xF7A, s2;
	p2 =	seq.s32 @!p0 s5, $0x0  }
0x1f: {  	s9 =	smul.u32 $0xF7A, s1;
	s8 =	simm.s32 @!p0 $0x1BF5;
	p2 =	por !p2, p0  }
0x20: {  	[sflag:s8] =	ssyncset.s32 @!p0 $0xFFFFF086;
	s6 =	sadd.s32 @!p0 s3, s7;
	s7 =	simm.s32 @!p0 $0x108  }
0x21: {  	s3 =	sadd.s32 s3, s9;
	s6 =	sadd.s32 @!p0 $0x88, s6;
	s7 =	simm.s32 @p2 $0x1082  }
0x22: {  	[simem:s7], [sflag:s8] =	dma.local @!p0 [hbm:s6], $0xF7A  }
0x23: {  	s9 =	sor.u32 $0xD0000000, s2;
	s6 =	simm.s32 $0x108;
	_ =	swait.ge @!p0 [sflag:s8], $0x0  }
0x24: {  	s3 =	sadd.s32 $0x88, s3;
	s6 =	simm.s32 @!p1 $0x1082;
	[sflag:s4] =	ssyncset.s32 $0xFFFFF086  }
0x25: {  	[simem:s6], [sflag:s4] =	dma.local [hbm:s3], $0xF7A  }
0x26: {  	[smem:$0x3F96] =	sst s1;
	(tag) =	ssettag s2;
	_ =	strace s9  }
0x27: {  	s1 =	sld [smem:$0x3FA6]  }
0x28: {  	s2 =	sld [smem:$0x3FA7]  }
0x29: {  	s4 =	sld [smem:$0x3FA9]  }
0x2a: {  	p0 =	seq.s32 s5, $0x0;
	s5 =	sld [smem:$0x3FAA]  }
0x2b: {  	s6 =	sld [smem:$0x3FAB]  }
0x2c: {  	s7 =	sld [smem:$0x3FAC]  }
0x2d: {  	s3 =	simm.s32 $0x108;
	s8 =	sld [smem:$0x3FAD]  }
0x2e: {  	s3 =	simm.s32 @!p0 $0x1082;
	s9 =	sld [smem:$0x3FAE]  }
0x2f: {  	lr =	sadd.s32 s0, s3;
	s0 =	sld [smem:$0x3FA5]  }
0x30: {  	s3 =	sld [smem:$0x3FA8]  }
0x31: {  	[smem:$0x3FB1] =	sst s10  }
0x32: {  	s10 =	sld [smem:$0x3FAF];
	_ =	sdelay $0x3  }
0x33: {  	p0 =	seq.s32 s10, $0x1;
	s10 =	sld [smem:$0x3FB1];
	_ =	sdelay $0x3  }
0x34: {  	[smem:$0x3FB1] =	sst s10  }
0x35: {  	s10 =	sld [smem:$0x3FB0];
	_ =	sdelay $0x3  }
0x36: {  	p1 =	seq.s32 s10, $0x1;
	s10 =	sld [smem:$0x3FB1];
	_ =	sdelay $0x3  }
0x37: {  	[smem:$0x3FB1] =	sst s10  }
0x38: {  	s10 =	sld [smem:$0x3FB2]  }
0x39: {  	_ = 	snop;
	(pc) =	sbr.ind lr, $3  }
0x3a: {  	_ = 	snop  }
0x3b: {  	_ = 	snop  }
0x3c: {  	p2 =	seq.s32 s10, $0x1;
	s10 =	sld [smem:$0x3FB1]  }
0x3d: {  	_ =	shalt  }
0x3e: {  	_ =	shalt  }
0x3f: {  	_ =	shalt  }
0x40: {  	_ =	shalt  }
0x41: {  	_ =	shalt  }
0x42: {  	_ =	shalt  }
0x43: {  	_ =	shalt  }
0x44: {  	_ =	shalt  }
0x45: {  	_ =	shalt  }
0x46: {  	_ =	shalt  }
0x47: {  	_ =	shalt  }
0x48: {  	_ =	shalt  }
0x49: {  	_ =	shalt  }
0x4a: {  	_ =	shalt  }
0x4b: {  	_ =	shalt  }
0x4c: {  	_ =	shalt  }
0x4d: {  	_ =	shalt  }
0x4e: {  	_ =	shalt  }
0x4f: {  	_ =	shalt  }
0x50: {  	_ =	shalt  }
0x51: {  	_ =	shalt  }
0x52: {  	_ =	shalt  }
0x53: {  	_ =	shalt  }
0x54: {  	_ =	shalt  }
0x55: {  	_ =	shalt  }
0x56: {  	_ =	shalt  }
0x57: {  	_ =	shalt  }
0x58: {  	_ =	shalt  }
0x59: {  	_ =	shalt  }
0x5a: {  	_ =	shalt  }
0x5b: {  	_ =	shalt  }
0x5c: {  	_ =	shalt  }
0x5d: {  	_ =	shalt  }
0x5e: {  	_ =	shalt  }
0x5f: {  	_ =	shalt  }
0x60: {  	_ =	shalt  }
0x61: {  	_ =	shalt  }
0x62: {  	_ =	shalt  }
0x63: {  	_ =	shalt  }
0x64: {  	_ =	shalt  }
0x65: {  	_ =	shalt  }
0x66: {  	_ =	shalt  }
0x67: {  	_ =	shalt  }
0x68: {  	_ =	shalt  }
0x69: {  	_ =	shalt  }
0x6a: {  	_ =	shalt  }
0x6b: {  	_ =	shalt  }
0x6c: {  	_ =	shalt  }
0x6d: {  	_ =	shalt  }
0x6e: {  	_ =	shalt  }
0x6f: {  	_ =	shalt  }
0x70: {  	_ =	shalt  }
0x71: {  	_ =	shalt  }
0x72: {  	_ =	shalt  }
0x73: {  	_ =	shalt  }
0x74: {  	_ =	shalt  }
0x75: {  	_ =	shalt  }
0x76: {  	_ =	shalt  }
0x77: {  	_ =	shalt  }
0x78: {  	_ =	shalt  }
0x79: {  	_ =	shalt  }
0x7a: {  	_ =	shalt  }
0x7b: {  	_ =	shalt  }
0x7c: {  	_ =	shalt  }
0x7d: {  	_ =	shalt  }
0x7e: {  	_ =	shalt  }
0x7f: {  	_ =	shalt  }
0x80: {  	_ =	shalt  }
0x81: {  	_ =	shalt  }
0x82: {  	_ =	shalt  }
0x83: {  	_ =	shalt  }
0x84: {  	_ =	shalt  }
0x85: {  	_ =	shalt  }
0x86: {  	_ =	shalt  }
0x87: {  	_ =	shalt  }
.Lfunc_end0:
.L_simem_size_0:
called_computation.1_lowered:
.L_overlay_start_0:
0x88: {  	s2 =	sld [smem:$0x3FD9]  }
0x89: {  	s3 =	sld [smem:$0x3FFE];
	_ =	sdelay $0x1  }
0x8a: {  	s1 =	srdreg.scid  }
0x8b: {  	s0 =	sand.u32 $0x1, s1  }
0x8c: {  	s14 =	sshll.u32 s0, $0xA;
	s2 =	sadd.s32 s3, s2  }
0x8d: {  	s2 =	sadd.s32 s2, s14  }
0x8e: {  	[smem:$0x3FBD] =	sst s2  }
0x8f: {  	_ = 	snop  }
0x90: {  	s2 =	sld [smem:$0x3FD0];
	_ =	sdelay $0x2  }
0x91: {  	s15 =	simm.s32 $0xA;
	s4 =	simm.s32 $0x10  }
0x92: {  	[smem:s4], [sflag:s15] =	dma.local [hbm:s2], $0x1  }
0x93: {  	_ =	swait.eq [sflag:s15], $0x1  }
0x94: {  	[sflag:s15] =	ssyncset.done $0x0  }
0x95: {  	[sflag:s15] =	ssyncadd.s32 $0xFFFFFFFF  }
0x96: {  	s16 =	sld [smem:$0x10];
	(tm) =	ssettm $0x1  }
0x97: {  	s17 =	sld [smem:$0x3FFB];
	_ =	sdelay $0x3  }
0x98: {  	_ =	strace s17  }
0x99: {  	s3 =	sld [smem:$0x3FFC];
	_ =	sdelay $0x3  }
0x9a: {  	_ =	strace s3  }
0x9b: {  	s3 =	sld [smem:$0x3FFD];
	_ =	sdelay $0x3  }
0x9c: {  	_ =	strace s3  }
0x9d: {  	_ =	strace $0x8FFFFFFF  }
0x9e: {  	s18 =	sld [smem:$0x3FDB];
	_ =	sdelay $0x1  }
0x9f: {  	s19 =	simm.s32 $_scs_section_size  }
0xa0: {  	s5 =	simm.s32 $_size__tile_overlayer_lowered;
	s6 =	simm.s32 $_tile_overlayer_lowered  }
0xa1: {  	s22 =	simm.s32 $0x1BFF;
	s21 =	sshll.u32 s6, $0x1;
	s3 =	sadd.s32 s19, s18  }
0xa2: {  	s7 =	simm.s32 $0x0;
	s20 =	sshll.u32 s5, $0x1;
	s5 =	sadd.s32 s21, s3  }
0xa3: {  	[timem:s7], [sflag:s22] =	dma.local [hbm:s5], s20  }
0xa4: {  	_ =	swait.ge [sflag:s22], s20  }
0xa5: {  	s4 =	ssub.s32 $0x0, s20;
	[sflag:s22] =	ssyncset.done $0x0  }
0xa6: {  	[sflag:s22] =	ssyncadd.s32 s4;
	_ =	sdelay $0x1  }
0xa7: {  	s23 =	simm.s32 $0x1B8B  }
0xa8: {  	_ =	swait.ge [sflag:s23], $0x1  }
0xa9: {  	[sflag:s23] =	ssyncset.done $0x0  }
0xaa: {  	s25 =	simm.s32 $0x1B8E;
	s24 =	sld [smem:$0x3FFE];
	[sflag:s23] =	ssyncadd.s32 $0xFFFFFFFF  }
0xab: {  	s26 =	simm.s32 $execute0_lowered;
	[smem:$0x3FD2] =	sst s25  }
0xac: {  	s5 =	sshll.u32 s26, $0x1;
	_ =	strace $0x80000049;
	[dreg:$0x1] =	wrdreg $0xFFFFFFFF  }
0xad: {  	s28 =	simm.s32 $_size_execute0_lowered;
	s3 =	sadd.s32 s3, s5;
	[dreg:$0x0] =	wrdreg $0x0  }
0xae: {  	s5 =	sshll.u32 s28, $0x1;
	[dreg:$0x2] =	wrdreg s3  }
0xaf: {  	[dreg:$0x3] =	wrdreg s5  }
0xb0: {  	[dreg:$0x4] =	wrdreg $0xC0  }
0xb1: {  	_ =	task [dreg:s7], $0x5FFFF  }
0xb2: {  	[dreg:$0x1] =	wrdreg $0xFFFFFFFF  }
0xb3: {  	[dreg:$0x0] =	wrdreg $0x60  }
0xb4: {  	[dreg:$0x2] =	wrdreg s24  }
0xb5: {  	[dreg:$0x3] =	wrdreg s16  }
0xb6: {  	[dreg:$0x4] =	wrdreg $0x41000  }
0xb7: {  	[dreg:$0x5] =	wrdreg $0x9  }
0xb8: {  	_ =	task.clear_ibuf [dreg:s7], $0x6FFFF;
	_ =	strace $0x90000049  }
0xb9: {  	s29 =	simm.s32 $0x9;
	_ =	strace $0x8000004B  }
0xba: {  	_ =	swait.ge [sflag:s29], $0x1  }
0xbb: {  	[sflag:s29] =	ssyncadd.s32 $0xFFFFFFFF  }
0xbc: {  	_ =	strace $0x9000004B  }
0xbd: {  	_ =	sfence  }
0xbe: {  	s30 =	sld [smem:$0x0];
	_ =	sdelay $0x2  }
0xbf: {  	s31 =	sshll.u32 s1, $0xD;
	s1 =	sshrl.u32 s1, $0x2  }
0xc0: {  	s3 =	sand.u32 $0x4000, s31;
	s1 =	sadd.s32 s1, s30  }
0xc1: {  	s0 =	sor.u32 s3, s0;
	s1 =	sshll.u32 s1, $0x11  }
0xc2: {  	s0 =	sor.u32 s1, s0  }
0xc3: {  	s0 =	sadd.s32 $0x8F2B, s0  }
0xc4: {  	[sflag:s0] =	ssyncadd.remote.s32 $0x1  }
0xc5: {  	_ =	sfence.sel $0xFFFF  }
0xc6: {  	[dreg:$0x0] =	wrdreg $0xFFFFFFFF;
	(pc) =	sbr.abs _section_cstart, $3  }
0xc7: {  	[dreg:$0x1] =	wrdreg $0xFFFFFFFF  }
0xc8: {  	_ =	task.clear_ibuf [dreg:s7], $0x2FFFF;
	_ =	strace $0x9FFFFFFF  }
0xc9: {  	(tm) =	ssettm $0x7FFFFFFF  }
tec
execute0_lowered:
.L_overlay_start_1:
0x0: {  	(tag) =	ssettag $0x1  }
0x1: {  	s6 =	rddreg [dreg:$0x0]  }
0x2: {  	s11 =	rddreg [dreg:$0x1]  }
0x3: {  	s1 =	rddreg [dreg:$0x2]  }
0x4: {  	s0 =	rddreg [dreg:$0x3];
	s3 =	simm.s32 $0x0;
	s2 =	stileid.u32  }
0x5: {  	s5 =	srdreg.scid;
	s18 =	simm.s32 $0x2;
	s19 =	simm.s32 $0x0  }
0x6: {  	[smem:$0x7FF] =	sst s3;
	s4 =	sadd.s32 $0x516400, s6;
	s12 =	smul.u32 $0x9C40, s2  }
0x7: {  	s8 =	sand.u32 $0x1, s5;
	s5 =	sadd.s32 $0x1FC00, s6;
	s9 =	sshll.u32 s2, $0x1  }
0x8: {  	s28 =	sshll.u32 s2, $0x6;
	_ =	strace $0x8000004A;
	s7 =	ssub.s32 $0x2, s8  }
0x9: {  	s14 =	sor.u32 s8, s9;
	s16 =	smul.u32 $0x9C400, s8;
	s8 =	sor.u32 $0x1C03, s28  }
0xa: {  	s10 =	sshrl.u32 s12, $0x3;
	s13 =	sshrl.u32 s7, $0x1;
	s26 =	ssub.s32 $0x9E3, s14  }
0xb: {  	s15 =	sadd.s32 s12, s1;
	s29 =	sshll.u32 s14, $0x4;
	s30 =	sshll.u32 s14, $0xA  }
0xc: {  	s14 =	sor.u32 $0x40, s14;
	s25 =	sadd.s32 s10, s6;
	s13 =	ssub.s32 s7, s13  }
0xd: {  	s6 =	sshrl.u32 s26, $0x5;
	s9 =	sadd.s32 s5, s29;
	s10 =	sadd.s32 s4, s30  }
0xe: {  	s12 =	sadd.s32 s12, s16;
	s15 =	sshrl.u32 s15, $0x3;
	s16 =	simm.s32 $0x3  }
0xf: {  	s7 =	sadd.s32 $0x2400, s25;
	s17 =	sadd.s32 $0xFFFFFFFF, s6;
	s12 =	sshrl.u32 s12, $0x3  }
0x10: {  	s31 =	sadd.s32 $0x1, s6;
	[dreg:$0x4] =	wrdreg s17;
	s11 =	sadd.s32 s11, s12  }
0x11: {  	s12 =	smax.u32 s13, $0x1;
	s13 =	sand.u32 $0x5E, s31;
	s17 =	simm.s32 $0x100  }
.LBB2_1:
0x12: {  	[spmem:s15], [sflag:s8] =	dma.local [hbm:s7], $0x1388  }
0x13: {  	_ =	swait.ge [sflag:s16], $0x1388  }
0x14: {  	p0 =	sle.u32 s6, $0x0;
	p2 =	sne.s32 s13, $0x2;
	[sflag:s16] =	ssyncset.done $0x0  }
.Ltmp0:
0x15: {  	p3 =	sle.u32 @!p0 s6, $0x1;
	[sflag:s16] =	ssyncadd.s32 $0xFFFFEC78;
	(pc) =	sbr.rel @!p2 .LBB2_2-.Ltmp0, $4  }
0x16: {  	s20 =	simm.s32 $0x2;
	p1 =	por p3, p0;
	[bflag:$0x0] =	sbarrier.arrive $0xFFFF  }
0x17: {  	[tilespmem:s3], [sflag:$0x1] =	stream.linear.gather [hbm4b:s9+s3], $0x80, $0x38;
	[tilespmem:$0xDD40] =	vst v63  }
0x18: {  	p5 =	por $0x0, $0x0;
	p4 =	por @!p0 $0x1, $0x1;
	s23 =	sadd.s32 @!p1 $0xFFFFFFE0, s14  }
0x19: {  	[tilespmem:s17], [sflag:$0x1] =	stream.linear.gather [hbm4b:s10+s3], $0x2000, $0x38;
	[tilespmem:$0xDD40] =	vst v63  }
0x1a: {  	p2 =	slt.s32 @!p1 s23, $0x9C3  }
0x1b: {  	p2 =	por @!p0 !p2, p3;
	p3 =	por p4, p0  }
0x1c: {  	p2 =	por !p2, p0;
	s21 =	simm.s32 @!p3 $0x2  }
0x1d: {  	s24 =	simm.s32 @!p1 $0x80;
	s23 =	simm.s32 @!p2 $0x9C3;
	_ =	swait.ge @!p3 [sflag:s21], $0x2000  }
0x1e: {  	s22 =	sshll.u32 @!p1 s23, $0x4;
	s23 =	sshll.u32 @!p1 s23, $0xA;
	[sflag:s21] =	ssyncset.done @!p3 $0x0  }
0x1f: {  	s22 =	sadd.s32 @!p1 s5, s22;
	[sflag:s21] =	ssyncadd.s32 @!p3 $0xFFFFE000;
	s21 =	simm.s32 @!p1 $0x0  }
0x20: {  	[tilespmem:s24], [sflag:$0x1] =	stream.linear.gather @!p1 [hbm4b:s22+s21], $0x80, $0x38;
	[tilespmem:$0xDD40] =	vst v63  }
0x21: {  	s22 =	sadd.s32 @!p1 s4, s23;
	s23 =	simm.s32 @!p1 $0x2100;
	s24 =	simm.s32 @!p0 $0x1  }
0x22: {  	[tilespmem:s23], [sflag:$0x1] =	stream.linear.gather @!p1 [hbm4b:s22+s21], $0x2000, $0x38;
	[tilespmem:$0xDD40] =	vst v63  }
0x23: {  	_ =	swait.ge @!p0 [sflag:s24], $0x80  }
0x24: {  	[sflag:s24] =	ssyncset.done @!p0 $0x0  }
0x25: {  	[sflag:s24] =	ssyncadd.s32 @!p0 $0xFFFFFF80  }
0x26: {  	s21 =	simm.s32 @!p0 $0x100;
	_ =	swait.ge @!p0 [sflag:s24], $0x2000  }
0x27: {  	s23 =	simm.s32 @!p0 $0x80;
	[sflag:s24] =	ssyncset.done @!p0 $0x0;
	s31 =	rddreg [dreg:$0x4]  }
0x28: {  	[sflag:s24] =	ssyncadd.s32 @!p0 $0xFFFFE000;
	s24 =	simm.s32 @!p0 $0x0;
	p3 =	sle.u32 s31, $0x0  }
0x29: {  	[spmem:s1] =	stream.indirect.scatter.add.f32 @!p0 [tilespmem:s21], [sflag:$0x2], $0x40, s24, s23, $0xb8;
	[tilespmem:$0xDD40] =	vst v63  }
0x2a: {  	p1 =	sle.u32 @!p3 s6, $0x2  }
0x2b: {  	p6 =	por p1, p3  }
0x2c: {  	p2 =	slt.s32 @!p6 s14, $0x9C3  }
0x2d: {  	p1 =	por @!p3 !p2, p1  }
0x2e: {  	p4 =	por @!p3 $0x1, $0x1;
	s24 =	smov.u32 s14;
	p5 =	por !p1, p3  }
0x2f: {  	p0 =	sle.u32 s6, $0x2;
	s24 =	simm.s32 @!p5 $0x9C3;
	p5 =	sne.s32 s13, $0x4  }
.Ltmp1:
0x30: {  	p2 =	por p4, p3;
	p4 =	sle.u32 @!p0 s6, $0x3;
	(pc) =	sbr.rel @!p5 .LBB2_4-.Ltmp1, $4  }
0x31: {  	s21 =	simm.s32 @!p4 $0x0  }
0x32: {  	s22 =	simm.s32 $0x4;
	p1 =	por p4, p0;
	s21 =	simm.s32 @p4 $0x1  }
0x33: {  	s25 =	simm.s32 @!p2 $0x2;
	[smem:$0x7FD] =	sst s21;
	s21 =	sadd.s32 $0x40, s14  }
0x34: {  	p4 =	por @!p0 $0x0, $0x0;
	s23 =	sadd.s32 @!p1 $0xFFFFFFE0, s21;
	_ =	swait.ge @!p2 [sflag:s25], $0x2000  }
.LBB2_5:
0x35: {  	[sflag:s25] =	ssyncset.done @!p2 $0x0;
	s26 =	sshll.u32 @!p6 s24, $0x4;
	s28 =	simm.s32 @!p6 $0x0  }
0x36: {  	s24 =	sshll.u32 @!p6 s24, $0xA;
	[sflag:s25] =	ssyncadd.s32 @!p2 $0xFFFFE000;
	s25 =	sadd.s32 @!p6 s5, s26  }
0x37: {  	[tilespmem:s28], [sflag:$0x1] =	stream.linear.gather @!p6 [hbm4b:s25+s28], $0x80, $0x38;
	[tilespmem:$0xDD40] =	vst v63  }
0x38: {  	s24 =	sadd.s32 @!p6 s4, s24;
	s26 =	simm.s32 @!p3 $0x1;
	s25 =	simm.s32 @!p6 $0x100  }
0x39: {  	[tilespmem:s25], [sflag:$0x1] =	stream.linear.gather @!p6 [hbm4b:s24+s28], $0x2000, $0x38;
	[tilespmem:$0xDD40] =	vst v63  }
0x3a: {  	_ =	swait.ge @!p3 [sflag:s26], $0x80  }
0x3b: {  	[sflag:s26] =	ssyncset.done @!p3 $0x0;
	s30 =	sld [smem:$0x7FD]  }
0x3c: {  	s29 =	simm.s32 @!p3 $0x80;
	p2 =	por p4, p0;
	[sflag:s26] =	ssyncadd.s32 @!p3 $0xFFFFFF80  }
0x3d: {  	s25 =	smov.u32 s22;
	s22 =	sadd.s32 $0x2, s22;
	_ =	swait.ge @!p3 [sflag:s26], $0x2000  }
0x3e: {  	p6 =	slt.s32 @!p1 s23, $0x9C3;
	p4 =	seq.s32 s30, $0x1;
	[sflag:s26] =	ssyncset.done @!p3 $0x0  }
0x3f: {  	s24 =	simm.s32 @!p3 $0x2100;
	p4 =	por @!p0 !p6, p4;
	[sflag:s26] =	ssyncadd.s32 @!p3 $0xFFFFE000  }
0x40: {  	[spmem:s1] =	stream.indirect.scatter.add.f32 @!p3 [tilespmem:s24], [sflag:$0x2], $0x40, s29, s29, $0xb8;
	[tilespmem:$0xDD40] =	vst v63  }
0x41: {  	s28 =	simm.s32 @!p2 $0x2;
	p4 =	por !p4, p0;
	p3 =	sne.s32 s13, s22  }
0x42: {  	s29 =	simm.s32 @!p1 $0x80;
	s23 =	simm.s32 @!p4 $0x9C3;
	_ =	swait.ge @!p2 [sflag:s28], $0x2000  }
0x43: {  	s24 =	simm.s32 @!p3 $0x0;
	s30 =	sshll.u32 @!p1 s23, $0x4;
	s23 =	sshll.u32 @!p1 s23, $0xA  }
0x44: {  	s24 =	simm.s32 @p3 $0x1;
	[sflag:s28] =	ssyncset.done @!p2 $0x0;
	s26 =	sadd.s32 @!p1 s5, s30  }
0x45: {  	s23 =	sadd.s32 @!p1 s4, s23;
	[sflag:s28] =	ssyncadd.s32 @!p2 $0xFFFFE000;
	s28 =	simm.s32 @!p1 $0x0  }
0x46: {  	[tilespmem:s29], [sflag:$0x1] =	stream.linear.gather @!p1 [hbm4b:s26+s28], $0x80, $0x38;
	[tilespmem:$0xDD40] =	vst v63  }
0x47: {  	[smem:$0x7FB] =	sst s24;
	s26 =	simm.s32 @!p1 $0x2100;
	s29 =	simm.s32 @!p0 $0x1  }
0x48: {  	[tilespmem:s26], [sflag:$0x1] =	stream.linear.gather @!p1 [hbm4b:s23+s28], $0x2000, $0x38;
	[tilespmem:$0xDD40] =	vst v63  }
0x49: {  	_ =	swait.ge @!p0 [sflag:s29], $0x80  }
0x4a: {  	[sflag:s29] =	ssyncset.done @!p0 $0x0  }
0x4b: {  	[sflag:s29] =	ssyncadd.s32 @!p0 $0xFFFFFF80  }
0x4c: {  	s23 =	simm.s32 @!p0 $0x100;
	_ =	swait.ge @!p0 [sflag:s29], $0x2000  }
0x4d: {  	s28 =	simm.s32 @!p0 $0x80;
	[sflag:s29] =	ssyncset.done @!p0 $0x0;
	s31 =	rddreg [dreg:$0x4]  }
0x4e: {  	[sflag:s29] =	ssyncadd.s32 @!p0 $0xFFFFE000;
	s29 =	simm.s32 @!p0 $0x0;
	p3 =	sge.u32 s20, s31  }
0x4f: {  	[spmem:s1] =	stream.indirect.scatter.add.f32 @!p0 [tilespmem:s23], [sflag:$0x2], $0x40, s29, s28, $0xb8;
	[tilespmem:$0xDD40] =	vst v63  }
0x50: {  	p1 =	seq.s32 @!p3 s20, $0x0;
	s23 =	sadd.s32 @!p3 $0x2, s20;
	s20 =	smov.u32 s25  }
0x51: {  	p0 =	sge.u32 s20, s6  }
0x52: {  	p2 =	por p1, p3;
	p1 =	seq.s32 @!p0 s20, $0x0  }
0x53: {  	p5 =	sge.u32 @!p3 s23, s6;
	s23 =	sadd.s32 @!p0 $0x1, s20;
	s26 =	simm.s32 @!p1 $0x0  }
0x54: {  	s26 =	simm.s32 @p1 $0x1;
	p1 =	sge.u32 @!p0 s23, s6  }
0x55: {  	s23 =	simm.s32 @!p1 $0x0  }
0x56: {  	[smem:$0x7FC] =	sst s26;
	s23 =	simm.s32 @p1 $0x1  }
0x57: {  	s25 =	simm.s32 @!p2 $0x2;
	[smem:$0x7FD] =	sst s23  }
0x58: {  	_ =	swait.ge @!p2 [sflag:s25], $0x2000  }
0x59: {  	s31 =	sld [smem:$0x7FB]  }
0x5a: {  	p6 =	por p5, p3  }
0x5b: {  	p4 =	slt.s32 @!p6 s21, $0x9C3  }
0x5c: {  	p4 =	por @!p3 !p4, p5;
	p5 =	seq.s32 s31, $0x1  }
.Ltmp2:
0x5d: {  	_ = 	snop;
	(pc) =	sbr.rel @p5 .LBB2_5-.Ltmp2, $4  }
0x5e: {  	s30 =	sld [smem:$0x7FC]  }
0x5f: {  	s24 =	smov.u32 s21  }
0x60: {  	s21 =	sadd.s32 $0x40, s21;
	p4 =	por !p4, p3;
	p1 =	por p1, p0  }
0x61: {  	s24 =	simm.s32 @!p4 $0x9C3;
	s23 =	sadd.s32 @!p1 $0xFFFFFFE0, s21;
	p4 =	seq.s32 s30, $0x1  }
0x62: {  	p5 =	por $0x1, $0x1  }
.LBB2_7:
0x63: {  	p2 =	por p2, !p5  }
0x64: {  	p4 =	por p6, !p5;
	[sflag:s25] =	ssyncset.done @!p2 $0x0  }
0x65: {  	s22 =	sshll.u32 @!p4 s24, $0x4;
	s24 =	sshll.u32 @!p4 s24, $0xA;
	[sflag:s25] =	ssyncadd.s32 @!p2 $0xFFFFE000  }
0x66: {  	p2 =	por p3, !p5;
	s25 =	simm.s32 @!p4 $0x0;
	s22 =	sadd.s32 @!p4 s5, s22  }
0x67: {  	[tilespmem:s25], [sflag:$0x1] =	stream.linear.gather @!p4 [hbm4b:s22+s25], $0x80, $0x38;
	[tilespmem:$0xDD40] =	vst v63  }
0x68: {  	s22 =	sadd.s32 @!p4 s4, s24;
	s24 =	simm.s32 @!p4 $0x100;
	s26 =	simm.s32 @!p2 $0x1  }
0x69: {  	[tilespmem:s24], [sflag:$0x1] =	stream.linear.gather @!p4 [hbm4b:s22+s25], $0x2000, $0x38;
	[tilespmem:$0xDD40] =	vst v63  }
0x6a: {  	_ =	swait.ge @!p2 [sflag:s26], $0x80  }
0x6b: {  	s29 =	sld [smem:$0x7FD]  }
0x6c: {  	s30 =	sld [smem:$0x7FC]  }
0x6d: {  	p3 =	slt.s32 @!p1 s23, $0x9C3;
	[sflag:s26] =	ssyncset.done @!p2 $0x0  }
0x6e: {  	s22 =	simm.s32 @!p2 $0x2100;
	s25 =	simm.s32 @!p2 $0x80;
	[sflag:s26] =	ssyncadd.s32 @!p2 $0xFFFFFF80  }
0x6f: {  	_ =	swait.ge @!p2 [sflag:s26], $0x2000;
	p4 =	seq.s32 s29, $0x1;
	p6 =	seq.s32 s30, $0x1  }
0x70: {  	[sflag:s26] =	ssyncset.done @!p2 $0x0;
	p3 =	por @!p0 !p3, p4;
	p4 =	por p6, p0  }
0x71: {  	[sflag:s26] =	ssyncadd.s32 @!p2 $0xFFFFE000;
	s24 =	simm.s32 @!p4 $0x2;
	p3 =	por !p3, p0  }
0x72: {  	[spmem:s1] =	stream.indirect.scatter.add.f32 @!p2 [tilespmem:s22], [sflag:$0x2], $0x40, s25, s25, $0xb8;
	[tilespmem:$0xDD40] =	vst v63  }
0x73: {  	s25 =	simm.s32 @!p1 $0x80;
	s23 =	simm.s32 @!p3 $0x9C3;
	_ =	swait.ge @!p4 [sflag:s24], $0x2000  }
0x74: {  	s22 =	sshll.u32 @!p1 s23, $0x4;
	s23 =	sshll.u32 @!p1 s23, $0xA;
	[sflag:s24] =	ssyncset.done @!p4 $0x0  }
0x75: {  	s22 =	sadd.s32 @!p1 s5, s22;
	[sflag:s24] =	ssyncadd.s32 @!p4 $0xFFFFE000;
	s24 =	simm.s32 @!p1 $0x0  }
0x76: {  	[tilespmem:s25], [sflag:$0x1] =	stream.linear.gather @!p1 [hbm4b:s22+s24], $0x80, $0x38;
	[tilespmem:$0xDD40] =	vst v63  }
0x77: {  	s22 =	sadd.s32 @!p1 s4, s23;
	s23 =	simm.s32 @!p1 $0x2100;
	s25 =	simm.s32 @!p0 $0x1  }
0x78: {  	[tilespmem:s23], [sflag:$0x1] =	stream.linear.gather @!p1 [hbm4b:s22+s24], $0x2000, $0x38;
	[tilespmem:$0xDD40] =	vst v63  }
0x79: {  	_ =	swait.ge @!p0 [sflag:s25], $0x80  }
0x7a: {  	[sflag:s25] =	ssyncset.done @!p0 $0x0  }
0x7b: {  	[sflag:s25] =	ssyncadd.s32 @!p0 $0xFFFFFF80  }
0x7c: {  	_ =	swait.ge @!p0 [sflag:s25], $0x2000  }
0x7d: {  	s22 =	simm.s32 @!p0 $0x100;
	s24 =	simm.s32 @!p0 $0x80;
	[sflag:s25] =	ssyncset.done @!p0 $0x0  }
0x7e: {  	s31 =	rddreg [dreg:$0x4];
	[sflag:s25] =	ssyncadd.s32 @!p0 $0xFFFFE000;
	s25 =	simm.s32 @!p0 $0x0  }
0x7f: {  	[spmem:s1] =	stream.indirect.scatter.add.f32 @!p0 [tilespmem:s22], [sflag:$0x2], $0x40, s25, s24, $0xb8;
	[tilespmem:$0xDD40] =	vst v63  }
0x80: {  	p0 =	sge.u32 s20, s31  }
0x81: {  	s22 =	sadd.s32 @!p0 $0x2, s20  }
0x82: {  	p2 =	sge.u32 @!p0 s22, s6  }
0x83: {  	p3 =	seq.s32 @!p0 s20, $0x0;
	p1 =	por p2, p0  }
0x84: {  	p3 =	por p3, p0;
	p4 =	slt.s32 @!p1 s21, $0x9C3  }
0x85: {  	s20 =	simm.s32 @!p3 $0x2;
	p2 =	por @!p0 !p4, p2  }
0x86: {  	_ =	swait.ge @!p3 [sflag:s20], $0x2000;
	p2 =	por !p2, p0  }
0x87: {  	[sflag:s20] =	ssyncset.done @!p3 $0x0;
	s21 =	simm.s32 @!p2 $0x9C3  }
0x88: {  	[sflag:s20] =	ssyncadd.s32 @!p3 $0xFFFFE000;
	s20 =	sshll.u32 @!p1 s21, $0x4  }
0x89: {  	s22 =	simm.s32 @!p1 $0x0;
	s21 =	sshll.u32 @!p1 s21, $0xA;
	s20 =	sadd.s32 @!p1 s5, s20  }
0x8a: {  	[tilespmem:s22], [sflag:$0x1] =	stream.linear.gather @!p1 [hbm4b:s20+s22], $0x80, $0x38;
	[tilespmem:$0xDD40] =	vst v63  }
0x8b: {  	s20 =	sadd.s32 @!p1 s4, s21;
	s21 =	simm.s32 @!p1 $0x100  }
0x8c: {  	[tilespmem:s21], [sflag:$0x1] =	stream.linear.gather @!p1 [hbm4b:s20+s22], $0x2000, $0x38;
	[tilespmem:$0xDD40] =	vst v63  }
0x8d: {  	s20 =	simm.s32 @!p0 $0x1  }
0x8e: {  	_ =	swait.ge @!p0 [sflag:s20], $0x80  }
0x8f: {  	[sflag:s20] =	ssyncset.done @!p0 $0x0  }
0x90: {  	[sflag:s20] =	ssyncadd.s32 @!p0 $0xFFFFFF80  }
0x91: {  	_ =	swait.ge @!p0 [sflag:s20], $0x2000  }
0x92: {  	[sflag:s20] =	ssyncset.done @!p0 $0x0  }
0x93: {  	s21 =	simm.s32 @!p0 $0x2100;
	s22 =	simm.s32 @!p0 $0x80;
	[sflag:s20] =	ssyncadd.s32 @!p0 $0xFFFFE000  }
0x94: {  	[spmem:s1] =	stream.indirect.scatter.add.f32 @!p0 [tilespmem:s21], [sflag:$0x2], $0x40, s22, s22, $0xb8;
	[tilespmem:$0xDD40] =	vst v63  }
0x95: {  	_ =	swait.ge [sflag:s18], $0x2000  }
0x96: {  	[sflag:s18] =	ssyncset.done $0x0  }
0x97: {  	[sflag:s18] =	ssyncadd.s32 $0xFFFFE000  }
0x98: {  	_ =	swait.ge [sflag:s18], $0x2000  }
0x99: {  	[sflag:s18] =	ssyncset.done $0x0  }
0x9a: {  	s19 =	sadd.s32 $0x1, s19;
	[sflag:s18] =	ssyncadd.s32 $0xFFFFE000  }
0x9b: {  	p0 =	sne.s32 s19, s12;
	[bflag:$0x0] =	sbarrier.arrive $0xFFFF  }
0x9c: {  	[hbm:s11], [sflag:s8] =	dma.local [spmem:s15], $0x1388  }
.Ltmp3:
0x9d: {  	_ = 	snop;
	(pc) =	sbr.rel @p0 .LBB2_1-.Ltmp3, $4  }
.Ltmp4:
0x9e: {  	_ = 	snop;
	(pc) =	sbr.rel @!p0 .LBB2_8-.Ltmp4, $4  }
0x9f: {  	_ =	swait.ge [sflag:s16], $0x1388  }
0xa0: {  	[sflag:s16] =	ssyncset.done $0x0  }
0xa1: {  	[sflag:s16] =	ssyncadd.s32 $0xFFFFEC78  }
0xa2: {  	_ = 	snop  }
.LBB2_2:
0xa3: {  	p2 =	por @!p0 $0x1, $0x1  }
.Ltmp5:
0xa4: {  	s20 =	simm.s32 @!p2 $0x0;
	(pc) =	sbr.rel .LBB2_7-.Ltmp5, $4  }
0xa5: {  	s20 =	simm.s32 @p2 $0x1  }
0xa6: {  	[smem:$0x7FC] =	sst s20;
	s20 =	simm.s32 @!p3 $0x0  }
0xa7: {  	s20 =	simm.s32 @p3 $0x1  }
0xa8: {  	s21 =	smov.u32 s14;
	[smem:$0x7FD] =	sst s20;
	s20 =	simm.s32 $0x0  }
.LBB2_4:
.Ltmp6:
0xa9: {  	(pc) =	sbr.rel .LBB2_7-.Ltmp6, $4  }
0xaa: {  	p4 =	por @!p0 $0x0, $0x0  }
0xab: {  	s22 =	simm.s32 @!p4 $0x0  }
0xac: {  	s22 =	simm.s32 @p4 $0x1  }
0xad: {  	p5 =	por $0x1, $0x1;
	[smem:$0x7FC] =	sst s22  }
.LBB2_8:
0xae: {  	_ =	sfence.sel $0x180000  }
0xaf: {  	[bflag:$0x0] =	sbarrier.arrive $0xFFFF  }
0xb0: {  	p0 =	sne.s32 s2, $0x0;
	_ =	strace $0x9000004A  }
0xb1: {  	s0 =	sadd.s32 @!p0 $0x100000, s0;
	[bflag:$0x2] =	sbarrier.arrive $0xFFFF  }
0xb2: {  	[sflag:s0] =	ssyncadd.tile.s32 @!p0 $0x1;
	_ =	shalt  }
.Lfunc_end2:
_tile_overlayer_lowered:
.L_overlay_start_2:
0xb3: {  	(tag) =	ssettag $0x2  }
0xb4: {  	s0 =	rddreg [dreg:$0x0];
	s2 =	stileid.u32  }
0xb5: {  	s1 =	rddreg [dreg:$0x1];
	p0 =	sne.s32 s2, $0x0  }
0xb6: {  	s3 =	rddreg [dreg:$0x2];
	[bflag:$0x3] =	sbarrier.arrive $0xFFFF;
	s2 =	simm.s32 @!p0 $0x1C03  }
0xb7: {  	[timem:s3], [sflag:s2] =	dma.local @!p0 [hbm:s0], s1  }
0xb8: {  	s0 =	simm.s32 @!p0 $0x3  }
0xb9: {  	_ =	swait.ge @!p0 [sflag:s0], s1  }
0xba: {  	s1 =	ssub.s32 @!p0 $0x0, s1;
	[sflag:s0] =	ssyncset.done @!p0 $0x0  }
0xbb: {  	[sflag:s0] =	ssyncadd.s32 @!p0 s1  }
0xbc: {  	[bflag:$0x3] =	sbarrier.arrive $0xFFFF  }
0xbd: {  	_ =	shalt  }

// kernel: kernel.7.cloned.1.call-start
scs
__scs_entry_jumppad:
0x0: {  	(pc) =	sbr.rel $0x88, $3  }
0x1: {  	(tag) =	ssettag $0x0;
	lr =	simm.s32 $0x1  }
0x2: {  	[smem:$0x3F96] =	sst lr;
	_ =	strace $0xD0000000  }
0x3: {  	_ = 	snop  }
0x4: {  	_ = 	snop  }
0x5: {  	_ = 	snop  }
0x6: {  	_ = 	snop  }
0x7: {  	_ = 	snop  }
__scs_overlays_trampoline_lowered:
0x8: {  	[smem:$0x3FA5] =	sst s0  }
0x9: {  	[smem:$0x3FA6] =	sst s1  }
0xa: {  	[smem:$0x3FA7] =	sst s2  }
0xb: {  	[smem:$0x3FA8] =	sst s3  }
0xc: {  	[smem:$0x3FA9] =	sst s4  }
0xd: {  	[smem:$0x3FAA] =	sst s5  }
0xe: {  	[smem:$0x3FAB] =	sst s6  }
0xf: {  	[smem:$0x3FAC] =	sst s7  }
0x10: {  	[smem:$0x3FAD] =	sst s8  }
0x11: {  	[smem:$0x3FAE] =	sst s9;
	s0 =	simm.s32 @!p0 $0x0  }
0x12: {  	s1 =	sld [smem:$0x3F94];
	s0 =	simm.s32 @p0 $0x1  }
0x13: {  	[smem:$0x3FAF] =	sst s0;
	s0 =	simm.s32 @!p1 $0x0  }
0x14: {  	s2 =	sld [smem:$0x3F93];
	s0 =	simm.s32 @p1 $0x1  }
0x15: {  	[smem:$0x3FB0] =	sst s0;
	s0 =	simm.s32 @!p2 $0x0  }
0x16: {  	s3 =	sld [smem:$0x3FDB];
	s0 =	simm.s32 @p2 $0x1  }
0x17: {  	s4 =	simm.s32 $0x1BF5;
	[smem:$0x3FB2] =	sst s0  }
0x18: {  	s0 =	sld [smem:$0x3F95];
	_ =	swait.ge [sflag:s4], $0x0  }
0x19: {  	s7 =	sld [smem:$0x3F96]  }
0x1a: {  	s8 =	sadd.s32 $0xFFFFE003, lr  }
0x1b: {  	s9 =	sadd.s32 $0xFFFFFEF7, lr;
	s5 =	simm.s32 $0xFFFFFFFF;
	p2 =	slt.u32 s8, $0xFFFFF086  }
0x1c: {  	p1 =	slt.u32 s9, $0xF7A;
	s5 =	simm.s32 @!p2 $0x0  }
0x1d: {  	s5 =	simm.s32 @p1 $0x1;
	p0 =	seq.s32 s7, s2  }
0x1e: {  	s7 =	smul.u32 @!p0 $0xF7A, s2;
	p2 =	seq.s32 @!p0 s5, $0x0  }
0x1f: {  	s9 =	smul.u32 $0xF7A, s1;
	s8 =	simm.s32 @!p0 $0x1BF5;
	p2 =	por !p2, p0  }
0x20: {  	[sflag:s8] =	ssyncset.s32 @!p0 $0xFFFFF086;
	s6 =	sadd.s32 @!p0 s3, s7;
	s7 =	simm.s32 @!p0 $0x108  }
0x21: {  	s3 =	sadd.s32 s3, s9;
	s6 =	sadd.s32 @!p0 $0x88, s6;
	s7 =	simm.s32 @p2 $0x1082  }
0x22: {  	[simem:s7], [sflag:s8] =	dma.local @!p0 [hbm:s6], $0xF7A  }
0x23: {  	s9 =	sor.u32 $0xD0000000, s2;
	s6 =	simm.s32 $0x108;
	_ =	swait.ge @!p0 [sflag:s8], $0x0  }
0x24: {  	s3 =	sadd.s32 $0x88, s3;
	s6 =	simm.s32 @!p1 $0x1082;
	[sflag:s4] =	ssyncset.s32 $0xFFFFF086  }
0x25: {  	[simem:s6], [sflag:s4] =	dma.local [hbm:s3], $0xF7A  }
0x26: {  	[smem:$0x3F96] =	sst s1;
	(tag) =	ssettag s2;
	_ =	strace s9  }
0x27: {  	s1 =	sld [smem:$0x3FA6]  }
0x28: {  	s2 =	sld [smem:$0x3FA7]  }
0x29: {  	s4 =	sld [smem:$0x3FA9]  }
0x2a: {  	p0 =	seq.s32 s5, $0x0;
	s5 =	sld [smem:$0x3FAA]  }
0x2b: {  	s6 =	sld [smem:$0x3FAB]  }
0x2c: {  	s7 =	sld [smem:$0x3FAC]  }
0x2d: {  	s3 =	simm.s32 $0x108;
	s8 =	sld [smem:$0x3FAD]  }
0x2e: {  	s3 =	simm.s32 @!p0 $0x1082;
	s9 =	sld [smem:$0x3FAE]  }
0x2f: {  	lr =	sadd.s32 s0, s3;
	s0 =	sld [smem:$0x3FA5]  }
0x30: {  	s3 =	sld [smem:$0x3FA8]  }
0x31: {  	[smem:$0x3FB1] =	sst s10  }
0x32: {  	s10 =	sld [smem:$0x3FAF];
	_ =	sdelay $0x3  }
0x33: {  	p0 =	seq.s32 s10, $0x1;
	s10 =	sld [smem:$0x3FB1];
	_ =	sdelay $0x3  }
0x34: {  	[smem:$0x3FB1] =	sst s10  }
0x35: {  	s10 =	sld [smem:$0x3FB0];
	_ =	sdelay $0x3  }
0x36: {  	p1 =	seq.s32 s10, $0x1;
	s10 =	sld [smem:$0x3FB1];
	_ =	sdelay $0x3  }
0x37: {  	[smem:$0x3FB1] =	sst s10  }
0x38: {  	s10 =	sld [smem:$0x3FB2]  }
0x39: {  	_ = 	snop;
	(pc) =	sbr.ind lr, $3  }
0x3a: {  	_ = 	snop  }
0x3b: {  	_ = 	snop  }
0x3c: {  	p2 =	seq.s32 s10, $0x1;
	s10 =	sld [smem:$0x3FB1]  }
0x3d: {  	_ =	shalt  }
0x3e: {  	_ =	shalt  }
0x3f: {  	_ =	shalt  }
0x40: {  	_ =	shalt  }
0x41: {  	_ =	shalt  }
0x42: {  	_ =	shalt  }
0x43: {  	_ =	shalt  }
0x44: {  	_ =	shalt  }
0x45: {  	_ =	shalt  }
0x46: {  	_ =	shalt  }
0x47: {  	_ =	shalt  }
0x48: {  	_ =	shalt  }
0x49: {  	_ =	shalt  }
0x4a: {  	_ =	shalt  }
0x4b: {  	_ =	shalt  }
0x4c: {  	_ =	shalt  }
0x4d: {  	_ =	shalt  }
0x4e: {  	_ =	shalt  }
0x4f: {  	_ =	shalt  }
0x50: {  	_ =	shalt  }
0x51: {  	_ =	shalt  }
0x52: {  	_ =	shalt  }
0x53: {  	_ =	shalt  }
0x54: {  	_ =	shalt  }
0x55: {  	_ =	shalt  }
0x56: {  	_ =	shalt  }
0x57: {  	_ =	shalt  }
0x58: {  	_ =	shalt  }
0x59: {  	_ =	shalt  }
0x5a: {  	_ =	shalt  }
0x5b: {  	_ =	shalt  }
0x5c: {  	_ =	shalt  }
0x5d: {  	_ =	shalt  }
0x5e: {  	_ =	shalt  }
0x5f: {  	_ =	shalt  }
0x60: {  	_ =	shalt  }
0x61: {  	_ =	shalt  }
0x62: {  	_ =	shalt  }
0x63: {  	_ =	shalt  }
0x64: {  	_ =	shalt  }
0x65: {  	_ =	shalt  }
0x66: {  	_ =	shalt  }
0x67: {  	_ =	shalt  }
0x68: {  	_ =	shalt  }
0x69: {  	_ =	shalt  }
0x6a: {  	_ =	shalt  }
0x6b: {  	_ =	shalt  }
0x6c: {  	_ =	shalt  }
0x6d: {  	_ =	shalt  }
0x6e: {  	_ =	shalt  }
0x6f: {  	_ =	shalt  }
0x70: {  	_ =	shalt  }
0x71: {  	_ =	shalt  }
0x72: {  	_ =	shalt  }
0x73: {  	_ =	shalt  }
0x74: {  	_ =	shalt  }
0x75: {  	_ =	shalt  }
0x76: {  	_ =	shalt  }
0x77: {  	_ =	shalt  }
0x78: {  	_ =	shalt  }
0x79: {  	_ =	shalt  }
0x7a: {  	_ =	shalt  }
0x7b: {  	_ =	shalt  }
0x7c: {  	_ =	shalt  }
0x7d: {  	_ =	shalt  }
0x7e: {  	_ =	shalt  }
0x7f: {  	_ =	shalt  }
0x80: {  	_ =	shalt  }
0x81: {  	_ =	shalt  }
0x82: {  	_ =	shalt  }
0x83: {  	_ =	shalt  }
0x84: {  	_ =	shalt  }
0x85: {  	_ =	shalt  }
0x86: {  	_ =	shalt  }
0x87: {  	_ =	shalt  }
.Lfunc_end0:
.L_simem_size_0:
called_computation_lowered:
.L_overlay_start_0:
0x88: {  	s2 =	sld [smem:$0x3FD9]  }
0x89: {  	s3 =	sld [smem:$0x3FFE];
	_ =	sdelay $0x1  }
0x8a: {  	s1 =	srdreg.scid  }
0x8b: {  	s0 =	sand.u32 $0x1, s1  }
0x8c: {  	s14 =	sshll.u32 s0, $0xA;
	s2 =	sadd.s32 s3, s2  }
0x8d: {  	s2 =	sadd.s32 s2, s14  }
0x8e: {  	[smem:$0x3FBD] =	sst s2  }
0x8f: {  	_ = 	snop  }
0x90: {  	s2 =	sld [smem:$0x3FD0];
	_ =	sdelay $0x2  }
0x91: {  	s15 =	simm.s32 $0xA;
	s4 =	simm.s32 $0x10  }
0x92: {  	[smem:s4], [sflag:s15] =	dma.local [hbm:s2], $0x1  }
0x93: {  	_ =	swait.eq [sflag:s15], $0x1  }
0x94: {  	[sflag:s15] =	ssyncset.done $0x0  }
0x95: {  	s16 =	sld [smem:$0x10];
	[sflag:s15] =	ssyncadd.s32 $0xFFFFFFFF  }
0x96: {  	s17 =	sld [smem:$0x11];
	(tm) =	ssettm $0x1  }
0x97: {  	s18 =	sld [smem:$0x3FFB];
	_ =	sdelay $0x3  }
0x98: {  	_ =	strace s18  }
0x99: {  	s4 =	sld [smem:$0x3FFC];
	_ =	sdelay $0x3  }
0x9a: {  	_ =	strace s4  }
0x9b: {  	s4 =	sld [smem:$0x3FFD];
	_ =	sdelay $0x3  }
0x9c: {  	_ =	strace s4  }
0x9d: {  	_ =	strace $0x8FFFFFFF  }
0x9e: {  	s19 =	sld [smem:$0x3FDB];
	_ =	sdelay $0x1  }
0x9f: {  	s5 =	simm.s32 $_scs_section_size  }
0xa0: {  	s6 =	simm.s32 $_size__tile_overlayer_lowered;
	s7 =	simm.s32 $_tile_overlayer_lowered  }
0xa1: {  	s22 =	simm.s32 $0x1BFF;
	s21 =	sshll.u32 s7, $0x1;
	s4 =	sadd.s32 s5, s19  }
0xa2: {  	s8 =	simm.s32 $0x0;
	s20 =	sshll.u32 s6, $0x1;
	s6 =	sadd.s32 s21, s4  }
0xa3: {  	[timem:s8], [sflag:s22] =	dma.local [hbm:s6], s20  }
0xa4: {  	_ =	swait.ge [sflag:s22], s20  }
0xa5: {  	s5 =	ssub.s32 $0x0, s20;
	[sflag:s22] =	ssyncset.done $0x0  }
0xa6: {  	[sflag:s22] =	ssyncadd.s32 s5;
	_ =	sdelay $0x1  }
0xa7: {  	s23 =	simm.s32 $0x1B8B  }
0xa8: {  	_ =	swait.ge [sflag:s23], $0x1  }
0xa9: {  	[sflag:s23] =	ssyncset.done $0x0  }
0xaa: {  	s25 =	simm.s32 $0x1B8E;
	s24 =	sld [smem:$0x3FFE];
	[sflag:s23] =	ssyncadd.s32 $0xFFFFFFFF  }
0xab: {  	s26 =	simm.s32 $execute0_lowered;
	[smem:$0x3FD2] =	sst s25  }
0xac: {  	s6 =	sshll.u32 s26, $0x1;
	_ =	strace $0x80000046;
	[dreg:$0x1] =	wrdreg $0xFFFFFFFF  }
0xad: {  	s28 =	simm.s32 $_size_execute0_lowered;
	s4 =	sadd.s32 s4, s6;
	[dreg:$0x0] =	wrdreg $0x0  }
0xae: {  	s6 =	sshll.u32 s28, $0x1;
	[dreg:$0x2] =	wrdreg s4  }
0xaf: {  	[dreg:$0x3] =	wrdreg s6  }
0xb0: {  	[dreg:$0x4] =	wrdreg $0xC0  }
0xb1: {  	_ =	task [dreg:s8], $0x5FFFF  }
0xb2: {  	[dreg:$0x1] =	wrdreg $0xFFFFFFFF  }
0xb3: {  	[dreg:$0x0] =	wrdreg $0x60  }
0xb4: {  	[dreg:$0x2] =	wrdreg s16  }
0xb5: {  	[dreg:$0x3] =	wrdreg s24  }
0xb6: {  	[dreg:$0x4] =	wrdreg s17  }
0xb7: {  	[dreg:$0x5] =	wrdreg $0x9  }
0xb8: {  	_ =	task.clear_ibuf [dreg:s8], $0x6FFFF;
	_ =	strace $0x90000046  }
0xb9: {  	s29 =	simm.s32 $0x9;
	_ =	strace $0x80000048  }
0xba: {  	_ =	swait.ge [sflag:s29], $0x1  }
0xbb: {  	[sflag:s29] =	ssyncadd.s32 $0xFFFFFFFF  }
0xbc: {  	_ =	strace $0x90000048  }
0xbd: {  	_ =	sfence  }
0xbe: {  	s30 =	sld [smem:$0x0];
	_ =	sdelay $0x2  }
0xbf: {  	s31 =	sshll.u32 s1, $0xD;
	s1 =	sshrl.u32 s1, $0x2  }
0xc0: {  	s3 =	sand.u32 $0x4000, s31;
	s1 =	sadd.s32 s1, s30  }
0xc1: {  	s0 =	sor.u32 s3, s0;
	s1 =	sshll.u32 s1, $0x11  }
0xc2: {  	s0 =	sor.u32 s1, s0  }
0xc3: {  	s0 =	sadd.s32 $0x8F2B, s0  }
0xc4: {  	[sflag:s0] =	ssyncadd.remote.s32 $0x1  }
0xc5: {  	_ =	sfence.sel $0xFFFF  }
0xc6: {  	[dreg:$0x0] =	wrdreg $0xFFFFFFFF;
	(pc) =	sbr.abs _section_cstart, $3  }
0xc7: {  	[dreg:$0x1] =	wrdreg $0xFFFFFFFF  }
0xc8: {  	_ =	task.clear_ibuf [dreg:s8], $0x2FFFF;
	_ =	strace $0x9FFFFFFF  }
0xc9: {  	(tm) =	ssettm $0x7FFFFFFF  }
tec
execute0_lowered:
.L_overlay_start_1:
0x0: {  	(tag) =	ssettag $0x1  }
0x1: {  	s1 =	rddreg [dreg:$0x0]  }
0x2: {  	s0 =	rddreg [dreg:$0x1];
	s4 =	simm.s32 $0x0;
	s2 =	srdreg.scid  }
0x3: {  	s3 =	stileid.u32;
	s28 =	simm.s32 $0x100;
	s29 =	simm.s32 $0x1  }
0x4: {  	s30 =	simm.s32 $0x80;
	s31 =	simm.s32 $0x200;
	[smem:$0x7FF] =	sst s4  }
0x5: {  	s2 =	sand.u32 $0x1, s2;
	s3 =	sshll.u32 s3, $0x1;
	s5 =	sadd.s32 $0x2400, s0  }
0x6: {  	s6 =	sadd.s32 $0x2A000, s0;
	s18 =	sadd.s32 $0x29A00, s0;
	s8 =	sadd.s32 $0x1FC00, s0  }
0x7: {  	s9 =	sadd.s32 $0x15E00, s0;
	s10 =	sadd.s32 $0x34400, s0;
	s12 =	sadd.s32 $0x2A5400, s0  }
0x8: {  	s14 =	sadd.s32 $0x2A600, s0;
	_ =	strace $0x80000047;
	[dreg:$0x4] =	wrdreg s6  }
0x9: {  	s3 =	sor.u32 s2, s3;
	[dreg:$0x5] =	wrdreg s18;
	s2 =	ssub.s32 $0x2, s2  }
0xa: {  	s18 =	simm.s32 $0x0;
	s19 =	ssub.s32 $0x9E3, s3;
	s20 =	sshrl.u32 s2, $0x1  }
0xb: {  	s22 =	sshll.u32 s3, $0x4;
	s26 =	sor.u32 $0xFFFFFFE0, s3;
	s11 =	sshrl.u32 s19, $0x5  }
0xc: {  	s0 =	ssub.s32 s2, s20;
	s7 =	sadd.s32 s8, s22;
	[dreg:$0xc] =	wrdreg s26  }
0xd: {  	s2 =	sadd.s32 s9, s22;
	s26 =	simm.s32 $0xD120;
	[dreg:$0x6] =	wrdreg s7  }
0xe: {  	s13 =	sadd.s32 $0xFFFFFFFF, s11;
	[dreg:$0x7] =	wrdreg s2;
	s0 =	smax.u32 s0, $0x1  }
0xf: {  	s25 =	sadd.s32 $0x1, s11;
	s21 =	sshll.u32 s13, $0x5;
	s7 =	sand.u32 $0x1, s13  }
0x10: {  	[dreg:$0xb] =	wrdreg s0;
	s22 =	sand.u32 $0x5E, s25;
	s25 =	simm.s32 $0xAA10  }
0x11: {  	s0 =	simm.s32 $0x4200;
	s6 =	sor.u32 s3, s21;
	p0 =	seq.s32 s7, $0x1  }
0x12: {  	v0 =	vlaneseq.u32;
	s3 =	simm.s32 $0x2200;
	s6 =	smin.u32 s6, $0x9C3;
	p1 =	seq.s32 @!p0 s7, $0x0  }
.Ltmp0:
0x13: {  	v0 =	vmul.u32 $0x2, v0;
	s7 =	simm.s32 $0x2;
	s23 =	sshll.u32 s6, $0xA;
	(pc) =	sbr.rel .LBB2_1-.Ltmp0, $4  }
0x14: {  	s24 =	sshll.u32 s6, $0x4;
	p1 =	por p0, !p1;
	s15 =	sadd.s32 s10, s23  }
0x15: {  	v1 =	vor.u32 $0x1, v0;
	s6 =	simm.s32 $0x6200;
	s2 =	sadd.s32 s12, s23;
	[dreg:$0x8] =	wrdreg s15  }
0x16: {  	v2 =	vor.u32 $0x20, v0;
	v3 =	vor.u32 $0x21, v0;
	v4 =	vor.u32 $0x40, v0;
	s23 =	simm.s32 $0x8300;
	[dreg:$0x9] =	wrdreg s2;
	s2 =	sadd.s32 s14, s24  }
0x17: {  	v5 =	vor.u32 $0x41, v0;
	v6 =	vor.u32 $0x60, v0;
	v7 =	vor.u32 $0x61, v0;
	s15 =	simm.s32 $0x8200;
	[dreg:$0xa] =	wrdreg s2;
	s2 =	simm.s32 $0x180  }
.LBB2_7:
0x18: {  	s16 =	simm.s32 @!p0 $0x2  }
0x19: {  	_ =	swait.ge @!p0 [sflag:s16], $0x2000  }
0x1a: {  	[sflag:s16] =	ssyncset.done @!p0 $0x0  }
0x1b: {  	[sflag:s16] =	ssyncadd.s32 @!p0 $0xFFFFE000  }
0x1c: {  	_ =	swait.ge @!p0 [sflag:s16], $0x2000  }
0x1d: {  	s17 =	simm.s32 @!p0 $0x200;
	[sflag:s16] =	ssyncset.done @!p0 $0x0  }
0x1e: {  	s18 =	rddreg [dreg:$0x8];
	[sflag:s16] =	ssyncadd.s32 @!p0 $0xFFFFE000;
	s16 =	simm.s32 @!p0 $0x0  }
0x1f: {  	[hbm4b:s18+s16] =	stream.linear.scatter @!p0 [tilespmem:s17], [sflag:$0x3], $0x2000, $0x38;
	[tilespmem:$0xF830] =	vst v63  }
0x20: {  	s17 =	simm.s32 @!p0 $0x4200;
	s18 =	rddreg [dreg:$0x9]  }
0x21: {  	[hbm4b:s18+s16] =	stream.linear.scatter @!p0 [tilespmem:s17], [sflag:$0x3], $0x2000, $0x38;
	[tilespmem:$0xF830] =	vst v63  }
0x22: {  	s17 =	simm.s32 @!p0 $0x8200;
	s18 =	rddreg [dreg:$0xa]  }
0x23: {  	[hbm4b:s18+s16] =	stream.linear.scatter @!p0 [tilespmem:s17], [sflag:$0x3], $0x80, $0x38;
	[tilespmem:$0xF830] =	vst v63  }
0x24: {  	s16 =	simm.s32 @!p0 $0x3  }
0x25: {  	_ =	swait.ge @!p0 [sflag:s16], $0x2000  }
0x26: {  	[sflag:s16] =	ssyncset.done @!p0 $0x0  }
0x27: {  	[sflag:s16] =	ssyncadd.s32 @!p0 $0xFFFFE000  }
0x28: {  	_ =	swait.ge @!p0 [sflag:s16], $0x2000  }
0x29: {  	[sflag:s16] =	ssyncset.done @!p0 $0x0  }
0x2a: {  	[sflag:s16] =	ssyncadd.s32 @!p0 $0xFFFFE000  }
0x2b: {  	_ =	swait.ge @!p0 [sflag:s16], $0x80  }
0x2c: {  	[sflag:s16] =	ssyncset.done @!p0 $0x0  }
0x2d: {  	[sflag:s16] =	ssyncadd.s32 @!p0 $0xFFFFFF80  }
0x2e: {  	_ =	swait.ge @!p0 [sflag:s16], $0x2000  }
0x2f: {  	[sflag:s16] =	ssyncset.done @!p0 $0x0  }
0x30: {  	[sflag:s16] =	ssyncadd.s32 @!p0 $0xFFFFE000  }
0x31: {  	_ =	swait.ge @!p0 [sflag:s16], $0x2000  }
0x32: {  	[sflag:s16] =	ssyncset.done @!p0 $0x0  }
0x33: {  	[sflag:s16] =	ssyncadd.s32 @!p0 $0xFFFFE000  }
0x34: {  	_ =	swait.ge @!p0 [sflag:s16], $0x80  }
0x35: {  	[sflag:s16] =	ssyncset.done @!p0 $0x0  }
0x36: {  	[sflag:s16] =	ssyncadd.s32 @!p0 $0xFFFFFF80  }
0x37: {  	s21 =	rddreg [dreg:$0xd];
	_ =	swait.ge @p1 [sflag:s7], $0x2000  }
0x38: {  	[sflag:s7] =	ssyncset.done @p1 $0x0  }
0x39: {  	[sflag:s7] =	ssyncadd.s32 @p1 $0xFFFFE000  }
0x3a: {  	_ =	swait.ge @p1 [sflag:s7], $0x2000  }
0x3b: {  	[sflag:s7] =	ssyncset.done @p1 $0x0  }
0x3c: {  	s16 =	rddreg @p1 [dreg:$0x8];
	[sflag:s7] =	ssyncadd.s32 @p1 $0xFFFFE000  }
0x3d: {  	[hbm4b:s16+s4] =	stream.linear.scatter @p1 [tilespmem:s3], [sflag:$0x3], $0x2000, $0x38;
	[tilespmem:$0xF830] =	vst v63  }
0x3e: {  	s16 =	rddreg @p1 [dreg:$0x9]  }
0x3f: {  	[hbm4b:s16+s4] =	stream.linear.scatter @p1 [tilespmem:s6], [sflag:$0x3], $0x2000, $0x38;
	[tilespmem:$0xF830] =	vst v63  }
0x40: {  	s17 =	simm.s32 @p1 $0x8280;
	s16 =	rddreg @p1 [dreg:$0xa]  }
0x41: {  	[hbm4b:s16+s4] =	stream.linear.scatter @p1 [tilespmem:s17], [sflag:$0x3], $0x80, $0x38;
	[tilespmem:$0xF830] =	vst v63  }
0x42: {  	s16 =	simm.s32 @p1 $0x3  }
0x43: {  	_ =	swait.ge @p1 [sflag:s16], $0x2000  }
0x44: {  	[sflag:s16] =	ssyncset.done @p1 $0x0  }
0x45: {  	[sflag:s16] =	ssyncadd.s32 @p1 $0xFFFFE000  }
0x46: {  	_ =	swait.ge @p1 [sflag:s16], $0x2000  }
0x47: {  	[sflag:s16] =	ssyncset.done @p1 $0x0  }
0x48: {  	[sflag:s16] =	ssyncadd.s32 @p1 $0xFFFFE000  }
0x49: {  	_ =	swait.ge @p1 [sflag:s16], $0x80  }
0x4a: {  	[sflag:s16] =	ssyncset.done @p1 $0x0  }
0x4b: {  	[sflag:s16] =	ssyncadd.s32 @p1 $0xFFFFFF80  }
0x4c: {  	_ =	swait.ge @p1 [sflag:s16], $0x2000  }
0x4d: {  	[sflag:s16] =	ssyncset.done @p1 $0x0  }
0x4e: {  	[sflag:s16] =	ssyncadd.s32 @p1 $0xFFFFE000  }
0x4f: {  	_ =	swait.ge @p1 [sflag:s16], $0x2000  }
0x50: {  	[sflag:s16] =	ssyncset.done @p1 $0x0  }
0x51: {  	[sflag:s16] =	ssyncadd.s32 @p1 $0xFFFFE000  }
0x52: {  	_ =	swait.ge @p1 [sflag:s16], $0x80  }
0x53: {  	s18 =	sadd.s32 $0x1, s21;
	s24 =	rddreg [dreg:$0xb]  }
0x54: {  	p2 =	sne.s32 s18, s24  }
.Ltmp1:
0x55: {  	_ = 	snop;
	(pc) =	sbr.rel @!p2 .LBB2_8-.Ltmp1, $3  }
0x56: {  	_ =	sdelay $0x1  }
0x57: {  	[sflag:s16] =	ssyncset.done @p1 $0x0  }
0x58: {  	[sflag:s16] =	ssyncadd.s32 @p1 $0xFFFFFF80  }
.LBB2_1:
0x59: {  	[dreg:$0xd] =	wrdreg s18  }
0x5a: {  	s16 =	rddreg [dreg:$0x4];
	s17 =	simm.s32 $0x4  }
0x5b: {  	[tilespmem:s23], [sflag:$0x4] =	stream.linear.gather [hbm4b:s16+s4], $0x2710, $0x38;
	[tilespmem:$0xF830] =	vst v63  }
0x5c: {  	_ =	swait.ge [sflag:s17], $0x2710  }
0x5d: {  	[sflag:s17] =	ssyncset.done $0x0  }
0x5e: {  	s19 =	rddreg [dreg:$0x5];
	[sflag:s17] =	ssyncadd.s32 $0xFFFFD8F0  }
0x5f: {  	[tilespmem:s25], [sflag:$0x4] =	stream.linear.gather [hbm4b:s19+s4], $0x2710, $0x38;
	[tilespmem:$0xF830] =	vst v63  }
0x60: {  	_ =	swait.ge [sflag:s17], $0x2710  }
0x61: {  	[sflag:s17] =	ssyncset.done $0x0  }
0x62: {  	[sflag:s17] =	ssyncadd.s32 $0xFFFFD8F0  }
0x63: {  	s20 =	rddreg [dreg:$0x2]  }
0x64: {  	[tilespmem:s26], [sflag:$0x4] =	stream.linear.gather [hbm4b:s20+s4], $0x2710, $0x38;
	[tilespmem:$0xF830] =	vst v63  }
0x65: {  	_ =	swait.ge [sflag:s17], $0x2710  }
.Ltmp2:
0x66: {  	[sflag:s17] =	ssyncset.done $0x0;
	s21 =	rddreg [dreg:$0x6];
	(pc) =	sbr.rel .LBB2_2-.Ltmp2, $4  }
0x67: {  	s24 =	rddreg [dreg:$0x7];
	[sflag:s17] =	ssyncadd.s32 $0xFFFFD8F0  }
0x68: {  	[tilespmem:s4], [sflag:$0x1] =	stream.linear.gather [hbm4b:s21+s4], $0x80, $0x38;
	[tilespmem:$0xF830] =	vst v63  }
0x69: {  	s19 =	rddreg [dreg:$0xc];
	s17 =	simm.s32 $0x0  }
0x6a: {  	[tilespmem:s28], [sflag:$0x1] =	stream.linear.gather [hbm4b:s24+s4], $0x80, $0x38;
	[tilespmem:$0xF830] =	vst v63  }
.LBB2_6:
0x6b: {  	s17 =	sadd.s32 $0x2, s17  }
0x6c: {  	p2 =	sne.s32 s22, s17  }
.Ltmp3:
0x6d: {  	_ = 	snop;
	(pc) =	sbr.rel @!p2 .LBB2_7-.Ltmp3, $2  }
0x6e: {  	_ =	sdelay $0x2  }
0x6f: {  	s19 =	sadd.s32 $0x40, s19  }
.LBB2_2:
0x70: {  	p3 =	sge.u32 s17, s11  }
.Ltmp4:
0x71: {  	_ = 	snop;
	(pc) =	sbr.rel @p3 .LBB2_4-.Ltmp4, $2  }
0x72: {  	_ =	sdelay $0x2  }
0x73: {  	p2 =	seq.s32 s17, $0x0  }
0x74: {  	s18 =	simm.s32 @!p2 $0x3  }
0x75: {  	_ =	swait.ge @!p2 [sflag:s18], $0x2000  }
0x76: {  	[sflag:s18] =	ssyncset.done @!p2 $0x0  }
0x77: {  	[sflag:s18] =	ssyncadd.s32 @!p2 $0xFFFFE000  }
0x78: {  	_ =	swait.ge @!p2 [sflag:s18], $0x2000  }
0x79: {  	[sflag:s18] =	ssyncset.done @!p2 $0x0  }
0x7a: {  	[sflag:s18] =	ssyncadd.s32 @!p2 $0xFFFFE000  }
0x7b: {  	_ =	swait.ge @!p2 [sflag:s18], $0x80  }
0x7c: {  	[sflag:s18] =	ssyncset.done @!p2 $0x0  }
0x7d: {  	[sflag:s18] =	ssyncadd.s32 @!p2 $0xFFFFFF80  }
0x7e: {  	_ =	swait.ge [sflag:s29], $0x80  }
0x7f: {  	[sflag:s29] =	ssyncset.done $0x0  }
0x80: {  	[sflag:s29] =	ssyncadd.s32 $0xFFFFFF80  }
0x81: {  	_ =	swait.ge [sflag:s29], $0x80  }
0x82: {  	[sflag:s29] =	ssyncset.done $0x0  }
0x83: {  	[sflag:s29] =	ssyncadd.s32 $0xFFFFFF80  }
0x84: {  	[tilespmem:s31], [sflag:$0x2] =	stream.indirect.gather [hbm4b:s1+s30], $0x40, s4, s30, $0xb8;
	[tilespmem:$0xF830] =	vst v63  }
0x85: {  	s18 =	simm.s32 @!p2 $0x2  }
0x86: {  	[tilespmem:s0], [sflag:$0x2] =	stream.indirect.gather [hbm4b:s5+s30], $0x40, s28, s30, $0xb8;
	[tilespmem:$0xF830] =	vst v63  }
0x87: {  	_ =	swait.ge @!p2 [sflag:s18], $0x2000  }
0x88: {  	p3 =	slt.s32 @!p2 s19, $0x9C3;
	[sflag:s18] =	ssyncset.done @!p2 $0x0  }
0x89: {  	s21 =	smov.u32 s19;
	p3 =	por !p3, p2;
	[sflag:s18] =	ssyncadd.s32 @!p2 $0xFFFFE000  }
0x8a: {  	s21 =	simm.s32 @p3 $0x9C3;
	_ =	swait.ge @!p2 [sflag:s18], $0x2000  }
0x8b: {  	s24 =	sshll.u32 @!p2 s21, $0xA;
	[sflag:s18] =	ssyncset.done @!p2 $0x0  }
0x8c: {  	[sflag:s18] =	ssyncadd.s32 @!p2 $0xFFFFE000;
	s18 =	sand.u32 @!p2 $0x1FFFFC00, s24  }
0x8d: {  	s16 =	simm.s32 @!p2 $0x0;
	s20 =	simm.s32 @!p2 $0x2200;
	s24 =	sadd.s32 @!p2 s10, s18  }
0x8e: {  	[hbm4b:s24+s16] =	stream.linear.scatter @!p2 [tilespmem:s20], [sflag:$0x3], $0x2000, $0x38;
	[tilespmem:$0xF830] =	vst v63  }
0x8f: {  	s18 =	sadd.s32 @!p2 s12, s18;
	s20 =	simm.s32 @!p2 $0x6200  }
0x90: {  	[hbm4b:s18+s16] =	stream.linear.scatter @!p2 [tilespmem:s20], [sflag:$0x3], $0x2000, $0x38;
	[tilespmem:$0xF830] =	vst v63  }
0x91: {  	s18 =	sshll.u32 @!p2 s21, $0x4  }
0x92: {  	s24 =	sadd.s32 $0x1, s17;
	s18 =	sand.u32 @!p2 $0x1FFFFFF0, s18  }
0x93: {  	p3 =	sge.u32 s24, s11;
	s20 =	simm.s32 @!p2 $0x8280;
	s18 =	sadd.s32 @!p2 s14, s18  }
0x94: {  	[hbm4b:s18+s16] =	stream.linear.scatter @!p2 [tilespmem:s20], [sflag:$0x3], $0x80, $0x38;
	[tilespmem:$0xF830] =	vst v63  }
0x95: {  	s16 =	sadd.s32 @!p3 $0x40, s19  }
0x96: {  	p4 =	slt.s32 @!p3 s16, $0x9C3  }
0x97: {  	p4 =	por !p4, p3  }
0x98: {  	s16 =	simm.s32 @p4 $0x9C3  }
0x99: {  	s16 =	sshll.u32 @!p3 s16, $0x4  }
0x9a: {  	s21 =	simm.s32 @!p3 $0x80;
	s20 =	simm.s32 @!p3 $0x0;
	s18 =	sadd.s32 @!p3 s8, s16  }
0x9b: {  	[tilespmem:s21], [sflag:$0x1] =	stream.linear.gather @!p3 [hbm4b:s18+s20], $0x80, $0x38;
	[tilespmem:$0xF830] =	vst v63  }
0x9c: {  	s16 =	sadd.s32 @!p3 s9, s16;
	s18 =	simm.s32 @!p3 $0x180  }
0x9d: {  	[tilespmem:s18], [sflag:$0x1] =	stream.linear.gather @!p3 [hbm4b:s16+s20], $0x80, $0x38;
	[tilespmem:$0xF830] =	vst v63  }
0x9e: {  	v8 =	vld.idx.msk [tilespmem:v0+s4+$0x0], $0xffff  }
0x9f: {  	v9 =	vld.idx.msk [tilespmem:v0+s28+$0x0], $0xffff;
	_ =	sdelay $0x6  }
0xa0: {  	v10 =	vld.idx.msk [tilespmem:v8+s23+$0x0], $0xffff  }
0xa1: {  	v11 =	vld.idx.msk [tilespmem:v9+s23+$0x0], $0xffff  }
0xa2: {  	v12 =	vld.idx.msk [tilespmem:v8+s25+$0x0], $0xffff  }
0xa3: {  	v13 =	vld.idx.msk [tilespmem:v9+s25+$0x0], $0xffff  }
0xa4: {  	v8 =	vld.idx.msk [tilespmem:v8+s26+$0x0], $0xffff  }
0xa5: {  	v9 =	vld.idx.msk [tilespmem:v9+s26+$0x0], $0xffff;
	_ =	sdelay $0x2  }
0xa6: {  	v10 =	vsub.f32 v10, v11;
	v56 =	vsub.f32 v12, v13;
	_ =	sdelay $0x1  }
0xa7: {  	v8 =	vsub.f32 v8, v9;
	v57 =	vmul.f32 v10, v10;
	v58 =	vmul.f32 v56, v56;
	_ =	sdelay $0x1  }
0xa8: {  	v8 =	vmul.f32 v8, v8;
	v9 =	vadd.f32 v58, v57;
	_ =	sdelay $0x1  }
0xa9: {  	v8 =	vadd.f32 v8, v9;
	_ =	sdelay $0x1  }
0xaa: {  	[tilespmem:$0x8200] =	vst v8  }
0xab: {  	v8 =	vld.idx.msk [tilespmem:v1+s4+$0x0], $0xffff  }
0xac: {  	v59 =	vld.idx.msk [tilespmem:v1+s28+$0x0], $0xffff;
	_ =	sdelay $0x6  }
0xad: {  	v60 =	vld.idx.msk [tilespmem:v8+s23+$0x0], $0xffff  }
0xae: {  	v61 =	vld.idx.msk [tilespmem:v59+s23+$0x0], $0xffff  }
0xaf: {  	v62 =	vld.idx.msk [tilespmem:v8+s25+$0x0], $0xffff  }
0xb0: {  	v63 =	vld.idx.msk [tilespmem:v59+s25+$0x0], $0xffff  }
0xb1: {  	v8 =	vld.idx.msk [tilespmem:v8+s26+$0x0], $0xffff  }
0xb2: {  	v9 =	vld.idx.msk [tilespmem:v59+s26+$0x0], $0xffff;
	_ =	sdelay $0x2  }
0xb3: {  	v10 =	vsub.f32 v60, v61;
	v13 =	vsub.f32 v62, v63;
	_ =	sdelay $0x1  }
0xb4: {  	v8 =	vsub.f32 v8, v9;
	v14 =	vmul.f32 v10, v10;
	v15 =	vmul.f32 v13, v13;
	_ =	sdelay $0x1  }
0xb5: {  	v8 =	vmul.f32 v8, v8;
	v9 =	vadd.f32 v15, v14;
	_ =	sdelay $0x1  }
0xb6: {  	v8 =	vadd.f32 v8, v9;
	_ =	sdelay $0x1  }
0xb7: {  	[tilespmem:$0x8240] =	vst v8  }
0xb8: {  	v8 =	vld.idx.msk [tilespmem:v2+s4+$0x0], $0xffff  }
0xb9: {  	v16 =	vld.idx.msk [tilespmem:v2+s28+$0x0], $0xffff;
	_ =	sdelay $0x6  }
0xba: {  	v17 =	vld.idx.msk [tilespmem:v8+s23+$0x0], $0xffff  }
0xbb: {  	v18 =	vld.idx.msk [tilespmem:v16+s23+$0x0], $0xffff  }
0xbc: {  	v19 =	vld.idx.msk [tilespmem:v8+s25+$0x0], $0xffff  }
0xbd: {  	v20 =	vld.idx.msk [tilespmem:v16+s25+$0x0], $0xffff  }
0xbe: {  	v8 =	vld.idx.msk [tilespmem:v8+s26+$0x0], $0xffff  }
0xbf: {  	v9 =	vld.idx.msk [tilespmem:v16+s26+$0x0], $0xffff;
	_ =	sdelay $0x2  }
0xc0: {  	v10 =	vsub.f32 v17, v18;
	v21 =	vsub.f32 v19, v20;
	_ =	sdelay $0x1  }
0xc1: {  	v8 =	vsub.f32 v8, v9;
	v22 =	vmul.f32 v10, v10;
	v23 =	vmul.f32 v21, v21;
	_ =	sdelay $0x1  }
0xc2: {  	v8 =	vmul.f32 v8, v8;
	v9 =	vadd.f32 v23, v22;
	_ =	sdelay $0x1  }
0xc3: {  	v8 =	vadd.f32 v8, v9;
	_ =	sdelay $0x1  }
0xc4: {  	[tilespmem:$0x8210] =	vst v8  }
0xc5: {  	v8 =	vld.idx.msk [tilespmem:v3+s4+$0x0], $0xffff  }
0xc6: {  	v24 =	vld.idx.msk [tilespmem:v3+s28+$0x0], $0xffff;
	_ =	sdelay $0x6  }
0xc7: {  	v25 =	vld.idx.msk [tilespmem:v8+s23+$0x0], $0xffff  }
0xc8: {  	v26 =	vld.idx.msk [tilespmem:v24+s23+$0x0], $0xffff  }
0xc9: {  	v27 =	vld.idx.msk [tilespmem:v8+s25+$0x0], $0xffff  }
0xca: {  	v28 =	vld.idx.msk [tilespmem:v24+s25+$0x0], $0xffff  }
0xcb: {  	v8 =	vld.idx.msk [tilespmem:v8+s26+$0x0], $0xffff  }
0xcc: {  	v9 =	vld.idx.msk [tilespmem:v24+s26+$0x0], $0xffff;
	_ =	sdelay $0x2  }
0xcd: {  	v10 =	vsub.f32 v25, v26;
	v29 =	vsub.f32 v27, v28;
	_ =	sdelay $0x1  }
0xce: {  	v8 =	vsub.f32 v8, v9;
	v30 =	vmul.f32 v10, v10;
	v31 =	vmul.f32 v29, v29;
	_ =	sdelay $0x1  }
0xcf: {  	v8 =	vmul.f32 v8, v8;
	v9 =	vadd.f32 v31, v30;
	_ =	sdelay $0x1  }
0xd0: {  	v8 =	vadd.f32 v8, v9;
	_ =	sdelay $0x1  }
0xd1: {  	[tilespmem:$0x8250] =	vst v8  }
0xd2: {  	v8 =	vld.idx.msk [tilespmem:v4+s4+$0x0], $0xffff  }
0xd3: {  	v32 =	vld.idx.msk [tilespmem:v4+s28+$0x0], $0xffff;
	_ =	sdelay $0x6  }
0xd4: {  	v33 =	vld.idx.msk [tilespmem:v8+s23+$0x0], $0xffff  }
0xd5: {  	v34 =	vld.idx.msk [tilespmem:v32+s23+$0x0], $0xffff  }
0xd6: {  	v35 =	vld.idx.msk [tilespmem:v8+s25+$0x0], $0xffff  }
0xd7: {  	v36 =	vld.idx.msk [tilespmem:v32+s25+$0x0], $0xffff  }
0xd8: {  	v8 =	vld.idx.msk [tilespmem:v8+s26+$0x0], $0xffff  }
0xd9: {  	v9 =	vld.idx.msk [tilespmem:v32+s26+$0x0], $0xffff;
	_ =	sdelay $0x2  }
0xda: {  	v10 =	vsub.f32 v33, v34;
	v37 =	vsub.f32 v35, v36;
	_ =	sdelay $0x1  }
0xdb: {  	v8 =	vsub.f32 v8, v9;
	v38 =	vmul.f32 v10, v10;
	v39 =	vmul.f32 v37, v37;
	_ =	sdelay $0x1  }
0xdc: {  	v8 =	vmul.f32 v8, v8;
	v9 =	vadd.f32 v39, v38;
	_ =	sdelay $0x1  }
0xdd: {  	v8 =	vadd.f32 v8, v9;
	_ =	sdelay $0x1  }
0xde: {  	[tilespmem:$0x8220] =	vst v8  }
0xdf: {  	v8 =	vld.idx.msk [tilespmem:v5+s4+$0x0], $0xffff  }
0xe0: {  	v40 =	vld.idx.msk [tilespmem:v5+s28+$0x0], $0xffff;
	_ =	sdelay $0x6  }
0xe1: {  	v41 =	vld.idx.msk [tilespmem:v8+s23+$0x0], $0xffff  }
0xe2: {  	v42 =	vld.idx.msk [tilespmem:v40+s23+$0x0], $0xffff  }
0xe3: {  	v43 =	vld.idx.msk [tilespmem:v8+s25+$0x0], $0xffff  }
0xe4: {  	v44 =	vld.idx.msk [tilespmem:v40+s25+$0x0], $0xffff  }
0xe5: {  	v8 =	vld.idx.msk [tilespmem:v8+s26+$0x0], $0xffff  }
0xe6: {  	v9 =	vld.idx.msk [tilespmem:v40+s26+$0x0], $0xffff;
	_ =	sdelay $0x2  }
0xe7: {  	v10 =	vsub.f32 v41, v42;
	v45 =	vsub.f32 v43, v44;
	_ =	sdelay $0x1  }
0xe8: {  	v8 =	vsub.f32 v8, v9;
	v46 =	vmul.f32 v10, v10;
	v47 =	vmul.f32 v45, v45;
	_ =	sdelay $0x1  }
0xe9: {  	v8 =	vmul.f32 v8, v8;
	v9 =	vadd.f32 v47, v46;
	_ =	sdelay $0x1  }
0xea: {  	v8 =	vadd.f32 v8, v9;
	_ =	sdelay $0x1  }
0xeb: {  	[tilespmem:$0x8260] =	vst v8  }
0xec: {  	v8 =	vld.idx.msk [tilespmem:v6+s4+$0x0], $0xffff  }
0xed: {  	v48 =	vld.idx.msk [tilespmem:v6+s28+$0x0], $0xffff;
	_ =	sdelay $0x6  }
0xee: {  	v49 =	vld.idx.msk [tilespmem:v8+s23+$0x0], $0xffff  }
0xef: {  	v50 =	vld.idx.msk [tilespmem:v48+s23+$0x0], $0xffff  }
0xf0: {  	v51 =	vld.idx.msk [tilespmem:v8+s25+$0x0], $0xffff  }
0xf1: {  	v52 =	vld.idx.msk [tilespmem:v48+s25+$0x0], $0xffff  }
0xf2: {  	v8 =	vld.idx.msk [tilespmem:v8+s26+$0x0], $0xffff  }
0xf3: {  	v9 =	vld.idx.msk [tilespmem:v48+s26+$0x0], $0xffff;
	_ =	sdelay $0x2  }
0xf4: {  	v10 =	vsub.f32 v49, v50;
	v53 =	vsub.f32 v51, v52;
	_ =	sdelay $0x1  }
0xf5: {  	v8 =	vsub.f32 v8, v9;
	v54 =	vmul.f32 v10, v10;
	v55 =	vmul.f32 v53, v53;
	_ =	sdelay $0x1  }
0xf6: {  	v8 =	vmul.f32 v8, v8;
	v9 =	vadd.f32 v55, v54;
	_ =	sdelay $0x1  }
0xf7: {  	v8 =	vadd.f32 v8, v9;
	_ =	sdelay $0x1  }
0xf8: {  	[tilespmem:$0x8230] =	vst v8  }
0xf9: {  	v8 =	vld.idx.msk [tilespmem:v7+s4+$0x0], $0xffff  }
0xfa: {  	v56 =	vld.idx.msk [tilespmem:v7+s28+$0x0], $0xffff;
	_ =	sdelay $0x6  }
0xfb: {  	v57 =	vld.idx.msk [tilespmem:v8+s23+$0x0], $0xffff  }
0xfc: {  	v58 =	vld.idx.msk [tilespmem:v56+s23+$0x0], $0xffff  }
0xfd: {  	v59 =	vld.idx.msk [tilespmem:v8+s25+$0x0], $0xffff  }
0xfe: {  	v60 =	vld.idx.msk [tilespmem:v56+s25+$0x0], $0xffff  }
0xff: {  	v8 =	vld.idx.msk [tilespmem:v8+s26+$0x0], $0xffff  }
0x100: {  	v9 =	vld.idx.msk [tilespmem:v56+s26+$0x0], $0xffff;
	_ =	sdelay $0x2  }
0x101: {  	v10 =	vsub.f32 v57, v58;
	v61 =	vsub.f32 v59, v60;
	_ =	sdelay $0x1  }
0x102: {  	v8 =	vsub.f32 v8, v9;
	v62 =	vmul.f32 v10, v10;
	v63 =	vmul.f32 v61, v61;
	_ =	sdelay $0x1  }
0x103: {  	v8 =	vmul.f32 v8, v8;
	v9 =	vadd.f32 v63, v62;
	_ =	sdelay $0x1  }
0x104: {  	v8 =	vadd.f32 v8, v9;
	_ =	sdelay $0x1  }
0x105: {  	[tilespmem:$0x8270] =	vst v8  }
.LBB2_4:
0x106: {  	p3 =	sge.u32 s17, s13  }
.Ltmp5:
0x107: {  	_ = 	snop;
	(pc) =	sbr.rel @p3 .LBB2_6-.Ltmp5, $1  }
0x108: {  	_ =	sdelay $0x3  }
0x109: {  	s16 =	simm.s32 @!p2 $0x3  }
0x10a: {  	_ =	swait.ge @!p2 [sflag:s16], $0x2000  }
0x10b: {  	[sflag:s16] =	ssyncset.done @!p2 $0x0  }
0x10c: {  	[sflag:s16] =	ssyncadd.s32 @!p2 $0xFFFFE000  }
0x10d: {  	_ =	swait.ge @!p2 [sflag:s16], $0x2000  }
0x10e: {  	[sflag:s16] =	ssyncset.done @!p2 $0x0  }
0x10f: {  	[sflag:s16] =	ssyncadd.s32 @!p2 $0xFFFFE000  }
0x110: {  	_ =	swait.ge @!p2 [sflag:s16], $0x80  }
0x111: {  	[sflag:s16] =	ssyncset.done @!p2 $0x0  }
0x112: {  	[sflag:s16] =	ssyncadd.s32 @!p2 $0xFFFFFF80  }
0x113: {  	_ =	swait.ge [sflag:s29], $0x80  }
0x114: {  	[sflag:s29] =	ssyncset.done $0x0  }
0x115: {  	[sflag:s29] =	ssyncadd.s32 $0xFFFFFF80  }
0x116: {  	_ =	swait.ge [sflag:s29], $0x80  }
0x117: {  	[sflag:s29] =	ssyncset.done $0x0  }
0x118: {  	[sflag:s29] =	ssyncadd.s32 $0xFFFFFF80  }
0x119: {  	[tilespmem:s3], [sflag:$0x2] =	stream.indirect.gather [hbm4b:s1+s30], $0x40, s30, s30, $0xb8;
	[tilespmem:$0xF830] =	vst v63  }
0x11a: {  	_ = 	snop  }
0x11b: {  	[tilespmem:s6], [sflag:$0x2] =	stream.indirect.gather [hbm4b:s5+s30], $0x40, s2, s30, $0xb8;
	[tilespmem:$0xF830] =	vst v63  }
0x11c: {  	s16 =	sadd.s32 $0x20, s19;
	_ =	swait.ge [sflag:s7], $0x2000  }
0x11d: {  	p2 =	slt.s32 s16, $0x9C3;
	[sflag:s7] =	ssyncset.done $0x0  }
0x11e: {  	s16 =	simm.s32 @!p2 $0x9C3;
	[sflag:s7] =	ssyncadd.s32 $0xFFFFE000  }
0x11f: {  	s18 =	sshll.u32 s16, $0xA;
	_ =	swait.ge [sflag:s7], $0x2000  }
0x120: {  	s18 =	sand.u32 $0x1FFFFC00, s18;
	[sflag:s7] =	ssyncset.done $0x0  }
0x121: {  	s16 =	sshll.u32 s16, $0x4;
	s20 =	sadd.s32 s10, s18;
	[sflag:s7] =	ssyncadd.s32 $0xFFFFE000  }
0x122: {  	[hbm4b:s20+s4] =	stream.linear.scatter [tilespmem:s31], [sflag:$0x3], $0x2000, $0x38;
	[tilespmem:$0xF830] =	vst v63  }
0x123: {  	s24 =	sadd.s32 $0x2, s17;
	s16 =	sand.u32 $0x1FFFFFF0, s16;
	s18 =	sadd.s32 s12, s18  }
0x124: {  	[hbm4b:s18+s4] =	stream.linear.scatter [tilespmem:s0], [sflag:$0x3], $0x2000, $0x38;
	[tilespmem:$0xF830] =	vst v63  }
0x125: {  	p2 =	sge.u32 s24, s11;
	s16 =	sadd.s32 s14, s16  }
0x126: {  	[hbm4b:s16+s4] =	stream.linear.scatter [tilespmem:s15], [sflag:$0x3], $0x80, $0x38;
	[tilespmem:$0xF830] =	vst v63  }
0x127: {  	s16 =	sadd.s32 @!p2 $0x60, s19  }
0x128: {  	p3 =	slt.s32 @!p2 s16, $0x9C3  }
0x129: {  	p3 =	por !p3, p2  }
0x12a: {  	s16 =	simm.s32 @p3 $0x9C3  }
0x12b: {  	s16 =	sshll.u32 @!p2 s16, $0x4  }
0x12c: {  	s20 =	simm.s32 @!p2 $0x0;
	s18 =	sadd.s32 @!p2 s8, s16  }
0x12d: {  	[tilespmem:s20], [sflag:$0x1] =	stream.linear.gather @!p2 [hbm4b:s18+s20], $0x80, $0x38;
	[tilespmem:$0xF830] =	vst v63  }
0x12e: {  	s16 =	sadd.s32 @!p2 s9, s16;
	s18 =	simm.s32 @!p2 $0x100  }
0x12f: {  	[tilespmem:s18], [sflag:$0x1] =	stream.linear.gather @!p2 [hbm4b:s16+s20], $0x80, $0x38;
	[tilespmem:$0xF830] =	vst v63  }
0x130: {  	v8 =	vld.idx.msk [tilespmem:v0+s30+$0x0], $0xffff  }
0x131: {  	v9 =	vld.idx.msk [tilespmem:v0+s2+$0x0], $0xffff;
	_ =	sdelay $0x6  }
0x132: {  	v10 =	vld.idx.msk [tilespmem:v8+s23+$0x0], $0xffff  }
0x133: {  	v11 =	vld.idx.msk [tilespmem:v9+s23+$0x0], $0xffff  }
0x134: {  	v12 =	vld.idx.msk [tilespmem:v8+s25+$0x0], $0xffff  }
0x135: {  	v13 =	vld.idx.msk [tilespmem:v9+s25+$0x0], $0xffff  }
0x136: {  	v8 =	vld.idx.msk [tilespmem:v8+s26+$0x0], $0xffff  }
0x137: {  	v9 =	vld.idx.msk [tilespmem:v9+s26+$0x0], $0xffff;
	_ =	sdelay $0x2  }
0x138: {  	v10 =	vsub.f32 v10, v11;
	v56 =	vsub.f32 v12, v13;
	_ =	sdelay $0x1  }
0x139: {  	v8 =	vsub.f32 v8, v9;
	v57 =	vmul.f32 v10, v10;
	v58 =	vmul.f32 v56, v56;
	_ =	sdelay $0x1  }
0x13a: {  	v8 =	vmul.f32 v8, v8;
	v9 =	vadd.f32 v58, v57;
	_ =	sdelay $0x1  }
0x13b: {  	v8 =	vadd.f32 v8, v9;
	_ =	sdelay $0x1  }
0x13c: {  	[tilespmem:$0x8280] =	vst v8  }
0x13d: {  	v8 =	vld.idx.msk [tilespmem:v1+s30+$0x0], $0xffff  }
0x13e: {  	v59 =	vld.idx.msk [tilespmem:v1+s2+$0x0], $0xffff;
	_ =	sdelay $0x6  }
0x13f: {  	v60 =	vld.idx.msk [tilespmem:v8+s23+$0x0], $0xffff  }
0x140: {  	v61 =	vld.idx.msk [tilespmem:v59+s23+$0x0], $0xffff  }
0x141: {  	v62 =	vld.idx.msk [tilespmem:v8+s25+$0x0], $0xffff  }
0x142: {  	v63 =	vld.idx.msk [tilespmem:v59+s25+$0x0], $0xffff  }
0x143: {  	v8 =	vld.idx.msk [tilespmem:v8+s26+$0x0], $0xffff  }
0x144: {  	v9 =	vld.idx.msk [tilespmem:v59+s26+$0x0], $0xffff;
	_ =	sdelay $0x2  }
0x145: {  	v10 =	vsub.f32 v60, v61;
	v13 =	vsub.f32 v62, v63;
	_ =	sdelay $0x1  }
0x146: {  	v8 =	vsub.f32 v8, v9;
	v14 =	vmul.f32 v10, v10;
	v15 =	vmul.f32 v13, v13;
	_ =	sdelay $0x1  }
0x147: {  	v8 =	vmul.f32 v8, v8;
	v9 =	vadd.f32 v15, v14;
	_ =	sdelay $0x1  }
0x148: {  	v8 =	vadd.f32 v8, v9;
	_ =	sdelay $0x1  }
0x149: {  	[tilespmem:$0x82C0] =	vst v8  }
0x14a: {  	v8 =	vld.idx.msk [tilespmem:v2+s30+$0x0], $0xffff  }
0x14b: {  	v16 =	vld.idx.msk [tilespmem:v2+s2+$0x0], $0xffff;
	_ =	sdelay $0x6  }
0x14c: {  	v17 =	vld.idx.msk [tilespmem:v8+s23+$0x0], $0xffff  }
0x14d: {  	v18 =	vld.idx.msk [tilespmem:v16+s23+$0x0], $0xffff  }
0x14e: {  	v19 =	vld.idx.msk [tilespmem:v8+s25+$0x0], $0xffff  }
0x14f: {  	v20 =	vld.idx.msk [tilespmem:v16+s25+$0x0], $0xffff  }
0x150: {  	v8 =	vld.idx.msk [tilespmem:v8+s26+$0x0], $0xffff  }
0x151: {  	v9 =	vld.idx.msk [tilespmem:v16+s26+$0x0], $0xffff;
	_ =	sdelay $0x2  }
0x152: {  	v10 =	vsub.f32 v17, v18;
	v21 =	vsub.f32 v19, v20;
	_ =	sdelay $0x1  }
0x153: {  	v8 =	vsub.f32 v8, v9;
	v22 =	vmul.f32 v10, v10;
	v23 =	vmul.f32 v21, v21;
	_ =	sdelay $0x1  }
0x154: {  	v8 =	vmul.f32 v8, v8;
	v9 =	vadd.f32 v23, v22;
	_ =	sdelay $0x1  }
0x155: {  	v8 =	vadd.f32 v8, v9;
	_ =	sdelay $0x1  }
0x156: {  	[tilespmem:$0x8290] =	vst v8  }
0x157: {  	v8 =	vld.idx.msk [tilespmem:v3+s30+$0x0], $0xffff  }
0x158: {  	v24 =	vld.idx.msk [tilespmem:v3+s2+$0x0], $0xffff;
	_ =	sdelay $0x6  }
0x159: {  	v25 =	vld.idx.msk [tilespmem:v8+s23+$0x0], $0xffff  }
0x15a: {  	v26 =	vld.idx.msk [tilespmem:v24+s23+$0x0], $0xffff  }
0x15b: {  	v27 =	vld.idx.msk [tilespmem:v8+s25+$0x0], $0xffff  }
0x15c: {  	v28 =	vld.idx.msk [tilespmem:v24+s25+$0x0], $0xffff  }
0x15d: {  	v8 =	vld.idx.msk [tilespmem:v8+s26+$0x0], $0xffff  }
0x15e: {  	v9 =	vld.idx.msk [tilespmem:v24+s26+$0x0], $0xffff;
	_ =	sdelay $0x2  }
0x15f: {  	v10 =	vsub.f32 v25, v26;
	v29 =	vsub.f32 v27, v28;
	_ =	sdelay $0x1  }
0x160: {  	v8 =	vsub.f32 v8, v9;
	v30 =	vmul.f32 v10, v10;
	v31 =	vmul.f32 v29, v29;
	_ =	sdelay $0x1  }
0x161: {  	v8 =	vmul.f32 v8, v8;
	v9 =	vadd.f32 v31, v30;
	_ =	sdelay $0x1  }
0x162: {  	v8 =	vadd.f32 v8, v9;
	_ =	sdelay $0x1  }
0x163: {  	[tilespmem:$0x82D0] =	vst v8  }
0x164: {  	v8 =	vld.idx.msk [tilespmem:v4+s30+$0x0], $0xffff  }
0x165: {  	v32 =	vld.idx.msk [tilespmem:v4+s2+$0x0], $0xffff;
	_ =	sdelay $0x6  }
0x166: {  	v33 =	vld.idx.msk [tilespmem:v8+s23+$0x0], $0xffff  }
0x167: {  	v34 =	vld.idx.msk [tilespmem:v32+s23+$0x0], $0xffff  }
0x168: {  	v35 =	vld.idx.msk [tilespmem:v8+s25+$0x0], $0xffff  }
0x169: {  	v36 =	vld.idx.msk [tilespmem:v32+s25+$0x0], $0xffff  }
0x16a: {  	v8 =	vld.idx.msk [tilespmem:v8+s26+$0x0], $0xffff  }
0x16b: {  	v9 =	vld.idx.msk [tilespmem:v32+s26+$0x0], $0xffff;
	_ =	sdelay $0x2  }
0x16c: {  	v10 =	vsub.f32 v33, v34;
	v37 =	vsub.f32 v35, v36;
	_ =	sdelay $0x1  }
0x16d: {  	v8 =	vsub.f32 v8, v9;
	v38 =	vmul.f32 v10, v10;
	v39 =	vmul.f32 v37, v37;
	_ =	sdelay $0x1  }
0x16e: {  	v8 =	vmul.f32 v8, v8;
	v9 =	vadd.f32 v39, v38;
	_ =	sdelay $0x1  }
0x16f: {  	v8 =	vadd.f32 v8, v9;
	_ =	sdelay $0x1  }
0x170: {  	[tilespmem:$0x82A0] =	vst v8  }
0x171: {  	v8 =	vld.idx.msk [tilespmem:v5+s30+$0x0], $0xffff  }
0x172: {  	v40 =	vld.idx.msk [tilespmem:v5+s2+$0x0], $0xffff;
	_ =	sdelay $0x6  }
0x173: {  	v41 =	vld.idx.msk [tilespmem:v8+s23+$0x0], $0xffff  }
0x174: {  	v42 =	vld.idx.msk [tilespmem:v40+s23+$0x0], $0xffff  }
0x175: {  	v43 =	vld.idx.msk [tilespmem:v8+s25+$0x0], $0xffff  }
0x176: {  	v44 =	vld.idx.msk [tilespmem:v40+s25+$0x0], $0xffff  }
0x177: {  	v8 =	vld.idx.msk [tilespmem:v8+s26+$0x0], $0xffff  }
0x178: {  	v9 =	vld.idx.msk [tilespmem:v40+s26+$0x0], $0xffff;
	_ =	sdelay $0x2  }
0x179: {  	v10 =	vsub.f32 v41, v42;
	v45 =	vsub.f32 v43, v44;
	_ =	sdelay $0x1  }
0x17a: {  	v8 =	vsub.f32 v8, v9;
	v46 =	vmul.f32 v10, v10;
	v47 =	vmul.f32 v45, v45;
	_ =	sdelay $0x1  }
0x17b: {  	v8 =	vmul.f32 v8, v8;
	v9 =	vadd.f32 v47, v46;
	_ =	sdelay $0x1  }
0x17c: {  	v8 =	vadd.f32 v8, v9;
	_ =	sdelay $0x1  }
0x17d: {  	[tilespmem:$0x82E0] =	vst v8  }
0x17e: {  	v8 =	vld.idx.msk [tilespmem:v6+s30+$0x0], $0xffff  }
0x17f: {  	v48 =	vld.idx.msk [tilespmem:v6+s2+$0x0], $0xffff;
	_ =	sdelay $0x6  }
0x180: {  	v49 =	vld.idx.msk [tilespmem:v8+s23+$0x0], $0xffff  }
0x181: {  	v50 =	vld.idx.msk [tilespmem:v48+s23+$0x0], $0xffff  }
0x182: {  	v51 =	vld.idx.msk [tilespmem:v8+s25+$0x0], $0xffff  }
0x183: {  	v52 =	vld.idx.msk [tilespmem:v48+s25+$0x0], $0xffff  }
0x184: {  	v8 =	vld.idx.msk [tilespmem:v8+s26+$0x0], $0xffff  }
0x185: {  	v9 =	vld.idx.msk [tilespmem:v48+s26+$0x0], $0xffff;
	_ =	sdelay $0x2  }
0x186: {  	v10 =	vsub.f32 v49, v50;
	v53 =	vsub.f32 v51, v52;
	_ =	sdelay $0x1  }
0x187: {  	v8 =	vsub.f32 v8, v9;
	v54 =	vmul.f32 v10, v10;
	v55 =	vmul.f32 v53, v53;
	_ =	sdelay $0x1  }
0x188: {  	v8 =	vmul.f32 v8, v8;
	v9 =	vadd.f32 v55, v54;
	_ =	sdelay $0x1  }
0x189: {  	v8 =	vadd.f32 v8, v9;
	_ =	sdelay $0x1  }
0x18a: {  	[tilespmem:$0x82B0] =	vst v8  }
0x18b: {  	v8 =	vld.idx.msk [tilespmem:v7+s30+$0x0], $0xffff  }
0x18c: {  	v56 =	vld.idx.msk [tilespmem:v7+s2+$0x0], $0xffff;
	_ =	sdelay $0x6  }
0x18d: {  	v57 =	vld.idx.msk [tilespmem:v8+s23+$0x0], $0xffff  }
0x18e: {  	v58 =	vld.idx.msk [tilespmem:v56+s23+$0x0], $0xffff  }
0x18f: {  	v59 =	vld.idx.msk [tilespmem:v8+s25+$0x0], $0xffff  }
0x190: {  	v60 =	vld.idx.msk [tilespmem:v56+s25+$0x0], $0xffff  }
0x191: {  	v8 =	vld.idx.msk [tilespmem:v8+s26+$0x0], $0xffff  }
0x192: {  	v9 =	vld.idx.msk [tilespmem:v56+s26+$0x0], $0xffff;
	_ =	sdelay $0x2  }
0x193: {  	v10 =	vsub.f32 v57, v58;
	v61 =	vsub.f32 v59, v60;
	_ =	sdelay $0x1  }
0x194: {  	v8 =	vsub.f32 v8, v9;
	v62 =	vmul.f32 v10, v10;
	v63 =	vmul.f32 v61, v61;
	_ =	sdelay $0x1  }
.Ltmp6:
0x195: {  	v8 =	vmul.f32 v8, v8;
	v9 =	vadd.f32 v63, v62;
	(pc) =	sbr.rel .LBB2_6-.Ltmp6, $3  }
0x196: {  	_ = 	snop  }
0x197: {  	v8 =	vadd.f32 v8, v9;
	_ =	sdelay $0x1  }
0x198: {  	[tilespmem:$0x82F0] =	vst v8  }
.LBB2_8:
0x199: {  	_ =	sfence.sel $0x180000  }
0x19a: {  	[bflag:$0x0] =	sbarrier.arrive $0xFFFF  }
0x19b: {  	_ =	strace $0x90000047  }
0x19c: {  	s0 =	stileid.u32;
	[bflag:$0x2] =	sbarrier.arrive $0xFFFF  }
0x19d: {  	p0 =	sne.s32 s0, $0x0;
	s0 =	rddreg [dreg:$0x3]  }
0x19e: {  	s0 =	sadd.s32 @!p0 $0x100000, s0  }
0x19f: {  	[sflag:s0] =	ssyncadd.tile.s32 @!p0 $0x1;
	_ =	shalt  }
.Lfunc_end2:
_tile_overlayer_lowered:
.L_overlay_start_2:
0x1a0: {  	(tag) =	ssettag $0x2  }
0x1a1: {  	s0 =	rddreg [dreg:$0x0];
	s2 =	stileid.u32  }
0x1a2: {  	s1 =	rddreg [dreg:$0x1];
	p0 =	sne.s32 s2, $0x0  }
0x1a3: {  	s3 =	rddreg [dreg:$0x2];
	[bflag:$0x3] =	sbarrier.arrive $0xFFFF;
	s2 =	simm.s32 @!p0 $0x1C04  }
0x1a4: {  	[timem:s3], [sflag:s2] =	dma.local @!p0 [hbm:s0], s1  }
0x1a5: {  	s0 =	simm.s32 @!p0 $0x4  }
0x1a6: {  	_ =	swait.ge @!p0 [sflag:s0], s1  }
0x1a7: {  	s1 =	ssub.s32 @!p0 $0x0, s1;
	[sflag:s0] =	ssyncset.done @!p0 $0x0  }
0x1a8: {  	[sflag:s0] =	ssyncadd.s32 @!p0 s1  }
0x1a9: {  	[bflag:$0x3] =	sbarrier.arrive $0xFFFF  }
0x1aa: {  	_ =	shalt  }

</sc_bundles>
